<compile_context>
chip_gen: v7x
topology: tpu7x:2x2x1
jax: 0.10.2.dev20260603
libtpu: 0.0.44.dev20260713+nightly
codegen_flags: <defaults>
</compile_context>

<pallas_src>
import functools

import jax
import jax.numpy as jnp
import numpy as np
from jax import lax
from jax.experimental import pallas as pl
from jax.experimental.pallas import tpu as pltpu
from jax.experimental.pallas import tpu_sc as plsc

N = 10000
E = 320000
DIN = 128
H = 128
OUT = 64

NC = 2
NS = 16
NW = NC * NS
CH = 64
CHN = 158
EPW = CH * CHN
EP = EPW * NW
TOTC = EP // CH
CA_MSG, CB_MSG = 232, 84
PADC = abs(CA_MSG - CB_MSG)
NP = 10112
RPT = NP // NS

K0, K1, K2, K3 = N, 8000, 6400, 5120

_INT_MIN = np.int32(-2147483648)
_MASK31 = np.int32(0x7FFFFFFF)
_TC_PARAMS = pltpu.CompilerParams(vmem_limit_bytes=120 * 1024 * 1024)



def _make_sc_scatter(d, ca, cb):
    mesh = plsc.VectorSubcoreMesh(
        core_axis_name="c", subcore_axis_name="s", num_cores=NC,
        num_subcores=NS)
    cmax = max(ca, cb)

    @functools.partial(
        pl.kernel,
        out_type=jax.ShapeDtypeStruct((NC, NP, d), jnp.float32),
        mesh=mesh,
        compiler_params=pltpu.CompilerParams(use_tc_tiling_on_sc=False),
        scratch_types=[
            pltpu.VMEM((cmax, CH), jnp.int32),
            pltpu.VMEM((cmax, CH), jnp.int32),
            pltpu.VMEM((CH, d), jnp.float32),
            pltpu.VMEM((CH, d), jnp.float32),
            pltpu.VMEM_SHARED((NP, d), jnp.float32),
            pltpu.SemaphoreType.DMA,
            pltpu.SemaphoreType.DMA,
        ],
    )
    def sc_scatter(values, src_r, dst_r, out, src_v, dst_v, rows0, rows1,
                   acc, sem0, sem1):
        cid = lax.axis_index("c")
        sid = lax.axis_index("s")
        if ca == cb:
            start = (cid * NS + sid) * ca
            cnt = ca
        else:
            start = jnp.where(cid == 0, sid * ca, NS * ca + sid * cb)
            cnt = jnp.where(cid == 0, ca, cb)
        pltpu.sync_copy(src_r.at[pl.ds(start, cmax)], src_v)
        pltpu.sync_copy(dst_r.at[pl.ds(start, cmax)], dst_v)

        def zb_body(i, carry):
            for j in range(d // 16):
                rows0[i, pl.ds(j * 16, 16)] = jnp.zeros((16,), jnp.float32)
            return carry

        lax.fori_loop(0, CH, zb_body, 0)
        row0 = sid * RPT
        nfull = RPT // CH
        rem = RPT - nfull * CH

        def zero_body(i, carry):
            pltpu.sync_copy(rows0, acc.at[pl.ds(row0 + i * CH, CH)])
            return carry

        lax.fori_loop(0, nfull, zero_body, 0)
        if rem:
            pltpu.sync_copy(rows0.at[pl.ds(0, rem)],
                            acc.at[pl.ds(row0 + nfull * CH, rem)])
        plsc.subcore_barrier()

        pltpu.async_copy(values.at[src_v.at[0]], rows0, sem0)

        def pair_body(i, carry):
            j = 2 * i
            pltpu.async_copy(values.at[src_v.at[j + 1]], rows1, sem1)
            pltpu.make_async_copy(values.at[src_v.at[j]], rows0, sem0).wait()
            pltpu.sync_copy(rows0, acc.at[dst_v.at[j]], add=True)
            pltpu.async_copy(values.at[src_v.at[j + 2]], rows0, sem0)
            pltpu.make_async_copy(
                values.at[src_v.at[j + 1]], rows1, sem1).wait()
            pltpu.sync_copy(rows1, acc.at[dst_v.at[j + 1]], add=True)
            return carry

        lax.fori_loop(0, (cnt - 2) // 2, pair_body, 0)
        pltpu.async_copy(values.at[src_v.at[cnt - 1]], rows1, sem1)
        pltpu.make_async_copy(
            values.at[src_v.at[cnt - 2]], rows0, sem0).wait()
        pltpu.sync_copy(rows0, acc.at[dst_v.at[cnt - 2]], add=True)
        pltpu.make_async_copy(
            values.at[src_v.at[cnt - 1]], rows1, sem1).wait()
        pltpu.sync_copy(rows1, acc.at[dst_v.at[cnt - 1]], add=True)

        plsc.subcore_barrier()
        pltpu.sync_copy(acc.at[pl.ds(row0, RPT)],
                        out.at[cid, pl.ds(row0, RPT)])

    return sc_scatter


_sc_deg = None
_sc_msg = None


def _sc_scatter_deg(values, src_r, dst_r):
    global _sc_deg
    if _sc_deg is None:
        _sc_deg = _make_sc_scatter(16, CHN, CHN)
    return _sc_deg(values, src_r, dst_r)


def _sc_scatter_msg(values, src_r, dst_r):
    global _sc_msg
    if _sc_msg is None:
        _sc_msg = _make_sc_scatter(H, CA_MSG, CB_MSG)
    return _sc_msg(values, src_r, dst_r)



def _tc_pre_body(x_ref, w1_ref, b1_ref, w2_ref, p_ref):
    h = jnp.dot(x_ref[...], w1_ref[...], preferred_element_type=jnp.float32)
    h = jnp.maximum(h + b1_ref[...], 0.0)
    p_ref[...] = jnp.dot(h, w2_ref[...], preferred_element_type=jnp.float32)


def _tc_pre(x, w1, b1, w2):
    return pl.pallas_call(
        _tc_pre_body,
        out_shape=jax.ShapeDtypeStruct((NP, H), jnp.float32),
    )(x, w1, b1, w2)


def _tc_dinv_body(da_ref, db_ref, alive_ref, p_ref, g_ref, dinv_ref):
    alive = alive_ref[...]
    deg = da_ref[:, 0:1] + db_ref[:, 0:1] + alive
    dinv = jnp.where(deg > 0.0, lax.rsqrt(deg), 0.0) * alive
    dinv_ref[...] = dinv
    g_ref[...] = dinv * p_ref[...]


def _tc_dinv(deg2, alive, p):
    return pl.pallas_call(
        _tc_dinv_body,
        out_shape=[
            jax.ShapeDtypeStruct((NP, H), jnp.float32),
            jax.ShapeDtypeStruct((NP, 1), jnp.float32),
        ],
    )(deg2[0], deg2[1], alive, p)


def _sortable_key(score, alive):
    kb = lax.bitcast_convert_type(score, jnp.int32)
    key = jnp.where(kb < 0, jnp.bitwise_xor(kb, _MASK31), kb)
    return jnp.where(alive > 0.0, key, _INT_MIN)


def _make_tc_search(k_new):
    def body(score2, alive2, t_ref, c_ref):
        key = _sortable_key(score2[...], alive2[...])

        def cnt_ge(t):
            return jnp.sum((key >= t).astype(jnp.int32))

        t0 = jnp.where(cnt_ge(jnp.int32(0)) >= k_new, jnp.int32(0),
                       _INT_MIN)

        def t_body(i, t):
            tp = t + lax.shift_left(jnp.int32(1), jnp.int32(30) - i)
            return jnp.where(cnt_ge(tp) >= k_new, tp, t)

        t = lax.fori_loop(0, 31, t_body, t0)
        eq = key == t
        need = jnp.int32(k_new) - jnp.sum((key > t).astype(jnp.int32))
        idx = (lax.broadcasted_iota(jnp.int32, (NP // 128, 128), 0) * 128
               + lax.broadcasted_iota(jnp.int32, (NP // 128, 128), 1))

        def c_body(i, c):
            cp = c + lax.shift_left(jnp.int32(1), jnp.int32(13) - i)
            n_below = jnp.sum((eq & (idx < cp)).astype(jnp.int32))
            return jnp.where(n_below <= need, cp, c)

        c = lax.fori_loop(0, 14, c_body, jnp.int32(0))
        t_ref[...] = jnp.full((1, 1), 0, jnp.int32) + t
        c_ref[...] = jnp.full((1, 1), 0, jnp.int32) + c

    return pl.pallas_call(
        body,
        compiler_params=_TC_PARAMS,
        out_shape=[
            jax.ShapeDtypeStruct((1, 1), jnp.int32),
            jax.ShapeDtypeStruct((1, 1), jnp.int32),
        ],
    )


def _make_tc_bn(k_prev):
    def body(msga, msgb, dinv, p, cb, bg, bb, pw, alive, h_ref, score_ref):
        dv = dinv[...]
        av = alive[...]
        out = dv * (msga[...] + msgb[...]) + dv * dv * p[...] + cb[...]
        m = jnp.sum(out * av, axis=0, keepdims=True) * (1.0 / k_prev)
        ctr = out - m
        v = jnp.sum(ctr * ctr * av, axis=0, keepdims=True) * (1.0 / k_prev)
        hbn = ctr / jnp.sqrt(v + 1e-5) * bg[...] + bb[...]
        h = jnp.maximum(hbn, 0.0) * av
        h_ref[...] = h
        pwv = pw[...]
        nrm = jnp.sqrt(jnp.sum(pwv * pwv))
        score_ref[...] = jnp.tanh(
            jnp.dot(h, pwv, preferred_element_type=jnp.float32) / nrm)

    return pl.pallas_call(
        body,
        compiler_params=_TC_PARAMS,
        out_shape=[
            jax.ShapeDtypeStruct((NP, H), jnp.float32),
            jax.ShapeDtypeStruct((NP, 1), jnp.float32),
        ],
    )


def _sel_readout(h, score, alive, t_ref, c_ref, k_new):
    key = _sortable_key(score[...], alive[...])
    t = t_ref[0, 0]
    c = c_ref[0, 0]
    idx = lax.broadcasted_iota(jnp.int32, (NP, 1), 0)
    keep = (key > t) | ((key == t) & (idx < c))
    anew = keep.astype(jnp.float32)
    hp = h[...] * score[...] * anew
    mx = jnp.max(jnp.where(keep, hp, -jnp.inf), axis=0, keepdims=True)
    mn = jnp.sum(hp, axis=0, keepdims=True) * (1.0 / k_new)
    return anew, hp, jnp.concatenate([mx, mn], axis=1)


def _make_tc_sel(k_new):
    def body(h, score, alive, t_ref, c_ref, wnext,
             anew_ref, mrows_ref, x_ref, pn_ref):
        anew, hp, x = _sel_readout(h, score, alive, t_ref, c_ref, k_new)
        anew_ref[...] = anew
        mrows_ref[...] = jnp.broadcast_to(anew, (NP, 16))
        x_ref[...] = x
        pn_ref[...] = jnp.dot(hp, wnext[...],
                              preferred_element_type=jnp.float32)

    return pl.pallas_call(
        body,
        compiler_params=_TC_PARAMS,
        out_shape=[
            jax.ShapeDtypeStruct((NP, 1), jnp.float32),
            jax.ShapeDtypeStruct((NP, 16), jnp.float32),
            jax.ShapeDtypeStruct((1, 2 * H), jnp.float32),
            jax.ShapeDtypeStruct((NP, H), jnp.float32),
        ],
    )


def _make_tc_sel_final(k_new):
    def body(h, score, alive, t_ref, c_ref, x1, x2, l1w, l1b, l2w, l2b,
             out_ref):
        _, _, x3 = _sel_readout(h, score, alive, t_ref, c_ref, k_new)
        z = x1[...] + x2[...] + x3
        z = jnp.maximum(
            jnp.dot(z, l1w[...], preferred_element_type=jnp.float32)
            + l1b[...], 0.0)
        out_ref[...] = (
            jnp.dot(z, l2w[...], preferred_element_type=jnp.float32)
            + l2b[...])

    return pl.pallas_call(
        body,
        compiler_params=_TC_PARAMS,
        out_shape=jax.ShapeDtypeStruct((1, OUT), jnp.float32),
    )



def kernel(x, edge_index, batch, W_in, b_in, conv1_W, conv1_b, bn1_g, bn1_b,
           pool1_w, conv2_W, conv2_b, bn2_g, bn2_b, pool2_w, conv3_W,
           conv3_b, bn3_g, bn3_b, pool3_w, lin1_W, lin1_b, lin2_W, lin2_b):
    f32 = jnp.float32
    pad_e = EP + PADC * CH - E
    src_r = jnp.concatenate(
        [edge_index[0], jnp.full((pad_e,), N, jnp.int32)]).reshape(
            TOTC + PADC, CH)
    dst_r = jnp.concatenate(
        [edge_index[1], jnp.full((pad_e,), N, jnp.int32)]).reshape(
            TOTC + PADC, CH)
    x_pad = jnp.zeros((NP, DIN), f32).at[:N].set(x)
    alive0 = (jnp.arange(NP, dtype=jnp.int32)[:, None] < N).astype(f32)
    m0rows = jnp.broadcast_to(alive0, (NP, 16))
    row = lambda a: a.reshape(1, -1)
    col = lambda a: a.reshape(-1, 1)

    two_d = lambda a: a.reshape(NP // 128, 128)

    p1 = _tc_pre(x_pad, W_in, row(b_in), conv1_W)
    deg1 = _sc_scatter_deg(m0rows, src_r, dst_r)
    g1, dinv1 = _tc_dinv(deg1, alive0, p1)
    msg1 = _sc_scatter_msg(g1, src_r, dst_r)
    h1, s1 = _make_tc_bn(K0)(
        msg1[0], msg1[1], dinv1, p1, row(conv1_b), row(bn1_g), row(bn1_b),
        col(pool1_w), alive0)
    t1, c1 = _make_tc_search(K1)(two_d(s1), two_d(alive0))
    alive1, m1rows, x1, p2 = _make_tc_sel(K1)(h1, s1, alive0, t1, c1,
                                              conv2_W)

    deg2 = _sc_scatter_deg(m1rows, src_r, dst_r)
    g2, dinv2 = _tc_dinv(deg2, alive1, p2)
    msg2 = _sc_scatter_msg(g2, src_r, dst_r)
    h2, s2 = _make_tc_bn(K1)(
        msg2[0], msg2[1], dinv2, p2, row(conv2_b), row(bn2_g), row(bn2_b),
        col(pool2_w), alive1)
    t2, c2 = _make_tc_search(K2)(two_d(s2), two_d(alive1))
    alive2, m2rows, x2, p3 = _make_tc_sel(K2)(h2, s2, alive1, t2, c2,
                                              conv3_W)

    deg3 = _sc_scatter_deg(m2rows, src_r, dst_r)
    g3, dinv3 = _tc_dinv(deg3, alive2, p3)
    msg3 = _sc_scatter_msg(g3, src_r, dst_r)
    h3, s3 = _make_tc_bn(K2)(
        msg3[0], msg3[1], dinv3, p3, row(conv3_b), row(bn3_g), row(bn3_b),
        col(pool3_w), alive2)
    t3, c3 = _make_tc_search(K3)(two_d(s3), two_d(alive2))
    return _make_tc_sel_final(K3)(
        h3, s3, alive2, t3, c3, x1, x2, lin1_W, row(lin1_b), lin2_W,
        row(lin2_b))

# --- scband reference (transcript-rebuilt; emitter-appended) ---
"""Pipeline reference for scband-true-hgcn-23691039604878 (READ-ONLY COPY).

The authoritative reference and input builder live on the scoring server;
editing this copy changes nothing except your own understanding.
"""

import jax, jax.numpy as jnp
import numpy as np
import math

N = 10000
E = 320000
DIN = 128
H = 128
OUT = 64

def _gcn(x, src, dst, ew, W, b):
    n = x.shape[0]
    h = x @ W
    loop = jnp.arange(n, dtype=src.dtype)
    s = jnp.concatenate([src, loop])
    d = jnp.concatenate([dst, loop])
    w = jnp.concatenate([ew, jnp.ones((n,), x.dtype)])
    deg = jnp.zeros((n,), x.dtype).at[d].add(w)
    dinv = jnp.where(deg > 0, 1.0 / jnp.sqrt(deg), 0.0)
    norm = dinv[s] * w * dinv[d]
    out = jnp.zeros_like(h).at[d].add(norm[:, None] * h[s])
    return out + b

def _bn(h, g, b):
    m = h.mean(0)
    v = h.var(0)
    return (h - m) / jnp.sqrt(v + 1e-5) * g + b

def _topk(h, src, dst, ew, w, ratio=0.8):
    # PyG TopKPooling: score = tanh((x*w).sum(-1)/||w||); keep top ceil(ratio*n) nodes;
    # x_new = x[perm] * score[perm]; edges with a dropped endpoint get weight 0 (equivalent to edge filtering, fixed shapes).
    n = h.shape[0]
    k = int(math.ceil(ratio * n))
    score = jnp.tanh((h @ w) / jnp.linalg.norm(w))
    vals, perm = jax.lax.top_k(score, k)
    hk = h[perm] * vals[:, None]
    mask = jnp.zeros((n,), bool).at[perm].set(True)
    remap = jnp.zeros((n,), src.dtype).at[perm].set(jnp.arange(k, dtype=src.dtype))
    new_ew = ew * mask[src].astype(ew.dtype) * mask[dst].astype(ew.dtype)
    return hk, remap[src], remap[dst], new_ew

def _readout(h):
    # batch is all zeros (single graph): global_max_pool/global_mean_pool reduce over all nodes
    return jnp.concatenate([h.max(axis=0, keepdims=True), h.mean(axis=0, keepdims=True)], axis=1)

def setup_inputs(seed: int = 0):
    key = jax.random.key(seed)
    ks = jax.random.split(key, 32)
    s = 0.05
    inp = {}
    inp["x"] = jax.random.normal(ks[0], (N, DIN), jnp.float32)
    inp["edge_index"] = jax.random.randint(ks[1], (2, E), 0, N, dtype=jnp.int32)
    inp["batch"] = jnp.zeros((N,), jnp.int32)
    inp["W_in"] = jax.random.normal(ks[2], (DIN, 128), jnp.float32) * s
    inp["b_in"] = jnp.zeros((128,), jnp.float32)
    inp["conv1_W"] = jax.random.normal(ks[3], (128, H), jnp.float32) * s
    inp["conv1_b"] = jnp.zeros((H,), jnp.float32)
    inp["bn1_g"] = jnp.ones((H,), jnp.float32)
    inp["bn1_b"] = jnp.zeros((H,), jnp.float32)
    inp["pool1_w"] = jax.random.normal(ks[4], (H,), jnp.float32)
    inp["conv2_W"] = jax.random.normal(ks[5], (H, H), jnp.float32) * s
    inp["conv2_b"] = jnp.zeros((H,), jnp.float32)
    inp["bn2_g"] = jnp.ones((H,), jnp.float32)
    inp["bn2_b"] = jnp.zeros((H,), jnp.float32)
    inp["pool2_w"] = jax.random.normal(ks[6], (H,), jnp.float32)
    inp["conv3_W"] = jax.random.normal(ks[7], (H, H), jnp.float32) * s
    inp["conv3_b"] = jnp.zeros((H,), jnp.float32)
    inp["bn3_g"] = jnp.ones((H,), jnp.float32)
    inp["bn3_b"] = jnp.zeros((H,), jnp.float32)
    inp["pool3_w"] = jax.random.normal(ks[8], (H,), jnp.float32)
    inp["lin1_W"] = jax.random.normal(ks[9], (2 * H, H), jnp.float32) * s
    inp["lin1_b"] = jnp.zeros((H,), jnp.float32)
    inp["lin2_W"] = jax.random.normal(ks[10], (H, OUT), jnp.float32) * s
    inp["lin2_b"] = jnp.zeros((OUT,), jnp.float32)
    return inp

def reference(x, edge_index, batch, W_in, b_in, conv1_W, conv1_b, bn1_g, bn1_b, pool1_w, conv2_W, conv2_b, bn2_g, bn2_b, pool2_w, conv3_W, conv3_b, bn3_g, bn3_b, pool3_w, lin1_W, lin1_b, lin2_W, lin2_b):
    src = edge_index[0]
    dst = edge_index[1]
    ew = jnp.ones((src.shape[0],), jnp.float32)
    h = jax.nn.relu(x @ W_in + b_in)
    h = jax.nn.relu(_bn(_gcn(h, src, dst, ew, conv1_W, conv1_b), bn1_g, bn1_b))
    h, src, dst, ew = _topk(h, src, dst, ew, pool1_w)
    x1 = _readout(h)
    h = jax.nn.relu(_bn(_gcn(h, src, dst, ew, conv2_W, conv2_b), bn2_g, bn2_b))
    h, src, dst, ew = _topk(h, src, dst, ew, pool2_w)
    x2 = _readout(h)
    h = jax.nn.relu(_bn(_gcn(h, src, dst, ew, conv3_W, conv3_b), bn3_g, bn3_b))
    h, src, dst, ew = _topk(h, src, dst, ew, pool3_w)
    x3 = _readout(h)
    z = x1 + x2 + x3
    z = jax.nn.relu(z @ lin1_W + lin1_b)
    return z @ lin2_W + lin2_b

if __name__ == "__main__":
    import jax
    _d = setup_inputs()
    print(jax.jit(kernel)(*tuple(_d.values())))

</pallas_src>

<mosaic_0001>
#map = affine_map<(d0, d1) -> (0, 0)>
#map1 = affine_map<(d0, d1) -> (0, 0, 0)>
module attributes {stable_mosaic.version = 14 : i64} {
  func.func @sc_scatter(%arg0: i32, %arg1: i32, %arg2: memref<10112x16xf32, #tpu.memory_space<hbm>>, %arg3: memref<5204x64xi32, #tpu.memory_space<hbm>>, %arg4: memref<5204x64xi32, #tpu.memory_space<hbm>>, %arg5: memref<2x10112x16xf32, #tpu.memory_space<hbm>>, %arg6: memref<158x64xi32, #tpu.memory_space<vmem>>, %arg7: memref<158x64xi32, #tpu.memory_space<vmem>>, %arg8: memref<64x16xf32, #tpu.memory_space<vmem>>, %arg9: memref<64x16xf32, #tpu.memory_space<vmem>>, %arg10: memref<10112x16xf32, #tpu.memory_space<vmem_shared>>, %arg11: memref<!tpu.dma_semaphore, #tpu.memory_space<semaphore_mem>>, %arg12: memref<!tpu.dma_semaphore, #tpu.memory_space<semaphore_mem>>) attributes {dimension_semantics = [#tpu.dimension_semantics<core_parallel>, #tpu.dimension_semantics<subcore_parallel>], iteration_bounds = array<i64: 2, 16>, scalar_prefetch = 0 : i64, scratch_operands = 7 : i64, tpu.core_type = #tpu.core_type<sc_vector_subcore>, window_params = [{transform_indices = #map}, {transform_indices = #map}, {transform_indices = #map}, {transform_indices = #map1}]} {
    %mul3A = arith.constant 16 : i32
    %mul3A_0 = arith.muli %arg0, %mul3A : i32
    %add3A = arith.addi %mul3A_0, %arg1 : i32
    %mul3A_1 = arith.constant 158 : i32
    %mul3A_2 = arith.muli %add3A, %mul3A_1 : i32
    "tpu.region"() ({
      %run_scoped3A_52 = tpu.sem_alloc : memref<!tpu.dma_semaphore, #tpu.memory_space<semaphore_mem>>
      %dma_start3A_53 = arith.constant 0 : i32
      %dma_start3A_54 = tpu.memref_slice %arg3[%mul3A_2, %dma_start3A_53] : memref<5204x64xi32, #tpu.memory_space<hbm>> -> memref<158x64xi32, #tpu.memory_space<hbm>>
      %dma_start3A_55 = arith.constant 0 : i32
      %dma_start3A_56 = tpu.memref_slice %arg3[%mul3A_2, %dma_start3A_55] : memref<5204x64xi32, #tpu.memory_space<hbm>> -> memref<158x64xi32, #tpu.memory_space<hbm>>
      tpu.enqueue_dma source(%dma_start3A_56 : memref<158x64xi32, #tpu.memory_space<hbm>>) target(%arg6 : memref<158x64xi32, #tpu.memory_space<vmem>>) target_semaphore(%run_scoped3A_52 : memref<!tpu.dma_semaphore, #tpu.memory_space<semaphore_mem>>)
      %dma_wait3A_57 = arith.constant 0 : i32
      %dma_wait3A_58 = tpu.memref_slice %arg3[%mul3A_2, %dma_wait3A_57] : memref<5204x64xi32, #tpu.memory_space<hbm>> -> memref<158x64xi32, #tpu.memory_space<hbm>>
      %dma_wait3A_59 = arith.constant 0 : i32
      %dma_wait3A_60 = tpu.memref_slice %arg3[%mul3A_2, %dma_wait3A_59] : memref<5204x64xi32, #tpu.memory_space<hbm>> -> memref<158x64xi32, #tpu.memory_space<hbm>>
      tpu.wait_dma2 semaphore(%run_scoped3A_52 : memref<!tpu.dma_semaphore, #tpu.memory_space<semaphore_mem>>) src(%dma_wait3A_60 : memref<158x64xi32, #tpu.memory_space<hbm>>) dst(%arg6 : memref<158x64xi32, #tpu.memory_space<vmem>>)
      tpu.yield
    }) : () -> ()
    "tpu.region"() ({
      %run_scoped3A_52 = tpu.sem_alloc : memref<!tpu.dma_semaphore, #tpu.memory_space<semaphore_mem>>
      %dma_start3A_53 = arith.constant 0 : i32
      %dma_start3A_54 = tpu.memref_slice %arg4[%mul3A_2, %dma_start3A_53] : memref<5204x64xi32, #tpu.memory_space<hbm>> -> memref<158x64xi32, #tpu.memory_space<hbm>>
      %dma_start3A_55 = arith.constant 0 : i32
      %dma_start3A_56 = tpu.memref_slice %arg4[%mul3A_2, %dma_start3A_55] : memref<5204x64xi32, #tpu.memory_space<hbm>> -> memref<158x64xi32, #tpu.memory_space<hbm>>
      tpu.enqueue_dma source(%dma_start3A_56 : memref<158x64xi32, #tpu.memory_space<hbm>>) target(%arg7 : memref<158x64xi32, #tpu.memory_space<vmem>>) target_semaphore(%run_scoped3A_52 : memref<!tpu.dma_semaphore, #tpu.memory_space<semaphore_mem>>)
      %dma_wait3A_57 = arith.constant 0 : i32
      %dma_wait3A_58 = tpu.memref_slice %arg4[%mul3A_2, %dma_wait3A_57] : memref<5204x64xi32, #tpu.memory_space<hbm>> -> memref<158x64xi32, #tpu.memory_space<hbm>>
      %dma_wait3A_59 = arith.constant 0 : i32
      %dma_wait3A_60 = tpu.memref_slice %arg4[%mul3A_2, %dma_wait3A_59] : memref<5204x64xi32, #tpu.memory_space<hbm>> -> memref<158x64xi32, #tpu.memory_space<hbm>>
      tpu.wait_dma2 semaphore(%run_scoped3A_52 : memref<!tpu.dma_semaphore, #tpu.memory_space<semaphore_mem>>) src(%dma_wait3A_60 : memref<158x64xi32, #tpu.memory_space<hbm>>) dst(%arg7 : memref<158x64xi32, #tpu.memory_space<vmem>>)
      tpu.yield
    }) : () -> ()
    %scan3A = arith.constant 0 : i32
    %scan3A_3 = arith.constant 0 : i32
    %scan3A_4 = arith.constant 64 : i32
    %scan3A_5 = arith.addi %scan3A_3, %scan3A_4 : i32
    %scan3A_6 = arith.constant 1 : i32
    scf.for %scan3A_52 = %scan3A_3 to %scan3A_5 step %scan3A_6  : i32 {
      %broadcast_in_dim3A = arith.constant 0.000000e+00 : f32
      %broadcast_in_dim3A_53 = vector.broadcast %broadcast_in_dim3A : f32 to vector<16xf32>
      %swap3A = arith.index_cast %scan3A_52 : i32 to index
      %swap3A_54 = arith.constant 0 : index
      %swap3A_55 = tpu.vector_load %arg8[%swap3A, %swap3A_54] {strides = array<i32>} : memref<64x16xf32, #tpu.memory_space<vmem>>, vector<1x16xf32>,
      %swap3A_56 = vector.shape_cast %swap3A_55 : vector<1x16xf32> to vector<16xf32>
      %swap3A_57 = vector.shape_cast %broadcast_in_dim3A_53 : vector<16xf32> to vector<1x16xf32>
      tpu.vector_store %arg8[%swap3A, %swap3A_54], %swap3A_57 {strides = array<i32>} : memref<64x16xf32, #tpu.memory_space<vmem>>, vector<1x16xf32>,
    }
    %scan3A_7 = arith.constant 64 : i32
    %mul3A_8 = arith.constant 632 : i32
    %mul3A_9 = arith.muli %arg1, %mul3A_8 : i32
    %scan3A_10 = arith.constant 0 : i32
    %scan3A_11 = arith.constant 0 : i32
    %scan3A_12 = arith.constant 9 : i32
    %scan3A_13 = arith.addi %scan3A_11, %scan3A_12 : i32
    %scan3A_14 = arith.constant 1 : i32
    scf.for %scan3A_52 = %scan3A_11 to %scan3A_13 step %scan3A_14  : i32 {
      %mul3A_53 = arith.constant 64 : i32
      %mul3A_54 = arith.muli %scan3A_52, %mul3A_53 : i32
      %add3A_55 = arith.addi %mul3A_9, %mul3A_54 : i32
      "tpu.region"() ({
        %run_scoped3A_56 = tpu.sem_alloc : memref<!tpu.dma_semaphore, #tpu.memory_space<semaphore_mem>>
        %dma_start3A_57 = arith.constant 0 : i32
        %dma_start3A_58 = tpu.memref_slice %arg10[%add3A_55, %dma_start3A_57] : memref<10112x16xf32, #tpu.memory_space<vmem_shared>> -> memref<64x16xf32, #tpu.memory_space<vmem_shared>>
        %dma_start3A_59 = arith.constant 0 : i32
        %dma_start3A_60 = tpu.memref_slice %arg10[%add3A_55, %dma_start3A_59] : memref<10112x16xf32, #tpu.memory_space<vmem_shared>> -> memref<64x16xf32, #tpu.memory_space<vmem_shared>>
        tpu.enqueue_dma source(%arg8 : memref<64x16xf32, #tpu.memory_space<vmem>>) target(%dma_start3A_60 : memref<64x16xf32, #tpu.memory_space<vmem_shared>>) target_semaphore(%run_scoped3A_56 : memref<!tpu.dma_semaphore, #tpu.memory_space<semaphore_mem>>)
        %dma_wait3A_61 = arith.constant 0 : i32
        %dma_wait3A_62 = tpu.memref_slice %arg10[%add3A_55, %dma_wait3A_61] : memref<10112x16xf32, #tpu.memory_space<vmem_shared>> -> memref<64x16xf32, #tpu.memory_space<vmem_shared>>
        %dma_wait3A_63 = arith.constant 0 : i32
        %dma_wait3A_64 = tpu.memref_slice %arg10[%add3A_55, %dma_wait3A_63] : memref<10112x16xf32, #tpu.memory_space<vmem_shared>> -> memref<64x16xf32, #tpu.memory_space<vmem_shared>>
        tpu.wait_dma2 semaphore(%run_scoped3A_56 : memref<!tpu.dma_semaphore, #tpu.memory_space<semaphore_mem>>) src(%arg8 : memref<64x16xf32, #tpu.memory_space<vmem>>) dst(%dma_wait3A_64 : memref<64x16xf32, #tpu.memory_space<vmem_shared>>)
        tpu.yield
      }) : () -> ()
    }
    %scan3A_15 = arith.constant 9 : i32
    %add3A_16 = arith.constant 576 : i32
    %add3A_17 = arith.addi %mul3A_9, %add3A_16 : i32
    "tpu.region"() ({
      %run_scoped3A_52 = tpu.sem_alloc : memref<!tpu.dma_semaphore, #tpu.memory_space<semaphore_mem>>
      %dma_start3A_53 = arith.constant 0 : i32
      %dma_start3A_54 = arith.constant 0 : i32
      %dma_start3A_55 = tpu.memref_slice %arg8[%dma_start3A_53, %dma_start3A_54] : memref<64x16xf32, #tpu.memory_space<vmem>> -> memref<56x16xf32, #tpu.memory_space<vmem>>
      %dma_start3A_56 = arith.constant 0 : i32
      %dma_start3A_57 = tpu.memref_slice %arg10[%add3A_17, %dma_start3A_56] : memref<10112x16xf32, #tpu.memory_space<vmem_shared>> -> memref<56x16xf32, #tpu.memory_space<vmem_shared>>
      %dma_start3A_58 = arith.constant 0 : i32
      %dma_start3A_59 = tpu.memref_slice %arg10[%add3A_17, %dma_start3A_58] : memref<10112x16xf32, #tpu.memory_space<vmem_shared>> -> memref<56x16xf32, #tpu.memory_space<vmem_shared>>
      %dma_start3A_60 = arith.constant 0 : i32
      %dma_start3A_61 = arith.constant 0 : i32
      %dma_start3A_62 = tpu.memref_slice %arg8[%dma_start3A_60, %dma_start3A_61] : memref<64x16xf32, #tpu.memory_space<vmem>> -> memref<56x16xf32, #tpu.memory_space<vmem>>
      tpu.enqueue_dma source(%dma_start3A_62 : memref<56x16xf32, #tpu.memory_space<vmem>>) target(%dma_start3A_59 : memref<56x16xf32, #tpu.memory_space<vmem_shared>>) target_semaphore(%run_scoped3A_52 : memref<!tpu.dma_semaphore, #tpu.memory_space<semaphore_mem>>)
      %dma_wait3A_63 = arith.constant 0 : i32
      %dma_wait3A_64 = arith.constant 0 : i32
      %dma_wait3A_65 = tpu.memref_slice %arg8[%dma_wait3A_63, %dma_wait3A_64] : memref<64x16xf32, #tpu.memory_space<vmem>> -> memref<56x16xf32, #tpu.memory_space<vmem>>
      %dma_wait3A_66 = arith.constant 0 : i32
      %dma_wait3A_67 = tpu.memref_slice %arg10[%add3A_17, %dma_wait3A_66] : memref<10112x16xf32, #tpu.memory_space<vmem_shared>> -> memref<56x16xf32, #tpu.memory_space<vmem_shared>>
      %dma_wait3A_68 = arith.constant 0 : i32
      %dma_wait3A_69 = tpu.memref_slice %arg10[%add3A_17, %dma_wait3A_68] : memref<10112x16xf32, #tpu.memory_space<vmem_shared>> -> memref<56x16xf32, #tpu.memory_space<vmem_shared>>
      %dma_wait3A_70 = arith.constant 0 : i32
      %dma_wait3A_71 = arith.constant 0 : i32
      %dma_wait3A_72 = tpu.memref_slice %arg8[%dma_wait3A_70, %dma_wait3A_71] : memref<64x16xf32, #tpu.memory_space<vmem>> -> memref<56x16xf32, #tpu.memory_space<vmem>>
      tpu.wait_dma2 semaphore(%run_scoped3A_52 : memref<!tpu.dma_semaphore, #tpu.memory_space<semaphore_mem>>) src(%dma_wait3A_72 : memref<56x16xf32, #tpu.memory_space<vmem>>) dst(%dma_wait3A_69 : memref<56x16xf32, #tpu.memory_space<vmem_shared>>)
      tpu.yield
    }) : () -> ()
    %barrier3A = arith.constant 0 : index
    tpu.barrier barrier_id(%barrier3A)
    %dma_start3A = arith.constant 0 : i32
    %dma_start3A_18 = arith.constant 0 : i32
    %dma_start3A_19 = tpu.memref_slice %arg6[%dma_start3A, %dma_start3A_18] : memref<158x64xi32, #tpu.memory_space<vmem>> -> memref<1x64xi32, #tpu.memory_space<vmem>>
    %dma_start3A_20 = tpu.memref_squeeze %dma_start3A_19 : memref<1x64xi32, #tpu.memory_space<vmem>> -> memref<64xi32, #tpu.memory_space<vmem>>
    %dma_start3A_21 = arith.constant 0 : i32
    %dma_start3A_22 = arith.constant 0 : i32
    %dma_start3A_23 = tpu.memref_slice %arg2[%dma_start3A_21, %dma_start3A_22] : memref<10112x16xf32, #tpu.memory_space<hbm>> -> memref<10112x16xf32, #tpu.memory_space<hbm>>
    tpu.enqueue_indirect_dma source(%dma_start3A_23 : memref<10112x16xf32, #tpu.memory_space<hbm>>) target(%arg8 : memref<64x16xf32, #tpu.memory_space<vmem>>) offsets(%dma_start3A_20 : memref<64xi32, #tpu.memory_space<vmem>>) semaphore(%arg11 : memref<!tpu.dma_semaphore, #tpu.memory_space<semaphore_mem>>)
    %scan3A_24 = arith.constant 0 : i32
    %scan3A_25 = arith.constant 0 : i32
    %scan3A_26 = arith.constant 78 : i32
    %scan3A_27 = arith.addi %scan3A_25, %scan3A_26 : i32
    %scan3A_28 = arith.constant 1 : i32
    scf.for %scan3A_52 = %scan3A_25 to %scan3A_27 step %scan3A_28  : i32 {
      %mul3A_53 = arith.constant 2 : i32
      %mul3A_54 = arith.muli %mul3A_53, %scan3A_52 : i32
      %add3A_55 = arith.constant 1 : i32
      %add3A_56 = arith.addi %mul3A_54, %add3A_55 : i32
      %dma_start3A_57 = arith.constant 0 : i32
      %dma_start3A_58 = tpu.memref_slice %arg6[%add3A_56, %dma_start3A_57] : memref<158x64xi32, #tpu.memory_space<vmem>> -> memref<1x64xi32, #tpu.memory_space<vmem>>
      %dma_start3A_59 = tpu.memref_squeeze %dma_start3A_58 : memref<1x64xi32, #tpu.memory_space<vmem>> -> memref<64xi32, #tpu.memory_space<vmem>>
      %dma_start3A_60 = arith.constant 0 : i32
      %dma_start3A_61 = arith.constant 0 : i32
      %dma_start3A_62 = tpu.memref_slice %arg2[%dma_start3A_60, %dma_start3A_61] : memref<10112x16xf32, #tpu.memory_space<hbm>> -> memref<10112x16xf32, #tpu.memory_space<hbm>>
      tpu.enqueue_indirect_dma source(%dma_start3A_62 : memref<10112x16xf32, #tpu.memory_space<hbm>>) target(%arg9 : memref<64x16xf32, #tpu.memory_space<vmem>>) offsets(%dma_start3A_59 : memref<64xi32, #tpu.memory_space<vmem>>) semaphore(%arg12 : memref<!tpu.dma_semaphore, #tpu.memory_space<semaphore_mem>>)
      %dma_wait3A_63 = arith.constant 0 : i32
      %dma_wait3A_64 = tpu.memref_slice %arg6[%mul3A_54, %dma_wait3A_63] : memref<158x64xi32, #tpu.memory_space<vmem>> -> memref<1x64xi32, #tpu.memory_space<vmem>>
      %dma_wait3A_65 = tpu.memref_squeeze %dma_wait3A_64 : memref<1x64xi32, #tpu.memory_space<vmem>> -> memref<64xi32, #tpu.memory_space<vmem>>
      %dma_wait3A_66 = arith.constant 0 : i32
      %dma_wait3A_67 = arith.constant 0 : i32
      %dma_wait3A_68 = tpu.memref_slice %arg2[%dma_wait3A_66, %dma_wait3A_67] : memref<10112x16xf32, #tpu.memory_space<hbm>> -> memref<10112x16xf32, #tpu.memory_space<hbm>>
      tpu.wait_indirect_dma semaphore(%arg11 : memref<!tpu.dma_semaphore, #tpu.memory_space<semaphore_mem>>) src(%dma_wait3A_68 : memref<10112x16xf32, #tpu.memory_space<hbm>>) dst(%arg8 : memref<64x16xf32, #tpu.memory_space<vmem>>)
      "tpu.region"() ({
        %run_scoped3A_87 = tpu.sem_alloc : memref<!tpu.dma_semaphore, #tpu.memory_space<semaphore_mem>>
        %dma_start3A_88 = arith.constant 0 : i32
        %dma_start3A_89 = tpu.memref_slice %arg7[%mul3A_54, %dma_start3A_88] : memref<158x64xi32, #tpu.memory_space<vmem>> -> memref<1x64xi32, #tpu.memory_space<vmem>>
        %dma_start3A_90 = tpu.memref_squeeze %dma_start3A_89 : memref<1x64xi32, #tpu.memory_space<vmem>> -> memref<64xi32, #tpu.memory_space<vmem>>
        %dma_start3A_91 = arith.constant 0 : i32
        %dma_start3A_92 = arith.constant 0 : i32
        %dma_start3A_93 = tpu.memref_slice %arg10[%dma_start3A_91, %dma_start3A_92] : memref<10112x16xf32, #tpu.memory_space<vmem_shared>> -> memref<10112x16xf32, #tpu.memory_space<vmem_shared>>
        tpu.enqueue_indirect_dma source(%arg8 : memref<64x16xf32, #tpu.memory_space<vmem>>) target(%dma_start3A_93 : memref<10112x16xf32, #tpu.memory_space<vmem_shared>>) offsets(%dma_start3A_90 : memref<64xi32, #tpu.memory_space<vmem>>) semaphore(%run_scoped3A_87 : memref<!tpu.dma_semaphore, #tpu.memory_space<semaphore_mem>>) {add = true}
        %dma_wait3A_94 = arith.constant 0 : i32
        %dma_wait3A_95 = tpu.memref_slice %arg7[%mul3A_54, %dma_wait3A_94] : memref<158x64xi32, #tpu.memory_space<vmem>> -> memref<1x64xi32, #tpu.memory_space<vmem>>
        %dma_wait3A_96 = tpu.memref_squeeze %dma_wait3A_95 : memref<1x64xi32, #tpu.memory_space<vmem>> -> memref<64xi32, #tpu.memory_space<vmem>>
        %dma_wait3A_97 = arith.constant 0 : i32
        %dma_wait3A_98 = arith.constant 0 : i32
        %dma_wait3A_99 = tpu.memref_slice %arg10[%dma_wait3A_97, %dma_wait3A_98] : memref<10112x16xf32, #tpu.memory_space<vmem_shared>> -> memref<10112x16xf32, #tpu.memory_space<vmem_shared>>
        tpu.wait_indirect_dma semaphore(%run_scoped3A_87 : memref<!tpu.dma_semaphore, #tpu.memory_space<semaphore_mem>>) src(%arg8 : memref<64x16xf32, #tpu.memory_space<vmem>>) dst(%dma_wait3A_99 : memref<10112x16xf32, #tpu.memory_space<vmem_shared>>)
        tpu.yield
      }) : () -> ()
      %add3A_69 = arith.constant 2 : i32
      %add3A_70 = arith.addi %mul3A_54, %add3A_69 : i32
      %dma_start3A_71 = arith.constant 0 : i32
      %dma_start3A_72 = tpu.memref_slice %arg6[%add3A_70, %dma_start3A_71] : memref<158x64xi32, #tpu.memory_space<vmem>> -> memref<1x64xi32, #tpu.memory_space<vmem>>
      %dma_start3A_73 = tpu.memref_squeeze %dma_start3A_72 : memref<1x64xi32, #tpu.memory_space<vmem>> -> memref<64xi32, #tpu.memory_space<vmem>>
      %dma_start3A_74 = arith.constant 0 : i32
      %dma_start3A_75 = arith.constant 0 : i32
      %dma_start3A_76 = tpu.memref_slice %arg2[%dma_start3A_74, %dma_start3A_75] : memref<10112x16xf32, #tpu.memory_space<hbm>> -> memref<10112x16xf32, #tpu.memory_space<hbm>>
      tpu.enqueue_indirect_dma source(%dma_start3A_76 : memref<10112x16xf32, #tpu.memory_space<hbm>>) target(%arg8 : memref<64x16xf32, #tpu.memory_space<vmem>>) offsets(%dma_start3A_73 : memref<64xi32, #tpu.memory_space<vmem>>) semaphore(%arg11 : memref<!tpu.dma_semaphore, #tpu.memory_space<semaphore_mem>>)
      %add3A_77 = arith.constant 1 : i32
      %add3A_78 = arith.addi %mul3A_54, %add3A_77 : i32
      %dma_wait3A_79 = arith.constant 0 : i32
      %dma_wait3A_80 = tpu.memref_slice %arg6[%add3A_78, %dma_wait3A_79] : memref<158x64xi32, #tpu.memory_space<vmem>> -> memref<1x64xi32, #tpu.memory_space<vmem>>
      %dma_wait3A_81 = tpu.memref_squeeze %dma_wait3A_80 : memref<1x64xi32, #tpu.memory_space<vmem>> -> memref<64xi32, #tpu.memory_space<vmem>>
      %dma_wait3A_82 = arith.constant 0 : i32
      %dma_wait3A_83 = arith.constant 0 : i32
      %dma_wait3A_84 = tpu.memref_slice %arg2[%dma_wait3A_82, %dma_wait3A_83] : memref<10112x16xf32, #tpu.memory_space<hbm>> -> memref<10112x16xf32, #tpu.memory_space<hbm>>
      tpu.wait_indirect_dma semaphore(%arg12 : memref<!tpu.dma_semaphore, #tpu.memory_space<semaphore_mem>>) src(%dma_wait3A_84 : memref<10112x16xf32, #tpu.memory_space<hbm>>) dst(%arg9 : memref<64x16xf32, #tpu.memory_space<vmem>>)
      %add3A_85 = arith.constant 1 : i32
      %add3A_86 = arith.addi %mul3A_54, %add3A_85 : i32
      "tpu.region"() ({
        %run_scoped3A_87 = tpu.sem_alloc : memref<!tpu.dma_semaphore, #tpu.memory_space<semaphore_mem>>
        %dma_start3A_88 = arith.constant 0 : i32
        %dma_start3A_89 = tpu.memref_slice %arg7[%add3A_86, %dma_start3A_88] : memref<158x64xi32, #tpu.memory_space<vmem>> -> memref<1x64xi32, #tpu.memory_space<vmem>>
        %dma_start3A_90 = tpu.memref_squeeze %dma_start3A_89 : memref<1x64xi32, #tpu.memory_space<vmem>> -> memref<64xi32, #tpu.memory_space<vmem>>
        %dma_start3A_91 = arith.constant 0 : i32
        %dma_start3A_92 = arith.constant 0 : i32
        %dma_start3A_93 = tpu.memref_slice %arg10[%dma_start3A_91, %dma_start3A_92] : memref<10112x16xf32, #tpu.memory_space<vmem_shared>> -> memref<10112x16xf32, #tpu.memory_space<vmem_shared>>
        tpu.enqueue_indirect_dma source(%arg9 : memref<64x16xf32, #tpu.memory_space<vmem>>) target(%dma_start3A_93 : memref<10112x16xf32, #tpu.memory_space<vmem_shared>>) offsets(%dma_start3A_90 : memref<64xi32, #tpu.memory_space<vmem>>) semaphore(%run_scoped3A_87 : memref<!tpu.dma_semaphore, #tpu.memory_space<semaphore_mem>>) {add = true}
        %dma_wait3A_94 = arith.constant 0 : i32
        %dma_wait3A_95 = tpu.memref_slice %arg7[%add3A_86, %dma_wait3A_94] : memref<158x64xi32, #tpu.memory_space<vmem>> -> memref<1x64xi32, #tpu.memory_space<vmem>>
        %dma_wait3A_96 = tpu.memref_squeeze %dma_wait3A_95 : memref<1x64xi32, #tpu.memory_space<vmem>> -> memref<64xi32, #tpu.memory_space<vmem>>
        %dma_wait3A_97 = arith.constant 0 : i32
        %dma_wait3A_98 = arith.constant 0 : i32
        %dma_wait3A_99 = tpu.memref_slice %arg10[%dma_wait3A_97, %dma_wait3A_98] : memref<10112x16xf32, #tpu.memory_space<vmem_shared>> -> memref<10112x16xf32, #tpu.memory_space<vmem_shared>>
        tpu.wait_indirect_dma semaphore(%run_scoped3A_87 : memref<!tpu.dma_semaphore, #tpu.memory_space<semaphore_mem>>) src(%arg9 : memref<64x16xf32, #tpu.memory_space<vmem>>) dst(%dma_wait3A_99 : memref<10112x16xf32, #tpu.memory_space<vmem_shared>>)
        tpu.yield
      }) : () -> ()
    }
    %scan3A_29 = arith.constant 78 : i32
    %dma_start3A_30 = arith.constant 157 : i32
    %dma_start3A_31 = arith.constant 0 : i32
    %dma_start3A_32 = tpu.memref_slice %arg6[%dma_start3A_30, %dma_start3A_31] : memref<158x64xi32, #tpu.memory_space<vmem>> -> memref<1x64xi32, #tpu.memory_space<vmem>>
    %dma_start3A_33 = tpu.memref_squeeze %dma_start3A_32 : memref<1x64xi32, #tpu.memory_space<vmem>> -> memref<64xi32, #tpu.memory_space<vmem>>
    %dma_start3A_34 = arith.constant 0 : i32
    %dma_start3A_35 = arith.constant 0 : i32
    %dma_start3A_36 = tpu.memref_slice %arg2[%dma_start3A_34, %dma_start3A_35] : memref<10112x16xf32, #tpu.memory_space<hbm>> -> memref<10112x16xf32, #tpu.memory_space<hbm>>
    tpu.enqueue_indirect_dma source(%dma_start3A_36 : memref<10112x16xf32, #tpu.memory_space<hbm>>) target(%arg9 : memref<64x16xf32, #tpu.memory_space<vmem>>) offsets(%dma_start3A_33 : memref<64xi32, #tpu.memory_space<vmem>>) semaphore(%arg12 : memref<!tpu.dma_semaphore, #tpu.memory_space<semaphore_mem>>)
    %dma_wait3A = arith.constant 156 : i32
    %dma_wait3A_37 = arith.constant 0 : i32
    %dma_wait3A_38 = tpu.memref_slice %arg6[%dma_wait3A, %dma_wait3A_37] : memref<158x64xi32, #tpu.memory_space<vmem>> -> memref<1x64xi32, #tpu.memory_space<vmem>>
    %dma_wait3A_39 = tpu.memref_squeeze %dma_wait3A_38 : memref<1x64xi32, #tpu.memory_space<vmem>> -> memref<64xi32, #tpu.memory_space<vmem>>
    %dma_wait3A_40 = arith.constant 0 : i32
    %dma_wait3A_41 = arith.constant 0 : i32
    %dma_wait3A_42 = tpu.memref_slice %arg2[%dma_wait3A_40, %dma_wait3A_41] : memref<10112x16xf32, #tpu.memory_space<hbm>> -> memref<10112x16xf32, #tpu.memory_space<hbm>>
    tpu.wait_indirect_dma semaphore(%arg11 : memref<!tpu.dma_semaphore, #tpu.memory_space<semaphore_mem>>) src(%dma_wait3A_42 : memref<10112x16xf32, #tpu.memory_space<hbm>>) dst(%arg8 : memref<64x16xf32, #tpu.memory_space<vmem>>)
    %run_scoped3A = arith.constant 156 : i32
    "tpu.region"() ({
      %run_scoped3A_52 = tpu.sem_alloc : memref<!tpu.dma_semaphore, #tpu.memory_space<semaphore_mem>>
      %dma_start3A_53 = arith.constant 0 : i32
      %dma_start3A_54 = tpu.memref_slice %arg7[%run_scoped3A, %dma_start3A_53] : memref<158x64xi32, #tpu.memory_space<vmem>> -> memref<1x64xi32, #tpu.memory_space<vmem>>
      %dma_start3A_55 = tpu.memref_squeeze %dma_start3A_54 : memref<1x64xi32, #tpu.memory_space<vmem>> -> memref<64xi32, #tpu.memory_space<vmem>>
      %dma_start3A_56 = arith.constant 0 : i32
      %dma_start3A_57 = arith.constant 0 : i32
      %dma_start3A_58 = tpu.memref_slice %arg10[%dma_start3A_56, %dma_start3A_57] : memref<10112x16xf32, #tpu.memory_space<vmem_shared>> -> memref<10112x16xf32, #tpu.memory_space<vmem_shared>>
      tpu.enqueue_indirect_dma source(%arg8 : memref<64x16xf32, #tpu.memory_space<vmem>>) target(%dma_start3A_58 : memref<10112x16xf32, #tpu.memory_space<vmem_shared>>) offsets(%dma_start3A_55 : memref<64xi32, #tpu.memory_space<vmem>>) semaphore(%run_scoped3A_52 : memref<!tpu.dma_semaphore, #tpu.memory_space<semaphore_mem>>) {add = true}
      %dma_wait3A_59 = arith.constant 0 : i32
      %dma_wait3A_60 = tpu.memref_slice %arg7[%run_scoped3A, %dma_wait3A_59] : memref<158x64xi32, #tpu.memory_space<vmem>> -> memref<1x64xi32, #tpu.memory_space<vmem>>
      %dma_wait3A_61 = tpu.memref_squeeze %dma_wait3A_60 : memref<1x64xi32, #tpu.memory_space<vmem>> -> memref<64xi32, #tpu.memory_space<vmem>>
      %dma_wait3A_62 = arith.constant 0 : i32
      %dma_wait3A_63 = arith.constant 0 : i32
      %dma_wait3A_64 = tpu.memref_slice %arg10[%dma_wait3A_62, %dma_wait3A_63] : memref<10112x16xf32, #tpu.memory_space<vmem_shared>> -> memref<10112x16xf32, #tpu.memory_space<vmem_shared>>
      tpu.wait_indirect_dma semaphore(%run_scoped3A_52 : memref<!tpu.dma_semaphore, #tpu.memory_space<semaphore_mem>>) src(%arg8 : memref<64x16xf32, #tpu.memory_space<vmem>>) dst(%dma_wait3A_64 : memref<10112x16xf32, #tpu.memory_space<vmem_shared>>)
      tpu.yield
    }) : () -> ()
    %dma_wait3A_43 = arith.constant 157 : i32
    %dma_wait3A_44 = arith.constant 0 : i32
    %dma_wait3A_45 = tpu.memref_slice %arg6[%dma_wait3A_43, %dma_wait3A_44] : memref<158x64xi32, #tpu.memory_space<vmem>> -> memref<1x64xi32, #tpu.memory_space<vmem>>
    %dma_wait3A_46 = tpu.memref_squeeze %dma_wait3A_45 : memref<1x64xi32, #tpu.memory_space<vmem>> -> memref<64xi32, #tpu.memory_space<vmem>>
    %dma_wait3A_47 = arith.constant 0 : i32
    %dma_wait3A_48 = arith.constant 0 : i32
    %dma_wait3A_49 = tpu.memref_slice %arg2[%dma_wait3A_47, %dma_wait3A_48] : memref<10112x16xf32, #tpu.memory_space<hbm>> -> memref<10112x16xf32, #tpu.memory_space<hbm>>
    tpu.wait_indirect_dma semaphore(%arg12 : memref<!tpu.dma_semaphore, #tpu.memory_space<semaphore_mem>>) src(%dma_wait3A_49 : memref<10112x16xf32, #tpu.memory_space<hbm>>) dst(%arg9 : memref<64x16xf32, #tpu.memory_space<vmem>>)
    %run_scoped3A_50 = arith.constant 157 : i32
    "tpu.region"() ({
      %run_scoped3A_52 = tpu.sem_alloc : memref<!tpu.dma_semaphore, #tpu.memory_space<semaphore_mem>>
      %dma_start3A_53 = arith.constant 0 : i32
      %dma_start3A_54 = tpu.memref_slice %arg7[%run_scoped3A_50, %dma_start3A_53] : memref<158x64xi32, #tpu.memory_space<vmem>> -> memref<1x64xi32, #tpu.memory_space<vmem>>
      %dma_start3A_55 = tpu.memref_squeeze %dma_start3A_54 : memref<1x64xi32, #tpu.memory_space<vmem>> -> memref<64xi32, #tpu.memory_space<vmem>>
      %dma_start3A_56 = arith.constant 0 : i32
      %dma_start3A_57 = arith.constant 0 : i32
      %dma_start3A_58 = tpu.memref_slice %arg10[%dma_start3A_56, %dma_start3A_57] : memref<10112x16xf32, #tpu.memory_space<vmem_shared>> -> memref<10112x16xf32, #tpu.memory_space<vmem_shared>>
      tpu.enqueue_indirect_dma source(%arg9 : memref<64x16xf32, #tpu.memory_space<vmem>>) target(%dma_start3A_58 : memref<10112x16xf32, #tpu.memory_space<vmem_shared>>) offsets(%dma_start3A_55 : memref<64xi32, #tpu.memory_space<vmem>>) semaphore(%run_scoped3A_52 : memref<!tpu.dma_semaphore, #tpu.memory_space<semaphore_mem>>) {add = true}
      %dma_wait3A_59 = arith.constant 0 : i32
      %dma_wait3A_60 = tpu.memref_slice %arg7[%run_scoped3A_50, %dma_wait3A_59] : memref<158x64xi32, #tpu.memory_space<vmem>> -> memref<1x64xi32, #tpu.memory_space<vmem>>
      %dma_wait3A_61 = tpu.memref_squeeze %dma_wait3A_60 : memref<1x64xi32, #tpu.memory_space<vmem>> -> memref<64xi32, #tpu.memory_space<vmem>>
      %dma_wait3A_62 = arith.constant 0 : i32
      %dma_wait3A_63 = arith.constant 0 : i32
      %dma_wait3A_64 = tpu.memref_slice %arg10[%dma_wait3A_62, %dma_wait3A_63] : memref<10112x16xf32, #tpu.memory_space<vmem_shared>> -> memref<10112x16xf32, #tpu.memory_space<vmem_shared>>
      tpu.wait_indirect_dma semaphore(%run_scoped3A_52 : memref<!tpu.dma_semaphore, #tpu.memory_space<semaphore_mem>>) src(%arg9 : memref<64x16xf32, #tpu.memory_space<vmem>>) dst(%dma_wait3A_64 : memref<10112x16xf32, #tpu.memory_space<vmem_shared>>)
      tpu.yield
    }) : () -> ()
    %barrier3A_51 = arith.constant 0 : index
    tpu.barrier barrier_id(%barrier3A_51)
    "tpu.region"() ({
      %run_scoped3A_52 = tpu.sem_alloc : memref<!tpu.dma_semaphore, #tpu.memory_space<semaphore_mem>>
      %dma_start3A_53 = arith.constant 0 : i32
      %dma_start3A_54 = tpu.memref_slice %arg5[%arg0, %mul3A_9, %dma_start3A_53] : memref<2x10112x16xf32, #tpu.memory_space<hbm>> -> memref<1x632x16xf32, #tpu.memory_space<hbm>>
      %dma_start3A_55 = tpu.memref_squeeze %dma_start3A_54 : memref<1x632x16xf32, #tpu.memory_space<hbm>> -> memref<632x16xf32, #tpu.memory_space<hbm>>
      %dma_start3A_56 = arith.constant 0 : i32
      %dma_start3A_57 = tpu.memref_slice %arg10[%mul3A_9, %dma_start3A_56] : memref<10112x16xf32, #tpu.memory_space<vmem_shared>> -> memref<632x16xf32, #tpu.memory_space<vmem_shared>>
      tpu.enqueue_dma source(%dma_start3A_57 : memref<632x16xf32, #tpu.memory_space<vmem_shared>>) target(%dma_start3A_55 : memref<632x16xf32, #tpu.memory_space<hbm>>) target_semaphore(%run_scoped3A_52 : memref<!tpu.dma_semaphore, #tpu.memory_space<semaphore_mem>>)
      %dma_wait3A_58 = arith.constant 0 : i32
      %dma_wait3A_59 = tpu.memref_slice %arg5[%arg0, %mul3A_9, %dma_wait3A_58] : memref<2x10112x16xf32, #tpu.memory_space<hbm>> -> memref<1x632x16xf32, #tpu.memory_space<hbm>>
      %dma_wait3A_60 = tpu.memref_squeeze %dma_wait3A_59 : memref<1x632x16xf32, #tpu.memory_space<hbm>> -> memref<632x16xf32, #tpu.memory_space<hbm>>
      %dma_wait3A_61 = arith.constant 0 : i32
      %dma_wait3A_62 = tpu.memref_slice %arg10[%mul3A_9, %dma_wait3A_61] : memref<10112x16xf32, #tpu.memory_space<vmem_shared>> -> memref<632x16xf32, #tpu.memory_space<vmem_shared>>
      tpu.wait_dma2 semaphore(%run_scoped3A_52 : memref<!tpu.dma_semaphore, #tpu.memory_space<semaphore_mem>>) src(%dma_wait3A_62 : memref<632x16xf32, #tpu.memory_space<vmem_shared>>) dst(%dma_wait3A_60 : memref<632x16xf32, #tpu.memory_space<hbm>>)
      tpu.yield
    }) : () -> ()
    return
  }
}

#map = affine_map<(d0, d1) -> (0, 0)>
#map1 = affine_map<(d0, d1) -> (0, 0, 0)>
module attributes {stable_mosaic.version = 14 : i64} {
  func.func @sc_scatter(%arg0: i32, %arg1: i32, %arg2: memref<10112x128xf32, #tpu.memory_space<hbm>>, %arg3: memref<5204x64xi32, #tpu.memory_space<hbm>>, %arg4: memref<5204x64xi32, #tpu.memory_space<hbm>>, %arg5: memref<2x10112x128xf32, #tpu.memory_space<hbm>>, %arg6: memref<232x64xi32, #tpu.memory_space<vmem>>, %arg7: memref<232x64xi32, #tpu.memory_space<vmem>>, %arg8: memref<64x128xf32, #tpu.memory_space<vmem>>, %arg9: memref<64x128xf32, #tpu.memory_space<vmem>>, %arg10: memref<10112x128xf32, #tpu.memory_space<vmem_shared>>, %arg11: memref<!tpu.dma_semaphore, #tpu.memory_space<semaphore_mem>>, %arg12: memref<!tpu.dma_semaphore, #tpu.memory_space<semaphore_mem>>) attributes {dimension_semantics = [#tpu.dimension_semantics<core_parallel>, #tpu.dimension_semantics<subcore_parallel>], iteration_bounds = array<i64: 2, 16>, scalar_prefetch = 0 : i64, scratch_operands = 7 : i64, tpu.core_type = #tpu.core_type<sc_vector_subcore>, window_params = [{transform_indices = #map}, {transform_indices = #map}, {transform_indices = #map}, {transform_indices = #map1}]} {
    %eq3A = arith.constant 0 : i32
    %eq3A_0 = arith.cmpi eq, %arg0, %eq3A : i32
    %mul3A = arith.constant 232 : i32
    %mul3A_1 = arith.muli %arg1, %mul3A : i32
    %mul3A_2 = arith.constant 84 : i32
    %mul3A_3 = arith.muli %arg1, %mul3A_2 : i32
    %add3A = arith.constant 3712 : i32
    %add3A_4 = arith.addi %add3A, %mul3A_3 : i32
    %select_n3A = arith.select %eq3A_0, %mul3A_1, %add3A_4 : i32
    %eq3A_5 = arith.constant 0 : i32
    %eq3A_6 = arith.cmpi eq, %arg0, %eq3A_5 : i32
    %jit3A = arith.constant 232 : i32
    %jit3A_7 = arith.constant 84 : i32
    %select_n3A_8 = arith.select %eq3A_6, %jit3A, %jit3A_7 : i32
    "tpu.region"() ({
      %run_scoped3A = tpu.sem_alloc : memref<!tpu.dma_semaphore, #tpu.memory_space<semaphore_mem>>
      %dma_start3A_87 = arith.constant 0 : i32
      %dma_start3A_88 = tpu.memref_slice %arg3[%select_n3A, %dma_start3A_87] : memref<5204x64xi32, #tpu.memory_space<hbm>> -> memref<232x64xi32, #tpu.memory_space<hbm>>
      %dma_start3A_89 = arith.constant 0 : i32
      %dma_start3A_90 = tpu.memref_slice %arg3[%select_n3A, %dma_start3A_89] : memref<5204x64xi32, #tpu.memory_space<hbm>> -> memref<232x64xi32, #tpu.memory_space<hbm>>
      tpu.enqueue_dma source(%dma_start3A_90 : memref<232x64xi32, #tpu.memory_space<hbm>>) target(%arg6 : memref<232x64xi32, #tpu.memory_space<vmem>>) target_semaphore(%run_scoped3A : memref<!tpu.dma_semaphore, #tpu.memory_space<semaphore_mem>>)
      %dma_wait3A_91 = arith.constant 0 : i32
      %dma_wait3A_92 = tpu.memref_slice %arg3[%select_n3A, %dma_wait3A_91] : memref<5204x64xi32, #tpu.memory_space<hbm>> -> memref<232x64xi32, #tpu.memory_space<hbm>>
      %dma_wait3A_93 = arith.constant 0 : i32
      %dma_wait3A_94 = tpu.memref_slice %arg3[%select_n3A, %dma_wait3A_93] : memref<5204x64xi32, #tpu.memory_space<hbm>> -> memref<232x64xi32, #tpu.memory_space<hbm>>
      tpu.wait_dma2 semaphore(%run_scoped3A : memref<!tpu.dma_semaphore, #tpu.memory_space<semaphore_mem>>) src(%dma_wait3A_94 : memref<232x64xi32, #tpu.memory_space<hbm>>) dst(%arg6 : memref<232x64xi32, #tpu.memory_space<vmem>>)
      tpu.yield
    }) : () -> ()
    "tpu.region"() ({
      %run_scoped3A = tpu.sem_alloc : memref<!tpu.dma_semaphore, #tpu.memory_space<semaphore_mem>>
      %dma_start3A_87 = arith.constant 0 : i32
      %dma_start3A_88 = tpu.memref_slice %arg4[%select_n3A, %dma_start3A_87] : memref<5204x64xi32, #tpu.memory_space<hbm>> -> memref<232x64xi32, #tpu.memory_space<hbm>>
      %dma_start3A_89 = arith.constant 0 : i32
      %dma_start3A_90 = tpu.memref_slice %arg4[%select_n3A, %dma_start3A_89] : memref<5204x64xi32, #tpu.memory_space<hbm>> -> memref<232x64xi32, #tpu.memory_space<hbm>>
      tpu.enqueue_dma source(%dma_start3A_90 : memref<232x64xi32, #tpu.memory_space<hbm>>) target(%arg7 : memref<232x64xi32, #tpu.memory_space<vmem>>) target_semaphore(%run_scoped3A : memref<!tpu.dma_semaphore, #tpu.memory_space<semaphore_mem>>)
      %dma_wait3A_91 = arith.constant 0 : i32
      %dma_wait3A_92 = tpu.memref_slice %arg4[%select_n3A, %dma_wait3A_91] : memref<5204x64xi32, #tpu.memory_space<hbm>> -> memref<232x64xi32, #tpu.memory_space<hbm>>
      %dma_wait3A_93 = arith.constant 0 : i32
      %dma_wait3A_94 = tpu.memref_slice %arg4[%select_n3A, %dma_wait3A_93] : memref<5204x64xi32, #tpu.memory_space<hbm>> -> memref<232x64xi32, #tpu.memory_space<hbm>>
      tpu.wait_dma2 semaphore(%run_scoped3A : memref<!tpu.dma_semaphore, #tpu.memory_space<semaphore_mem>>) src(%dma_wait3A_94 : memref<232x64xi32, #tpu.memory_space<hbm>>) dst(%arg7 : memref<232x64xi32, #tpu.memory_space<vmem>>)
      tpu.yield
    }) : () -> ()
    %scan3A = arith.constant 0 : i32
    %scan3A_9 = arith.constant 0 : i32
    %scan3A_10 = arith.constant 64 : i32
    %scan3A_11 = arith.addi %scan3A_9, %scan3A_10 : i32
    %scan3A_12 = arith.constant 1 : i32
    scf.for %scan3A_87 = %scan3A_9 to %scan3A_11 step %scan3A_12  : i32 {
      %broadcast_in_dim3A = arith.constant 0.000000e+00 : f32
      %broadcast_in_dim3A_88 = vector.broadcast %broadcast_in_dim3A : f32 to vector<16xf32>
      %swap3A = arith.index_cast %scan3A_87 : i32 to index
      %swap3A_89 = arith.constant 0 : index
      %swap3A_90 = tpu.vector_load %arg8[%swap3A, %swap3A_89] {strides = array<i32>} : memref<64x128xf32, #tpu.memory_space<vmem>>, vector<1x16xf32>,
      %swap3A_91 = vector.shape_cast %swap3A_90 : vector<1x16xf32> to vector<16xf32>
      %swap3A_92 = vector.shape_cast %broadcast_in_dim3A_88 : vector<16xf32> to vector<1x16xf32>
      tpu.vector_store %arg8[%swap3A, %swap3A_89], %swap3A_92 {strides = array<i32>} : memref<64x128xf32, #tpu.memory_space<vmem>>, vector<1x16xf32>,
      %broadcast_in_dim3A_93 = arith.constant 0.000000e+00 : f32
      %broadcast_in_dim3A_94 = vector.broadcast %broadcast_in_dim3A_93 : f32 to vector<16xf32>
      %swap3A_95 = arith.index_cast %scan3A_87 : i32 to index
      %swap3A_96 = arith.constant 16 : index
      %swap3A_97 = tpu.vector_load %arg8[%swap3A_95, %swap3A_96] {strides = array<i32>} : memref<64x128xf32, #tpu.memory_space<vmem>>, vector<1x16xf32>,
      %swap3A_98 = vector.shape_cast %swap3A_97 : vector<1x16xf32> to vector<16xf32>
      %swap3A_99 = vector.shape_cast %broadcast_in_dim3A_94 : vector<16xf32> to vector<1x16xf32>
      tpu.vector_store %arg8[%swap3A_95, %swap3A_96], %swap3A_99 {strides = array<i32>} : memref<64x128xf32, #tpu.memory_space<vmem>>, vector<1x16xf32>,
      %broadcast_in_dim3A_100 = arith.constant 0.000000e+00 : f32
      %broadcast_in_dim3A_101 = vector.broadcast %broadcast_in_dim3A_100 : f32 to vector<16xf32>
      %swap3A_102 = arith.index_cast %scan3A_87 : i32 to index
      %swap3A_103 = arith.constant 32 : index
      %swap3A_104 = tpu.vector_load %arg8[%swap3A_102, %swap3A_103] {strides = array<i32>} : memref<64x128xf32, #tpu.memory_space<vmem>>, vector<1x16xf32>,
      %swap3A_105 = vector.shape_cast %swap3A_104 : vector<1x16xf32> to vector<16xf32>
      %swap3A_106 = vector.shape_cast %broadcast_in_dim3A_101 : vector<16xf32> to vector<1x16xf32>
      tpu.vector_store %arg8[%swap3A_102, %swap3A_103], %swap3A_106 {strides = array<i32>} : memref<64x128xf32, #tpu.memory_space<vmem>>, vector<1x16xf32>,
      %broadcast_in_dim3A_107 = arith.constant 0.000000e+00 : f32
      %broadcast_in_dim3A_108 = vector.broadcast %broadcast_in_dim3A_107 : f32 to vector<16xf32>
      %swap3A_109 = arith.index_cast %scan3A_87 : i32 to index
      %swap3A_110 = arith.constant 48 : index
      %swap3A_111 = tpu.vector_load %arg8[%swap3A_109, %swap3A_110] {strides = array<i32>} : memref<64x128xf32, #tpu.memory_space<vmem>>, vector<1x16xf32>,
      %swap3A_112 = vector.shape_cast %swap3A_111 : vector<1x16xf32> to vector<16xf32>
      %swap3A_113 = vector.shape_cast %broadcast_in_dim3A_108 : vector<16xf32> to vector<1x16xf32>
      tpu.vector_store %arg8[%swap3A_109, %swap3A_110], %swap3A_113 {strides = array<i32>} : memref<64x128xf32, #tpu.memory_space<vmem>>, vector<1x16xf32>,
      %broadcast_in_dim3A_114 = arith.constant 0.000000e+00 : f32
      %broadcast_in_dim3A_115 = vector.broadcast %broadcast_in_dim3A_114 : f32 to vector<16xf32>
      %swap3A_116 = arith.index_cast %scan3A_87 : i32 to index
      %swap3A_117 = arith.constant 64 : index
      %swap3A_118 = tpu.vector_load %arg8[%swap3A_116, %swap3A_117] {strides = array<i32>} : memref<64x128xf32, #tpu.memory_space<vmem>>, vector<1x16xf32>,
      %swap3A_119 = vector.shape_cast %swap3A_118 : vector<1x16xf32> to vector<16xf32>
      %swap3A_120 = vector.shape_cast %broadcast_in_dim3A_115 : vector<16xf32> to vector<1x16xf32>
      tpu.vector_store %arg8[%swap3A_116, %swap3A_117], %swap3A_120 {strides = array<i32>} : memref<64x128xf32, #tpu.memory_space<vmem>>, vector<1x16xf32>,
      %broadcast_in_dim3A_121 = arith.constant 0.000000e+00 : f32
      %broadcast_in_dim3A_122 = vector.broadcast %broadcast_in_dim3A_121 : f32 to vector<16xf32>
      %swap3A_123 = arith.index_cast %scan3A_87 : i32 to index
      %swap3A_124 = arith.constant 80 : index
      %swap3A_125 = tpu.vector_load %arg8[%swap3A_123, %swap3A_124] {strides = array<i32>} : memref<64x128xf32, #tpu.memory_space<vmem>>, vector<1x16xf32>,
      %swap3A_126 = vector.shape_cast %swap3A_125 : vector<1x16xf32> to vector<16xf32>
      %swap3A_127 = vector.shape_cast %broadcast_in_dim3A_122 : vector<16xf32> to vector<1x16xf32>
      tpu.vector_store %arg8[%swap3A_123, %swap3A_124], %swap3A_127 {strides = array<i32>} : memref<64x128xf32, #tpu.memory_space<vmem>>, vector<1x16xf32>,
      %broadcast_in_dim3A_128 = arith.constant 0.000000e+00 : f32
      %broadcast_in_dim3A_129 = vector.broadcast %broadcast_in_dim3A_128 : f32 to vector<16xf32>
      %swap3A_130 = arith.index_cast %scan3A_87 : i32 to index
      %swap3A_131 = arith.constant 96 : index
      %swap3A_132 = tpu.vector_load %arg8[%swap3A_130, %swap3A_131] {strides = array<i32>} : memref<64x128xf32, #tpu.memory_space<vmem>>, vector<1x16xf32>,
      %swap3A_133 = vector.shape_cast %swap3A_132 : vector<1x16xf32> to vector<16xf32>
      %swap3A_134 = vector.shape_cast %broadcast_in_dim3A_129 : vector<16xf32> to vector<1x16xf32>
      tpu.vector_store %arg8[%swap3A_130, %swap3A_131], %swap3A_134 {strides = array<i32>} : memref<64x128xf32, #tpu.memory_space<vmem>>, vector<1x16xf32>,
      %broadcast_in_dim3A_135 = arith.constant 0.000000e+00 : f32
      %broadcast_in_dim3A_136 = vector.broadcast %broadcast_in_dim3A_135 : f32 to vector<16xf32>
      %swap3A_137 = arith.index_cast %scan3A_87 : i32 to index
      %swap3A_138 = arith.constant 112 : index
      %swap3A_139 = tpu.vector_load %arg8[%swap3A_137, %swap3A_138] {strides = array<i32>} : memref<64x128xf32, #tpu.memory_space<vmem>>, vector<1x16xf32>,
      %swap3A_140 = vector.shape_cast %swap3A_139 : vector<1x16xf32> to vector<16xf32>
      %swap3A_141 = vector.shape_cast %broadcast_in_dim3A_136 : vector<16xf32> to vector<1x16xf32>
      tpu.vector_store %arg8[%swap3A_137, %swap3A_138], %swap3A_141 {strides = array<i32>} : memref<64x128xf32, #tpu.memory_space<vmem>>, vector<1x16xf32>,
    }
    %scan3A_13 = arith.constant 64 : i32
    %mul3A_14 = arith.constant 632 : i32
    %mul3A_15 = arith.muli %arg1, %mul3A_14 : i32
    %scan3A_16 = arith.constant 0 : i32
    %scan3A_17 = arith.constant 0 : i32
    %scan3A_18 = arith.constant 9 : i32
    %scan3A_19 = arith.addi %scan3A_17, %scan3A_18 : i32
    %scan3A_20 = arith.constant 1 : i32
    scf.for %scan3A_87 = %scan3A_17 to %scan3A_19 step %scan3A_20  : i32 {
      %mul3A_88 = arith.constant 64 : i32
      %mul3A_89 = arith.muli %scan3A_87, %mul3A_88 : i32
      %add3A_90 = arith.addi %mul3A_15, %mul3A_89 : i32
      "tpu.region"() ({
        %run_scoped3A = tpu.sem_alloc : memref<!tpu.dma_semaphore, #tpu.memory_space<semaphore_mem>>
        %dma_start3A_91 = arith.constant 0 : i32
        %dma_start3A_92 = tpu.memref_slice %arg10[%add3A_90, %dma_start3A_91] : memref<10112x128xf32, #tpu.memory_space<vmem_shared>> -> memref<64x128xf32, #tpu.memory_space<vmem_shared>>
        %dma_start3A_93 = arith.constant 0 : i32
        %dma_start3A_94 = tpu.memref_slice %arg10[%add3A_90, %dma_start3A_93] : memref<10112x128xf32, #tpu.memory_space<vmem_shared>> -> memref<64x128xf32, #tpu.memory_space<vmem_shared>>
        tpu.enqueue_dma source(%arg8 : memref<64x128xf32, #tpu.memory_space<vmem>>) target(%dma_start3A_94 : memref<64x128xf32, #tpu.memory_space<vmem_shared>>) target_semaphore(%run_scoped3A : memref<!tpu.dma_semaphore, #tpu.memory_space<semaphore_mem>>)
        %dma_wait3A_95 = arith.constant 0 : i32
        %dma_wait3A_96 = tpu.memref_slice %arg10[%add3A_90, %dma_wait3A_95] : memref<10112x128xf32, #tpu.memory_space<vmem_shared>> -> memref<64x128xf32, #tpu.memory_space<vmem_shared>>
        %dma_wait3A_97 = arith.constant 0 : i32
        %dma_wait3A_98 = tpu.memref_slice %arg10[%add3A_90, %dma_wait3A_97] : memref<10112x128xf32, #tpu.memory_space<vmem_shared>> -> memref<64x128xf32, #tpu.memory_space<vmem_shared>>
        tpu.wait_dma2 semaphore(%run_scoped3A : memref<!tpu.dma_semaphore, #tpu.memory_space<semaphore_mem>>) src(%arg8 : memref<64x128xf32, #tpu.memory_space<vmem>>) dst(%dma_wait3A_98 : memref<64x128xf32, #tpu.memory_space<vmem_shared>>)
        tpu.yield
      }) : () -> ()
    }
    %scan3A_21 = arith.constant 9 : i32
    %add3A_22 = arith.constant 576 : i32
    %add3A_23 = arith.addi %mul3A_15, %add3A_22 : i32
    "tpu.region"() ({
      %run_scoped3A = tpu.sem_alloc : memref<!tpu.dma_semaphore, #tpu.memory_space<semaphore_mem>>
      %dma_start3A_87 = arith.constant 0 : i32
      %dma_start3A_88 = arith.constant 0 : i32
      %dma_start3A_89 = tpu.memref_slice %arg8[%dma_start3A_87, %dma_start3A_88] : memref<64x128xf32, #tpu.memory_space<vmem>> -> memref<56x128xf32, #tpu.memory_space<vmem>>
      %dma_start3A_90 = arith.constant 0 : i32
      %dma_start3A_91 = tpu.memref_slice %arg10[%add3A_23, %dma_start3A_90] : memref<10112x128xf32, #tpu.memory_space<vmem_shared>> -> memref<56x128xf32, #tpu.memory_space<vmem_shared>>
      %dma_start3A_92 = arith.constant 0 : i32
      %dma_start3A_93 = tpu.memref_slice %arg10[%add3A_23, %dma_start3A_92] : memref<10112x128xf32, #tpu.memory_space<vmem_shared>> -> memref<56x128xf32, #tpu.memory_space<vmem_shared>>
      %dma_start3A_94 = arith.constant 0 : i32
      %dma_start3A_95 = arith.constant 0 : i32
      %dma_start3A_96 = tpu.memref_slice %arg8[%dma_start3A_94, %dma_start3A_95] : memref<64x128xf32, #tpu.memory_space<vmem>> -> memref<56x128xf32, #tpu.memory_space<vmem>>
      tpu.enqueue_dma source(%dma_start3A_96 : memref<56x128xf32, #tpu.memory_space<vmem>>) target(%dma_start3A_93 : memref<56x128xf32, #tpu.memory_space<vmem_shared>>) target_semaphore(%run_scoped3A : memref<!tpu.dma_semaphore, #tpu.memory_space<semaphore_mem>>)
      %dma_wait3A_97 = arith.constant 0 : i32
      %dma_wait3A_98 = arith.constant 0 : i32
      %dma_wait3A_99 = tpu.memref_slice %arg8[%dma_wait3A_97, %dma_wait3A_98] : memref<64x128xf32, #tpu.memory_space<vmem>> -> memref<56x128xf32, #tpu.memory_space<vmem>>
      %dma_wait3A_100 = arith.constant 0 : i32
      %dma_wait3A_101 = tpu.memref_slice %arg10[%add3A_23, %dma_wait3A_100] : memref<10112x128xf32, #tpu.memory_space<vmem_shared>> -> memref<56x128xf32, #tpu.memory_space<vmem_shared>>
      %dma_wait3A_102 = arith.constant 0 : i32
      %dma_wait3A_103 = tpu.memref_slice %arg10[%add3A_23, %dma_wait3A_102] : memref<10112x128xf32, #tpu.memory_space<vmem_shared>> -> memref<56x128xf32, #tpu.memory_space<vmem_shared>>
      %dma_wait3A_104 = arith.constant 0 : i32
      %dma_wait3A_105 = arith.constant 0 : i32
      %dma_wait3A_106 = tpu.memref_slice %arg8[%dma_wait3A_104, %dma_wait3A_105] : memref<64x128xf32, #tpu.memory_space<vmem>> -> memref<56x128xf32, #tpu.memory_space<vmem>>
      tpu.wait_dma2 semaphore(%run_scoped3A : memref<!tpu.dma_semaphore, #tpu.memory_space<semaphore_mem>>) src(%dma_wait3A_106 : memref<56x128xf32, #tpu.memory_space<vmem>>) dst(%dma_wait3A_103 : memref<56x128xf32, #tpu.memory_space<vmem_shared>>)
      tpu.yield
    }) : () -> ()
    %barrier3A = arith.constant 0 : index
    tpu.barrier barrier_id(%barrier3A)
    %dma_start3A = arith.constant 0 : i32
    %dma_start3A_24 = arith.constant 0 : i32
    %dma_start3A_25 = tpu.memref_slice %arg6[%dma_start3A, %dma_start3A_24] : memref<232x64xi32, #tpu.memory_space<vmem>> -> memref<1x64xi32, #tpu.memory_space<vmem>>
    %dma_start3A_26 = tpu.memref_squeeze %dma_start3A_25 : memref<1x64xi32, #tpu.memory_space<vmem>> -> memref<64xi32, #tpu.memory_space<vmem>>
    %dma_start3A_27 = arith.constant 0 : i32
    %dma_start3A_28 = arith.constant 0 : i32
    %dma_start3A_29 = tpu.memref_slice %arg2[%dma_start3A_27, %dma_start3A_28] : memref<10112x128xf32, #tpu.memory_space<hbm>> -> memref<10112x128xf32, #tpu.memory_space<hbm>>
    tpu.enqueue_indirect_dma source(%dma_start3A_29 : memref<10112x128xf32, #tpu.memory_space<hbm>>) target(%arg8 : memref<64x128xf32, #tpu.memory_space<vmem>>) offsets(%dma_start3A_26 : memref<64xi32, #tpu.memory_space<vmem>>) semaphore(%arg11 : memref<!tpu.dma_semaphore, #tpu.memory_space<semaphore_mem>>)
    %sub3A = arith.constant 2 : i32
    %sub3A_30 = arith.subi %select_n3A_8, %sub3A : i32
    %jit3A_31 = arith.constant 2 : i32
    %div3A = arith.divsi %sub3A_30, %jit3A_31 : i32
    %sign3A = arith.constant 0 : i32
    %sign3A_32 = arith.cmpi sgt, %sub3A_30, %sign3A : i32
    %sign3A_33 = arith.extui %sign3A_32 : i1 to i32
    %sign3A_34 = arith.constant 0 : i32
    %sign3A_35 = arith.cmpi slt, %sub3A_30, %sign3A_34 : i32
    %sign3A_36 = arith.extui %sign3A_35 : i1 to i32
    %sign3A_37 = arith.subi %sign3A_33, %sign3A_36 : i32
    %sign3A_38 = arith.constant 0 : i32
    %sign3A_39 = arith.cmpi sgt, %jit3A_31, %sign3A_38 : i32
    %sign3A_40 = arith.extui %sign3A_39 : i1 to i32
    %sign3A_41 = arith.constant 0 : i32
    %sign3A_42 = arith.cmpi slt, %jit3A_31, %sign3A_41 : i32
    %sign3A_43 = arith.extui %sign3A_42 : i1 to i32
    %sign3A_44 = arith.subi %sign3A_40, %sign3A_43 : i32
    %ne3A = arith.cmpi ne, %sign3A_37, %sign3A_44 : i32
    %rem3A = arith.remsi %sub3A_30, %jit3A_31 : i32
    %ne3A_45 = arith.constant 0 : i32
    %ne3A_46 = arith.cmpi ne, %rem3A, %ne3A_45 : i32
    %and3A = arith.andi %ne3A, %ne3A_46 : i1
    %sub3A_47 = arith.constant 1 : i32
    %sub3A_48 = arith.subi %div3A, %sub3A_47 : i32
    %select_n3A_49 = arith.select %and3A, %sub3A_48, %div3A : i32
    %while3A = arith.constant 0 : i32
    %while3A_50 = arith.constant 0 : i32
    %while3A_51 = arith.subi %select_n3A_49, %while3A_50 : i32
    %while3A_52 = arith.addi %while3A_50, %while3A_51 : i32
    %while3A_53 = arith.constant 1 : i32
    %while3A_54 = arith.divsi %while3A_51, %while3A_53 : i32
    %while3A_55 = arith.muli %while3A_54, %while3A_53 : i32
    %while3A_56 = arith.addi %while3A_50, %while3A_55 : i32
    %while3A_57 = arith.constant 1 : i32
    scf.for %while3A_87 = %while3A_50 to %while3A_56 step %while3A_57  : i32 {
      %mul3A_88 = arith.constant 2 : i32
      %mul3A_89 = arith.muli %mul3A_88, %while3A_87 : i32
      %add3A_90 = arith.constant 1 : i32
      %add3A_91 = arith.addi %mul3A_89, %add3A_90 : i32
      %dma_start3A_92 = arith.constant 0 : i32
      %dma_start3A_93 = tpu.memref_slice %arg6[%add3A_91, %dma_start3A_92] : memref<232x64xi32, #tpu.memory_space<vmem>> -> memref<1x64xi32, #tpu.memory_space<vmem>>
      %dma_start3A_94 = tpu.memref_squeeze %dma_start3A_93 : memref<1x64xi32, #tpu.memory_space<vmem>> -> memref<64xi32, #tpu.memory_space<vmem>>
      %dma_start3A_95 = arith.constant 0 : i32
      %dma_start3A_96 = arith.constant 0 : i32
      %dma_start3A_97 = tpu.memref_slice %arg2[%dma_start3A_95, %dma_start3A_96] : memref<10112x128xf32, #tpu.memory_space<hbm>> -> memref<10112x128xf32, #tpu.memory_space<hbm>>
      tpu.enqueue_indirect_dma source(%dma_start3A_97 : memref<10112x128xf32, #tpu.memory_space<hbm>>) target(%arg9 : memref<64x128xf32, #tpu.memory_space<vmem>>) offsets(%dma_start3A_94 : memref<64xi32, #tpu.memory_space<vmem>>) semaphore(%arg12 : memref<!tpu.dma_semaphore, #tpu.memory_space<semaphore_mem>>)
      %dma_wait3A_98 = arith.constant 0 : i32
      %dma_wait3A_99 = tpu.memref_slice %arg6[%mul3A_89, %dma_wait3A_98] : memref<232x64xi32, #tpu.memory_space<vmem>> -> memref<1x64xi32, #tpu.memory_space<vmem>>
      %dma_wait3A_100 = tpu.memref_squeeze %dma_wait3A_99 : memref<1x64xi32, #tpu.memory_space<vmem>> -> memref<64xi32, #tpu.memory_space<vmem>>
      %dma_wait3A_101 = arith.constant 0 : i32
      %dma_wait3A_102 = arith.constant 0 : i32
      %dma_wait3A_103 = tpu.memref_slice %arg2[%dma_wait3A_101, %dma_wait3A_102] : memref<10112x128xf32, #tpu.memory_space<hbm>> -> memref<10112x128xf32, #tpu.memory_space<hbm>>
      tpu.wait_indirect_dma semaphore(%arg11 : memref<!tpu.dma_semaphore, #tpu.memory_space<semaphore_mem>>) src(%dma_wait3A_103 : memref<10112x128xf32, #tpu.memory_space<hbm>>) dst(%arg8 : memref<64x128xf32, #tpu.memory_space<vmem>>)
      "tpu.region"() ({
        %run_scoped3A = tpu.sem_alloc : memref<!tpu.dma_semaphore, #tpu.memory_space<semaphore_mem>>
        %dma_start3A_122 = arith.constant 0 : i32
        %dma_start3A_123 = tpu.memref_slice %arg7[%mul3A_89, %dma_start3A_122] : memref<232x64xi32, #tpu.memory_space<vmem>> -> memref<1x64xi32, #tpu.memory_space<vmem>>
        %dma_start3A_124 = tpu.memref_squeeze %dma_start3A_123 : memref<1x64xi32, #tpu.memory_space<vmem>> -> memref<64xi32, #tpu.memory_space<vmem>>
        %dma_start3A_125 = arith.constant 0 : i32
        %dma_start3A_126 = arith.constant 0 : i32
        %dma_start3A_127 = tpu.memref_slice %arg10[%dma_start3A_125, %dma_start3A_126] : memref<10112x128xf32, #tpu.memory_space<vmem_shared>> -> memref<10112x128xf32, #tpu.memory_space<vmem_shared>>
        tpu.enqueue_indirect_dma source(%arg8 : memref<64x128xf32, #tpu.memory_space<vmem>>) target(%dma_start3A_127 : memref<10112x128xf32, #tpu.memory_space<vmem_shared>>) offsets(%dma_start3A_124 : memref<64xi32, #tpu.memory_space<vmem>>) semaphore(%run_scoped3A : memref<!tpu.dma_semaphore, #tpu.memory_space<semaphore_mem>>) {add = true}
        %dma_wait3A_128 = arith.constant 0 : i32
        %dma_wait3A_129 = tpu.memref_slice %arg7[%mul3A_89, %dma_wait3A_128] : memref<232x64xi32, #tpu.memory_space<vmem>> -> memref<1x64xi32, #tpu.memory_space<vmem>>
        %dma_wait3A_130 = tpu.memref_squeeze %dma_wait3A_129 : memref<1x64xi32, #tpu.memory_space<vmem>> -> memref<64xi32, #tpu.memory_space<vmem>>
        %dma_wait3A_131 = arith.constant 0 : i32
        %dma_wait3A_132 = arith.constant 0 : i32
        %dma_wait3A_133 = tpu.memref_slice %arg10[%dma_wait3A_131, %dma_wait3A_132] : memref<10112x128xf32, #tpu.memory_space<vmem_shared>> -> memref<10112x128xf32, #tpu.memory_space<vmem_shared>>
        tpu.wait_indirect_dma semaphore(%run_scoped3A : memref<!tpu.dma_semaphore, #tpu.memory_space<semaphore_mem>>) src(%arg8 : memref<64x128xf32, #tpu.memory_space<vmem>>) dst(%dma_wait3A_133 : memref<10112x128xf32, #tpu.memory_space<vmem_shared>>)
        tpu.yield
      }) : () -> ()
      %add3A_104 = arith.constant 2 : i32
      %add3A_105 = arith.addi %mul3A_89, %add3A_104 : i32
      %dma_start3A_106 = arith.constant 0 : i32
      %dma_start3A_107 = tpu.memref_slice %arg6[%add3A_105, %dma_start3A_106] : memref<232x64xi32, #tpu.memory_space<vmem>> -> memref<1x64xi32, #tpu.memory_space<vmem>>
      %dma_start3A_108 = tpu.memref_squeeze %dma_start3A_107 : memref<1x64xi32, #tpu.memory_space<vmem>> -> memref<64xi32, #tpu.memory_space<vmem>>
      %dma_start3A_109 = arith.constant 0 : i32
      %dma_start3A_110 = arith.constant 0 : i32
      %dma_start3A_111 = tpu.memref_slice %arg2[%dma_start3A_109, %dma_start3A_110] : memref<10112x128xf32, #tpu.memory_space<hbm>> -> memref<10112x128xf32, #tpu.memory_space<hbm>>
      tpu.enqueue_indirect_dma source(%dma_start3A_111 : memref<10112x128xf32, #tpu.memory_space<hbm>>) target(%arg8 : memref<64x128xf32, #tpu.memory_space<vmem>>) offsets(%dma_start3A_108 : memref<64xi32, #tpu.memory_space<vmem>>) semaphore(%arg11 : memref<!tpu.dma_semaphore, #tpu.memory_space<semaphore_mem>>)
      %add3A_112 = arith.constant 1 : i32
      %add3A_113 = arith.addi %mul3A_89, %add3A_112 : i32
      %dma_wait3A_114 = arith.constant 0 : i32
      %dma_wait3A_115 = tpu.memref_slice %arg6[%add3A_113, %dma_wait3A_114] : memref<232x64xi32, #tpu.memory_space<vmem>> -> memref<1x64xi32, #tpu.memory_space<vmem>>
      %dma_wait3A_116 = tpu.memref_squeeze %dma_wait3A_115 : memref<1x64xi32, #tpu.memory_space<vmem>> -> memref<64xi32, #tpu.memory_space<vmem>>
      %dma_wait3A_117 = arith.constant 0 : i32
      %dma_wait3A_118 = arith.constant 0 : i32
      %dma_wait3A_119 = tpu.memref_slice %arg2[%dma_wait3A_117, %dma_wait3A_118] : memref<10112x128xf32, #tpu.memory_space<hbm>> -> memref<10112x128xf32, #tpu.memory_space<hbm>>
      tpu.wait_indirect_dma semaphore(%arg12 : memref<!tpu.dma_semaphore, #tpu.memory_space<semaphore_mem>>) src(%dma_wait3A_119 : memref<10112x128xf32, #tpu.memory_space<hbm>>) dst(%arg9 : memref<64x128xf32, #tpu.memory_space<vmem>>)
      %add3A_120 = arith.constant 1 : i32
      %add3A_121 = arith.addi %mul3A_89, %add3A_120 : i32
      "tpu.region"() ({
        %run_scoped3A = tpu.sem_alloc : memref<!tpu.dma_semaphore, #tpu.memory_space<semaphore_mem>>
        %dma_start3A_122 = arith.constant 0 : i32
        %dma_start3A_123 = tpu.memref_slice %arg7[%add3A_121, %dma_start3A_122] : memref<232x64xi32, #tpu.memory_space<vmem>> -> memref<1x64xi32, #tpu.memory_space<vmem>>
        %dma_start3A_124 = tpu.memref_squeeze %dma_start3A_123 : memref<1x64xi32, #tpu.memory_space<vmem>> -> memref<64xi32, #tpu.memory_space<vmem>>
        %dma_start3A_125 = arith.constant 0 : i32
        %dma_start3A_126 = arith.constant 0 : i32
        %dma_start3A_127 = tpu.memref_slice %arg10[%dma_start3A_125, %dma_start3A_126] : memref<10112x128xf32, #tpu.memory_space<vmem_shared>> -> memref<10112x128xf32, #tpu.memory_space<vmem_shared>>
        tpu.enqueue_indirect_dma source(%arg9 : memref<64x128xf32, #tpu.memory_space<vmem>>) target(%dma_start3A_127 : memref<10112x128xf32, #tpu.memory_space<vmem_shared>>) offsets(%dma_start3A_124 : memref<64xi32, #tpu.memory_space<vmem>>) semaphore(%run_scoped3A : memref<!tpu.dma_semaphore, #tpu.memory_space<semaphore_mem>>) {add = true}
        %dma_wait3A_128 = arith.constant 0 : i32
        %dma_wait3A_129 = tpu.memref_slice %arg7[%add3A_121, %dma_wait3A_128] : memref<232x64xi32, #tpu.memory_space<vmem>> -> memref<1x64xi32, #tpu.memory_space<vmem>>
        %dma_wait3A_130 = tpu.memref_squeeze %dma_wait3A_129 : memref<1x64xi32, #tpu.memory_space<vmem>> -> memref<64xi32, #tpu.memory_space<vmem>>
        %dma_wait3A_131 = arith.constant 0 : i32
        %dma_wait3A_132 = arith.constant 0 : i32
        %dma_wait3A_133 = tpu.memref_slice %arg10[%dma_wait3A_131, %dma_wait3A_132] : memref<10112x128xf32, #tpu.memory_space<vmem_shared>> -> memref<10112x128xf32, #tpu.memory_space<vmem_shared>>
        tpu.wait_indirect_dma semaphore(%run_scoped3A : memref<!tpu.dma_semaphore, #tpu.memory_space<semaphore_mem>>) src(%arg9 : memref<64x128xf32, #tpu.memory_space<vmem>>) dst(%dma_wait3A_133 : memref<10112x128xf32, #tpu.memory_space<vmem_shared>>)
        tpu.yield
      }) : () -> ()
    }
    %while3A_58 = arith.constant 1 : i32
    scf.for %while3A_87 = %while3A_56 to %while3A_52 step %while3A_58  : i32 {
      %mul3A_88 = arith.constant 2 : i32
      %mul3A_89 = arith.muli %mul3A_88, %while3A_87 : i32
      %add3A_90 = arith.constant 1 : i32
      %add3A_91 = arith.addi %mul3A_89, %add3A_90 : i32
      %dma_start3A_92 = arith.constant 0 : i32
      %dma_start3A_93 = tpu.memref_slice %arg6[%add3A_91, %dma_start3A_92] : memref<232x64xi32, #tpu.memory_space<vmem>> -> memref<1x64xi32, #tpu.memory_space<vmem>>
      %dma_start3A_94 = tpu.memref_squeeze %dma_start3A_93 : memref<1x64xi32, #tpu.memory_space<vmem>> -> memref<64xi32, #tpu.memory_space<vmem>>
      %dma_start3A_95 = arith.constant 0 : i32
      %dma_start3A_96 = arith.constant 0 : i32
      %dma_start3A_97 = tpu.memref_slice %arg2[%dma_start3A_95, %dma_start3A_96] : memref<10112x128xf32, #tpu.memory_space<hbm>> -> memref<10112x128xf32, #tpu.memory_space<hbm>>
      tpu.enqueue_indirect_dma source(%dma_start3A_97 : memref<10112x128xf32, #tpu.memory_space<hbm>>) target(%arg9 : memref<64x128xf32, #tpu.memory_space<vmem>>) offsets(%dma_start3A_94 : memref<64xi32, #tpu.memory_space<vmem>>) semaphore(%arg12 : memref<!tpu.dma_semaphore, #tpu.memory_space<semaphore_mem>>)
      %dma_wait3A_98 = arith.constant 0 : i32
      %dma_wait3A_99 = tpu.memref_slice %arg6[%mul3A_89, %dma_wait3A_98] : memref<232x64xi32, #tpu.memory_space<vmem>> -> memref<1x64xi32, #tpu.memory_space<vmem>>
      %dma_wait3A_100 = tpu.memref_squeeze %dma_wait3A_99 : memref<1x64xi32, #tpu.memory_space<vmem>> -> memref<64xi32, #tpu.memory_space<vmem>>
      %dma_wait3A_101 = arith.constant 0 : i32
      %dma_wait3A_102 = arith.constant 0 : i32
      %dma_wait3A_103 = tpu.memref_slice %arg2[%dma_wait3A_101, %dma_wait3A_102] : memref<10112x128xf32, #tpu.memory_space<hbm>> -> memref<10112x128xf32, #tpu.memory_space<hbm>>
      tpu.wait_indirect_dma semaphore(%arg11 : memref<!tpu.dma_semaphore, #tpu.memory_space<semaphore_mem>>) src(%dma_wait3A_103 : memref<10112x128xf32, #tpu.memory_space<hbm>>) dst(%arg8 : memref<64x128xf32, #tpu.memory_space<vmem>>)
      "tpu.region"() ({
        %run_scoped3A = tpu.sem_alloc : memref<!tpu.dma_semaphore, #tpu.memory_space<semaphore_mem>>
        %dma_start3A_122 = arith.constant 0 : i32
        %dma_start3A_123 = tpu.memref_slice %arg7[%mul3A_89, %dma_start3A_122] : memref<232x64xi32, #tpu.memory_space<vmem>> -> memref<1x64xi32, #tpu.memory_space<vmem>>
        %dma_start3A_124 = tpu.memref_squeeze %dma_start3A_123 : memref<1x64xi32, #tpu.memory_space<vmem>> -> memref<64xi32, #tpu.memory_space<vmem>>
        %dma_start3A_125 = arith.constant 0 : i32
        %dma_start3A_126 = arith.constant 0 : i32
        %dma_start3A_127 = tpu.memref_slice %arg10[%dma_start3A_125, %dma_start3A_126] : memref<10112x128xf32, #tpu.memory_space<vmem_shared>> -> memref<10112x128xf32, #tpu.memory_space<vmem_shared>>
        tpu.enqueue_indirect_dma source(%arg8 : memref<64x128xf32, #tpu.memory_space<vmem>>) target(%dma_start3A_127 : memref<10112x128xf32, #tpu.memory_space<vmem_shared>>) offsets(%dma_start3A_124 : memref<64xi32, #tpu.memory_space<vmem>>) semaphore(%run_scoped3A : memref<!tpu.dma_semaphore, #tpu.memory_space<semaphore_mem>>) {add = true}
        %dma_wait3A_128 = arith.constant 0 : i32
        %dma_wait3A_129 = tpu.memref_slice %arg7[%mul3A_89, %dma_wait3A_128] : memref<232x64xi32, #tpu.memory_space<vmem>> -> memref<1x64xi32, #tpu.memory_space<vmem>>
        %dma_wait3A_130 = tpu.memref_squeeze %dma_wait3A_129 : memref<1x64xi32, #tpu.memory_space<vmem>> -> memref<64xi32, #tpu.memory_space<vmem>>
        %dma_wait3A_131 = arith.constant 0 : i32
        %dma_wait3A_132 = arith.constant 0 : i32
        %dma_wait3A_133 = tpu.memref_slice %arg10[%dma_wait3A_131, %dma_wait3A_132] : memref<10112x128xf32, #tpu.memory_space<vmem_shared>> -> memref<10112x128xf32, #tpu.memory_space<vmem_shared>>
        tpu.wait_indirect_dma semaphore(%run_scoped3A : memref<!tpu.dma_semaphore, #tpu.memory_space<semaphore_mem>>) src(%arg8 : memref<64x128xf32, #tpu.memory_space<vmem>>) dst(%dma_wait3A_133 : memref<10112x128xf32, #tpu.memory_space<vmem_shared>>)
        tpu.yield
      }) : () -> ()
      %add3A_104 = arith.constant 2 : i32
      %add3A_105 = arith.addi %mul3A_89, %add3A_104 : i32
      %dma_start3A_106 = arith.constant 0 : i32
      %dma_start3A_107 = tpu.memref_slice %arg6[%add3A_105, %dma_start3A_106] : memref<232x64xi32, #tpu.memory_space<vmem>> -> memref<1x64xi32, #tpu.memory_space<vmem>>
      %dma_start3A_108 = tpu.memref_squeeze %dma_start3A_107 : memref<1x64xi32, #tpu.memory_space<vmem>> -> memref<64xi32, #tpu.memory_space<vmem>>
      %dma_start3A_109 = arith.constant 0 : i32
      %dma_start3A_110 = arith.constant 0 : i32
      %dma_start3A_111 = tpu.memref_slice %arg2[%dma_start3A_109, %dma_start3A_110] : memref<10112x128xf32, #tpu.memory_space<hbm>> -> memref<10112x128xf32, #tpu.memory_space<hbm>>
      tpu.enqueue_indirect_dma source(%dma_start3A_111 : memref<10112x128xf32, #tpu.memory_space<hbm>>) target(%arg8 : memref<64x128xf32, #tpu.memory_space<vmem>>) offsets(%dma_start3A_108 : memref<64xi32, #tpu.memory_space<vmem>>) semaphore(%arg11 : memref<!tpu.dma_semaphore, #tpu.memory_space<semaphore_mem>>)
      %add3A_112 = arith.constant 1 : i32
      %add3A_113 = arith.addi %mul3A_89, %add3A_112 : i32
      %dma_wait3A_114 = arith.constant 0 : i32
      %dma_wait3A_115 = tpu.memref_slice %arg6[%add3A_113, %dma_wait3A_114] : memref<232x64xi32, #tpu.memory_space<vmem>> -> memref<1x64xi32, #tpu.memory_space<vmem>>
      %dma_wait3A_116 = tpu.memref_squeeze %dma_wait3A_115 : memref<1x64xi32, #tpu.memory_space<vmem>> -> memref<64xi32, #tpu.memory_space<vmem>>
      %dma_wait3A_117 = arith.constant 0 : i32
      %dma_wait3A_118 = arith.constant 0 : i32
      %dma_wait3A_119 = tpu.memref_slice %arg2[%dma_wait3A_117, %dma_wait3A_118] : memref<10112x128xf32, #tpu.memory_space<hbm>> -> memref<10112x128xf32, #tpu.memory_space<hbm>>
      tpu.wait_indirect_dma semaphore(%arg12 : memref<!tpu.dma_semaphore, #tpu.memory_space<semaphore_mem>>) src(%dma_wait3A_119 : memref<10112x128xf32, #tpu.memory_space<hbm>>) dst(%arg9 : memref<64x128xf32, #tpu.memory_space<vmem>>)
      %add3A_120 = arith.constant 1 : i32
      %add3A_121 = arith.addi %mul3A_89, %add3A_120 : i32
      "tpu.region"() ({
        %run_scoped3A = tpu.sem_alloc : memref<!tpu.dma_semaphore, #tpu.memory_space<semaphore_mem>>
        %dma_start3A_122 = arith.constant 0 : i32
        %dma_start3A_123 = tpu.memref_slice %arg7[%add3A_121, %dma_start3A_122] : memref<232x64xi32, #tpu.memory_space<vmem>> -> memref<1x64xi32, #tpu.memory_space<vmem>>
        %dma_start3A_124 = tpu.memref_squeeze %dma_start3A_123 : memref<1x64xi32, #tpu.memory_space<vmem>> -> memref<64xi32, #tpu.memory_space<vmem>>
        %dma_start3A_125 = arith.constant 0 : i32
        %dma_start3A_126 = arith.constant 0 : i32
        %dma_start3A_127 = tpu.memref_slice %arg10[%dma_start3A_125, %dma_start3A_126] : memref<10112x128xf32, #tpu.memory_space<vmem_shared>> -> memref<10112x128xf32, #tpu.memory_space<vmem_shared>>
        tpu.enqueue_indirect_dma source(%arg9 : memref<64x128xf32, #tpu.memory_space<vmem>>) target(%dma_start3A_127 : memref<10112x128xf32, #tpu.memory_space<vmem_shared>>) offsets(%dma_start3A_124 : memref<64xi32, #tpu.memory_space<vmem>>) semaphore(%run_scoped3A : memref<!tpu.dma_semaphore, #tpu.memory_space<semaphore_mem>>) {add = true}
        %dma_wait3A_128 = arith.constant 0 : i32
        %dma_wait3A_129 = tpu.memref_slice %arg7[%add3A_121, %dma_wait3A_128] : memref<232x64xi32, #tpu.memory_space<vmem>> -> memref<1x64xi32, #tpu.memory_space<vmem>>
        %dma_wait3A_130 = tpu.memref_squeeze %dma_wait3A_129 : memref<1x64xi32, #tpu.memory_space<vmem>> -> memref<64xi32, #tpu.memory_space<vmem>>
        %dma_wait3A_131 = arith.constant 0 : i32
        %dma_wait3A_132 = arith.constant 0 : i32
        %dma_wait3A_133 = tpu.memref_slice %arg10[%dma_wait3A_131, %dma_wait3A_132] : memref<10112x128xf32, #tpu.memory_space<vmem_shared>> -> memref<10112x128xf32, #tpu.memory_space<vmem_shared>>
        tpu.wait_indirect_dma semaphore(%run_scoped3A : memref<!tpu.dma_semaphore, #tpu.memory_space<semaphore_mem>>) src(%arg9 : memref<64x128xf32, #tpu.memory_space<vmem>>) dst(%dma_wait3A_133 : memref<10112x128xf32, #tpu.memory_space<vmem_shared>>)
        tpu.yield
      }) : () -> ()
    }
    %sub3A_59 = arith.constant 1 : i32
    %sub3A_60 = arith.subi %select_n3A_8, %sub3A_59 : i32
    %dma_start3A_61 = arith.constant 0 : i32
    %dma_start3A_62 = tpu.memref_slice %arg6[%sub3A_60, %dma_start3A_61] : memref<232x64xi32, #tpu.memory_space<vmem>> -> memref<1x64xi32, #tpu.memory_space<vmem>>
    %dma_start3A_63 = tpu.memref_squeeze %dma_start3A_62 : memref<1x64xi32, #tpu.memory_space<vmem>> -> memref<64xi32, #tpu.memory_space<vmem>>
    %dma_start3A_64 = arith.constant 0 : i32
    %dma_start3A_65 = arith.constant 0 : i32
    %dma_start3A_66 = tpu.memref_slice %arg2[%dma_start3A_64, %dma_start3A_65] : memref<10112x128xf32, #tpu.memory_space<hbm>> -> memref<10112x128xf32, #tpu.memory_space<hbm>>
    tpu.enqueue_indirect_dma source(%dma_start3A_66 : memref<10112x128xf32, #tpu.memory_space<hbm>>) target(%arg9 : memref<64x128xf32, #tpu.memory_space<vmem>>) offsets(%dma_start3A_63 : memref<64xi32, #tpu.memory_space<vmem>>) semaphore(%arg12 : memref<!tpu.dma_semaphore, #tpu.memory_space<semaphore_mem>>)
    %sub3A_67 = arith.constant 2 : i32
    %sub3A_68 = arith.subi %select_n3A_8, %sub3A_67 : i32
    %dma_wait3A = arith.constant 0 : i32
    %dma_wait3A_69 = tpu.memref_slice %arg6[%sub3A_68, %dma_wait3A] : memref<232x64xi32, #tpu.memory_space<vmem>> -> memref<1x64xi32, #tpu.memory_space<vmem>>
    %dma_wait3A_70 = tpu.memref_squeeze %dma_wait3A_69 : memref<1x64xi32, #tpu.memory_space<vmem>> -> memref<64xi32, #tpu.memory_space<vmem>>
    %dma_wait3A_71 = arith.constant 0 : i32
    %dma_wait3A_72 = arith.constant 0 : i32
    %dma_wait3A_73 = tpu.memref_slice %arg2[%dma_wait3A_71, %dma_wait3A_72] : memref<10112x128xf32, #tpu.memory_space<hbm>> -> memref<10112x128xf32, #tpu.memory_space<hbm>>
    tpu.wait_indirect_dma semaphore(%arg11 : memref<!tpu.dma_semaphore, #tpu.memory_space<semaphore_mem>>) src(%dma_wait3A_73 : memref<10112x128xf32, #tpu.memory_space<hbm>>) dst(%arg8 : memref<64x128xf32, #tpu.memory_space<vmem>>)
    %sub3A_74 = arith.constant 2 : i32
    %sub3A_75 = arith.subi %select_n3A_8, %sub3A_74 : i32
    "tpu.region"() ({
      %run_scoped3A = tpu.sem_alloc : memref<!tpu.dma_semaphore, #tpu.memory_space<semaphore_mem>>
      %dma_start3A_87 = arith.constant 0 : i32
      %dma_start3A_88 = tpu.memref_slice %arg7[%sub3A_75, %dma_start3A_87] : memref<232x64xi32, #tpu.memory_space<vmem>> -> memref<1x64xi32, #tpu.memory_space<vmem>>
      %dma_start3A_89 = tpu.memref_squeeze %dma_start3A_88 : memref<1x64xi32, #tpu.memory_space<vmem>> -> memref<64xi32, #tpu.memory_space<vmem>>
      %dma_start3A_90 = arith.constant 0 : i32
      %dma_start3A_91 = arith.constant 0 : i32
      %dma_start3A_92 = tpu.memref_slice %arg10[%dma_start3A_90, %dma_start3A_91] : memref<10112x128xf32, #tpu.memory_space<vmem_shared>> -> memref<10112x128xf32, #tpu.memory_space<vmem_shared>>
      tpu.enqueue_indirect_dma source(%arg8 : memref<64x128xf32, #tpu.memory_space<vmem>>) target(%dma_start3A_92 : memref<10112x128xf32, #tpu.memory_space<vmem_shared>>) offsets(%dma_start3A_89 : memref<64xi32, #tpu.memory_space<vmem>>) semaphore(%run_scoped3A : memref<!tpu.dma_semaphore, #tpu.memory_space<semaphore_mem>>) {add = true}
      %dma_wait3A_93 = arith.constant 0 : i32
      %dma_wait3A_94 = tpu.memref_slice %arg7[%sub3A_75, %dma_wait3A_93] : memref<232x64xi32, #tpu.memory_space<vmem>> -> memref<1x64xi32, #tpu.memory_space<vmem>>
      %dma_wait3A_95 = tpu.memref_squeeze %dma_wait3A_94 : memref<1x64xi32, #tpu.memory_space<vmem>> -> memref<64xi32, #tpu.memory_space<vmem>>
      %dma_wait3A_96 = arith.constant 0 : i32
      %dma_wait3A_97 = arith.constant 0 : i32
      %dma_wait3A_98 = tpu.memref_slice %arg10[%dma_wait3A_96, %dma_wait3A_97] : memref<10112x128xf32, #tpu.memory_space<vmem_shared>> -> memref<10112x128xf32, #tpu.memory_space<vmem_shared>>
      tpu.wait_indirect_dma semaphore(%run_scoped3A : memref<!tpu.dma_semaphore, #tpu.memory_space<semaphore_mem>>) src(%arg8 : memref<64x128xf32, #tpu.memory_space<vmem>>) dst(%dma_wait3A_98 : memref<10112x128xf32, #tpu.memory_space<vmem_shared>>)
      tpu.yield
    }) : () -> ()
    %sub3A_76 = arith.constant 1 : i32
    %sub3A_77 = arith.subi %select_n3A_8, %sub3A_76 : i32
    %dma_wait3A_78 = arith.constant 0 : i32
    %dma_wait3A_79 = tpu.memref_slice %arg6[%sub3A_77, %dma_wait3A_78] : memref<232x64xi32, #tpu.memory_space<vmem>> -> memref<1x64xi32, #tpu.memory_space<vmem>>
    %dma_wait3A_80 = tpu.memref_squeeze %dma_wait3A_79 : memref<1x64xi32, #tpu.memory_space<vmem>> -> memref<64xi32, #tpu.memory_space<vmem>>
    %dma_wait3A_81 = arith.constant 0 : i32
    %dma_wait3A_82 = arith.constant 0 : i32
    %dma_wait3A_83 = tpu.memref_slice %arg2[%dma_wait3A_81, %dma_wait3A_82] : memref<10112x128xf32, #tpu.memory_space<hbm>> -> memref<10112x128xf32, #tpu.memory_space<hbm>>
    tpu.wait_indirect_dma semaphore(%arg12 : memref<!tpu.dma_semaphore, #tpu.memory_space<semaphore_mem>>) src(%dma_wait3A_83 : memref<10112x128xf32, #tpu.memory_space<hbm>>) dst(%arg9 : memref<64x128xf32, #tpu.memory_space<vmem>>)
    %sub3A_84 = arith.constant 1 : i32
    %sub3A_85 = arith.subi %select_n3A_8, %sub3A_84 : i32
    "tpu.region"() ({
      %run_scoped3A = tpu.sem_alloc : memref<!tpu.dma_semaphore, #tpu.memory_space<semaphore_mem>>
      %dma_start3A_87 = arith.constant 0 : i32
      %dma_start3A_88 = tpu.memref_slice %arg7[%sub3A_85, %dma_start3A_87] : memref<232x64xi32, #tpu.memory_space<vmem>> -> memref<1x64xi32, #tpu.memory_space<vmem>>
      %dma_start3A_89 = tpu.memref_squeeze %dma_start3A_88 : memref<1x64xi32, #tpu.memory_space<vmem>> -> memref<64xi32, #tpu.memory_space<vmem>>
      %dma_start3A_90 = arith.constant 0 : i32
      %dma_start3A_91 = arith.constant 0 : i32
      %dma_start3A_92 = tpu.memref_slice %arg10[%dma_start3A_90, %dma_start3A_91] : memref<10112x128xf32, #tpu.memory_space<vmem_shared>> -> memref<10112x128xf32, #tpu.memory_space<vmem_shared>>
      tpu.enqueue_indirect_dma source(%arg9 : memref<64x128xf32, #tpu.memory_space<vmem>>) target(%dma_start3A_92 : memref<10112x128xf32, #tpu.memory_space<vmem_shared>>) offsets(%dma_start3A_89 : memref<64xi32, #tpu.memory_space<vmem>>) semaphore(%run_scoped3A : memref<!tpu.dma_semaphore, #tpu.memory_space<semaphore_mem>>) {add = true}
      %dma_wait3A_93 = arith.constant 0 : i32
      %dma_wait3A_94 = tpu.memref_slice %arg7[%sub3A_85, %dma_wait3A_93] : memref<232x64xi32, #tpu.memory_space<vmem>> -> memref<1x64xi32, #tpu.memory_space<vmem>>
      %dma_wait3A_95 = tpu.memref_squeeze %dma_wait3A_94 : memref<1x64xi32, #tpu.memory_space<vmem>> -> memref<64xi32, #tpu.memory_space<vmem>>
      %dma_wait3A_96 = arith.constant 0 : i32
      %dma_wait3A_97 = arith.constant 0 : i32
      %dma_wait3A_98 = tpu.memref_slice %arg10[%dma_wait3A_96, %dma_wait3A_97] : memref<10112x128xf32, #tpu.memory_space<vmem_shared>> -> memref<10112x128xf32, #tpu.memory_space<vmem_shared>>
      tpu.wait_indirect_dma semaphore(%run_scoped3A : memref<!tpu.dma_semaphore, #tpu.memory_space<semaphore_mem>>) src(%arg9 : memref<64x128xf32, #tpu.memory_space<vmem>>) dst(%dma_wait3A_98 : memref<10112x128xf32, #tpu.memory_space<vmem_shared>>)
      tpu.yield
    }) : () -> ()
    %barrier3A_86 = arith.constant 0 : index
    tpu.barrier barrier_id(%barrier3A_86)
    "tpu.region"() ({
      %run_scoped3A = tpu.sem_alloc : memref<!tpu.dma_semaphore, #tpu.memory_space<semaphore_mem>>
      %dma_start3A_87 = arith.constant 0 : i32
      %dma_start3A_88 = tpu.memref_slice %arg5[%arg0, %mul3A_15, %dma_start3A_87] : memref<2x10112x128xf32, #tpu.memory_space<hbm>> -> memref<1x632x128xf32, #tpu.memory_space<hbm>>
      %dma_start3A_89 = tpu.memref_squeeze %dma_start3A_88 : memref<1x632x128xf32, #tpu.memory_space<hbm>> -> memref<632x128xf32, #tpu.memory_space<hbm>>
      %dma_start3A_90 = arith.constant 0 : i32
      %dma_start3A_91 = tpu.memref_slice %arg10[%mul3A_15, %dma_start3A_90] : memref<10112x128xf32, #tpu.memory_space<vmem_shared>> -> memref<632x128xf32, #tpu.memory_space<vmem_shared>>
      tpu.enqueue_dma source(%dma_start3A_91 : memref<632x128xf32, #tpu.memory_space<vmem_shared>>) target(%dma_start3A_89 : memref<632x128xf32, #tpu.memory_space<hbm>>) target_semaphore(%run_scoped3A : memref<!tpu.dma_semaphore, #tpu.memory_space<semaphore_mem>>)
      %dma_wait3A_92 = arith.constant 0 : i32
      %dma_wait3A_93 = tpu.memref_slice %arg5[%arg0, %mul3A_15, %dma_wait3A_92] : memref<2x10112x128xf32, #tpu.memory_space<hbm>> -> memref<1x632x128xf32, #tpu.memory_space<hbm>>
      %dma_wait3A_94 = tpu.memref_squeeze %dma_wait3A_93 : memref<1x632x128xf32, #tpu.memory_space<hbm>> -> memref<632x128xf32, #tpu.memory_space<hbm>>
      %dma_wait3A_95 = arith.constant 0 : i32
      %dma_wait3A_96 = tpu.memref_slice %arg10[%mul3A_15, %dma_wait3A_95] : memref<10112x128xf32, #tpu.memory_space<vmem_shared>> -> memref<632x128xf32, #tpu.memory_space<vmem_shared>>
      tpu.wait_dma2 semaphore(%run_scoped3A : memref<!tpu.dma_semaphore, #tpu.memory_space<semaphore_mem>>) src(%dma_wait3A_96 : memref<632x128xf32, #tpu.memory_space<vmem_shared>>) dst(%dma_wait3A_94 : memref<632x128xf32, #tpu.memory_space<hbm>>)
      tpu.yield
    }) : () -> ()
    return
  }
}

#map = affine_map<(d0, d1) -> (0, 0)>
#map1 = affine_map<(d0, d1) -> (0, 0, 0)>
module attributes {stable_mosaic.version = 14 : i64} {
  func.func @sc_scatter(%arg0: i32, %arg1: i32, %arg2: memref<10112x128xf32, #tpu.memory_space<hbm>>, %arg3: memref<5204x64xi32, #tpu.memory_space<hbm>>, %arg4: memref<5204x64xi32, #tpu.memory_space<hbm>>, %arg5: memref<2x10112x128xf32, #tpu.memory_space<hbm>>, %arg6: memref<232x64xi32, #tpu.memory_space<vmem>>, %arg7: memref<232x64xi32, #tpu.memory_space<vmem>>, %arg8: memref<64x128xf32, #tpu.memory_space<vmem>>, %arg9: memref<64x128xf32, #tpu.memory_space<vmem>>, %arg10: memref<10112x128xf32, #tpu.memory_space<vmem_shared>>, %arg11: memref<!tpu.dma_semaphore, #tpu.memory_space<semaphore_mem>>, %arg12: memref<!tpu.dma_semaphore, #tpu.memory_space<semaphore_mem>>) attributes {dimension_semantics = [#tpu.dimension_semantics<core_parallel>, #tpu.dimension_semantics<subcore_parallel>], iteration_bounds = array<i64: 2, 16>, scalar_prefetch = 0 : i64, scratch_operands = 7 : i64, tpu.core_type = #tpu.core_type<sc_vector_subcore>, window_params = [{transform_indices = #map}, {transform_indices = #map}, {transform_indices = #map}, {transform_indices = #map1}]} {
    %eq3A = arith.constant 0 : i32
    %eq3A_0 = arith.cmpi eq, %arg0, %eq3A : i32
    %mul3A = arith.constant 232 : i32
    %mul3A_1 = arith.muli %arg1, %mul3A : i32
    %mul3A_2 = arith.constant 84 : i32
    %mul3A_3 = arith.muli %arg1, %mul3A_2 : i32
    %add3A = arith.constant 3712 : i32
    %add3A_4 = arith.addi %add3A, %mul3A_3 : i32
    %select_n3A = arith.select %eq3A_0, %mul3A_1, %add3A_4 : i32
    %eq3A_5 = arith.constant 0 : i32
    %eq3A_6 = arith.cmpi eq, %arg0, %eq3A_5 : i32
    %jit3A = arith.constant 232 : i32
    %jit3A_7 = arith.constant 84 : i32
    %select_n3A_8 = arith.select %eq3A_6, %jit3A, %jit3A_7 : i32
    "tpu.region"() ({
      %run_scoped3A = tpu.sem_alloc : memref<!tpu.dma_semaphore, #tpu.memory_space<semaphore_mem>>
      %dma_start3A_87 = arith.constant 0 : i32
      %dma_start3A_88 = tpu.memref_slice %arg3[%select_n3A, %dma_start3A_87] : memref<5204x64xi32, #tpu.memory_space<hbm>> -> memref<232x64xi32, #tpu.memory_space<hbm>>
      %dma_start3A_89 = arith.constant 0 : i32
      %dma_start3A_90 = tpu.memref_slice %arg3[%select_n3A, %dma_start3A_89] : memref<5204x64xi32, #tpu.memory_space<hbm>> -> memref<232x64xi32, #tpu.memory_space<hbm>>
      tpu.enqueue_dma source(%dma_start3A_90 : memref<232x64xi32, #tpu.memory_space<hbm>>) target(%arg6 : memref<232x64xi32, #tpu.memory_space<vmem>>) target_semaphore(%run_scoped3A : memref<!tpu.dma_semaphore, #tpu.memory_space<semaphore_mem>>)
      %dma_wait3A_91 = arith.constant 0 : i32
      %dma_wait3A_92 = tpu.memref_slice %arg3[%select_n3A, %dma_wait3A_91] : memref<5204x64xi32, #tpu.memory_space<hbm>> -> memref<232x64xi32, #tpu.memory_space<hbm>>
      %dma_wait3A_93 = arith.constant 0 : i32
      %dma_wait3A_94 = tpu.memref_slice %arg3[%select_n3A, %dma_wait3A_93] : memref<5204x64xi32, #tpu.memory_space<hbm>> -> memref<232x64xi32, #tpu.memory_space<hbm>>
      tpu.wait_dma2 semaphore(%run_scoped3A : memref<!tpu.dma_semaphore, #tpu.memory_space<semaphore_mem>>) src(%dma_wait3A_94 : memref<232x64xi32, #tpu.memory_space<hbm>>) dst(%arg6 : memref<232x64xi32, #tpu.memory_space<vmem>>)
      tpu.yield
    }) : () -> ()
    "tpu.region"() ({
      %run_scoped3A = tpu.sem_alloc : memref<!tpu.dma_semaphore, #tpu.memory_space<semaphore_mem>>
      %dma_start3A_87 = arith.constant 0 : i32
      %dma_start3A_88 = tpu.memref_slice %arg4[%select_n3A, %dma_start3A_87] : memref<5204x64xi32, #tpu.memory_space<hbm>> -> memref<232x64xi32, #tpu.memory_space<hbm>>
      %dma_start3A_89 = arith.constant 0 : i32
      %dma_start3A_90 = tpu.memref_slice %arg4[%select_n3A, %dma_start3A_89] : memref<5204x64xi32, #tpu.memory_space<hbm>> -> memref<232x64xi32, #tpu.memory_space<hbm>>
      tpu.enqueue_dma source(%dma_start3A_90 : memref<232x64xi32, #tpu.memory_space<hbm>>) target(%arg7 : memref<232x64xi32, #tpu.memory_space<vmem>>) target_semaphore(%run_scoped3A : memref<!tpu.dma_semaphore, #tpu.memory_space<semaphore_mem>>)
      %dma_wait3A_91 = arith.constant 0 : i32
      %dma_wait3A_92 = tpu.memref_slice %arg4[%select_n3A, %dma_wait3A_91] : memref<5204x64xi32, #tpu.memory_space<hbm>> -> memref<232x64xi32, #tpu.memory_space<hbm>>
      %dma_wait3A_93 = arith.constant 0 : i32
      %dma_wait3A_94 = tpu.memref_slice %arg4[%select_n3A, %dma_wait3A_93] : memref<5204x64xi32, #tpu.memory_space<hbm>> -> memref<232x64xi32, #tpu.memory_space<hbm>>
      tpu.wait_dma2 semaphore(%run_scoped3A : memref<!tpu.dma_semaphore, #tpu.memory_space<semaphore_mem>>) src(%dma_wait3A_94 : memref<232x64xi32, #tpu.memory_space<hbm>>) dst(%arg7 : memref<232x64xi32, #tpu.memory_space<vmem>>)
      tpu.yield
    }) : () -> ()
    %scan3A = arith.constant 0 : i32
    %scan3A_9 = arith.constant 0 : i32
    %scan3A_10 = arith.constant 64 : i32
    %scan3A_11 = arith.addi %scan3A_9, %scan3A_10 : i32
    %scan3A_12 = arith.constant 1 : i32
    scf.for %scan3A_87 = %scan3A_9 to %scan3A_11 step %scan3A_12  : i32 {
      %broadcast_in_dim3A = arith.constant 0.000000e+00 : f32
      %broadcast_in_dim3A_88 = vector.broadcast %broadcast_in_dim3A : f32 to vector<16xf32>
      %swap3A = arith.index_cast %scan3A_87 : i32 to index
      %swap3A_89 = arith.constant 0 : index
      %swap3A_90 = tpu.vector_load %arg8[%swap3A, %swap3A_89] {strides = array<i32>} : memref<64x128xf32, #tpu.memory_space<vmem>>, vector<1x16xf32>,
      %swap3A_91 = vector.shape_cast %swap3A_90 : vector<1x16xf32> to vector<16xf32>
      %swap3A_92 = vector.shape_cast %broadcast_in_dim3A_88 : vector<16xf32> to vector<1x16xf32>
      tpu.vector_store %arg8[%swap3A, %swap3A_89], %swap3A_92 {strides = array<i32>} : memref<64x128xf32, #tpu.memory_space<vmem>>, vector<1x16xf32>,
      %broadcast_in_dim3A_93 = arith.constant 0.000000e+00 : f32
      %broadcast_in_dim3A_94 = vector.broadcast %broadcast_in_dim3A_93 : f32 to vector<16xf32>
      %swap3A_95 = arith.index_cast %scan3A_87 : i32 to index
      %swap3A_96 = arith.constant 16 : index
      %swap3A_97 = tpu.vector_load %arg8[%swap3A_95, %swap3A_96] {strides = array<i32>} : memref<64x128xf32, #tpu.memory_space<vmem>>, vector<1x16xf32>,
      %swap3A_98 = vector.shape_cast %swap3A_97 : vector<1x16xf32> to vector<16xf32>
      %swap3A_99 = vector.shape_cast %broadcast_in_dim3A_94 : vector<16xf32> to vector<1x16xf32>
      tpu.vector_store %arg8[%swap3A_95, %swap3A_96], %swap3A_99 {strides = array<i32>} : memref<64x128xf32, #tpu.memory_space<vmem>>, vector<1x16xf32>,
      %broadcast_in_dim3A_100 = arith.constant 0.000000e+00 : f32
      %broadcast_in_dim3A_101 = vector.broadcast %broadcast_in_dim3A_100 : f32 to vector<16xf32>
      %swap3A_102 = arith.index_cast %scan3A_87 : i32 to index
      %swap3A_103 = arith.constant 32 : index
      %swap3A_104 = tpu.vector_load %arg8[%swap3A_102, %swap3A_103] {strides = array<i32>} : memref<64x128xf32, #tpu.memory_space<vmem>>, vector<1x16xf32>,
      %swap3A_105 = vector.shape_cast %swap3A_104 : vector<1x16xf32> to vector<16xf32>
      %swap3A_106 = vector.shape_cast %broadcast_in_dim3A_101 : vector<16xf32> to vector<1x16xf32>
      tpu.vector_store %arg8[%swap3A_102, %swap3A_103], %swap3A_106 {strides = array<i32>} : memref<64x128xf32, #tpu.memory_space<vmem>>, vector<1x16xf32>,
      %broadcast_in_dim3A_107 = arith.constant 0.000000e+00 : f32
      %broadcast_in_dim3A_108 = vector.broadcast %broadcast_in_dim3A_107 : f32 to vector<16xf32>
      %swap3A_109 = arith.index_cast %scan3A_87 : i32 to index
      %swap3A_110 = arith.constant 48 : index
      %swap3A_111 = tpu.vector_load %arg8[%swap3A_109, %swap3A_110] {strides = array<i32>} : memref<64x128xf32, #tpu.memory_space<vmem>>, vector<1x16xf32>,
      %swap3A_112 = vector.shape_cast %swap3A_111 : vector<1x16xf32> to vector<16xf32>
      %swap3A_113 = vector.shape_cast %broadcast_in_dim3A_108 : vector<16xf32> to vector<1x16xf32>
      tpu.vector_store %arg8[%swap3A_109, %swap3A_110], %swap3A_113 {strides = array<i32>} : memref<64x128xf32, #tpu.memory_space<vmem>>, vector<1x16xf32>,
      %broadcast_in_dim3A_114 = arith.constant 0.000000e+00 : f32
      %broadcast_in_dim3A_115 = vector.broadcast %broadcast_in_dim3A_114 : f32 to vector<16xf32>
      %swap3A_116 = arith.index_cast %scan3A_87 : i32 to index
      %swap3A_117 = arith.constant 64 : index
      %swap3A_118 = tpu.vector_load %arg8[%swap3A_116, %swap3A_117] {strides = array<i32>} : memref<64x128xf32, #tpu.memory_space<vmem>>, vector<1x16xf32>,
      %swap3A_119 = vector.shape_cast %swap3A_118 : vector<1x16xf32> to vector<16xf32>
      %swap3A_120 = vector.shape_cast %broadcast_in_dim3A_115 : vector<16xf32> to vector<1x16xf32>
      tpu.vector_store %arg8[%swap3A_116, %swap3A_117], %swap3A_120 {strides = array<i32>} : memref<64x128xf32, #tpu.memory_space<vmem>>, vector<1x16xf32>,
      %broadcast_in_dim3A_121 = arith.constant 0.000000e+00 : f32
      %broadcast_in_dim3A_122 = vector.broadcast %broadcast_in_dim3A_121 : f32 to vector<16xf32>
      %swap3A_123 = arith.index_cast %scan3A_87 : i32 to index
      %swap3A_124 = arith.constant 80 : index
      %swap3A_125 = tpu.vector_load %arg8[%swap3A_123, %swap3A_124] {strides = array<i32>} : memref<64x128xf32, #tpu.memory_space<vmem>>, vector<1x16xf32>,
      %swap3A_126 = vector.shape_cast %swap3A_125 : vector<1x16xf32> to vector<16xf32>
      %swap3A_127 = vector.shape_cast %broadcast_in_dim3A_122 : vector<16xf32> to vector<1x16xf32>
      tpu.vector_store %arg8[%swap3A_123, %swap3A_124], %swap3A_127 {strides = array<i32>} : memref<64x128xf32, #tpu.memory_space<vmem>>, vector<1x16xf32>,
      %broadcast_in_dim3A_128 = arith.constant 0.000000e+00 : f32
      %broadcast_in_dim3A_129 = vector.broadcast %broadcast_in_dim3A_128 : f32 to vector<16xf32>
      %swap3A_130 = arith.index_cast %scan3A_87 : i32 to index
      %swap3A_131 = arith.constant 96 : index
      %swap3A_132 = tpu.vector_load %arg8[%swap3A_130, %swap3A_131] {strides = array<i32>} : memref<64x128xf32, #tpu.memory_space<vmem>>, vector<1x16xf32>,
      %swap3A_133 = vector.shape_cast %swap3A_132 : vector<1x16xf32> to vector<16xf32>
      %swap3A_134 = vector.shape_cast %broadcast_in_dim3A_129 : vector<16xf32> to vector<1x16xf32>
      tpu.vector_store %arg8[%swap3A_130, %swap3A_131], %swap3A_134 {strides = array<i32>} : memref<64x128xf32, #tpu.memory_space<vmem>>, vector<1x16xf32>,
      %broadcast_in_dim3A_135 = arith.constant 0.000000e+00 : f32
      %broadcast_in_dim3A_136 = vector.broadcast %broadcast_in_dim3A_135 : f32 to vector<16xf32>
      %swap3A_137 = arith.index_cast %scan3A_87 : i32 to index
      %swap3A_138 = arith.constant 112 : index
      %swap3A_139 = tpu.vector_load %arg8[%swap3A_137, %swap3A_138] {strides = array<i32>} : memref<64x128xf32, #tpu.memory_space<vmem>>, vector<1x16xf32>,
      %swap3A_140 = vector.shape_cast %swap3A_139 : vector<1x16xf32> to vector<16xf32>
      %swap3A_141 = vector.shape_cast %broadcast_in_dim3A_136 : vector<16xf32> to vector<1x16xf32>
      tpu.vector_store %arg8[%swap3A_137, %swap3A_138], %swap3A_141 {strides = array<i32>} : memref<64x128xf32, #tpu.memory_space<vmem>>, vector<1x16xf32>,
    }
    %scan3A_13 = arith.constant 64 : i32
    %mul3A_14 = arith.constant 632 : i32
    %mul3A_15 = arith.muli %arg1, %mul3A_14 : i32
    %scan3A_16 = arith.constant 0 : i32
    %scan3A_17 = arith.constant 0 : i32
    %scan3A_18 = arith.constant 9 : i32
    %scan3A_19 = arith.addi %scan3A_17, %scan3A_18 : i32
    %scan3A_20 = arith.constant 1 : i32
    scf.for %scan3A_87 = %scan3A_17 to %scan3A_19 step %scan3A_20  : i32 {
      %mul3A_88 = arith.constant 64 : i32
      %mul3A_89 = arith.muli %scan3A_87, %mul3A_88 : i32
      %add3A_90 = arith.addi %mul3A_15, %mul3A_89 : i32
      "tpu.region"() ({
        %run_scoped3A = tpu.sem_alloc : memref<!tpu.dma_semaphore, #tpu.memory_space<semaphore_mem>>
        %dma_start3A_91 = arith.constant 0 : i32
        %dma_start3A_92 = tpu.memref_slice %arg10[%add3A_90, %dma_start3A_91] : memref<10112x128xf32, #tpu.memory_space<vmem_shared>> -> memref<64x128xf32, #tpu.memory_space<vmem_shared>>
        %dma_start3A_93 = arith.constant 0 : i32
        %dma_start3A_94 = tpu.memref_slice %arg10[%add3A_90, %dma_start3A_93] : memref<10112x128xf32, #tpu.memory_space<vmem_shared>> -> memref<64x128xf32, #tpu.memory_space<vmem_shared>>
        tpu.enqueue_dma source(%arg8 : memref<64x128xf32, #tpu.memory_space<vmem>>) target(%dma_start3A_94 : memref<64x128xf32, #tpu.memory_space<vmem_shared>>) target_semaphore(%run_scoped3A : memref<!tpu.dma_semaphore, #tpu.memory_space<semaphore_mem>>)
        %dma_wait3A_95 = arith.constant 0 : i32
        %dma_wait3A_96 = tpu.memref_slice %arg10[%add3A_90, %dma_wait3A_95] : memref<10112x128xf32, #tpu.memory_space<vmem_shared>> -> memref<64x128xf32, #tpu.memory_space<vmem_shared>>
        %dma_wait3A_97 = arith.constant 0 : i32
        %dma_wait3A_98 = tpu.memref_slice %arg10[%add3A_90, %dma_wait3A_97] : memref<10112x128xf32, #tpu.memory_space<vmem_shared>> -> memref<64x128xf32, #tpu.memory_space<vmem_shared>>
        tpu.wait_dma2 semaphore(%run_scoped3A : memref<!tpu.dma_semaphore, #tpu.memory_space<semaphore_mem>>) src(%arg8 : memref<64x128xf32, #tpu.memory_space<vmem>>) dst(%dma_wait3A_98 : memref<64x128xf32, #tpu.memory_space<vmem_shared>>)
        tpu.yield
      }) : () -> ()
    }
    %scan3A_21 = arith.constant 9 : i32
    %add3A_22 = arith.constant 576 : i32
    %add3A_23 = arith.addi %mul3A_15, %add3A_22 : i32
    "tpu.region"() ({
      %run_scoped3A = tpu.sem_alloc : memref<!tpu.dma_semaphore, #tpu.memory_space<semaphore_mem>>
      %dma_start3A_87 = arith.constant 0 : i32
      %dma_start3A_88 = arith.constant 0 : i32
      %dma_start3A_89 = tpu.memref_slice %arg8[%dma_start3A_87, %dma_start3A_88] : memref<64x128xf32, #tpu.memory_space<vmem>> -> memref<56x128xf32, #tpu.memory_space<vmem>>
      %dma_start3A_90 = arith.constant 0 : i32
      %dma_start3A_91 = tpu.memref_slice %arg10[%add3A_23, %dma_start3A_90] : memref<10112x128xf32, #tpu.memory_space<vmem_shared>> -> memref<56x128xf32, #tpu.memory_space<vmem_shared>>
      %dma_start3A_92 = arith.constant 0 : i32
      %dma_start3A_93 = tpu.memref_slice %arg10[%add3A_23, %dma_start3A_92] : memref<10112x128xf32, #tpu.memory_space<vmem_shared>> -> memref<56x128xf32, #tpu.memory_space<vmem_shared>>
      %dma_start3A_94 = arith.constant 0 : i32
      %dma_start3A_95 = arith.constant 0 : i32
      %dma_start3A_96 = tpu.memref_slice %arg8[%dma_start3A_94, %dma_start3A_95] : memref<64x128xf32, #tpu.memory_space<vmem>> -> memref<56x128xf32, #tpu.memory_space<vmem>>
      tpu.enqueue_dma source(%dma_start3A_96 : memref<56x128xf32, #tpu.memory_space<vmem>>) target(%dma_start3A_93 : memref<56x128xf32, #tpu.memory_space<vmem_shared>>) target_semaphore(%run_scoped3A : memref<!tpu.dma_semaphore, #tpu.memory_space<semaphore_mem>>)
      %dma_wait3A_97 = arith.constant 0 : i32
      %dma_wait3A_98 = arith.constant 0 : i32
      %dma_wait3A_99 = tpu.memref_slice %arg8[%dma_wait3A_97, %dma_wait3A_98] : memref<64x128xf32, #tpu.memory_space<vmem>> -> memref<56x128xf32, #tpu.memory_space<vmem>>
      %dma_wait3A_100 = arith.constant 0 : i32
      %dma_wait3A_101 = tpu.memref_slice %arg10[%add3A_23, %dma_wait3A_100] : memref<10112x128xf32, #tpu.memory_space<vmem_shared>> -> memref<56x128xf32, #tpu.memory_space<vmem_shared>>
      %dma_wait3A_102 = arith.constant 0 : i32
      %dma_wait3A_103 = tpu.memref_slice %arg10[%add3A_23, %dma_wait3A_102] : memref<10112x128xf32, #tpu.memory_space<vmem_shared>> -> memref<56x128xf32, #tpu.memory_space<vmem_shared>>
      %dma_wait3A_104 = arith.constant 0 : i32
      %dma_wait3A_105 = arith.constant 0 : i32
      %dma_wait3A_106 = tpu.memref_slice %arg8[%dma_wait3A_104, %dma_wait3A_105] : memref<64x128xf32, #tpu.memory_space<vmem>> -> memref<56x128xf32, #tpu.memory_space<vmem>>
      tpu.wait_dma2 semaphore(%run_scoped3A : memref<!tpu.dma_semaphore, #tpu.memory_space<semaphore_mem>>) src(%dma_wait3A_106 : memref<56x128xf32, #tpu.memory_space<vmem>>) dst(%dma_wait3A_103 : memref<56x128xf32, #tpu.memory_space<vmem_shared>>)
      tpu.yield
    }) : () -> ()
    %barrier3A = arith.constant 0 : index
    tpu.barrier barrier_id(%barrier3A)
    %dma_start3A = arith.constant 0 : i32
    %dma_start3A_24 = arith.constant 0 : i32
    %dma_start3A_25 = tpu.memref_slice %arg6[%dma_start3A, %dma_start3A_24] : memref<232x64xi32, #tpu.memory_space<vmem>> -> memref<1x64xi32, #tpu.memory_space<vmem>>
    %dma_start3A_26 = tpu.memref_squeeze %dma_start3A_25 : memref<1x64xi32, #tpu.memory_space<vmem>> -> memref<64xi32, #tpu.memory_space<vmem>>
    %dma_start3A_27 = arith.constant 0 : i32
    %dma_start3A_28 = arith.constant 0 : i32
    %dma_start3A_29 = tpu.memref_slice %arg2[%dma_start3A_27, %dma_start3A_28] : memref<10112x128xf32, #tpu.memory_space<hbm>> -> memref<10112x128xf32, #tpu.memory_space<hbm>>
    tpu.enqueue_indirect_dma source(%dma_start3A_29 : memref<10112x128xf32, #tpu.memory_space<hbm>>) target(%arg8 : memref<64x128xf32, #tpu.memory_space<vmem>>) offsets(%dma_start3A_26 : memref<64xi32, #tpu.memory_space<vmem>>) semaphore(%arg11 : memref<!tpu.dma_semaphore, #tpu.memory_space<semaphore_mem>>)
    %sub3A = arith.constant 2 : i32
    %sub3A_30 = arith.subi %select_n3A_8, %sub3A : i32
    %jit3A_31 = arith.constant 2 : i32
    %div3A = arith.divsi %sub3A_30, %jit3A_31 : i32
    %sign3A = arith.constant 0 : i32
    %sign3A_32 = arith.cmpi sgt, %sub3A_30, %sign3A : i32
    %sign3A_33 = arith.extui %sign3A_32 : i1 to i32
    %sign3A_34 = arith.constant 0 : i32
    %sign3A_35 = arith.cmpi slt, %sub3A_30, %sign3A_34 : i32
    %sign3A_36 = arith.extui %sign3A_35 : i1 to i32
    %sign3A_37 = arith.subi %sign3A_33, %sign3A_36 : i32
    %sign3A_38 = arith.constant 0 : i32
    %sign3A_39 = arith.cmpi sgt, %jit3A_31, %sign3A_38 : i32
    %sign3A_40 = arith.extui %sign3A_39 : i1 to i32
    %sign3A_41 = arith.constant 0 : i32
    %sign3A_42 = arith.cmpi slt, %jit3A_31, %sign3A_41 : i32
    %sign3A_43 = arith.extui %sign3A_42 : i1 to i32
    %sign3A_44 = arith.subi %sign3A_40, %sign3A_43 : i32
    %ne3A = arith.cmpi ne, %sign3A_37, %sign3A_44 : i32
    %rem3A = arith.remsi %sub3A_30, %jit3A_31 : i32
    %ne3A_45 = arith.constant 0 : i32
    %ne3A_46 = arith.cmpi ne, %rem3A, %ne3A_45 : i32
    %and3A = arith.andi %ne3A, %ne3A_46 : i1
    %sub3A_47 = arith.constant 1 : i32
    %sub3A_48 = arith.subi %div3A, %sub3A_47 : i32
    %select_n3A_49 = arith.select %and3A, %sub3A_48, %div3A : i32
    %while3A = arith.constant 0 : i32
    %while3A_50 = arith.constant 0 : i32
    %while3A_51 = arith.subi %select_n3A_49, %while3A_50 : i32
    %while3A_52 = arith.addi %while3A_50, %while3A_51 : i32
    %while3A_53 = arith.constant 1 : i32
    %while3A_54 = arith.divsi %while3A_51, %while3A_53 : i32
    %while3A_55 = arith.muli %while3A_54, %while3A_53 : i32
    %while3A_56 = arith.addi %while3A_50, %while3A_55 : i32
    %while3A_57 = arith.constant 1 : i32
    scf.for %while3A_87 = %while3A_50 to %while3A_56 step %while3A_57  : i32 {
      %mul3A_88 = arith.constant 2 : i32
      %mul3A_89 = arith.muli %mul3A_88, %while3A_87 : i32
      %add3A_90 = arith.constant 1 : i32
      %add3A_91 = arith.addi %mul3A_89, %add3A_90 : i32
      %dma_start3A_92 = arith.constant 0 : i32
      %dma_start3A_93 = tpu.memref_slice %arg6[%add3A_91, %dma_start3A_92] : memref<232x64xi32, #tpu.memory_space<vmem>> -> memref<1x64xi32, #tpu.memory_space<vmem>>
      %dma_start3A_94 = tpu.memref_squeeze %dma_start3A_93 : memref<1x64xi32, #tpu.memory_space<vmem>> -> memref<64xi32, #tpu.memory_space<vmem>>
      %dma_start3A_95 = arith.constant 0 : i32
      %dma_start3A_96 = arith.constant 0 : i32
      %dma_start3A_97 = tpu.memref_slice %arg2[%dma_start3A_95, %dma_start3A_96] : memref<10112x128xf32, #tpu.memory_space<hbm>> -> memref<10112x128xf32, #tpu.memory_space<hbm>>
      tpu.enqueue_indirect_dma source(%dma_start3A_97 : memref<10112x128xf32, #tpu.memory_space<hbm>>) target(%arg9 : memref<64x128xf32, #tpu.memory_space<vmem>>) offsets(%dma_start3A_94 : memref<64xi32, #tpu.memory_space<vmem>>) semaphore(%arg12 : memref<!tpu.dma_semaphore, #tpu.memory_space<semaphore_mem>>)
      %dma_wait3A_98 = arith.constant 0 : i32
      %dma_wait3A_99 = tpu.memref_slice %arg6[%mul3A_89, %dma_wait3A_98] : memref<232x64xi32, #tpu.memory_space<vmem>> -> memref<1x64xi32, #tpu.memory_space<vmem>>
      %dma_wait3A_100 = tpu.memref_squeeze %dma_wait3A_99 : memref<1x64xi32, #tpu.memory_space<vmem>> -> memref<64xi32, #tpu.memory_space<vmem>>
      %dma_wait3A_101 = arith.constant 0 : i32
      %dma_wait3A_102 = arith.constant 0 : i32
      %dma_wait3A_103 = tpu.memref_slice %arg2[%dma_wait3A_101, %dma_wait3A_102] : memref<10112x128xf32, #tpu.memory_space<hbm>> -> memref<10112x128xf32, #tpu.memory_space<hbm>>
      tpu.wait_indirect_dma semaphore(%arg11 : memref<!tpu.dma_semaphore, #tpu.memory_space<semaphore_mem>>) src(%dma_wait3A_103 : memref<10112x128xf32, #tpu.memory_space<hbm>>) dst(%arg8 : memref<64x128xf32, #tpu.memory_space<vmem>>)
      "tpu.region"() ({
        %run_scoped3A = tpu.sem_alloc : memref<!tpu.dma_semaphore, #tpu.memory_space<semaphore_mem>>
        %dma_start3A_122 = arith.constant 0 : i32
        %dma_start3A_123 = tpu.memref_slice %arg7[%mul3A_89, %dma_start3A_122] : memref<232x64xi32, #tpu.memory_space<vmem>> -> memref<1x64xi32, #tpu.memory_space<vmem>>
        %dma_start3A_124 = tpu.memref_squeeze %dma_start3A_123 : memref<1x64xi32, #tpu.memory_space<vmem>> -> memref<64xi32, #tpu.memory_space<vmem>>
        %dma_start3A_125 = arith.constant 0 : i32
        %dma_start3A_126 = arith.constant 0 : i32
        %dma_start3A_127 = tpu.memref_slice %arg10[%dma_start3A_125, %dma_start3A_126] : memref<10112x128xf32, #tpu.memory_space<vmem_shared>> -> memref<10112x128xf32, #tpu.memory_space<vmem_shared>>
        tpu.enqueue_indirect_dma source(%arg8 : memref<64x128xf32, #tpu.memory_space<vmem>>) target(%dma_start3A_127 : memref<10112x128xf32, #tpu.memory_space<vmem_shared>>) offsets(%dma_start3A_124 : memref<64xi32, #tpu.memory_space<vmem>>) semaphore(%run_scoped3A : memref<!tpu.dma_semaphore, #tpu.memory_space<semaphore_mem>>) {add = true}
        %dma_wait3A_128 = arith.constant 0 : i32
        %dma_wait3A_129 = tpu.memref_slice %arg7[%mul3A_89, %dma_wait3A_128] : memref<232x64xi32, #tpu.memory_space<vmem>> -> memref<1x64xi32, #tpu.memory_space<vmem>>
        %dma_wait3A_130 = tpu.memref_squeeze %dma_wait3A_129 : memref<1x64xi32, #tpu.memory_space<vmem>> -> memref<64xi32, #tpu.memory_space<vmem>>
        %dma_wait3A_131 = arith.constant 0 : i32
        %dma_wait3A_132 = arith.constant 0 : i32
        %dma_wait3A_133 = tpu.memref_slice %arg10[%dma_wait3A_131, %dma_wait3A_132] : memref<10112x128xf32, #tpu.memory_space<vmem_shared>> -> memref<10112x128xf32, #tpu.memory_space<vmem_shared>>
        tpu.wait_indirect_dma semaphore(%run_scoped3A : memref<!tpu.dma_semaphore, #tpu.memory_space<semaphore_mem>>) src(%arg8 : memref<64x128xf32, #tpu.memory_space<vmem>>) dst(%dma_wait3A_133 : memref<10112x128xf32, #tpu.memory_space<vmem_shared>>)
        tpu.yield
      }) : () -> ()
      %add3A_104 = arith.constant 2 : i32
      %add3A_105 = arith.addi %mul3A_89, %add3A_104 : i32
      %dma_start3A_106 = arith.constant 0 : i32
      %dma_start3A_107 = tpu.memref_slice %arg6[%add3A_105, %dma_start3A_106] : memref<232x64xi32, #tpu.memory_space<vmem>> -> memref<1x64xi32, #tpu.memory_space<vmem>>
      %dma_start3A_108 = tpu.memref_squeeze %dma_start3A_107 : memref<1x64xi32, #tpu.memory_space<vmem>> -> memref<64xi32, #tpu.memory_space<vmem>>
      %dma_start3A_109 = arith.constant 0 : i32
      %dma_start3A_110 = arith.constant 0 : i32
      %dma_start3A_111 = tpu.memref_slice %arg2[%dma_start3A_109, %dma_start3A_110] : memref<10112x128xf32, #tpu.memory_space<hbm>> -> memref<10112x128xf32, #tpu.memory_space<hbm>>
      tpu.enqueue_indirect_dma source(%dma_start3A_111 : memref<10112x128xf32, #tpu.memory_space<hbm>>) target(%arg8 : memref<64x128xf32, #tpu.memory_space<vmem>>) offsets(%dma_start3A_108 : memref<64xi32, #tpu.memory_space<vmem>>) semaphore(%arg11 : memref<!tpu.dma_semaphore, #tpu.memory_space<semaphore_mem>>)
      %add3A_112 = arith.constant 1 : i32
      %add3A_113 = arith.addi %mul3A_89, %add3A_112 : i32
      %dma_wait3A_114 = arith.constant 0 : i32
      %dma_wait3A_115 = tpu.memref_slice %arg6[%add3A_113, %dma_wait3A_114] : memref<232x64xi32, #tpu.memory_space<vmem>> -> memref<1x64xi32, #tpu.memory_space<vmem>>
      %dma_wait3A_116 = tpu.memref_squeeze %dma_wait3A_115 : memref<1x64xi32, #tpu.memory_space<vmem>> -> memref<64xi32, #tpu.memory_space<vmem>>
      %dma_wait3A_117 = arith.constant 0 : i32
      %dma_wait3A_118 = arith.constant 0 : i32
      %dma_wait3A_119 = tpu.memref_slice %arg2[%dma_wait3A_117, %dma_wait3A_118] : memref<10112x128xf32, #tpu.memory_space<hbm>> -> memref<10112x128xf32, #tpu.memory_space<hbm>>
      tpu.wait_indirect_dma semaphore(%arg12 : memref<!tpu.dma_semaphore, #tpu.memory_space<semaphore_mem>>) src(%dma_wait3A_119 : memref<10112x128xf32, #tpu.memory_space<hbm>>) dst(%arg9 : memref<64x128xf32, #tpu.memory_space<vmem>>)
      %add3A_120 = arith.constant 1 : i32
      %add3A_121 = arith.addi %mul3A_89, %add3A_120 : i32
      "tpu.region"() ({
        %run_scoped3A = tpu.sem_alloc : memref<!tpu.dma_semaphore, #tpu.memory_space<semaphore_mem>>
        %dma_start3A_122 = arith.constant 0 : i32
        %dma_start3A_123 = tpu.memref_slice %arg7[%add3A_121, %dma_start3A_122] : memref<232x64xi32, #tpu.memory_space<vmem>> -> memref<1x64xi32, #tpu.memory_space<vmem>>
        %dma_start3A_124 = tpu.memref_squeeze %dma_start3A_123 : memref<1x64xi32, #tpu.memory_space<vmem>> -> memref<64xi32, #tpu.memory_space<vmem>>
        %dma_start3A_125 = arith.constant 0 : i32
        %dma_start3A_126 = arith.constant 0 : i32
        %dma_start3A_127 = tpu.memref_slice %arg10[%dma_start3A_125, %dma_start3A_126] : memref<10112x128xf32, #tpu.memory_space<vmem_shared>> -> memref<10112x128xf32, #tpu.memory_space<vmem_shared>>
        tpu.enqueue_indirect_dma source(%arg9 : memref<64x128xf32, #tpu.memory_space<vmem>>) target(%dma_start3A_127 : memref<10112x128xf32, #tpu.memory_space<vmem_shared>>) offsets(%dma_start3A_124 : memref<64xi32, #tpu.memory_space<vmem>>) semaphore(%run_scoped3A : memref<!tpu.dma_semaphore, #tpu.memory_space<semaphore_mem>>) {add = true}
        %dma_wait3A_128 = arith.constant 0 : i32
        %dma_wait3A_129 = tpu.memref_slice %arg7[%add3A_121, %dma_wait3A_128] : memref<232x64xi32, #tpu.memory_space<vmem>> -> memref<1x64xi32, #tpu.memory_space<vmem>>
        %dma_wait3A_130 = tpu.memref_squeeze %dma_wait3A_129 : memref<1x64xi32, #tpu.memory_space<vmem>> -> memref<64xi32, #tpu.memory_space<vmem>>
        %dma_wait3A_131 = arith.constant 0 : i32
        %dma_wait3A_132 = arith.constant 0 : i32
        %dma_wait3A_133 = tpu.memref_slice %arg10[%dma_wait3A_131, %dma_wait3A_132] : memref<10112x128xf32, #tpu.memory_space<vmem_shared>> -> memref<10112x128xf32, #tpu.memory_space<vmem_shared>>
        tpu.wait_indirect_dma semaphore(%run_scoped3A : memref<!tpu.dma_semaphore, #tpu.memory_space<semaphore_mem>>) src(%arg9 : memref<64x128xf32, #tpu.memory_space<vmem>>) dst(%dma_wait3A_133 : memref<10112x128xf32, #tpu.memory_space<vmem_shared>>)
        tpu.yield
      }) : () -> ()
    }
    %while3A_58 = arith.constant 1 : i32
    scf.for %while3A_87 = %while3A_56 to %while3A_52 step %while3A_58  : i32 {
      %mul3A_88 = arith.constant 2 : i32
      %mul3A_89 = arith.muli %mul3A_88, %while3A_87 : i32
      %add3A_90 = arith.constant 1 : i32
      %add3A_91 = arith.addi %mul3A_89, %add3A_90 : i32
      %dma_start3A_92 = arith.constant 0 : i32
      %dma_start3A_93 = tpu.memref_slice %arg6[%add3A_91, %dma_start3A_92] : memref<232x64xi32, #tpu.memory_space<vmem>> -> memref<1x64xi32, #tpu.memory_space<vmem>>
      %dma_start3A_94 = tpu.memref_squeeze %dma_start3A_93 : memref<1x64xi32, #tpu.memory_space<vmem>> -> memref<64xi32, #tpu.memory_space<vmem>>
      %dma_start3A_95 = arith.constant 0 : i32
      %dma_start3A_96 = arith.constant 0 : i32
      %dma_start3A_97 = tpu.memref_slice %arg2[%dma_start3A_95, %dma_start3A_96] : memref<10112x128xf32, #tpu.memory_space<hbm>> -> memref<10112x128xf32, #tpu.memory_space<hbm>>
      tpu.enqueue_indirect_dma source(%dma_start3A_97 : memref<10112x128xf32, #tpu.memory_space<hbm>>) target(%arg9 : memref<64x128xf32, #tpu.memory_space<vmem>>) offsets(%dma_start3A_94 : memref<64xi32, #tpu.memory_space<vmem>>) semaphore(%arg12 : memref<!tpu.dma_semaphore, #tpu.memory_space<semaphore_mem>>)
      %dma_wait3A_98 = arith.constant 0 : i32
      %dma_wait3A_99 = tpu.memref_slice %arg6[%mul3A_89, %dma_wait3A_98] : memref<232x64xi32, #tpu.memory_space<vmem>> -> memref<1x64xi32, #tpu.memory_space<vmem>>
      %dma_wait3A_100 = tpu.memref_squeeze %dma_wait3A_99 : memref<1x64xi32, #tpu.memory_space<vmem>> -> memref<64xi32, #tpu.memory_space<vmem>>
      %dma_wait3A_101 = arith.constant 0 : i32
      %dma_wait3A_102 = arith.constant 0 : i32
      %dma_wait3A_103 = tpu.memref_slice %arg2[%dma_wait3A_101, %dma_wait3A_102] : memref<10112x128xf32, #tpu.memory_space<hbm>> -> memref<10112x128xf32, #tpu.memory_space<hbm>>
      tpu.wait_indirect_dma semaphore(%arg11 : memref<!tpu.dma_semaphore, #tpu.memory_space<semaphore_mem>>) src(%dma_wait3A_103 : memref<10112x128xf32, #tpu.memory_space<hbm>>) dst(%arg8 : memref<64x128xf32, #tpu.memory_space<vmem>>)
      "tpu.region"() ({
        %run_scoped3A = tpu.sem_alloc : memref<!tpu.dma_semaphore, #tpu.memory_space<semaphore_mem>>
        %dma_start3A_122 = arith.constant 0 : i32
        %dma_start3A_123 = tpu.memref_slice %arg7[%mul3A_89, %dma_start3A_122] : memref<232x64xi32, #tpu.memory_space<vmem>> -> memref<1x64xi32, #tpu.memory_space<vmem>>
        %dma_start3A_124 = tpu.memref_squeeze %dma_start3A_123 : memref<1x64xi32, #tpu.memory_space<vmem>> -> memref<64xi32, #tpu.memory_space<vmem>>
        %dma_start3A_125 = arith.constant 0 : i32
        %dma_start3A_126 = arith.constant 0 : i32
        %dma_start3A_127 = tpu.memref_slice %arg10[%dma_start3A_125, %dma_start3A_126] : memref<10112x128xf32, #tpu.memory_space<vmem_shared>> -> memref<10112x128xf32, #tpu.memory_space<vmem_shared>>
        tpu.enqueue_indirect_dma source(%arg8 : memref<64x128xf32, #tpu.memory_space<vmem>>) target(%dma_start3A_127 : memref<10112x128xf32, #tpu.memory_space<vmem_shared>>) offsets(%dma_start3A_124 : memref<64xi32, #tpu.memory_space<vmem>>) semaphore(%run_scoped3A : memref<!tpu.dma_semaphore, #tpu.memory_space<semaphore_mem>>) {add = true}
        %dma_wait3A_128 = arith.constant 0 : i32
        %dma_wait3A_129 = tpu.memref_slice %arg7[%mul3A_89, %dma_wait3A_128] : memref<232x64xi32, #tpu.memory_space<vmem>> -> memref<1x64xi32, #tpu.memory_space<vmem>>
        %dma_wait3A_130 = tpu.memref_squeeze %dma_wait3A_129 : memref<1x64xi32, #tpu.memory_space<vmem>> -> memref<64xi32, #tpu.memory_space<vmem>>
        %dma_wait3A_131 = arith.constant 0 : i32
        %dma_wait3A_132 = arith.constant 0 : i32
        %dma_wait3A_133 = tpu.memref_slice %arg10[%dma_wait3A_131, %dma_wait3A_132] : memref<10112x128xf32, #tpu.memory_space<vmem_shared>> -> memref<10112x128xf32, #tpu.memory_space<vmem_shared>>
        tpu.wait_indirect_dma semaphore(%run_scoped3A : memref<!tpu.dma_semaphore, #tpu.memory_space<semaphore_mem>>) src(%arg8 : memref<64x128xf32, #tpu.memory_space<vmem>>) dst(%dma_wait3A_133 : memref<10112x128xf32, #tpu.memory_space<vmem_shared>>)
        tpu.yield
      }) : () -> ()
      %add3A_104 = arith.constant 2 : i32
      %add3A_105 = arith.addi %mul3A_89, %add3A_104 : i32
      %dma_start3A_106 = arith.constant 0 : i32
      %dma_start3A_107 = tpu.memref_slice %arg6[%add3A_105, %dma_start3A_106] : memref<232x64xi32, #tpu.memory_space<vmem>> -> memref<1x64xi32, #tpu.memory_space<vmem>>
      %dma_start3A_108 = tpu.memref_squeeze %dma_start3A_107 : memref<1x64xi32, #tpu.memory_space<vmem>> -> memref<64xi32, #tpu.memory_space<vmem>>
      %dma_start3A_109 = arith.constant 0 : i32
      %dma_start3A_110 = arith.constant 0 : i32
      %dma_start3A_111 = tpu.memref_slice %arg2[%dma_start3A_109, %dma_start3A_110] : memref<10112x128xf32, #tpu.memory_space<hbm>> -> memref<10112x128xf32, #tpu.memory_space<hbm>>
      tpu.enqueue_indirect_dma source(%dma_start3A_111 : memref<10112x128xf32, #tpu.memory_space<hbm>>) target(%arg8 : memref<64x128xf32, #tpu.memory_space<vmem>>) offsets(%dma_start3A_108 : memref<64xi32, #tpu.memory_space<vmem>>) semaphore(%arg11 : memref<!tpu.dma_semaphore, #tpu.memory_space<semaphore_mem>>)
      %add3A_112 = arith.constant 1 : i32
      %add3A_113 = arith.addi %mul3A_89, %add3A_112 : i32
      %dma_wait3A_114 = arith.constant 0 : i32
      %dma_wait3A_115 = tpu.memref_slice %arg6[%add3A_113, %dma_wait3A_114] : memref<232x64xi32, #tpu.memory_space<vmem>> -> memref<1x64xi32, #tpu.memory_space<vmem>>
      %dma_wait3A_116 = tpu.memref_squeeze %dma_wait3A_115 : memref<1x64xi32, #tpu.memory_space<vmem>> -> memref<64xi32, #tpu.memory_space<vmem>>
      %dma_wait3A_117 = arith.constant 0 : i32
      %dma_wait3A_118 = arith.constant 0 : i32
      %dma_wait3A_119 = tpu.memref_slice %arg2[%dma_wait3A_117, %dma_wait3A_118] : memref<10112x128xf32, #tpu.memory_space<hbm>> -> memref<10112x128xf32, #tpu.memory_space<hbm>>
      tpu.wait_indirect_dma semaphore(%arg12 : memref<!tpu.dma_semaphore, #tpu.memory_space<semaphore_mem>>) src(%dma_wait3A_119 : memref<10112x128xf32, #tpu.memory_space<hbm>>) dst(%arg9 : memref<64x128xf32, #tpu.memory_space<vmem>>)
      %add3A_120 = arith.constant 1 : i32
      %add3A_121 = arith.addi %mul3A_89, %add3A_120 : i32
      "tpu.region"() ({
        %run_scoped3A = tpu.sem_alloc : memref<!tpu.dma_semaphore, #tpu.memory_space<semaphore_mem>>
        %dma_start3A_122 = arith.constant 0 : i32
        %dma_start3A_123 = tpu.memref_slice %arg7[%add3A_121, %dma_start3A_122] : memref<232x64xi32, #tpu.memory_space<vmem>> -> memref<1x64xi32, #tpu.memory_space<vmem>>
        %dma_start3A_124 = tpu.memref_squeeze %dma_start3A_123 : memref<1x64xi32, #tpu.memory_space<vmem>> -> memref<64xi32, #tpu.memory_space<vmem>>
        %dma_start3A_125 = arith.constant 0 : i32
        %dma_start3A_126 = arith.constant 0 : i32
        %dma_start3A_127 = tpu.memref_slice %arg10[%dma_start3A_125, %dma_start3A_126] : memref<10112x128xf32, #tpu.memory_space<vmem_shared>> -> memref<10112x128xf32, #tpu.memory_space<vmem_shared>>
        tpu.enqueue_indirect_dma source(%arg9 : memref<64x128xf32, #tpu.memory_space<vmem>>) target(%dma_start3A_127 : memref<10112x128xf32, #tpu.memory_space<vmem_shared>>) offsets(%dma_start3A_124 : memref<64xi32, #tpu.memory_space<vmem>>) semaphore(%run_scoped3A : memref<!tpu.dma_semaphore, #tpu.memory_space<semaphore_mem>>) {add = true}
        %dma_wait3A_128 = arith.constant 0 : i32
        %dma_wait3A_129 = tpu.memref_slice %arg7[%add3A_121, %dma_wait3A_128] : memref<232x64xi32, #tpu.memory_space<vmem>> -> memref<1x64xi32, #tpu.memory_space<vmem>>
        %dma_wait3A_130 = tpu.memref_squeeze %dma_wait3A_129 : memref<1x64xi32, #tpu.memory_space<vmem>> -> memref<64xi32, #tpu.memory_space<vmem>>
        %dma_wait3A_131 = arith.constant 0 : i32
        %dma_wait3A_132 = arith.constant 0 : i32
        %dma_wait3A_133 = tpu.memref_slice %arg10[%dma_wait3A_131, %dma_wait3A_132] : memref<10112x128xf32, #tpu.memory_space<vmem_shared>> -> memref<10112x128xf32, #tpu.memory_space<vmem_shared>>
        tpu.wait_indirect_dma semaphore(%run_scoped3A : memref<!tpu.dma_semaphore, #tpu.memory_space<semaphore_mem>>) src(%arg9 : memref<64x128xf32, #tpu.memory_space<vmem>>) dst(%dma_wait3A_133 : memref<10112x128xf32, #tpu.memory_space<vmem_shared>>)
        tpu.yield
      }) : () -> ()
    }
    %sub3A_59 = arith.constant 1 : i32
    %sub3A_60 = arith.subi %select_n3A_8, %sub3A_59 : i32
    %dma_start3A_61 = arith.constant 0 : i32
    %dma_start3A_62 = tpu.memref_slice %arg6[%sub3A_60, %dma_start3A_61] : memref<232x64xi32, #tpu.memory_space<vmem>> -> memref<1x64xi32, #tpu.memory_space<vmem>>
    %dma_start3A_63 = tpu.memref_squeeze %dma_start3A_62 : memref<1x64xi32, #tpu.memory_space<vmem>> -> memref<64xi32, #tpu.memory_space<vmem>>
    %dma_start3A_64 = arith.constant 0 : i32
    %dma_start3A_65 = arith.constant 0 : i32
    %dma_start3A_66 = tpu.memref_slice %arg2[%dma_start3A_64, %dma_start3A_65] : memref<10112x128xf32, #tpu.memory_space<hbm>> -> memref<10112x128xf32, #tpu.memory_space<hbm>>
    tpu.enqueue_indirect_dma source(%dma_start3A_66 : memref<10112x128xf32, #tpu.memory_space<hbm>>) target(%arg9 : memref<64x128xf32, #tpu.memory_space<vmem>>) offsets(%dma_start3A_63 : memref<64xi32, #tpu.memory_space<vmem>>) semaphore(%arg12 : memref<!tpu.dma_semaphore, #tpu.memory_space<semaphore_mem>>)
    %sub3A_67 = arith.constant 2 : i32
    %sub3A_68 = arith.subi %select_n3A_8, %sub3A_67 : i32
    %dma_wait3A = arith.constant 0 : i32
    %dma_wait3A_69 = tpu.memref_slice %arg6[%sub3A_68, %dma_wait3A] : memref<232x64xi32, #tpu.memory_space<vmem>> -> memref<1x64xi32, #tpu.memory_space<vmem>>
    %dma_wait3A_70 = tpu.memref_squeeze %dma_wait3A_69 : memref<1x64xi32, #tpu.memory_space<vmem>> -> memref<64xi32, #tpu.memory_space<vmem>>
    %dma_wait3A_71 = arith.constant 0 : i32
    %dma_wait3A_72 = arith.constant 0 : i32
    %dma_wait3A_73 = tpu.memref_slice %arg2[%dma_wait3A_71, %dma_wait3A_72] : memref<10112x128xf32, #tpu.memory_space<hbm>> -> memref<10112x128xf32, #tpu.memory_space<hbm>>
    tpu.wait_indirect_dma semaphore(%arg11 : memref<!tpu.dma_semaphore, #tpu.memory_space<semaphore_mem>>) src(%dma_wait3A_73 : memref<10112x128xf32, #tpu.memory_space<hbm>>) dst(%arg8 : memref<64x128xf32, #tpu.memory_space<vmem>>)
    %sub3A_74 = arith.constant 2 : i32
    %sub3A_75 = arith.subi %select_n3A_8, %sub3A_74 : i32
    "tpu.region"() ({
      %run_scoped3A = tpu.sem_alloc : memref<!tpu.dma_semaphore, #tpu.memory_space<semaphore_mem>>
      %dma_start3A_87 = arith.constant 0 : i32
      %dma_start3A_88 = tpu.memref_slice %arg7[%sub3A_75, %dma_start3A_87] : memref<232x64xi32, #tpu.memory_space<vmem>> -> memref<1x64xi32, #tpu.memory_space<vmem>>
      %dma_start3A_89 = tpu.memref_squeeze %dma_start3A_88 : memref<1x64xi32, #tpu.memory_space<vmem>> -> memref<64xi32, #tpu.memory_space<vmem>>
      %dma_start3A_90 = arith.constant 0 : i32
      %dma_start3A_91 = arith.constant 0 : i32
      %dma_start3A_92 = tpu.memref_slice %arg10[%dma_start3A_90, %dma_start3A_91] : memref<10112x128xf32, #tpu.memory_space<vmem_shared>> -> memref<10112x128xf32, #tpu.memory_space<vmem_shared>>
      tpu.enqueue_indirect_dma source(%arg8 : memref<64x128xf32, #tpu.memory_space<vmem>>) target(%dma_start3A_92 : memref<10112x128xf32, #tpu.memory_space<vmem_shared>>) offsets(%dma_start3A_89 : memref<64xi32, #tpu.memory_space<vmem>>) semaphore(%run_scoped3A : memref<!tpu.dma_semaphore, #tpu.memory_space<semaphore_mem>>) {add = true}
      %dma_wait3A_93 = arith.constant 0 : i32
      %dma_wait3A_94 = tpu.memref_slice %arg7[%sub3A_75, %dma_wait3A_93] : memref<232x64xi32, #tpu.memory_space<vmem>> -> memref<1x64xi32, #tpu.memory_space<vmem>>
      %dma_wait3A_95 = tpu.memref_squeeze %dma_wait3A_94 : memref<1x64xi32, #tpu.memory_space<vmem>> -> memref<64xi32, #tpu.memory_space<vmem>>
      %dma_wait3A_96 = arith.constant 0 : i32
      %dma_wait3A_97 = arith.constant 0 : i32
      %dma_wait3A_98 = tpu.memref_slice %arg10[%dma_wait3A_96, %dma_wait3A_97] : memref<10112x128xf32, #tpu.memory_space<vmem_shared>> -> memref<10112x128xf32, #tpu.memory_space<vmem_shared>>
      tpu.wait_indirect_dma semaphore(%run_scoped3A : memref<!tpu.dma_semaphore, #tpu.memory_space<semaphore_mem>>) src(%arg8 : memref<64x128xf32, #tpu.memory_space<vmem>>) dst(%dma_wait3A_98 : memref<10112x128xf32, #tpu.memory_space<vmem_shared>>)
      tpu.yield
    }) : () -> ()
    %sub3A_76 = arith.constant 1 : i32
    %sub3A_77 = arith.subi %select_n3A_8, %sub3A_76 : i32
    %dma_wait3A_78 = arith.constant 0 : i32
    %dma_wait3A_79 = tpu.memref_slice %arg6[%sub3A_77, %dma_wait3A_78] : memref<232x64xi32, #tpu.memory_space<vmem>> -> memref<1x64xi32, #tpu.memory_space<vmem>>
    %dma_wait3A_80 = tpu.memref_squeeze %dma_wait3A_79 : memref<1x64xi32, #tpu.memory_space<vmem>> -> memref<64xi32, #tpu.memory_space<vmem>>
    %dma_wait3A_81 = arith.constant 0 : i32
    %dma_wait3A_82 = arith.constant 0 : i32
    %dma_wait3A_83 = tpu.memref_slice %arg2[%dma_wait3A_81, %dma_wait3A_82] : memref<10112x128xf32, #tpu.memory_space<hbm>> -> memref<10112x128xf32, #tpu.memory_space<hbm>>
    tpu.wait_indirect_dma semaphore(%arg12 : memref<!tpu.dma_semaphore, #tpu.memory_space<semaphore_mem>>) src(%dma_wait3A_83 : memref<10112x128xf32, #tpu.memory_space<hbm>>) dst(%arg9 : memref<64x128xf32, #tpu.memory_space<vmem>>)
    %sub3A_84 = arith.constant 1 : i32
    %sub3A_85 = arith.subi %select_n3A_8, %sub3A_84 : i32
    "tpu.region"() ({
      %run_scoped3A = tpu.sem_alloc : memref<!tpu.dma_semaphore, #tpu.memory_space<semaphore_mem>>
      %dma_start3A_87 = arith.constant 0 : i32
      %dma_start3A_88 = tpu.memref_slice %arg7[%sub3A_85, %dma_start3A_87] : memref<232x64xi32, #tpu.memory_space<vmem>> -> memref<1x64xi32, #tpu.memory_space<vmem>>
      %dma_start3A_89 = tpu.memref_squeeze %dma_start3A_88 : memref<1x64xi32, #tpu.memory_space<vmem>> -> memref<64xi32, #tpu.memory_space<vmem>>
      %dma_start3A_90 = arith.constant 0 : i32
      %dma_start3A_91 = arith.constant 0 : i32
      %dma_start3A_92 = tpu.memref_slice %arg10[%dma_start3A_90, %dma_start3A_91] : memref<10112x128xf32, #tpu.memory_space<vmem_shared>> -> memref<10112x128xf32, #tpu.memory_space<vmem_shared>>
      tpu.enqueue_indirect_dma source(%arg9 : memref<64x128xf32, #tpu.memory_space<vmem>>) target(%dma_start3A_92 : memref<10112x128xf32, #tpu.memory_space<vmem_shared>>) offsets(%dma_start3A_89 : memref<64xi32, #tpu.memory_space<vmem>>) semaphore(%run_scoped3A : memref<!tpu.dma_semaphore, #tpu.memory_space<semaphore_mem>>) {add = true}
      %dma_wait3A_93 = arith.constant 0 : i32
      %dma_wait3A_94 = tpu.memref_slice %arg7[%sub3A_85, %dma_wait3A_93] : memref<232x64xi32, #tpu.memory_space<vmem>> -> memref<1x64xi32, #tpu.memory_space<vmem>>
      %dma_wait3A_95 = tpu.memref_squeeze %dma_wait3A_94 : memref<1x64xi32, #tpu.memory_space<vmem>> -> memref<64xi32, #tpu.memory_space<vmem>>
      %dma_wait3A_96 = arith.constant 0 : i32
      %dma_wait3A_97 = arith.constant 0 : i32
      %dma_wait3A_98 = tpu.memref_slice %arg10[%dma_wait3A_96, %dma_wait3A_97] : memref<10112x128xf32, #tpu.memory_space<vmem_shared>> -> memref<10112x128xf32, #tpu.memory_space<vmem_shared>>
      tpu.wait_indirect_dma semaphore(%run_scoped3A : memref<!tpu.dma_semaphore, #tpu.memory_space<semaphore_mem>>) src(%arg9 : memref<64x128xf32, #tpu.memory_space<vmem>>) dst(%dma_wait3A_98 : memref<10112x128xf32, #tpu.memory_space<vmem_shared>>)
      tpu.yield
    }) : () -> ()
    %barrier3A_86 = arith.constant 0 : index
    tpu.barrier barrier_id(%barrier3A_86)
    "tpu.region"() ({
      %run_scoped3A = tpu.sem_alloc : memref<!tpu.dma_semaphore, #tpu.memory_space<semaphore_mem>>
      %dma_start3A_87 = arith.constant 0 : i32
      %dma_start3A_88 = tpu.memref_slice %arg5[%arg0, %mul3A_15, %dma_start3A_87] : memref<2x10112x128xf32, #tpu.memory_space<hbm>> -> memref<1x632x128xf32, #tpu.memory_space<hbm>>
      %dma_start3A_89 = tpu.memref_squeeze %dma_start3A_88 : memref<1x632x128xf32, #tpu.memory_space<hbm>> -> memref<632x128xf32, #tpu.memory_space<hbm>>
      %dma_start3A_90 = arith.constant 0 : i32
      %dma_start3A_91 = tpu.memref_slice %arg10[%mul3A_15, %dma_start3A_90] : memref<10112x128xf32, #tpu.memory_space<vmem_shared>> -> memref<632x128xf32, #tpu.memory_space<vmem_shared>>
      tpu.enqueue_dma source(%dma_start3A_91 : memref<632x128xf32, #tpu.memory_space<vmem_shared>>) target(%dma_start3A_89 : memref<632x128xf32, #tpu.memory_space<hbm>>) target_semaphore(%run_scoped3A : memref<!tpu.dma_semaphore, #tpu.memory_space<semaphore_mem>>)
      %dma_wait3A_92 = arith.constant 0 : i32
      %dma_wait3A_93 = tpu.memref_slice %arg5[%arg0, %mul3A_15, %dma_wait3A_92] : memref<2x10112x128xf32, #tpu.memory_space<hbm>> -> memref<1x632x128xf32, #tpu.memory_space<hbm>>
      %dma_wait3A_94 = tpu.memref_squeeze %dma_wait3A_93 : memref<1x632x128xf32, #tpu.memory_space<hbm>> -> memref<632x128xf32, #tpu.memory_space<hbm>>
      %dma_wait3A_95 = arith.constant 0 : i32
      %dma_wait3A_96 = tpu.memref_slice %arg10[%mul3A_15, %dma_wait3A_95] : memref<10112x128xf32, #tpu.memory_space<vmem_shared>> -> memref<632x128xf32, #tpu.memory_space<vmem_shared>>
      tpu.wait_dma2 semaphore(%run_scoped3A : memref<!tpu.dma_semaphore, #tpu.memory_space<semaphore_mem>>) src(%dma_wait3A_96 : memref<632x128xf32, #tpu.memory_space<vmem_shared>>) dst(%dma_wait3A_94 : memref<632x128xf32, #tpu.memory_space<hbm>>)
      tpu.yield
    }) : () -> ()
    return
  }
}

#map = affine_map<(d0, d1) -> (0, 0)>
#map1 = affine_map<(d0, d1) -> (0, 0, 0)>
module attributes {stable_mosaic.version = 14 : i64} {
  func.func @sc_scatter(%arg0: i32, %arg1: i32, %arg2: memref<10112x16xf32, #tpu.memory_space<hbm>>, %arg3: memref<5204x64xi32, #tpu.memory_space<hbm>>, %arg4: memref<5204x64xi32, #tpu.memory_space<hbm>>, %arg5: memref<2x10112x16xf32, #tpu.memory_space<hbm>>, %arg6: memref<158x64xi32, #tpu.memory_space<vmem>>, %arg7: memref<158x64xi32, #tpu.memory_space<vmem>>, %arg8: memref<64x16xf32, #tpu.memory_space<vmem>>, %arg9: memref<64x16xf32, #tpu.memory_space<vmem>>, %arg10: memref<10112x16xf32, #tpu.memory_space<vmem_shared>>, %arg11: memref<!tpu.dma_semaphore, #tpu.memory_space<semaphore_mem>>, %arg12: memref<!tpu.dma_semaphore, #tpu.memory_space<semaphore_mem>>) attributes {dimension_semantics = [#tpu.dimension_semantics<core_parallel>, #tpu.dimension_semantics<subcore_parallel>], iteration_bounds = array<i64: 2, 16>, scalar_prefetch = 0 : i64, scratch_operands = 7 : i64, tpu.core_type = #tpu.core_type<sc_vector_subcore>, window_params = [{transform_indices = #map}, {transform_indices = #map}, {transform_indices = #map}, {transform_indices = #map1}]} {
    %mul3A = arith.constant 16 : i32
    %mul3A_0 = arith.muli %arg0, %mul3A : i32
    %add3A = arith.addi %mul3A_0, %arg1 : i32
    %mul3A_1 = arith.constant 158 : i32
    %mul3A_2 = arith.muli %add3A, %mul3A_1 : i32
    "tpu.region"() ({
      %run_scoped3A_52 = tpu.sem_alloc : memref<!tpu.dma_semaphore, #tpu.memory_space<semaphore_mem>>
      %dma_start3A_53 = arith.constant 0 : i32
      %dma_start3A_54 = tpu.memref_slice %arg3[%mul3A_2, %dma_start3A_53] : memref<5204x64xi32, #tpu.memory_space<hbm>> -> memref<158x64xi32, #tpu.memory_space<hbm>>
      %dma_start3A_55 = arith.constant 0 : i32
      %dma_start3A_56 = tpu.memref_slice %arg3[%mul3A_2, %dma_start3A_55] : memref<5204x64xi32, #tpu.memory_space<hbm>> -> memref<158x64xi32, #tpu.memory_space<hbm>>
      tpu.enqueue_dma source(%dma_start3A_56 : memref<158x64xi32, #tpu.memory_space<hbm>>) target(%arg6 : memref<158x64xi32, #tpu.memory_space<vmem>>) target_semaphore(%run_scoped3A_52 : memref<!tpu.dma_semaphore, #tpu.memory_space<semaphore_mem>>)
      %dma_wait3A_57 = arith.constant 0 : i32
      %dma_wait3A_58 = tpu.memref_slice %arg3[%mul3A_2, %dma_wait3A_57] : memref<5204x64xi32, #tpu.memory_space<hbm>> -> memref<158x64xi32, #tpu.memory_space<hbm>>
      %dma_wait3A_59 = arith.constant 0 : i32
      %dma_wait3A_60 = tpu.memref_slice %arg3[%mul3A_2, %dma_wait3A_59] : memref<5204x64xi32, #tpu.memory_space<hbm>> -> memref<158x64xi32, #tpu.memory_space<hbm>>
      tpu.wait_dma2 semaphore(%run_scoped3A_52 : memref<!tpu.dma_semaphore, #tpu.memory_space<semaphore_mem>>) src(%dma_wait3A_60 : memref<158x64xi32, #tpu.memory_space<hbm>>) dst(%arg6 : memref<158x64xi32, #tpu.memory_space<vmem>>)
      tpu.yield
    }) : () -> ()
    "tpu.region"() ({
      %run_scoped3A_52 = tpu.sem_alloc : memref<!tpu.dma_semaphore, #tpu.memory_space<semaphore_mem>>
      %dma_start3A_53 = arith.constant 0 : i32
      %dma_start3A_54 = tpu.memref_slice %arg4[%mul3A_2, %dma_start3A_53] : memref<5204x64xi32, #tpu.memory_space<hbm>> -> memref<158x64xi32, #tpu.memory_space<hbm>>
      %dma_start3A_55 = arith.constant 0 : i32
      %dma_start3A_56 = tpu.memref_slice %arg4[%mul3A_2, %dma_start3A_55] : memref<5204x64xi32, #tpu.memory_space<hbm>> -> memref<158x64xi32, #tpu.memory_space<hbm>>
      tpu.enqueue_dma source(%dma_start3A_56 : memref<158x64xi32, #tpu.memory_space<hbm>>) target(%arg7 : memref<158x64xi32, #tpu.memory_space<vmem>>) target_semaphore(%run_scoped3A_52 : memref<!tpu.dma_semaphore, #tpu.memory_space<semaphore_mem>>)
      %dma_wait3A_57 = arith.constant 0 : i32
      %dma_wait3A_58 = tpu.memref_slice %arg4[%mul3A_2, %dma_wait3A_57] : memref<5204x64xi32, #tpu.memory_space<hbm>> -> memref<158x64xi32, #tpu.memory_space<hbm>>
      %dma_wait3A_59 = arith.constant 0 : i32
      %dma_wait3A_60 = tpu.memref_slice %arg4[%mul3A_2, %dma_wait3A_59] : memref<5204x64xi32, #tpu.memory_space<hbm>> -> memref<158x64xi32, #tpu.memory_space<hbm>>
      tpu.wait_dma2 semaphore(%run_scoped3A_52 : memref<!tpu.dma_semaphore, #tpu.memory_space<semaphore_mem>>) src(%dma_wait3A_60 : memref<158x64xi32, #tpu.memory_space<hbm>>) dst(%arg7 : memref<158x64xi32, #tpu.memory_space<vmem>>)
      tpu.yield
    }) : () -> ()
    %scan3A = arith.constant 0 : i32
    %scan3A_3 = arith.constant 0 : i32
    %scan3A_4 = arith.constant 64 : i32
    %scan3A_5 = arith.addi %scan3A_3, %scan3A_4 : i32
    %scan3A_6 = arith.constant 1 : i32
    scf.for %scan3A_52 = %scan3A_3 to %scan3A_5 step %scan3A_6  : i32 {
      %broadcast_in_dim3A = arith.constant 0.000000e+00 : f32
      %broadcast_in_dim3A_53 = vector.broadcast %broadcast_in_dim3A : f32 to vector<16xf32>
      %swap3A = arith.index_cast %scan3A_52 : i32 to index
      %swap3A_54 = arith.constant 0 : index
      %swap3A_55 = tpu.vector_load %arg8[%swap3A, %swap3A_54] {strides = array<i32>} : memref<64x16xf32, #tpu.memory_space<vmem>>, vector<1x16xf32>,
      %swap3A_56 = vector.shape_cast %swap3A_55 : vector<1x16xf32> to vector<16xf32>
      %swap3A_57 = vector.shape_cast %broadcast_in_dim3A_53 : vector<16xf32> to vector<1x16xf32>
      tpu.vector_store %arg8[%swap3A, %swap3A_54], %swap3A_57 {strides = array<i32>} : memref<64x16xf32, #tpu.memory_space<vmem>>, vector<1x16xf32>,
    }
    %scan3A_7 = arith.constant 64 : i32
    %mul3A_8 = arith.constant 632 : i32
    %mul3A_9 = arith.muli %arg1, %mul3A_8 : i32
    %scan3A_10 = arith.constant 0 : i32
    %scan3A_11 = arith.constant 0 : i32
    %scan3A_12 = arith.constant 9 : i32
    %scan3A_13 = arith.addi %scan3A_11, %scan3A_12 : i32
    %scan3A_14 = arith.constant 1 : i32
    scf.for %scan3A_52 = %scan3A_11 to %scan3A_13 step %scan3A_14  : i32 {
      %mul3A_53 = arith.constant 64 : i32
      %mul3A_54 = arith.muli %scan3A_52, %mul3A_53 : i32
      %add3A_55 = arith.addi %mul3A_9, %mul3A_54 : i32
      "tpu.region"() ({
        %run_scoped3A_56 = tpu.sem_alloc : memref<!tpu.dma_semaphore, #tpu.memory_space<semaphore_mem>>
        %dma_start3A_57 = arith.constant 0 : i32
        %dma_start3A_58 = tpu.memref_slice %arg10[%add3A_55, %dma_start3A_57] : memref<10112x16xf32, #tpu.memory_space<vmem_shared>> -> memref<64x16xf32, #tpu.memory_space<vmem_shared>>
        %dma_start3A_59 = arith.constant 0 : i32
        %dma_start3A_60 = tpu.memref_slice %arg10[%add3A_55, %dma_start3A_59] : memref<10112x16xf32, #tpu.memory_space<vmem_shared>> -> memref<64x16xf32, #tpu.memory_space<vmem_shared>>
        tpu.enqueue_dma source(%arg8 : memref<64x16xf32, #tpu.memory_space<vmem>>) target(%dma_start3A_60 : memref<64x16xf32, #tpu.memory_space<vmem_shared>>) target_semaphore(%run_scoped3A_56 : memref<!tpu.dma_semaphore, #tpu.memory_space<semaphore_mem>>)
        %dma_wait3A_61 = arith.constant 0 : i32
        %dma_wait3A_62 = tpu.memref_slice %arg10[%add3A_55, %dma_wait3A_61] : memref<10112x16xf32, #tpu.memory_space<vmem_shared>> -> memref<64x16xf32, #tpu.memory_space<vmem_shared>>
        %dma_wait3A_63 = arith.constant 0 : i32
        %dma_wait3A_64 = tpu.memref_slice %arg10[%add3A_55, %dma_wait3A_63] : memref<10112x16xf32, #tpu.memory_space<vmem_shared>> -> memref<64x16xf32, #tpu.memory_space<vmem_shared>>
        tpu.wait_dma2 semaphore(%run_scoped3A_56 : memref<!tpu.dma_semaphore, #tpu.memory_space<semaphore_mem>>) src(%arg8 : memref<64x16xf32, #tpu.memory_space<vmem>>) dst(%dma_wait3A_64 : memref<64x16xf32, #tpu.memory_space<vmem_shared>>)
        tpu.yield
      }) : () -> ()
    }
    %scan3A_15 = arith.constant 9 : i32
    %add3A_16 = arith.constant 576 : i32
    %add3A_17 = arith.addi %mul3A_9, %add3A_16 : i32
    "tpu.region"() ({
      %run_scoped3A_52 = tpu.sem_alloc : memref<!tpu.dma_semaphore, #tpu.memory_space<semaphore_mem>>
      %dma_start3A_53 = arith.constant 0 : i32
      %dma_start3A_54 = arith.constant 0 : i32
      %dma_start3A_55 = tpu.memref_slice %arg8[%dma_start3A_53, %dma_start3A_54] : memref<64x16xf32, #tpu.memory_space<vmem>> -> memref<56x16xf32, #tpu.memory_space<vmem>>
      %dma_start3A_56 = arith.constant 0 : i32
      %dma_start3A_57 = tpu.memref_slice %arg10[%add3A_17, %dma_start3A_56] : memref<10112x16xf32, #tpu.memory_space<vmem_shared>> -> memref<56x16xf32, #tpu.memory_space<vmem_shared>>
      %dma_start3A_58 = arith.constant 0 : i32
      %dma_start3A_59 = tpu.memref_slice %arg10[%add3A_17, %dma_start3A_58] : memref<10112x16xf32, #tpu.memory_space<vmem_shared>> -> memref<56x16xf32, #tpu.memory_space<vmem_shared>>
      %dma_start3A_60 = arith.constant 0 : i32
      %dma_start3A_61 = arith.constant 0 : i32
      %dma_start3A_62 = tpu.memref_slice %arg8[%dma_start3A_60, %dma_start3A_61] : memref<64x16xf32, #tpu.memory_space<vmem>> -> memref<56x16xf32, #tpu.memory_space<vmem>>
      tpu.enqueue_dma source(%dma_start3A_62 : memref<56x16xf32, #tpu.memory_space<vmem>>) target(%dma_start3A_59 : memref<56x16xf32, #tpu.memory_space<vmem_shared>>) target_semaphore(%run_scoped3A_52 : memref<!tpu.dma_semaphore, #tpu.memory_space<semaphore_mem>>)
      %dma_wait3A_63 = arith.constant 0 : i32
      %dma_wait3A_64 = arith.constant 0 : i32
      %dma_wait3A_65 = tpu.memref_slice %arg8[%dma_wait3A_63, %dma_wait3A_64] : memref<64x16xf32, #tpu.memory_space<vmem>> -> memref<56x16xf32, #tpu.memory_space<vmem>>
      %dma_wait3A_66 = arith.constant 0 : i32
      %dma_wait3A_67 = tpu.memref_slice %arg10[%add3A_17, %dma_wait3A_66] : memref<10112x16xf32, #tpu.memory_space<vmem_shared>> -> memref<56x16xf32, #tpu.memory_space<vmem_shared>>
      %dma_wait3A_68 = arith.constant 0 : i32
      %dma_wait3A_69 = tpu.memref_slice %arg10[%add3A_17, %dma_wait3A_68] : memref<10112x16xf32, #tpu.memory_space<vmem_shared>> -> memref<56x16xf32, #tpu.memory_space<vmem_shared>>
      %dma_wait3A_70 = arith.constant 0 : i32
      %dma_wait3A_71 = arith.constant 0 : i32
      %dma_wait3A_72 = tpu.memref_slice %arg8[%dma_wait3A_70, %dma_wait3A_71] : memref<64x16xf32, #tpu.memory_space<vmem>> -> memref<56x16xf32, #tpu.memory_space<vmem>>
      tpu.wait_dma2 semaphore(%run_scoped3A_52 : memref<!tpu.dma_semaphore, #tpu.memory_space<semaphore_mem>>) src(%dma_wait3A_72 : memref<56x16xf32, #tpu.memory_space<vmem>>) dst(%dma_wait3A_69 : memref<56x16xf32, #tpu.memory_space<vmem_shared>>)
      tpu.yield
    }) : () -> ()
    %barrier3A = arith.constant 0 : index
    tpu.barrier barrier_id(%barrier3A)
    %dma_start3A = arith.constant 0 : i32
    %dma_start3A_18 = arith.constant 0 : i32
    %dma_start3A_19 = tpu.memref_slice %arg6[%dma_start3A, %dma_start3A_18] : memref<158x64xi32, #tpu.memory_space<vmem>> -> memref<1x64xi32, #tpu.memory_space<vmem>>
    %dma_start3A_20 = tpu.memref_squeeze %dma_start3A_19 : memref<1x64xi32, #tpu.memory_space<vmem>> -> memref<64xi32, #tpu.memory_space<vmem>>
    %dma_start3A_21 = arith.constant 0 : i32
    %dma_start3A_22 = arith.constant 0 : i32
    %dma_start3A_23 = tpu.memref_slice %arg2[%dma_start3A_21, %dma_start3A_22] : memref<10112x16xf32, #tpu.memory_space<hbm>> -> memref<10112x16xf32, #tpu.memory_space<hbm>>
    tpu.enqueue_indirect_dma source(%dma_start3A_23 : memref<10112x16xf32, #tpu.memory_space<hbm>>) target(%arg8 : memref<64x16xf32, #tpu.memory_space<vmem>>) offsets(%dma_start3A_20 : memref<64xi32, #tpu.memory_space<vmem>>) semaphore(%arg11 : memref<!tpu.dma_semaphore, #tpu.memory_space<semaphore_mem>>)
    %scan3A_24 = arith.constant 0 : i32
    %scan3A_25 = arith.constant 0 : i32
    %scan3A_26 = arith.constant 78 : i32
    %scan3A_27 = arith.addi %scan3A_25, %scan3A_26 : i32
    %scan3A_28 = arith.constant 1 : i32
    scf.for %scan3A_52 = %scan3A_25 to %scan3A_27 step %scan3A_28  : i32 {
      %mul3A_53 = arith.constant 2 : i32
      %mul3A_54 = arith.muli %mul3A_53, %scan3A_52 : i32
      %add3A_55 = arith.constant 1 : i32
      %add3A_56 = arith.addi %mul3A_54, %add3A_55 : i32
      %dma_start3A_57 = arith.constant 0 : i32
      %dma_start3A_58 = tpu.memref_slice %arg6[%add3A_56, %dma_start3A_57] : memref<158x64xi32, #tpu.memory_space<vmem>> -> memref<1x64xi32, #tpu.memory_space<vmem>>
      %dma_start3A_59 = tpu.memref_squeeze %dma_start3A_58 : memref<1x64xi32, #tpu.memory_space<vmem>> -> memref<64xi32, #tpu.memory_space<vmem>>
      %dma_start3A_60 = arith.constant 0 : i32
      %dma_start3A_61 = arith.constant 0 : i32
      %dma_start3A_62 = tpu.memref_slice %arg2[%dma_start3A_60, %dma_start3A_61] : memref<10112x16xf32, #tpu.memory_space<hbm>> -> memref<10112x16xf32, #tpu.memory_space<hbm>>
      tpu.enqueue_indirect_dma source(%dma_start3A_62 : memref<10112x16xf32, #tpu.memory_space<hbm>>) target(%arg9 : memref<64x16xf32, #tpu.memory_space<vmem>>) offsets(%dma_start3A_59 : memref<64xi32, #tpu.memory_space<vmem>>) semaphore(%arg12 : memref<!tpu.dma_semaphore, #tpu.memory_space<semaphore_mem>>)
      %dma_wait3A_63 = arith.constant 0 : i32
      %dma_wait3A_64 = tpu.memref_slice %arg6[%mul3A_54, %dma_wait3A_63] : memref<158x64xi32, #tpu.memory_space<vmem>> -> memref<1x64xi32, #tpu.memory_space<vmem>>
      %dma_wait3A_65 = tpu.memref_squeeze %dma_wait3A_64 : memref<1x64xi32, #tpu.memory_space<vmem>> -> memref<64xi32, #tpu.memory_space<vmem>>
      %dma_wait3A_66 = arith.constant 0 : i32
      %dma_wait3A_67 = arith.constant 0 : i32
      %dma_wait3A_68 = tpu.memref_slice %arg2[%dma_wait3A_66, %dma_wait3A_67] : memref<10112x16xf32, #tpu.memory_space<hbm>> -> memref<10112x16xf32, #tpu.memory_space<hbm>>
      tpu.wait_indirect_dma semaphore(%arg11 : memref<!tpu.dma_semaphore, #tpu.memory_space<semaphore_mem>>) src(%dma_wait3A_68 : memref<10112x16xf32, #tpu.memory_space<hbm>>) dst(%arg8 : memref<64x16xf32, #tpu.memory_space<vmem>>)
      "tpu.region"() ({
        %run_scoped3A_87 = tpu.sem_alloc : memref<!tpu.dma_semaphore, #tpu.memory_space<semaphore_mem>>
        %dma_start3A_88 = arith.constant 0 : i32
        %dma_start3A_89 = tpu.memref_slice %arg7[%mul3A_54, %dma_start3A_88] : memref<158x64xi32, #tpu.memory_space<vmem>> -> memref<1x64xi32, #tpu.memory_space<vmem>>
        %dma_start3A_90 = tpu.memref_squeeze %dma_start3A_89 : memref<1x64xi32, #tpu.memory_space<vmem>> -> memref<64xi32, #tpu.memory_space<vmem>>
        %dma_start3A_91 = arith.constant 0 : i32
        %dma_start3A_92 = arith.constant 0 : i32
        %dma_start3A_93 = tpu.memref_slice %arg10[%dma_start3A_91, %dma_start3A_92] : memref<10112x16xf32, #tpu.memory_space<vmem_shared>> -> memref<10112x16xf32, #tpu.memory_space<vmem_shared>>
        tpu.enqueue_indirect_dma source(%arg8 : memref<64x16xf32, #tpu.memory_space<vmem>>) target(%dma_start3A_93 : memref<10112x16xf32, #tpu.memory_space<vmem_shared>>) offsets(%dma_start3A_90 : memref<64xi32, #tpu.memory_space<vmem>>) semaphore(%run_scoped3A_87 : memref<!tpu.dma_semaphore, #tpu.memory_space<semaphore_mem>>) {add = true}
        %dma_wait3A_94 = arith.constant 0 : i32
        %dma_wait3A_95 = tpu.memref_slice %arg7[%mul3A_54, %dma_wait3A_94] : memref<158x64xi32, #tpu.memory_space<vmem>> -> memref<1x64xi32, #tpu.memory_space<vmem>>
        %dma_wait3A_96 = tpu.memref_squeeze %dma_wait3A_95 : memref<1x64xi32, #tpu.memory_space<vmem>> -> memref<64xi32, #tpu.memory_space<vmem>>
        %dma_wait3A_97 = arith.constant 0 : i32
        %dma_wait3A_98 = arith.constant 0 : i32
        %dma_wait3A_99 = tpu.memref_slice %arg10[%dma_wait3A_97, %dma_wait3A_98] : memref<10112x16xf32, #tpu.memory_space<vmem_shared>> -> memref<10112x16xf32, #tpu.memory_space<vmem_shared>>
        tpu.wait_indirect_dma semaphore(%run_scoped3A_87 : memref<!tpu.dma_semaphore, #tpu.memory_space<semaphore_mem>>) src(%arg8 : memref<64x16xf32, #tpu.memory_space<vmem>>) dst(%dma_wait3A_99 : memref<10112x16xf32, #tpu.memory_space<vmem_shared>>)
        tpu.yield
      }) : () -> ()
      %add3A_69 = arith.constant 2 : i32
      %add3A_70 = arith.addi %mul3A_54, %add3A_69 : i32
      %dma_start3A_71 = arith.constant 0 : i32
      %dma_start3A_72 = tpu.memref_slice %arg6[%add3A_70, %dma_start3A_71] : memref<158x64xi32, #tpu.memory_space<vmem>> -> memref<1x64xi32, #tpu.memory_space<vmem>>
      %dma_start3A_73 = tpu.memref_squeeze %dma_start3A_72 : memref<1x64xi32, #tpu.memory_space<vmem>> -> memref<64xi32, #tpu.memory_space<vmem>>
      %dma_start3A_74 = arith.constant 0 : i32
      %dma_start3A_75 = arith.constant 0 : i32
      %dma_start3A_76 = tpu.memref_slice %arg2[%dma_start3A_74, %dma_start3A_75] : memref<10112x16xf32, #tpu.memory_space<hbm>> -> memref<10112x16xf32, #tpu.memory_space<hbm>>
      tpu.enqueue_indirect_dma source(%dma_start3A_76 : memref<10112x16xf32, #tpu.memory_space<hbm>>) target(%arg8 : memref<64x16xf32, #tpu.memory_space<vmem>>) offsets(%dma_start3A_73 : memref<64xi32, #tpu.memory_space<vmem>>) semaphore(%arg11 : memref<!tpu.dma_semaphore, #tpu.memory_space<semaphore_mem>>)
      %add3A_77 = arith.constant 1 : i32
      %add3A_78 = arith.addi %mul3A_54, %add3A_77 : i32
      %dma_wait3A_79 = arith.constant 0 : i32
      %dma_wait3A_80 = tpu.memref_slice %arg6[%add3A_78, %dma_wait3A_79] : memref<158x64xi32, #tpu.memory_space<vmem>> -> memref<1x64xi32, #tpu.memory_space<vmem>>
      %dma_wait3A_81 = tpu.memref_squeeze %dma_wait3A_80 : memref<1x64xi32, #tpu.memory_space<vmem>> -> memref<64xi32, #tpu.memory_space<vmem>>
      %dma_wait3A_82 = arith.constant 0 : i32
      %dma_wait3A_83 = arith.constant 0 : i32
      %dma_wait3A_84 = tpu.memref_slice %arg2[%dma_wait3A_82, %dma_wait3A_83] : memref<10112x16xf32, #tpu.memory_space<hbm>> -> memref<10112x16xf32, #tpu.memory_space<hbm>>
      tpu.wait_indirect_dma semaphore(%arg12 : memref<!tpu.dma_semaphore, #tpu.memory_space<semaphore_mem>>) src(%dma_wait3A_84 : memref<10112x16xf32, #tpu.memory_space<hbm>>) dst(%arg9 : memref<64x16xf32, #tpu.memory_space<vmem>>)
      %add3A_85 = arith.constant 1 : i32
      %add3A_86 = arith.addi %mul3A_54, %add3A_85 : i32
      "tpu.region"() ({
        %run_scoped3A_87 = tpu.sem_alloc : memref<!tpu.dma_semaphore, #tpu.memory_space<semaphore_mem>>
        %dma_start3A_88 = arith.constant 0 : i32
        %dma_start3A_89 = tpu.memref_slice %arg7[%add3A_86, %dma_start3A_88] : memref<158x64xi32, #tpu.memory_space<vmem>> -> memref<1x64xi32, #tpu.memory_space<vmem>>
        %dma_start3A_90 = tpu.memref_squeeze %dma_start3A_89 : memref<1x64xi32, #tpu.memory_space<vmem>> -> memref<64xi32, #tpu.memory_space<vmem>>
        %dma_start3A_91 = arith.constant 0 : i32
        %dma_start3A_92 = arith.constant 0 : i32
        %dma_start3A_93 = tpu.memref_slice %arg10[%dma_start3A_91, %dma_start3A_92] : memref<10112x16xf32, #tpu.memory_space<vmem_shared>> -> memref<10112x16xf32, #tpu.memory_space<vmem_shared>>
        tpu.enqueue_indirect_dma source(%arg9 : memref<64x16xf32, #tpu.memory_space<vmem>>) target(%dma_start3A_93 : memref<10112x16xf32, #tpu.memory_space<vmem_shared>>) offsets(%dma_start3A_90 : memref<64xi32, #tpu.memory_space<vmem>>) semaphore(%run_scoped3A_87 : memref<!tpu.dma_semaphore, #tpu.memory_space<semaphore_mem>>) {add = true}
        %dma_wait3A_94 = arith.constant 0 : i32
        %dma_wait3A_95 = tpu.memref_slice %arg7[%add3A_86, %dma_wait3A_94] : memref<158x64xi32, #tpu.memory_space<vmem>> -> memref<1x64xi32, #tpu.memory_space<vmem>>
        %dma_wait3A_96 = tpu.memref_squeeze %dma_wait3A_95 : memref<1x64xi32, #tpu.memory_space<vmem>> -> memref<64xi32, #tpu.memory_space<vmem>>
        %dma_wait3A_97 = arith.constant 0 : i32
        %dma_wait3A_98 = arith.constant 0 : i32
        %dma_wait3A_99 = tpu.memref_slice %arg10[%dma_wait3A_97, %dma_wait3A_98] : memref<10112x16xf32, #tpu.memory_space<vmem_shared>> -> memref<10112x16xf32, #tpu.memory_space<vmem_shared>>
        tpu.wait_indirect_dma semaphore(%run_scoped3A_87 : memref<!tpu.dma_semaphore, #tpu.memory_space<semaphore_mem>>) src(%arg9 : memref<64x16xf32, #tpu.memory_space<vmem>>) dst(%dma_wait3A_99 : memref<10112x16xf32, #tpu.memory_space<vmem_shared>>)
        tpu.yield
      }) : () -> ()
    }
    %scan3A_29 = arith.constant 78 : i32
    %dma_start3A_30 = arith.constant 157 : i32
    %dma_start3A_31 = arith.constant 0 : i32
    %dma_start3A_32 = tpu.memref_slice %arg6[%dma_start3A_30, %dma_start3A_31] : memref<158x64xi32, #tpu.memory_space<vmem>> -> memref<1x64xi32, #tpu.memory_space<vmem>>
    %dma_start3A_33 = tpu.memref_squeeze %dma_start3A_32 : memref<1x64xi32, #tpu.memory_space<vmem>> -> memref<64xi32, #tpu.memory_space<vmem>>
    %dma_start3A_34 = arith.constant 0 : i32
    %dma_start3A_35 = arith.constant 0 : i32
    %dma_start3A_36 = tpu.memref_slice %arg2[%dma_start3A_34, %dma_start3A_35] : memref<10112x16xf32, #tpu.memory_space<hbm>> -> memref<10112x16xf32, #tpu.memory_space<hbm>>
    tpu.enqueue_indirect_dma source(%dma_start3A_36 : memref<10112x16xf32, #tpu.memory_space<hbm>>) target(%arg9 : memref<64x16xf32, #tpu.memory_space<vmem>>) offsets(%dma_start3A_33 : memref<64xi32, #tpu.memory_space<vmem>>) semaphore(%arg12 : memref<!tpu.dma_semaphore, #tpu.memory_space<semaphore_mem>>)
    %dma_wait3A = arith.constant 156 : i32
    %dma_wait3A_37 = arith.constant 0 : i32
    %dma_wait3A_38 = tpu.memref_slice %arg6[%dma_wait3A, %dma_wait3A_37] : memref<158x64xi32, #tpu.memory_space<vmem>> -> memref<1x64xi32, #tpu.memory_space<vmem>>
    %dma_wait3A_39 = tpu.memref_squeeze %dma_wait3A_38 : memref<1x64xi32, #tpu.memory_space<vmem>> -> memref<64xi32, #tpu.memory_space<vmem>>
    %dma_wait3A_40 = arith.constant 0 : i32
    %dma_wait3A_41 = arith.constant 0 : i32
    %dma_wait3A_42 = tpu.memref_slice %arg2[%dma_wait3A_40, %dma_wait3A_41] : memref<10112x16xf32, #tpu.memory_space<hbm>> -> memref<10112x16xf32, #tpu.memory_space<hbm>>
    tpu.wait_indirect_dma semaphore(%arg11 : memref<!tpu.dma_semaphore, #tpu.memory_space<semaphore_mem>>) src(%dma_wait3A_42 : memref<10112x16xf32, #tpu.memory_space<hbm>>) dst(%arg8 : memref<64x16xf32, #tpu.memory_space<vmem>>)
    %run_scoped3A = arith.constant 156 : i32
    "tpu.region"() ({
      %run_scoped3A_52 = tpu.sem_alloc : memref<!tpu.dma_semaphore, #tpu.memory_space<semaphore_mem>>
      %dma_start3A_53 = arith.constant 0 : i32
      %dma_start3A_54 = tpu.memref_slice %arg7[%run_scoped3A, %dma_start3A_53] : memref<158x64xi32, #tpu.memory_space<vmem>> -> memref<1x64xi32, #tpu.memory_space<vmem>>
      %dma_start3A_55 = tpu.memref_squeeze %dma_start3A_54 : memref<1x64xi32, #tpu.memory_space<vmem>> -> memref<64xi32, #tpu.memory_space<vmem>>
      %dma_start3A_56 = arith.constant 0 : i32
      %dma_start3A_57 = arith.constant 0 : i32
      %dma_start3A_58 = tpu.memref_slice %arg10[%dma_start3A_56, %dma_start3A_57] : memref<10112x16xf32, #tpu.memory_space<vmem_shared>> -> memref<10112x16xf32, #tpu.memory_space<vmem_shared>>
      tpu.enqueue_indirect_dma source(%arg8 : memref<64x16xf32, #tpu.memory_space<vmem>>) target(%dma_start3A_58 : memref<10112x16xf32, #tpu.memory_space<vmem_shared>>) offsets(%dma_start3A_55 : memref<64xi32, #tpu.memory_space<vmem>>) semaphore(%run_scoped3A_52 : memref<!tpu.dma_semaphore, #tpu.memory_space<semaphore_mem>>) {add = true}
      %dma_wait3A_59 = arith.constant 0 : i32
      %dma_wait3A_60 = tpu.memref_slice %arg7[%run_scoped3A, %dma_wait3A_59] : memref<158x64xi32, #tpu.memory_space<vmem>> -> memref<1x64xi32, #tpu.memory_space<vmem>>
      %dma_wait3A_61 = tpu.memref_squeeze %dma_wait3A_60 : memref<1x64xi32, #tpu.memory_space<vmem>> -> memref<64xi32, #tpu.memory_space<vmem>>
      %dma_wait3A_62 = arith.constant 0 : i32
      %dma_wait3A_63 = arith.constant 0 : i32
      %dma_wait3A_64 = tpu.memref_slice %arg10[%dma_wait3A_62, %dma_wait3A_63] : memref<10112x16xf32, #tpu.memory_space<vmem_shared>> -> memref<10112x16xf32, #tpu.memory_space<vmem_shared>>
      tpu.wait_indirect_dma semaphore(%run_scoped3A_52 : memref<!tpu.dma_semaphore, #tpu.memory_space<semaphore_mem>>) src(%arg8 : memref<64x16xf32, #tpu.memory_space<vmem>>) dst(%dma_wait3A_64 : memref<10112x16xf32, #tpu.memory_space<vmem_shared>>)
      tpu.yield
    }) : () -> ()
    %dma_wait3A_43 = arith.constant 157 : i32
    %dma_wait3A_44 = arith.constant 0 : i32
    %dma_wait3A_45 = tpu.memref_slice %arg6[%dma_wait3A_43, %dma_wait3A_44] : memref<158x64xi32, #tpu.memory_space<vmem>> -> memref<1x64xi32, #tpu.memory_space<vmem>>
    %dma_wait3A_46 = tpu.memref_squeeze %dma_wait3A_45 : memref<1x64xi32, #tpu.memory_space<vmem>> -> memref<64xi32, #tpu.memory_space<vmem>>
    %dma_wait3A_47 = arith.constant 0 : i32
    %dma_wait3A_48 = arith.constant 0 : i32
    %dma_wait3A_49 = tpu.memref_slice %arg2[%dma_wait3A_47, %dma_wait3A_48] : memref<10112x16xf32, #tpu.memory_space<hbm>> -> memref<10112x16xf32, #tpu.memory_space<hbm>>
    tpu.wait_indirect_dma semaphore(%arg12 : memref<!tpu.dma_semaphore, #tpu.memory_space<semaphore_mem>>) src(%dma_wait3A_49 : memref<10112x16xf32, #tpu.memory_space<hbm>>) dst(%arg9 : memref<64x16xf32, #tpu.memory_space<vmem>>)
    %run_scoped3A_50 = arith.constant 157 : i32
    "tpu.region"() ({
      %run_scoped3A_52 = tpu.sem_alloc : memref<!tpu.dma_semaphore, #tpu.memory_space<semaphore_mem>>
      %dma_start3A_53 = arith.constant 0 : i32
      %dma_start3A_54 = tpu.memref_slice %arg7[%run_scoped3A_50, %dma_start3A_53] : memref<158x64xi32, #tpu.memory_space<vmem>> -> memref<1x64xi32, #tpu.memory_space<vmem>>
      %dma_start3A_55 = tpu.memref_squeeze %dma_start3A_54 : memref<1x64xi32, #tpu.memory_space<vmem>> -> memref<64xi32, #tpu.memory_space<vmem>>
      %dma_start3A_56 = arith.constant 0 : i32
      %dma_start3A_57 = arith.constant 0 : i32
      %dma_start3A_58 = tpu.memref_slice %arg10[%dma_start3A_56, %dma_start3A_57] : memref<10112x16xf32, #tpu.memory_space<vmem_shared>> -> memref<10112x16xf32, #tpu.memory_space<vmem_shared>>
      tpu.enqueue_indirect_dma source(%arg9 : memref<64x16xf32, #tpu.memory_space<vmem>>) target(%dma_start3A_58 : memref<10112x16xf32, #tpu.memory_space<vmem_shared>>) offsets(%dma_start3A_55 : memref<64xi32, #tpu.memory_space<vmem>>) semaphore(%run_scoped3A_52 : memref<!tpu.dma_semaphore, #tpu.memory_space<semaphore_mem>>) {add = true}
      %dma_wait3A_59 = arith.constant 0 : i32
      %dma_wait3A_60 = tpu.memref_slice %arg7[%run_scoped3A_50, %dma_wait3A_59] : memref<158x64xi32, #tpu.memory_space<vmem>> -> memref<1x64xi32, #tpu.memory_space<vmem>>
      %dma_wait3A_61 = tpu.memref_squeeze %dma_wait3A_60 : memref<1x64xi32, #tpu.memory_space<vmem>> -> memref<64xi32, #tpu.memory_space<vmem>>
      %dma_wait3A_62 = arith.constant 0 : i32
      %dma_wait3A_63 = arith.constant 0 : i32
      %dma_wait3A_64 = tpu.memref_slice %arg10[%dma_wait3A_62, %dma_wait3A_63] : memref<10112x16xf32, #tpu.memory_space<vmem_shared>> -> memref<10112x16xf32, #tpu.memory_space<vmem_shared>>
      tpu.wait_indirect_dma semaphore(%run_scoped3A_52 : memref<!tpu.dma_semaphore, #tpu.memory_space<semaphore_mem>>) src(%arg9 : memref<64x16xf32, #tpu.memory_space<vmem>>) dst(%dma_wait3A_64 : memref<10112x16xf32, #tpu.memory_space<vmem_shared>>)
      tpu.yield
    }) : () -> ()
    %barrier3A_51 = arith.constant 0 : index
    tpu.barrier barrier_id(%barrier3A_51)
    "tpu.region"() ({
      %run_scoped3A_52 = tpu.sem_alloc : memref<!tpu.dma_semaphore, #tpu.memory_space<semaphore_mem>>
      %dma_start3A_53 = arith.constant 0 : i32
      %dma_start3A_54 = tpu.memref_slice %arg5[%arg0, %mul3A_9, %dma_start3A_53] : memref<2x10112x16xf32, #tpu.memory_space<hbm>> -> memref<1x632x16xf32, #tpu.memory_space<hbm>>
      %dma_start3A_55 = tpu.memref_squeeze %dma_start3A_54 : memref<1x632x16xf32, #tpu.memory_space<hbm>> -> memref<632x16xf32, #tpu.memory_space<hbm>>
      %dma_start3A_56 = arith.constant 0 : i32
      %dma_start3A_57 = tpu.memref_slice %arg10[%mul3A_9, %dma_start3A_56] : memref<10112x16xf32, #tpu.memory_space<vmem_shared>> -> memref<632x16xf32, #tpu.memory_space<vmem_shared>>
      tpu.enqueue_dma source(%dma_start3A_57 : memref<632x16xf32, #tpu.memory_space<vmem_shared>>) target(%dma_start3A_55 : memref<632x16xf32, #tpu.memory_space<hbm>>) target_semaphore(%run_scoped3A_52 : memref<!tpu.dma_semaphore, #tpu.memory_space<semaphore_mem>>)
      %dma_wait3A_58 = arith.constant 0 : i32
      %dma_wait3A_59 = tpu.memref_slice %arg5[%arg0, %mul3A_9, %dma_wait3A_58] : memref<2x10112x16xf32, #tpu.memory_space<hbm>> -> memref<1x632x16xf32, #tpu.memory_space<hbm>>
      %dma_wait3A_60 = tpu.memref_squeeze %dma_wait3A_59 : memref<1x632x16xf32, #tpu.memory_space<hbm>> -> memref<632x16xf32, #tpu.memory_space<hbm>>
      %dma_wait3A_61 = arith.constant 0 : i32
      %dma_wait3A_62 = tpu.memref_slice %arg10[%mul3A_9, %dma_wait3A_61] : memref<10112x16xf32, #tpu.memory_space<vmem_shared>> -> memref<632x16xf32, #tpu.memory_space<vmem_shared>>
      tpu.wait_dma2 semaphore(%run_scoped3A_52 : memref<!tpu.dma_semaphore, #tpu.memory_space<semaphore_mem>>) src(%dma_wait3A_62 : memref<632x16xf32, #tpu.memory_space<vmem_shared>>) dst(%dma_wait3A_60 : memref<632x16xf32, #tpu.memory_space<hbm>>)
      tpu.yield
    }) : () -> ()
    return
  }
}

#map = affine_map<(d0, d1) -> (0, 0)>
#map1 = affine_map<(d0, d1) -> (0, 0, 0)>
module attributes {stable_mosaic.version = 14 : i64} {
  func.func @sc_scatter(%arg0: i32, %arg1: i32, %arg2: memref<10112x16xf32, #tpu.memory_space<hbm>>, %arg3: memref<5204x64xi32, #tpu.memory_space<hbm>>, %arg4: memref<5204x64xi32, #tpu.memory_space<hbm>>, %arg5: memref<2x10112x16xf32, #tpu.memory_space<hbm>>, %arg6: memref<158x64xi32, #tpu.memory_space<vmem>>, %arg7: memref<158x64xi32, #tpu.memory_space<vmem>>, %arg8: memref<64x16xf32, #tpu.memory_space<vmem>>, %arg9: memref<64x16xf32, #tpu.memory_space<vmem>>, %arg10: memref<10112x16xf32, #tpu.memory_space<vmem_shared>>, %arg11: memref<!tpu.dma_semaphore, #tpu.memory_space<semaphore_mem>>, %arg12: memref<!tpu.dma_semaphore, #tpu.memory_space<semaphore_mem>>) attributes {dimension_semantics = [#tpu.dimension_semantics<core_parallel>, #tpu.dimension_semantics<subcore_parallel>], iteration_bounds = array<i64: 2, 16>, scalar_prefetch = 0 : i64, scratch_operands = 7 : i64, tpu.core_type = #tpu.core_type<sc_vector_subcore>, window_params = [{transform_indices = #map}, {transform_indices = #map}, {transform_indices = #map}, {transform_indices = #map1}]} {
    %mul3A = arith.constant 16 : i32
    %mul3A_0 = arith.muli %arg0, %mul3A : i32
    %add3A = arith.addi %mul3A_0, %arg1 : i32
    %mul3A_1 = arith.constant 158 : i32
    %mul3A_2 = arith.muli %add3A, %mul3A_1 : i32
    "tpu.region"() ({
      %run_scoped3A_52 = tpu.sem_alloc : memref<!tpu.dma_semaphore, #tpu.memory_space<semaphore_mem>>
      %dma_start3A_53 = arith.constant 0 : i32
      %dma_start3A_54 = tpu.memref_slice %arg3[%mul3A_2, %dma_start3A_53] : memref<5204x64xi32, #tpu.memory_space<hbm>> -> memref<158x64xi32, #tpu.memory_space<hbm>>
      %dma_start3A_55 = arith.constant 0 : i32
      %dma_start3A_56 = tpu.memref_slice %arg3[%mul3A_2, %dma_start3A_55] : memref<5204x64xi32, #tpu.memory_space<hbm>> -> memref<158x64xi32, #tpu.memory_space<hbm>>
      tpu.enqueue_dma source(%dma_start3A_56 : memref<158x64xi32, #tpu.memory_space<hbm>>) target(%arg6 : memref<158x64xi32, #tpu.memory_space<vmem>>) target_semaphore(%run_scoped3A_52 : memref<!tpu.dma_semaphore, #tpu.memory_space<semaphore_mem>>)
      %dma_wait3A_57 = arith.constant 0 : i32
      %dma_wait3A_58 = tpu.memref_slice %arg3[%mul3A_2, %dma_wait3A_57] : memref<5204x64xi32, #tpu.memory_space<hbm>> -> memref<158x64xi32, #tpu.memory_space<hbm>>
      %dma_wait3A_59 = arith.constant 0 : i32
      %dma_wait3A_60 = tpu.memref_slice %arg3[%mul3A_2, %dma_wait3A_59] : memref<5204x64xi32, #tpu.memory_space<hbm>> -> memref<158x64xi32, #tpu.memory_space<hbm>>
      tpu.wait_dma2 semaphore(%run_scoped3A_52 : memref<!tpu.dma_semaphore, #tpu.memory_space<semaphore_mem>>) src(%dma_wait3A_60 : memref<158x64xi32, #tpu.memory_space<hbm>>) dst(%arg6 : memref<158x64xi32, #tpu.memory_space<vmem>>)
      tpu.yield
    }) : () -> ()
    "tpu.region"() ({
      %run_scoped3A_52 = tpu.sem_alloc : memref<!tpu.dma_semaphore, #tpu.memory_space<semaphore_mem>>
      %dma_start3A_53 = arith.constant 0 : i32
      %dma_start3A_54 = tpu.memref_slice %arg4[%mul3A_2, %dma_start3A_53] : memref<5204x64xi32, #tpu.memory_space<hbm>> -> memref<158x64xi32, #tpu.memory_space<hbm>>
      %dma_start3A_55 = arith.constant 0 : i32
      %dma_start3A_56 = tpu.memref_slice %arg4[%mul3A_2, %dma_start3A_55] : memref<5204x64xi32, #tpu.memory_space<hbm>> -> memref<158x64xi32, #tpu.memory_space<hbm>>
      tpu.enqueue_dma source(%dma_start3A_56 : memref<158x64xi32, #tpu.memory_space<hbm>>) target(%arg7 : memref<158x64xi32, #tpu.memory_space<vmem>>) target_semaphore(%run_scoped3A_52 : memref<!tpu.dma_semaphore, #tpu.memory_space<semaphore_mem>>)
      %dma_wait3A_57 = arith.constant 0 : i32
      %dma_wait3A_58 = tpu.memref_slice %arg4[%mul3A_2, %dma_wait3A_57] : memref<5204x64xi32, #tpu.memory_space<hbm>> -> memref<158x64xi32, #tpu.memory_space<hbm>>
      %dma_wait3A_59 = arith.constant 0 : i32
      %dma_wait3A_60 = tpu.memref_slice %arg4[%mul3A_2, %dma_wait3A_59] : memref<5204x64xi32, #tpu.memory_space<hbm>> -> memref<158x64xi32, #tpu.memory_space<hbm>>
      tpu.wait_dma2 semaphore(%run_scoped3A_52 : memref<!tpu.dma_semaphore, #tpu.memory_space<semaphore_mem>>) src(%dma_wait3A_60 : memref<158x64xi32, #tpu.memory_space<hbm>>) dst(%arg7 : memref<158x64xi32, #tpu.memory_space<vmem>>)
      tpu.yield
    }) : () -> ()
    %scan3A = arith.constant 0 : i32
    %scan3A_3 = arith.constant 0 : i32
    %scan3A_4 = arith.constant 64 : i32
    %scan3A_5 = arith.addi %scan3A_3, %scan3A_4 : i32
    %scan3A_6 = arith.constant 1 : i32
    scf.for %scan3A_52 = %scan3A_3 to %scan3A_5 step %scan3A_6  : i32 {
      %broadcast_in_dim3A = arith.constant 0.000000e+00 : f32
      %broadcast_in_dim3A_53 = vector.broadcast %broadcast_in_dim3A : f32 to vector<16xf32>
      %swap3A = arith.index_cast %scan3A_52 : i32 to index
      %swap3A_54 = arith.constant 0 : index
      %swap3A_55 = tpu.vector_load %arg8[%swap3A, %swap3A_54] {strides = array<i32>} : memref<64x16xf32, #tpu.memory_space<vmem>>, vector<1x16xf32>,
      %swap3A_56 = vector.shape_cast %swap3A_55 : vector<1x16xf32> to vector<16xf32>
      %swap3A_57 = vector.shape_cast %broadcast_in_dim3A_53 : vector<16xf32> to vector<1x16xf32>
      tpu.vector_store %arg8[%swap3A, %swap3A_54], %swap3A_57 {strides = array<i32>} : memref<64x16xf32, #tpu.memory_space<vmem>>, vector<1x16xf32>,
    }
    %scan3A_7 = arith.constant 64 : i32
    %mul3A_8 = arith.constant 632 : i32
    %mul3A_9 = arith.muli %arg1, %mul3A_8 : i32
    %scan3A_10 = arith.constant 0 : i32
    %scan3A_11 = arith.constant 0 : i32
    %scan3A_12 = arith.constant 9 : i32
    %scan3A_13 = arith.addi %scan3A_11, %scan3A_12 : i32
    %scan3A_14 = arith.constant 1 : i32
    scf.for %scan3A_52 = %scan3A_11 to %scan3A_13 step %scan3A_14  : i32 {
      %mul3A_53 = arith.constant 64 : i32
      %mul3A_54 = arith.muli %scan3A_52, %mul3A_53 : i32
      %add3A_55 = arith.addi %mul3A_9, %mul3A_54 : i32
      "tpu.region"() ({
        %run_scoped3A_56 = tpu.sem_alloc : memref<!tpu.dma_semaphore, #tpu.memory_space<semaphore_mem>>
        %dma_start3A_57 = arith.constant 0 : i32
        %dma_start3A_58 = tpu.memref_slice %arg10[%add3A_55, %dma_start3A_57] : memref<10112x16xf32, #tpu.memory_space<vmem_shared>> -> memref<64x16xf32, #tpu.memory_space<vmem_shared>>
        %dma_start3A_59 = arith.constant 0 : i32
        %dma_start3A_60 = tpu.memref_slice %arg10[%add3A_55, %dma_start3A_59] : memref<10112x16xf32, #tpu.memory_space<vmem_shared>> -> memref<64x16xf32, #tpu.memory_space<vmem_shared>>
        tpu.enqueue_dma source(%arg8 : memref<64x16xf32, #tpu.memory_space<vmem>>) target(%dma_start3A_60 : memref<64x16xf32, #tpu.memory_space<vmem_shared>>) target_semaphore(%run_scoped3A_56 : memref<!tpu.dma_semaphore, #tpu.memory_space<semaphore_mem>>)
        %dma_wait3A_61 = arith.constant 0 : i32
        %dma_wait3A_62 = tpu.memref_slice %arg10[%add3A_55, %dma_wait3A_61] : memref<10112x16xf32, #tpu.memory_space<vmem_shared>> -> memref<64x16xf32, #tpu.memory_space<vmem_shared>>
        %dma_wait3A_63 = arith.constant 0 : i32
        %dma_wait3A_64 = tpu.memref_slice %arg10[%add3A_55, %dma_wait3A_63] : memref<10112x16xf32, #tpu.memory_space<vmem_shared>> -> memref<64x16xf32, #tpu.memory_space<vmem_shared>>
        tpu.wait_dma2 semaphore(%run_scoped3A_56 : memref<!tpu.dma_semaphore, #tpu.memory_space<semaphore_mem>>) src(%arg8 : memref<64x16xf32, #tpu.memory_space<vmem>>) dst(%dma_wait3A_64 : memref<64x16xf32, #tpu.memory_space<vmem_shared>>)
        tpu.yield
      }) : () -> ()
    }
    %scan3A_15 = arith.constant 9 : i32
    %add3A_16 = arith.constant 576 : i32
    %add3A_17 = arith.addi %mul3A_9, %add3A_16 : i32
    "tpu.region"() ({
      %run_scoped3A_52 = tpu.sem_alloc : memref<!tpu.dma_semaphore, #tpu.memory_space<semaphore_mem>>
      %dma_start3A_53 = arith.constant 0 : i32
      %dma_start3A_54 = arith.constant 0 : i32
      %dma_start3A_55 = tpu.memref_slice %arg8[%dma_start3A_53, %dma_start3A_54] : memref<64x16xf32, #tpu.memory_space<vmem>> -> memref<56x16xf32, #tpu.memory_space<vmem>>
      %dma_start3A_56 = arith.constant 0 : i32
      %dma_start3A_57 = tpu.memref_slice %arg10[%add3A_17, %dma_start3A_56] : memref<10112x16xf32, #tpu.memory_space<vmem_shared>> -> memref<56x16xf32, #tpu.memory_space<vmem_shared>>
      %dma_start3A_58 = arith.constant 0 : i32
      %dma_start3A_59 = tpu.memref_slice %arg10[%add3A_17, %dma_start3A_58] : memref<10112x16xf32, #tpu.memory_space<vmem_shared>> -> memref<56x16xf32, #tpu.memory_space<vmem_shared>>
      %dma_start3A_60 = arith.constant 0 : i32
      %dma_start3A_61 = arith.constant 0 : i32
      %dma_start3A_62 = tpu.memref_slice %arg8[%dma_start3A_60, %dma_start3A_61] : memref<64x16xf32, #tpu.memory_space<vmem>> -> memref<56x16xf32, #tpu.memory_space<vmem>>
      tpu.enqueue_dma source(%dma_start3A_62 : memref<56x16xf32, #tpu.memory_space<vmem>>) target(%dma_start3A_59 : memref<56x16xf32, #tpu.memory_space<vmem_shared>>) target_semaphore(%run_scoped3A_52 : memref<!tpu.dma_semaphore, #tpu.memory_space<semaphore_mem>>)
      %dma_wait3A_63 = arith.constant 0 : i32
      %dma_wait3A_64 = arith.constant 0 : i32
      %dma_wait3A_65 = tpu.memref_slice %arg8[%dma_wait3A_63, %dma_wait3A_64] : memref<64x16xf32, #tpu.memory_space<vmem>> -> memref<56x16xf32, #tpu.memory_space<vmem>>
      %dma_wait3A_66 = arith.constant 0 : i32
      %dma_wait3A_67 = tpu.memref_slice %arg10[%add3A_17, %dma_wait3A_66] : memref<10112x16xf32, #tpu.memory_space<vmem_shared>> -> memref<56x16xf32, #tpu.memory_space<vmem_shared>>
      %dma_wait3A_68 = arith.constant 0 : i32
      %dma_wait3A_69 = tpu.memref_slice %arg10[%add3A_17, %dma_wait3A_68] : memref<10112x16xf32, #tpu.memory_space<vmem_shared>> -> memref<56x16xf32, #tpu.memory_space<vmem_shared>>
      %dma_wait3A_70 = arith.constant 0 : i32
      %dma_wait3A_71 = arith.constant 0 : i32
      %dma_wait3A_72 = tpu.memref_slice %arg8[%dma_wait3A_70, %dma_wait3A_71] : memref<64x16xf32, #tpu.memory_space<vmem>> -> memref<56x16xf32, #tpu.memory_space<vmem>>
      tpu.wait_dma2 semaphore(%run_scoped3A_52 : memref<!tpu.dma_semaphore, #tpu.memory_space<semaphore_mem>>) src(%dma_wait3A_72 : memref<56x16xf32, #tpu.memory_space<vmem>>) dst(%dma_wait3A_69 : memref<56x16xf32, #tpu.memory_space<vmem_shared>>)
      tpu.yield
    }) : () -> ()
    %barrier3A = arith.constant 0 : index
    tpu.barrier barrier_id(%barrier3A)
    %dma_start3A = arith.constant 0 : i32
    %dma_start3A_18 = arith.constant 0 : i32
    %dma_start3A_19 = tpu.memref_slice %arg6[%dma_start3A, %dma_start3A_18] : memref<158x64xi32, #tpu.memory_space<vmem>> -> memref<1x64xi32, #tpu.memory_space<vmem>>
    %dma_start3A_20 = tpu.memref_squeeze %dma_start3A_19 : memref<1x64xi32, #tpu.memory_space<vmem>> -> memref<64xi32, #tpu.memory_space<vmem>>
    %dma_start3A_21 = arith.constant 0 : i32
    %dma_start3A_22 = arith.constant 0 : i32
    %dma_start3A_23 = tpu.memref_slice %arg2[%dma_start3A_21, %dma_start3A_22] : memref<10112x16xf32, #tpu.memory_space<hbm>> -> memref<10112x16xf32, #tpu.memory_space<hbm>>
    tpu.enqueue_indirect_dma source(%dma_start3A_23 : memref<10112x16xf32, #tpu.memory_space<hbm>>) target(%arg8 : memref<64x16xf32, #tpu.memory_space<vmem>>) offsets(%dma_start3A_20 : memref<64xi32, #tpu.memory_space<vmem>>) semaphore(%arg11 : memref<!tpu.dma_semaphore, #tpu.memory_space<semaphore_mem>>)
    %scan3A_24 = arith.constant 0 : i32
    %scan3A_25 = arith.constant 0 : i32
    %scan3A_26 = arith.constant 78 : i32
    %scan3A_27 = arith.addi %scan3A_25, %scan3A_26 : i32
    %scan3A_28 = arith.constant 1 : i32
    scf.for %scan3A_52 = %scan3A_25 to %scan3A_27 step %scan3A_28  : i32 {
      %mul3A_53 = arith.constant 2 : i32
      %mul3A_54 = arith.muli %mul3A_53, %scan3A_52 : i32
      %add3A_55 = arith.constant 1 : i32
      %add3A_56 = arith.addi %mul3A_54, %add3A_55 : i32
      %dma_start3A_57 = arith.constant 0 : i32
      %dma_start3A_58 = tpu.memref_slice %arg6[%add3A_56, %dma_start3A_57] : memref<158x64xi32, #tpu.memory_space<vmem>> -> memref<1x64xi32, #tpu.memory_space<vmem>>
      %dma_start3A_59 = tpu.memref_squeeze %dma_start3A_58 : memref<1x64xi32, #tpu.memory_space<vmem>> -> memref<64xi32, #tpu.memory_space<vmem>>
      %dma_start3A_60 = arith.constant 0 : i32
      %dma_start3A_61 = arith.constant 0 : i32
      %dma_start3A_62 = tpu.memref_slice %arg2[%dma_start3A_60, %dma_start3A_61] : memref<10112x16xf32, #tpu.memory_space<hbm>> -> memref<10112x16xf32, #tpu.memory_space<hbm>>
      tpu.enqueue_indirect_dma source(%dma_start3A_62 : memref<10112x16xf32, #tpu.memory_space<hbm>>) target(%arg9 : memref<64x16xf32, #tpu.memory_space<vmem>>) offsets(%dma_start3A_59 : memref<64xi32, #tpu.memory_space<vmem>>) semaphore(%arg12 : memref<!tpu.dma_semaphore, #tpu.memory_space<semaphore_mem>>)
      %dma_wait3A_63 = arith.constant 0 : i32
      %dma_wait3A_64 = tpu.memref_slice %arg6[%mul3A_54, %dma_wait3A_63] : memref<158x64xi32, #tpu.memory_space<vmem>> -> memref<1x64xi32, #tpu.memory_space<vmem>>
      %dma_wait3A_65 = tpu.memref_squeeze %dma_wait3A_64 : memref<1x64xi32, #tpu.memory_space<vmem>> -> memref<64xi32, #tpu.memory_space<vmem>>
      %dma_wait3A_66 = arith.constant 0 : i32
      %dma_wait3A_67 = arith.constant 0 : i32
      %dma_wait3A_68 = tpu.memref_slice %arg2[%dma_wait3A_66, %dma_wait3A_67] : memref<10112x16xf32, #tpu.memory_space<hbm>> -> memref<10112x16xf32, #tpu.memory_space<hbm>>
      tpu.wait_indirect_dma semaphore(%arg11 : memref<!tpu.dma_semaphore, #tpu.memory_space<semaphore_mem>>) src(%dma_wait3A_68 : memref<10112x16xf32, #tpu.memory_space<hbm>>) dst(%arg8 : memref<64x16xf32, #tpu.memory_space<vmem>>)
      "tpu.region"() ({
        %run_scoped3A_87 = tpu.sem_alloc : memref<!tpu.dma_semaphore, #tpu.memory_space<semaphore_mem>>
        %dma_start3A_88 = arith.constant 0 : i32
        %dma_start3A_89 = tpu.memref_slice %arg7[%mul3A_54, %dma_start3A_88] : memref<158x64xi32, #tpu.memory_space<vmem>> -> memref<1x64xi32, #tpu.memory_space<vmem>>
        %dma_start3A_90 = tpu.memref_squeeze %dma_start3A_89 : memref<1x64xi32, #tpu.memory_space<vmem>> -> memref<64xi32, #tpu.memory_space<vmem>>
        %dma_start3A_91 = arith.constant 0 : i32
        %dma_start3A_92 = arith.constant 0 : i32
        %dma_start3A_93 = tpu.memref_slice %arg10[%dma_start3A_91, %dma_start3A_92] : memref<10112x16xf32, #tpu.memory_space<vmem_shared>> -> memref<10112x16xf32, #tpu.memory_space<vmem_shared>>
        tpu.enqueue_indirect_dma source(%arg8 : memref<64x16xf32, #tpu.memory_space<vmem>>) target(%dma_start3A_93 : memref<10112x16xf32, #tpu.memory_space<vmem_shared>>) offsets(%dma_start3A_90 : memref<64xi32, #tpu.memory_space<vmem>>) semaphore(%run_scoped3A_87 : memref<!tpu.dma_semaphore, #tpu.memory_space<semaphore_mem>>) {add = true}
        %dma_wait3A_94 = arith.constant 0 : i32
        %dma_wait3A_95 = tpu.memref_slice %arg7[%mul3A_54, %dma_wait3A_94] : memref<158x64xi32, #tpu.memory_space<vmem>> -> memref<1x64xi32, #tpu.memory_space<vmem>>
        %dma_wait3A_96 = tpu.memref_squeeze %dma_wait3A_95 : memref<1x64xi32, #tpu.memory_space<vmem>> -> memref<64xi32, #tpu.memory_space<vmem>>
        %dma_wait3A_97 = arith.constant 0 : i32
        %dma_wait3A_98 = arith.constant 0 : i32
        %dma_wait3A_99 = tpu.memref_slice %arg10[%dma_wait3A_97, %dma_wait3A_98] : memref<10112x16xf32, #tpu.memory_space<vmem_shared>> -> memref<10112x16xf32, #tpu.memory_space<vmem_shared>>
        tpu.wait_indirect_dma semaphore(%run_scoped3A_87 : memref<!tpu.dma_semaphore, #tpu.memory_space<semaphore_mem>>) src(%arg8 : memref<64x16xf32, #tpu.memory_space<vmem>>) dst(%dma_wait3A_99 : memref<10112x16xf32, #tpu.memory_space<vmem_shared>>)
        tpu.yield
      }) : () -> ()
      %add3A_69 = arith.constant 2 : i32
      %add3A_70 = arith.addi %mul3A_54, %add3A_69 : i32
      %dma_start3A_71 = arith.constant 0 : i32
      %dma_start3A_72 = tpu.memref_slice %arg6[%add3A_70, %dma_start3A_71] : memref<158x64xi32, #tpu.memory_space<vmem>> -> memref<1x64xi32, #tpu.memory_space<vmem>>
      %dma_start3A_73 = tpu.memref_squeeze %dma_start3A_72 : memref<1x64xi32, #tpu.memory_space<vmem>> -> memref<64xi32, #tpu.memory_space<vmem>>
      %dma_start3A_74 = arith.constant 0 : i32
      %dma_start3A_75 = arith.constant 0 : i32
      %dma_start3A_76 = tpu.memref_slice %arg2[%dma_start3A_74, %dma_start3A_75] : memref<10112x16xf32, #tpu.memory_space<hbm>> -> memref<10112x16xf32, #tpu.memory_space<hbm>>
      tpu.enqueue_indirect_dma source(%dma_start3A_76 : memref<10112x16xf32, #tpu.memory_space<hbm>>) target(%arg8 : memref<64x16xf32, #tpu.memory_space<vmem>>) offsets(%dma_start3A_73 : memref<64xi32, #tpu.memory_space<vmem>>) semaphore(%arg11 : memref<!tpu.dma_semaphore, #tpu.memory_space<semaphore_mem>>)
      %add3A_77 = arith.constant 1 : i32
      %add3A_78 = arith.addi %mul3A_54, %add3A_77 : i32
      %dma_wait3A_79 = arith.constant 0 : i32
      %dma_wait3A_80 = tpu.memref_slice %arg6[%add3A_78, %dma_wait3A_79] : memref<158x64xi32, #tpu.memory_space<vmem>> -> memref<1x64xi32, #tpu.memory_space<vmem>>
      %dma_wait3A_81 = tpu.memref_squeeze %dma_wait3A_80 : memref<1x64xi32, #tpu.memory_space<vmem>> -> memref<64xi32, #tpu.memory_space<vmem>>
      %dma_wait3A_82 = arith.constant 0 : i32
      %dma_wait3A_83 = arith.constant 0 : i32
      %dma_wait3A_84 = tpu.memref_slice %arg2[%dma_wait3A_82, %dma_wait3A_83] : memref<10112x16xf32, #tpu.memory_space<hbm>> -> memref<10112x16xf32, #tpu.memory_space<hbm>>
      tpu.wait_indirect_dma semaphore(%arg12 : memref<!tpu.dma_semaphore, #tpu.memory_space<semaphore_mem>>) src(%dma_wait3A_84 : memref<10112x16xf32, #tpu.memory_space<hbm>>) dst(%arg9 : memref<64x16xf32, #tpu.memory_space<vmem>>)
      %add3A_85 = arith.constant 1 : i32
      %add3A_86 = arith.addi %mul3A_54, %add3A_85 : i32
      "tpu.region"() ({
        %run_scoped3A_87 = tpu.sem_alloc : memref<!tpu.dma_semaphore, #tpu.memory_space<semaphore_mem>>
        %dma_start3A_88 = arith.constant 0 : i32
        %dma_start3A_89 = tpu.memref_slice %arg7[%add3A_86, %dma_start3A_88] : memref<158x64xi32, #tpu.memory_space<vmem>> -> memref<1x64xi32, #tpu.memory_space<vmem>>
        %dma_start3A_90 = tpu.memref_squeeze %dma_start3A_89 : memref<1x64xi32, #tpu.memory_space<vmem>> -> memref<64xi32, #tpu.memory_space<vmem>>
        %dma_start3A_91 = arith.constant 0 : i32
        %dma_start3A_92 = arith.constant 0 : i32
        %dma_start3A_93 = tpu.memref_slice %arg10[%dma_start3A_91, %dma_start3A_92] : memref<10112x16xf32, #tpu.memory_space<vmem_shared>> -> memref<10112x16xf32, #tpu.memory_space<vmem_shared>>
        tpu.enqueue_indirect_dma source(%arg9 : memref<64x16xf32, #tpu.memory_space<vmem>>) target(%dma_start3A_93 : memref<10112x16xf32, #tpu.memory_space<vmem_shared>>) offsets(%dma_start3A_90 : memref<64xi32, #tpu.memory_space<vmem>>) semaphore(%run_scoped3A_87 : memref<!tpu.dma_semaphore, #tpu.memory_space<semaphore_mem>>) {add = true}
        %dma_wait3A_94 = arith.constant 0 : i32
        %dma_wait3A_95 = tpu.memref_slice %arg7[%add3A_86, %dma_wait3A_94] : memref<158x64xi32, #tpu.memory_space<vmem>> -> memref<1x64xi32, #tpu.memory_space<vmem>>
        %dma_wait3A_96 = tpu.memref_squeeze %dma_wait3A_95 : memref<1x64xi32, #tpu.memory_space<vmem>> -> memref<64xi32, #tpu.memory_space<vmem>>
        %dma_wait3A_97 = arith.constant 0 : i32
        %dma_wait3A_98 = arith.constant 0 : i32
        %dma_wait3A_99 = tpu.memref_slice %arg10[%dma_wait3A_97, %dma_wait3A_98] : memref<10112x16xf32, #tpu.memory_space<vmem_shared>> -> memref<10112x16xf32, #tpu.memory_space<vmem_shared>>
        tpu.wait_indirect_dma semaphore(%run_scoped3A_87 : memref<!tpu.dma_semaphore, #tpu.memory_space<semaphore_mem>>) src(%arg9 : memref<64x16xf32, #tpu.memory_space<vmem>>) dst(%dma_wait3A_99 : memref<10112x16xf32, #tpu.memory_space<vmem_shared>>)
        tpu.yield
      }) : () -> ()
    }
    %scan3A_29 = arith.constant 78 : i32
    %dma_start3A_30 = arith.constant 157 : i32
    %dma_start3A_31 = arith.constant 0 : i32
    %dma_start3A_32 = tpu.memref_slice %arg6[%dma_start3A_30, %dma_start3A_31] : memref<158x64xi32, #tpu.memory_space<vmem>> -> memref<1x64xi32, #tpu.memory_space<vmem>>
    %dma_start3A_33 = tpu.memref_squeeze %dma_start3A_32 : memref<1x64xi32, #tpu.memory_space<vmem>> -> memref<64xi32, #tpu.memory_space<vmem>>
    %dma_start3A_34 = arith.constant 0 : i32
    %dma_start3A_35 = arith.constant 0 : i32
    %dma_start3A_36 = tpu.memref_slice %arg2[%dma_start3A_34, %dma_start3A_35] : memref<10112x16xf32, #tpu.memory_space<hbm>> -> memref<10112x16xf32, #tpu.memory_space<hbm>>
    tpu.enqueue_indirect_dma source(%dma_start3A_36 : memref<10112x16xf32, #tpu.memory_space<hbm>>) target(%arg9 : memref<64x16xf32, #tpu.memory_space<vmem>>) offsets(%dma_start3A_33 : memref<64xi32, #tpu.memory_space<vmem>>) semaphore(%arg12 : memref<!tpu.dma_semaphore, #tpu.memory_space<semaphore_mem>>)
    %dma_wait3A = arith.constant 156 : i32
    %dma_wait3A_37 = arith.constant 0 : i32
    %dma_wait3A_38 = tpu.memref_slice %arg6[%dma_wait3A, %dma_wait3A_37] : memref<158x64xi32, #tpu.memory_space<vmem>> -> memref<1x64xi32, #tpu.memory_space<vmem>>
    %dma_wait3A_39 = tpu.memref_squeeze %dma_wait3A_38 : memref<1x64xi32, #tpu.memory_space<vmem>> -> memref<64xi32, #tpu.memory_space<vmem>>
    %dma_wait3A_40 = arith.constant 0 : i32
    %dma_wait3A_41 = arith.constant 0 : i32
    %dma_wait3A_42 = tpu.memref_slice %arg2[%dma_wait3A_40, %dma_wait3A_41] : memref<10112x16xf32, #tpu.memory_space<hbm>> -> memref<10112x16xf32, #tpu.memory_space<hbm>>
    tpu.wait_indirect_dma semaphore(%arg11 : memref<!tpu.dma_semaphore, #tpu.memory_space<semaphore_mem>>) src(%dma_wait3A_42 : memref<10112x16xf32, #tpu.memory_space<hbm>>) dst(%arg8 : memref<64x16xf32, #tpu.memory_space<vmem>>)
    %run_scoped3A = arith.constant 156 : i32
    "tpu.region"() ({
      %run_scoped3A_52 = tpu.sem_alloc : memref<!tpu.dma_semaphore, #tpu.memory_space<semaphore_mem>>
      %dma_start3A_53 = arith.constant 0 : i32
      %dma_start3A_54 = tpu.memref_slice %arg7[%run_scoped3A, %dma_start3A_53] : memref<158x64xi32, #tpu.memory_space<vmem>> -> memref<1x64xi32, #tpu.memory_space<vmem>>
      %dma_start3A_55 = tpu.memref_squeeze %dma_start3A_54 : memref<1x64xi32, #tpu.memory_space<vmem>> -> memref<64xi32, #tpu.memory_space<vmem>>
      %dma_start3A_56 = arith.constant 0 : i32
      %dma_start3A_57 = arith.constant 0 : i32
      %dma_start3A_58 = tpu.memref_slice %arg10[%dma_start3A_56, %dma_start3A_57] : memref<10112x16xf32, #tpu.memory_space<vmem_shared>> -> memref<10112x16xf32, #tpu.memory_space<vmem_shared>>
      tpu.enqueue_indirect_dma source(%arg8 : memref<64x16xf32, #tpu.memory_space<vmem>>) target(%dma_start3A_58 : memref<10112x16xf32, #tpu.memory_space<vmem_shared>>) offsets(%dma_start3A_55 : memref<64xi32, #tpu.memory_space<vmem>>) semaphore(%run_scoped3A_52 : memref<!tpu.dma_semaphore, #tpu.memory_space<semaphore_mem>>) {add = true}
      %dma_wait3A_59 = arith.constant 0 : i32
      %dma_wait3A_60 = tpu.memref_slice %arg7[%run_scoped3A, %dma_wait3A_59] : memref<158x64xi32, #tpu.memory_space<vmem>> -> memref<1x64xi32, #tpu.memory_space<vmem>>
      %dma_wait3A_61 = tpu.memref_squeeze %dma_wait3A_60 : memref<1x64xi32, #tpu.memory_space<vmem>> -> memref<64xi32, #tpu.memory_space<vmem>>
      %dma_wait3A_62 = arith.constant 0 : i32
      %dma_wait3A_63 = arith.constant 0 : i32
      %dma_wait3A_64 = tpu.memref_slice %arg10[%dma_wait3A_62, %dma_wait3A_63] : memref<10112x16xf32, #tpu.memory_space<vmem_shared>> -> memref<10112x16xf32, #tpu.memory_space<vmem_shared>>
      tpu.wait_indirect_dma semaphore(%run_scoped3A_52 : memref<!tpu.dma_semaphore, #tpu.memory_space<semaphore_mem>>) src(%arg8 : memref<64x16xf32, #tpu.memory_space<vmem>>) dst(%dma_wait3A_64 : memref<10112x16xf32, #tpu.memory_space<vmem_shared>>)
      tpu.yield
    }) : () -> ()
    %dma_wait3A_43 = arith.constant 157 : i32
    %dma_wait3A_44 = arith.constant 0 : i32
    %dma_wait3A_45 = tpu.memref_slice %arg6[%dma_wait3A_43, %dma_wait3A_44] : memref<158x64xi32, #tpu.memory_space<vmem>> -> memref<1x64xi32, #tpu.memory_space<vmem>>
    %dma_wait3A_46 = tpu.memref_squeeze %dma_wait3A_45 : memref<1x64xi32, #tpu.memory_space<vmem>> -> memref<64xi32, #tpu.memory_space<vmem>>
    %dma_wait3A_47 = arith.constant 0 : i32
    %dma_wait3A_48 = arith.constant 0 : i32
    %dma_wait3A_49 = tpu.memref_slice %arg2[%dma_wait3A_47, %dma_wait3A_48] : memref<10112x16xf32, #tpu.memory_space<hbm>> -> memref<10112x16xf32, #tpu.memory_space<hbm>>
    tpu.wait_indirect_dma semaphore(%arg12 : memref<!tpu.dma_semaphore, #tpu.memory_space<semaphore_mem>>) src(%dma_wait3A_49 : memref<10112x16xf32, #tpu.memory_space<hbm>>) dst(%arg9 : memref<64x16xf32, #tpu.memory_space<vmem>>)
    %run_scoped3A_50 = arith.constant 157 : i32
    "tpu.region"() ({
      %run_scoped3A_52 = tpu.sem_alloc : memref<!tpu.dma_semaphore, #tpu.memory_space<semaphore_mem>>
      %dma_start3A_53 = arith.constant 0 : i32
      %dma_start3A_54 = tpu.memref_slice %arg7[%run_scoped3A_50, %dma_start3A_53] : memref<158x64xi32, #tpu.memory_space<vmem>> -> memref<1x64xi32, #tpu.memory_space<vmem>>
      %dma_start3A_55 = tpu.memref_squeeze %dma_start3A_54 : memref<1x64xi32, #tpu.memory_space<vmem>> -> memref<64xi32, #tpu.memory_space<vmem>>
      %dma_start3A_56 = arith.constant 0 : i32
      %dma_start3A_57 = arith.constant 0 : i32
      %dma_start3A_58 = tpu.memref_slice %arg10[%dma_start3A_56, %dma_start3A_57] : memref<10112x16xf32, #tpu.memory_space<vmem_shared>> -> memref<10112x16xf32, #tpu.memory_space<vmem_shared>>
      tpu.enqueue_indirect_dma source(%arg9 : memref<64x16xf32, #tpu.memory_space<vmem>>) target(%dma_start3A_58 : memref<10112x16xf32, #tpu.memory_space<vmem_shared>>) offsets(%dma_start3A_55 : memref<64xi32, #tpu.memory_space<vmem>>) semaphore(%run_scoped3A_52 : memref<!tpu.dma_semaphore, #tpu.memory_space<semaphore_mem>>) {add = true}
      %dma_wait3A_59 = arith.constant 0 : i32
      %dma_wait3A_60 = tpu.memref_slice %arg7[%run_scoped3A_50, %dma_wait3A_59] : memref<158x64xi32, #tpu.memory_space<vmem>> -> memref<1x64xi32, #tpu.memory_space<vmem>>
      %dma_wait3A_61 = tpu.memref_squeeze %dma_wait3A_60 : memref<1x64xi32, #tpu.memory_space<vmem>> -> memref<64xi32, #tpu.memory_space<vmem>>
      %dma_wait3A_62 = arith.constant 0 : i32
      %dma_wait3A_63 = arith.constant 0 : i32
      %dma_wait3A_64 = tpu.memref_slice %arg10[%dma_wait3A_62, %dma_wait3A_63] : memref<10112x16xf32, #tpu.memory_space<vmem_shared>> -> memref<10112x16xf32, #tpu.memory_space<vmem_shared>>
      tpu.wait_indirect_dma semaphore(%run_scoped3A_52 : memref<!tpu.dma_semaphore, #tpu.memory_space<semaphore_mem>>) src(%arg9 : memref<64x16xf32, #tpu.memory_space<vmem>>) dst(%dma_wait3A_64 : memref<10112x16xf32, #tpu.memory_space<vmem_shared>>)
      tpu.yield
    }) : () -> ()
    %barrier3A_51 = arith.constant 0 : index
    tpu.barrier barrier_id(%barrier3A_51)
    "tpu.region"() ({
      %run_scoped3A_52 = tpu.sem_alloc : memref<!tpu.dma_semaphore, #tpu.memory_space<semaphore_mem>>
      %dma_start3A_53 = arith.constant 0 : i32
      %dma_start3A_54 = tpu.memref_slice %arg5[%arg0, %mul3A_9, %dma_start3A_53] : memref<2x10112x16xf32, #tpu.memory_space<hbm>> -> memref<1x632x16xf32, #tpu.memory_space<hbm>>
      %dma_start3A_55 = tpu.memref_squeeze %dma_start3A_54 : memref<1x632x16xf32, #tpu.memory_space<hbm>> -> memref<632x16xf32, #tpu.memory_space<hbm>>
      %dma_start3A_56 = arith.constant 0 : i32
      %dma_start3A_57 = tpu.memref_slice %arg10[%mul3A_9, %dma_start3A_56] : memref<10112x16xf32, #tpu.memory_space<vmem_shared>> -> memref<632x16xf32, #tpu.memory_space<vmem_shared>>
      tpu.enqueue_dma source(%dma_start3A_57 : memref<632x16xf32, #tpu.memory_space<vmem_shared>>) target(%dma_start3A_55 : memref<632x16xf32, #tpu.memory_space<hbm>>) target_semaphore(%run_scoped3A_52 : memref<!tpu.dma_semaphore, #tpu.memory_space<semaphore_mem>>)
      %dma_wait3A_58 = arith.constant 0 : i32
      %dma_wait3A_59 = tpu.memref_slice %arg5[%arg0, %mul3A_9, %dma_wait3A_58] : memref<2x10112x16xf32, #tpu.memory_space<hbm>> -> memref<1x632x16xf32, #tpu.memory_space<hbm>>
      %dma_wait3A_60 = tpu.memref_squeeze %dma_wait3A_59 : memref<1x632x16xf32, #tpu.memory_space<hbm>> -> memref<632x16xf32, #tpu.memory_space<hbm>>
      %dma_wait3A_61 = arith.constant 0 : i32
      %dma_wait3A_62 = tpu.memref_slice %arg10[%mul3A_9, %dma_wait3A_61] : memref<10112x16xf32, #tpu.memory_space<vmem_shared>> -> memref<632x16xf32, #tpu.memory_space<vmem_shared>>
      tpu.wait_dma2 semaphore(%run_scoped3A_52 : memref<!tpu.dma_semaphore, #tpu.memory_space<semaphore_mem>>) src(%dma_wait3A_62 : memref<632x16xf32, #tpu.memory_space<vmem_shared>>) dst(%dma_wait3A_60 : memref<632x16xf32, #tpu.memory_space<hbm>>)
      tpu.yield
    }) : () -> ()
    return
  }
}

#map = affine_map<(d0, d1) -> (0, 0)>
#map1 = affine_map<(d0, d1) -> (0, 0, 0)>
module attributes {stable_mosaic.version = 14 : i64} {
  func.func @sc_scatter(%arg0: i32, %arg1: i32, %arg2: memref<10112x128xf32, #tpu.memory_space<hbm>>, %arg3: memref<5204x64xi32, #tpu.memory_space<hbm>>, %arg4: memref<5204x64xi32, #tpu.memory_space<hbm>>, %arg5: memref<2x10112x128xf32, #tpu.memory_space<hbm>>, %arg6: memref<232x64xi32, #tpu.memory_space<vmem>>, %arg7: memref<232x64xi32, #tpu.memory_space<vmem>>, %arg8: memref<64x128xf32, #tpu.memory_space<vmem>>, %arg9: memref<64x128xf32, #tpu.memory_space<vmem>>, %arg10: memref<10112x128xf32, #tpu.memory_space<vmem_shared>>, %arg11: memref<!tpu.dma_semaphore, #tpu.memory_space<semaphore_mem>>, %arg12: memref<!tpu.dma_semaphore, #tpu.memory_space<semaphore_mem>>) attributes {dimension_semantics = [#tpu.dimension_semantics<core_parallel>, #tpu.dimension_semantics<subcore_parallel>], iteration_bounds = array<i64: 2, 16>, scalar_prefetch = 0 : i64, scratch_operands = 7 : i64, tpu.core_type = #tpu.core_type<sc_vector_subcore>, window_params = [{transform_indices = #map}, {transform_indices = #map}, {transform_indices = #map}, {transform_indices = #map1}]} {
    %eq3A = arith.constant 0 : i32
    %eq3A_0 = arith.cmpi eq, %arg0, %eq3A : i32
    %mul3A = arith.constant 232 : i32
    %mul3A_1 = arith.muli %arg1, %mul3A : i32
    %mul3A_2 = arith.constant 84 : i32
    %mul3A_3 = arith.muli %arg1, %mul3A_2 : i32
    %add3A = arith.constant 3712 : i32
    %add3A_4 = arith.addi %add3A, %mul3A_3 : i32
    %select_n3A = arith.select %eq3A_0, %mul3A_1, %add3A_4 : i32
    %eq3A_5 = arith.constant 0 : i32
    %eq3A_6 = arith.cmpi eq, %arg0, %eq3A_5 : i32
    %jit3A = arith.constant 232 : i32
    %jit3A_7 = arith.constant 84 : i32
    %select_n3A_8 = arith.select %eq3A_6, %jit3A, %jit3A_7 : i32
    "tpu.region"() ({
      %run_scoped3A = tpu.sem_alloc : memref<!tpu.dma_semaphore, #tpu.memory_space<semaphore_mem>>
      %dma_start3A_87 = arith.constant 0 : i32
      %dma_start3A_88 = tpu.memref_slice %arg3[%select_n3A, %dma_start3A_87] : memref<5204x64xi32, #tpu.memory_space<hbm>> -> memref<232x64xi32, #tpu.memory_space<hbm>>
      %dma_start3A_89 = arith.constant 0 : i32
      %dma_start3A_90 = tpu.memref_slice %arg3[%select_n3A, %dma_start3A_89] : memref<5204x64xi32, #tpu.memory_space<hbm>> -> memref<232x64xi32, #tpu.memory_space<hbm>>
      tpu.enqueue_dma source(%dma_start3A_90 : memref<232x64xi32, #tpu.memory_space<hbm>>) target(%arg6 : memref<232x64xi32, #tpu.memory_space<vmem>>) target_semaphore(%run_scoped3A : memref<!tpu.dma_semaphore, #tpu.memory_space<semaphore_mem>>)
      %dma_wait3A_91 = arith.constant 0 : i32
      %dma_wait3A_92 = tpu.memref_slice %arg3[%select_n3A, %dma_wait3A_91] : memref<5204x64xi32, #tpu.memory_space<hbm>> -> memref<232x64xi32, #tpu.memory_space<hbm>>
      %dma_wait3A_93 = arith.constant 0 : i32
      %dma_wait3A_94 = tpu.memref_slice %arg3[%select_n3A, %dma_wait3A_93] : memref<5204x64xi32, #tpu.memory_space<hbm>> -> memref<232x64xi32, #tpu.memory_space<hbm>>
      tpu.wait_dma2 semaphore(%run_scoped3A : memref<!tpu.dma_semaphore, #tpu.memory_space<semaphore_mem>>) src(%dma_wait3A_94 : memref<232x64xi32, #tpu.memory_space<hbm>>) dst(%arg6 : memref<232x64xi32, #tpu.memory_space<vmem>>)
      tpu.yield
    }) : () -> ()
    "tpu.region"() ({
      %run_scoped3A = tpu.sem_alloc : memref<!tpu.dma_semaphore, #tpu.memory_space<semaphore_mem>>
      %dma_start3A_87 = arith.constant 0 : i32
      %dma_start3A_88 = tpu.memref_slice %arg4[%select_n3A, %dma_start3A_87] : memref<5204x64xi32, #tpu.memory_space<hbm>> -> memref<232x64xi32, #tpu.memory_space<hbm>>
      %dma_start3A_89 = arith.constant 0 : i32
      %dma_start3A_90 = tpu.memref_slice %arg4[%select_n3A, %dma_start3A_89] : memref<5204x64xi32, #tpu.memory_space<hbm>> -> memref<232x64xi32, #tpu.memory_space<hbm>>
      tpu.enqueue_dma source(%dma_start3A_90 : memref<232x64xi32, #tpu.memory_space<hbm>>) target(%arg7 : memref<232x64xi32, #tpu.memory_space<vmem>>) target_semaphore(%run_scoped3A : memref<!tpu.dma_semaphore, #tpu.memory_space<semaphore_mem>>)
      %dma_wait3A_91 = arith.constant 0 : i32
      %dma_wait3A_92 = tpu.memref_slice %arg4[%select_n3A, %dma_wait3A_91] : memref<5204x64xi32, #tpu.memory_space<hbm>> -> memref<232x64xi32, #tpu.memory_space<hbm>>
      %dma_wait3A_93 = arith.constant 0 : i32
      %dma_wait3A_94 = tpu.memref_slice %arg4[%select_n3A, %dma_wait3A_93] : memref<5204x64xi32, #tpu.memory_space<hbm>> -> memref<232x64xi32, #tpu.memory_space<hbm>>
      tpu.wait_dma2 semaphore(%run_scoped3A : memref<!tpu.dma_semaphore, #tpu.memory_space<semaphore_mem>>) src(%dma_wait3A_94 : memref<232x64xi32, #tpu.memory_space<hbm>>) dst(%arg7 : memref<232x64xi32, #tpu.memory_space<vmem>>)
      tpu.yield
    }) : () -> ()
    %scan3A = arith.constant 0 : i32
    %scan3A_9 = arith.constant 0 : i32
    %scan3A_10 = arith.constant 64 : i32
    %scan3A_11 = arith.addi %scan3A_9, %scan3A_10 : i32
    %scan3A_12 = arith.constant 1 : i32
    scf.for %scan3A_87 = %scan3A_9 to %scan3A_11 step %scan3A_12  : i32 {
      %broadcast_in_dim3A = arith.constant 0.000000e+00 : f32
      %broadcast_in_dim3A_88 = vector.broadcast %broadcast_in_dim3A : f32 to vector<16xf32>
      %swap3A = arith.index_cast %scan3A_87 : i32 to index
      %swap3A_89 = arith.constant 0 : index
      %swap3A_90 = tpu.vector_load %arg8[%swap3A, %swap3A_89] {strides = array<i32>} : memref<64x128xf32, #tpu.memory_space<vmem>>, vector<1x16xf32>,
      %swap3A_91 = vector.shape_cast %swap3A_90 : vector<1x16xf32> to vector<16xf32>
      %swap3A_92 = vector.shape_cast %broadcast_in_dim3A_88 : vector<16xf32> to vector<1x16xf32>
      tpu.vector_store %arg8[%swap3A, %swap3A_89], %swap3A_92 {strides = array<i32>} : memref<64x128xf32, #tpu.memory_space<vmem>>, vector<1x16xf32>,
      %broadcast_in_dim3A_93 = arith.constant 0.000000e+00 : f32
      %broadcast_in_dim3A_94 = vector.broadcast %broadcast_in_dim3A_93 : f32 to vector<16xf32>
      %swap3A_95 = arith.index_cast %scan3A_87 : i32 to index
      %swap3A_96 = arith.constant 16 : index
      %swap3A_97 = tpu.vector_load %arg8[%swap3A_95, %swap3A_96] {strides = array<i32>} : memref<64x128xf32, #tpu.memory_space<vmem>>, vector<1x16xf32>,
      %swap3A_98 = vector.shape_cast %swap3A_97 : vector<1x16xf32> to vector<16xf32>
      %swap3A_99 = vector.shape_cast %broadcast_in_dim3A_94 : vector<16xf32> to vector<1x16xf32>
      tpu.vector_store %arg8[%swap3A_95, %swap3A_96], %swap3A_99 {strides = array<i32>} : memref<64x128xf32, #tpu.memory_space<vmem>>, vector<1x16xf32>,
      %broadcast_in_dim3A_100 = arith.constant 0.000000e+00 : f32
      %broadcast_in_dim3A_101 = vector.broadcast %broadcast_in_dim3A_100 : f32 to vector<16xf32>
      %swap3A_102 = arith.index_cast %scan3A_87 : i32 to index
      %swap3A_103 = arith.constant 32 : index
      %swap3A_104 = tpu.vector_load %arg8[%swap3A_102, %swap3A_103] {strides = array<i32>} : memref<64x128xf32, #tpu.memory_space<vmem>>, vector<1x16xf32>,
      %swap3A_105 = vector.shape_cast %swap3A_104 : vector<1x16xf32> to vector<16xf32>
      %swap3A_106 = vector.shape_cast %broadcast_in_dim3A_101 : vector<16xf32> to vector<1x16xf32>
      tpu.vector_store %arg8[%swap3A_102, %swap3A_103], %swap3A_106 {strides = array<i32>} : memref<64x128xf32, #tpu.memory_space<vmem>>, vector<1x16xf32>,
      %broadcast_in_dim3A_107 = arith.constant 0.000000e+00 : f32
      %broadcast_in_dim3A_108 = vector.broadcast %broadcast_in_dim3A_107 : f32 to vector<16xf32>
      %swap3A_109 = arith.index_cast %scan3A_87 : i32 to index
      %swap3A_110 = arith.constant 48 : index
      %swap3A_111 = tpu.vector_load %arg8[%swap3A_109, %swap3A_110] {strides = array<i32>} : memref<64x128xf32, #tpu.memory_space<vmem>>, vector<1x16xf32>,
      %swap3A_112 = vector.shape_cast %swap3A_111 : vector<1x16xf32> to vector<16xf32>
      %swap3A_113 = vector.shape_cast %broadcast_in_dim3A_108 : vector<16xf32> to vector<1x16xf32>
      tpu.vector_store %arg8[%swap3A_109, %swap3A_110], %swap3A_113 {strides = array<i32>} : memref<64x128xf32, #tpu.memory_space<vmem>>, vector<1x16xf32>,
      %broadcast_in_dim3A_114 = arith.constant 0.000000e+00 : f32
      %broadcast_in_dim3A_115 = vector.broadcast %broadcast_in_dim3A_114 : f32 to vector<16xf32>
      %swap3A_116 = arith.index_cast %scan3A_87 : i32 to index
      %swap3A_117 = arith.constant 64 : index
      %swap3A_118 = tpu.vector_load %arg8[%swap3A_116, %swap3A_117] {strides = array<i32>} : memref<64x128xf32, #tpu.memory_space<vmem>>, vector<1x16xf32>,
      %swap3A_119 = vector.shape_cast %swap3A_118 : vector<1x16xf32> to vector<16xf32>
      %swap3A_120 = vector.shape_cast %broadcast_in_dim3A_115 : vector<16xf32> to vector<1x16xf32>
      tpu.vector_store %arg8[%swap3A_116, %swap3A_117], %swap3A_120 {strides = array<i32>} : memref<64x128xf32, #tpu.memory_space<vmem>>, vector<1x16xf32>,
      %broadcast_in_dim3A_121 = arith.constant 0.000000e+00 : f32
      %broadcast_in_dim3A_122 = vector.broadcast %broadcast_in_dim3A_121 : f32 to vector<16xf32>
      %swap3A_123 = arith.index_cast %scan3A_87 : i32 to index
      %swap3A_124 = arith.constant 80 : index
      %swap3A_125 = tpu.vector_load %arg8[%swap3A_123, %swap3A_124] {strides = array<i32>} : memref<64x128xf32, #tpu.memory_space<vmem>>, vector<1x16xf32>,
      %swap3A_126 = vector.shape_cast %swap3A_125 : vector<1x16xf32> to vector<16xf32>
      %swap3A_127 = vector.shape_cast %broadcast_in_dim3A_122 : vector<16xf32> to vector<1x16xf32>
      tpu.vector_store %arg8[%swap3A_123, %swap3A_124], %swap3A_127 {strides = array<i32>} : memref<64x128xf32, #tpu.memory_space<vmem>>, vector<1x16xf32>,
      %broadcast_in_dim3A_128 = arith.constant 0.000000e+00 : f32
      %broadcast_in_dim3A_129 = vector.broadcast %broadcast_in_dim3A_128 : f32 to vector<16xf32>
      %swap3A_130 = arith.index_cast %scan3A_87 : i32 to index
      %swap3A_131 = arith.constant 96 : index
      %swap3A_132 = tpu.vector_load %arg8[%swap3A_130, %swap3A_131] {strides = array<i32>} : memref<64x128xf32, #tpu.memory_space<vmem>>, vector<1x16xf32>,
      %swap3A_133 = vector.shape_cast %swap3A_132 : vector<1x16xf32> to vector<16xf32>
      %swap3A_134 = vector.shape_cast %broadcast_in_dim3A_129 : vector<16xf32> to vector<1x16xf32>
      tpu.vector_store %arg8[%swap3A_130, %swap3A_131], %swap3A_134 {strides = array<i32>} : memref<64x128xf32, #tpu.memory_space<vmem>>, vector<1x16xf32>,
      %broadcast_in_dim3A_135 = arith.constant 0.000000e+00 : f32
      %broadcast_in_dim3A_136 = vector.broadcast %broadcast_in_dim3A_135 : f32 to vector<16xf32>
      %swap3A_137 = arith.index_cast %scan3A_87 : i32 to index
      %swap3A_138 = arith.constant 112 : index
      %swap3A_139 = tpu.vector_load %arg8[%swap3A_137, %swap3A_138] {strides = array<i32>} : memref<64x128xf32, #tpu.memory_space<vmem>>, vector<1x16xf32>,
      %swap3A_140 = vector.shape_cast %swap3A_139 : vector<1x16xf32> to vector<16xf32>
      %swap3A_141 = vector.shape_cast %broadcast_in_dim3A_136 : vector<16xf32> to vector<1x16xf32>
      tpu.vector_store %arg8[%swap3A_137, %swap3A_138], %swap3A_141 {strides = array<i32>} : memref<64x128xf32, #tpu.memory_space<vmem>>, vector<1x16xf32>,
    }
    %scan3A_13 = arith.constant 64 : i32
    %mul3A_14 = arith.constant 632 : i32
    %mul3A_15 = arith.muli %arg1, %mul3A_14 : i32
    %scan3A_16 = arith.constant 0 : i32
    %scan3A_17 = arith.constant 0 : i32
    %scan3A_18 = arith.constant 9 : i32
    %scan3A_19 = arith.addi %scan3A_17, %scan3A_18 : i32
    %scan3A_20 = arith.constant 1 : i32
    scf.for %scan3A_87 = %scan3A_17 to %scan3A_19 step %scan3A_20  : i32 {
      %mul3A_88 = arith.constant 64 : i32
      %mul3A_89 = arith.muli %scan3A_87, %mul3A_88 : i32
      %add3A_90 = arith.addi %mul3A_15, %mul3A_89 : i32
      "tpu.region"() ({
        %run_scoped3A = tpu.sem_alloc : memref<!tpu.dma_semaphore, #tpu.memory_space<semaphore_mem>>
        %dma_start3A_91 = arith.constant 0 : i32
        %dma_start3A_92 = tpu.memref_slice %arg10[%add3A_90, %dma_start3A_91] : memref<10112x128xf32, #tpu.memory_space<vmem_shared>> -> memref<64x128xf32, #tpu.memory_space<vmem_shared>>
        %dma_start3A_93 = arith.constant 0 : i32
        %dma_start3A_94 = tpu.memref_slice %arg10[%add3A_90, %dma_start3A_93] : memref<10112x128xf32, #tpu.memory_space<vmem_shared>> -> memref<64x128xf32, #tpu.memory_space<vmem_shared>>
        tpu.enqueue_dma source(%arg8 : memref<64x128xf32, #tpu.memory_space<vmem>>) target(%dma_start3A_94 : memref<64x128xf32, #tpu.memory_space<vmem_shared>>) target_semaphore(%run_scoped3A : memref<!tpu.dma_semaphore, #tpu.memory_space<semaphore_mem>>)
        %dma_wait3A_95 = arith.constant 0 : i32
        %dma_wait3A_96 = tpu.memref_slice %arg10[%add3A_90, %dma_wait3A_95] : memref<10112x128xf32, #tpu.memory_space<vmem_shared>> -> memref<64x128xf32, #tpu.memory_space<vmem_shared>>
        %dma_wait3A_97 = arith.constant 0 : i32
        %dma_wait3A_98 = tpu.memref_slice %arg10[%add3A_90, %dma_wait3A_97] : memref<10112x128xf32, #tpu.memory_space<vmem_shared>> -> memref<64x128xf32, #tpu.memory_space<vmem_shared>>
        tpu.wait_dma2 semaphore(%run_scoped3A : memref<!tpu.dma_semaphore, #tpu.memory_space<semaphore_mem>>) src(%arg8 : memref<64x128xf32, #tpu.memory_space<vmem>>) dst(%dma_wait3A_98 : memref<64x128xf32, #tpu.memory_space<vmem_shared>>)
        tpu.yield
      }) : () -> ()
    }
    %scan3A_21 = arith.constant 9 : i32
    %add3A_22 = arith.constant 576 : i32
    %add3A_23 = arith.addi %mul3A_15, %add3A_22 : i32
    "tpu.region"() ({
      %run_scoped3A = tpu.sem_alloc : memref<!tpu.dma_semaphore, #tpu.memory_space<semaphore_mem>>
      %dma_start3A_87 = arith.constant 0 : i32
      %dma_start3A_88 = arith.constant 0 : i32
      %dma_start3A_89 = tpu.memref_slice %arg8[%dma_start3A_87, %dma_start3A_88] : memref<64x128xf32, #tpu.memory_space<vmem>> -> memref<56x128xf32, #tpu.memory_space<vmem>>
      %dma_start3A_90 = arith.constant 0 : i32
      %dma_start3A_91 = tpu.memref_slice %arg10[%add3A_23, %dma_start3A_90] : memref<10112x128xf32, #tpu.memory_space<vmem_shared>> -> memref<56x128xf32, #tpu.memory_space<vmem_shared>>
      %dma_start3A_92 = arith.constant 0 : i32
      %dma_start3A_93 = tpu.memref_slice %arg10[%add3A_23, %dma_start3A_92] : memref<10112x128xf32, #tpu.memory_space<vmem_shared>> -> memref<56x128xf32, #tpu.memory_space<vmem_shared>>
      %dma_start3A_94 = arith.constant 0 : i32
      %dma_start3A_95 = arith.constant 0 : i32
      %dma_start3A_96 = tpu.memref_slice %arg8[%dma_start3A_94, %dma_start3A_95] : memref<64x128xf32, #tpu.memory_space<vmem>> -> memref<56x128xf32, #tpu.memory_space<vmem>>
      tpu.enqueue_dma source(%dma_start3A_96 : memref<56x128xf32, #tpu.memory_space<vmem>>) target(%dma_start3A_93 : memref<56x128xf32, #tpu.memory_space<vmem_shared>>) target_semaphore(%run_scoped3A : memref<!tpu.dma_semaphore, #tpu.memory_space<semaphore_mem>>)
      %dma_wait3A_97 = arith.constant 0 : i32
      %dma_wait3A_98 = arith.constant 0 : i32
      %dma_wait3A_99 = tpu.memref_slice %arg8[%dma_wait3A_97, %dma_wait3A_98] : memref<64x128xf32, #tpu.memory_space<vmem>> -> memref<56x128xf32, #tpu.memory_space<vmem>>
      %dma_wait3A_100 = arith.constant 0 : i32
      %dma_wait3A_101 = tpu.memref_slice %arg10[%add3A_23, %dma_wait3A_100] : memref<10112x128xf32, #tpu.memory_space<vmem_shared>> -> memref<56x128xf32, #tpu.memory_space<vmem_shared>>
      %dma_wait3A_102 = arith.constant 0 : i32
      %dma_wait3A_103 = tpu.memref_slice %arg10[%add3A_23, %dma_wait3A_102] : memref<10112x128xf32, #tpu.memory_space<vmem_shared>> -> memref<56x128xf32, #tpu.memory_space<vmem_shared>>
      %dma_wait3A_104 = arith.constant 0 : i32
      %dma_wait3A_105 = arith.constant 0 : i32
      %dma_wait3A_106 = tpu.memref_slice %arg8[%dma_wait3A_104, %dma_wait3A_105] : memref<64x128xf32, #tpu.memory_space<vmem>> -> memref<56x128xf32, #tpu.memory_space<vmem>>
      tpu.wait_dma2 semaphore(%run_scoped3A : memref<!tpu.dma_semaphore, #tpu.memory_space<semaphore_mem>>) src(%dma_wait3A_106 : memref<56x128xf32, #tpu.memory_space<vmem>>) dst(%dma_wait3A_103 : memref<56x128xf32, #tpu.memory_space<vmem_shared>>)
      tpu.yield
    }) : () -> ()
    %barrier3A = arith.constant 0 : index
    tpu.barrier barrier_id(%barrier3A)
    %dma_start3A = arith.constant 0 : i32
    %dma_start3A_24 = arith.constant 0 : i32
    %dma_start3A_25 = tpu.memref_slice %arg6[%dma_start3A, %dma_start3A_24] : memref<232x64xi32, #tpu.memory_space<vmem>> -> memref<1x64xi32, #tpu.memory_space<vmem>>
    %dma_start3A_26 = tpu.memref_squeeze %dma_start3A_25 : memref<1x64xi32, #tpu.memory_space<vmem>> -> memref<64xi32, #tpu.memory_space<vmem>>
    %dma_start3A_27 = arith.constant 0 : i32
    %dma_start3A_28 = arith.constant 0 : i32
    %dma_start3A_29 = tpu.memref_slice %arg2[%dma_start3A_27, %dma_start3A_28] : memref<10112x128xf32, #tpu.memory_space<hbm>> -> memref<10112x128xf32, #tpu.memory_space<hbm>>
    tpu.enqueue_indirect_dma source(%dma_start3A_29 : memref<10112x128xf32, #tpu.memory_space<hbm>>) target(%arg8 : memref<64x128xf32, #tpu.memory_space<vmem>>) offsets(%dma_start3A_26 : memref<64xi32, #tpu.memory_space<vmem>>) semaphore(%arg11 : memref<!tpu.dma_semaphore, #tpu.memory_space<semaphore_mem>>)
    %sub3A = arith.constant 2 : i32
    %sub3A_30 = arith.subi %select_n3A_8, %sub3A : i32
    %jit3A_31 = arith.constant 2 : i32
    %div3A = arith.divsi %sub3A_30, %jit3A_31 : i32
    %sign3A = arith.constant 0 : i32
    %sign3A_32 = arith.cmpi sgt, %sub3A_30, %sign3A : i32
    %sign3A_33 = arith.extui %sign3A_32 : i1 to i32
    %sign3A_34 = arith.constant 0 : i32
    %sign3A_35 = arith.cmpi slt, %sub3A_30, %sign3A_34 : i32
    %sign3A_36 = arith.extui %sign3A_35 : i1 to i32
    %sign3A_37 = arith.subi %sign3A_33, %sign3A_36 : i32
    %sign3A_38 = arith.constant 0 : i32
    %sign3A_39 = arith.cmpi sgt, %jit3A_31, %sign3A_38 : i32
    %sign3A_40 = arith.extui %sign3A_39 : i1 to i32
    %sign3A_41 = arith.constant 0 : i32
    %sign3A_42 = arith.cmpi slt, %jit3A_31, %sign3A_41 : i32
    %sign3A_43 = arith.extui %sign3A_42 : i1 to i32
    %sign3A_44 = arith.subi %sign3A_40, %sign3A_43 : i32
    %ne3A = arith.cmpi ne, %sign3A_37, %sign3A_44 : i32
    %rem3A = arith.remsi %sub3A_30, %jit3A_31 : i32
    %ne3A_45 = arith.constant 0 : i32
    %ne3A_46 = arith.cmpi ne, %rem3A, %ne3A_45 : i32
    %and3A = arith.andi %ne3A, %ne3A_46 : i1
    %sub3A_47 = arith.constant 1 : i32
    %sub3A_48 = arith.subi %div3A, %sub3A_47 : i32
    %select_n3A_49 = arith.select %and3A, %sub3A_48, %div3A : i32
    %while3A = arith.constant 0 : i32
    %while3A_50 = arith.constant 0 : i32
    %while3A_51 = arith.subi %select_n3A_49, %while3A_50 : i32
    %while3A_52 = arith.addi %while3A_50, %while3A_51 : i32
    %while3A_53 = arith.constant 1 : i32
    %while3A_54 = arith.divsi %while3A_51, %while3A_53 : i32
    %while3A_55 = arith.muli %while3A_54, %while3A_53 : i32
    %while3A_56 = arith.addi %while3A_50, %while3A_55 : i32
    %while3A_57 = arith.constant 1 : i32
    scf.for %while3A_87 = %while3A_50 to %while3A_56 step %while3A_57  : i32 {
      %mul3A_88 = arith.constant 2 : i32
      %mul3A_89 = arith.muli %mul3A_88, %while3A_87 : i32
      %add3A_90 = arith.constant 1 : i32
      %add3A_91 = arith.addi %mul3A_89, %add3A_90 : i32
      %dma_start3A_92 = arith.constant 0 : i32
      %dma_start3A_93 = tpu.memref_slice %arg6[%add3A_91, %dma_start3A_92] : memref<232x64xi32, #tpu.memory_space<vmem>> -> memref<1x64xi32, #tpu.memory_space<vmem>>
      %dma_start3A_94 = tpu.memref_squeeze %dma_start3A_93 : memref<1x64xi32, #tpu.memory_space<vmem>> -> memref<64xi32, #tpu.memory_space<vmem>>
      %dma_start3A_95 = arith.constant 0 : i32
      %dma_start3A_96 = arith.constant 0 : i32
      %dma_start3A_97 = tpu.memref_slice %arg2[%dma_start3A_95, %dma_start3A_96] : memref<10112x128xf32, #tpu.memory_space<hbm>> -> memref<10112x128xf32, #tpu.memory_space<hbm>>
      tpu.enqueue_indirect_dma source(%dma_start3A_97 : memref<10112x128xf32, #tpu.memory_space<hbm>>) target(%arg9 : memref<64x128xf32, #tpu.memory_space<vmem>>) offsets(%dma_start3A_94 : memref<64xi32, #tpu.memory_space<vmem>>) semaphore(%arg12 : memref<!tpu.dma_semaphore, #tpu.memory_space<semaphore_mem>>)
      %dma_wait3A_98 = arith.constant 0 : i32
      %dma_wait3A_99 = tpu.memref_slice %arg6[%mul3A_89, %dma_wait3A_98] : memref<232x64xi32, #tpu.memory_space<vmem>> -> memref<1x64xi32, #tpu.memory_space<vmem>>
      %dma_wait3A_100 = tpu.memref_squeeze %dma_wait3A_99 : memref<1x64xi32, #tpu.memory_space<vmem>> -> memref<64xi32, #tpu.memory_space<vmem>>
      %dma_wait3A_101 = arith.constant 0 : i32
      %dma_wait3A_102 = arith.constant 0 : i32
      %dma_wait3A_103 = tpu.memref_slice %arg2[%dma_wait3A_101, %dma_wait3A_102] : memref<10112x128xf32, #tpu.memory_space<hbm>> -> memref<10112x128xf32, #tpu.memory_space<hbm>>
      tpu.wait_indirect_dma semaphore(%arg11 : memref<!tpu.dma_semaphore, #tpu.memory_space<semaphore_mem>>) src(%dma_wait3A_103 : memref<10112x128xf32, #tpu.memory_space<hbm>>) dst(%arg8 : memref<64x128xf32, #tpu.memory_space<vmem>>)
      "tpu.region"() ({
        %run_scoped3A = tpu.sem_alloc : memref<!tpu.dma_semaphore, #tpu.memory_space<semaphore_mem>>
        %dma_start3A_122 = arith.constant 0 : i32
        %dma_start3A_123 = tpu.memref_slice %arg7[%mul3A_89, %dma_start3A_122] : memref<232x64xi32, #tpu.memory_space<vmem>> -> memref<1x64xi32, #tpu.memory_space<vmem>>
        %dma_start3A_124 = tpu.memref_squeeze %dma_start3A_123 : memref<1x64xi32, #tpu.memory_space<vmem>> -> memref<64xi32, #tpu.memory_space<vmem>>
        %dma_start3A_125 = arith.constant 0 : i32
        %dma_start3A_126 = arith.constant 0 : i32
        %dma_start3A_127 = tpu.memref_slice %arg10[%dma_start3A_125, %dma_start3A_126] : memref<10112x128xf32, #tpu.memory_space<vmem_shared>> -> memref<10112x128xf32, #tpu.memory_space<vmem_shared>>
        tpu.enqueue_indirect_dma source(%arg8 : memref<64x128xf32, #tpu.memory_space<vmem>>) target(%dma_start3A_127 : memref<10112x128xf32, #tpu.memory_space<vmem_shared>>) offsets(%dma_start3A_124 : memref<64xi32, #tpu.memory_space<vmem>>) semaphore(%run_scoped3A : memref<!tpu.dma_semaphore, #tpu.memory_space<semaphore_mem>>) {add = true}
        %dma_wait3A_128 = arith.constant 0 : i32
        %dma_wait3A_129 = tpu.memref_slice %arg7[%mul3A_89, %dma_wait3A_128] : memref<232x64xi32, #tpu.memory_space<vmem>> -> memref<1x64xi32, #tpu.memory_space<vmem>>
        %dma_wait3A_130 = tpu.memref_squeeze %dma_wait3A_129 : memref<1x64xi32, #tpu.memory_space<vmem>> -> memref<64xi32, #tpu.memory_space<vmem>>
        %dma_wait3A_131 = arith.constant 0 : i32
        %dma_wait3A_132 = arith.constant 0 : i32
        %dma_wait3A_133 = tpu.memref_slice %arg10[%dma_wait3A_131, %dma_wait3A_132] : memref<10112x128xf32, #tpu.memory_space<vmem_shared>> -> memref<10112x128xf32, #tpu.memory_space<vmem_shared>>
        tpu.wait_indirect_dma semaphore(%run_scoped3A : memref<!tpu.dma_semaphore, #tpu.memory_space<semaphore_mem>>) src(%arg8 : memref<64x128xf32, #tpu.memory_space<vmem>>) dst(%dma_wait3A_133 : memref<10112x128xf32, #tpu.memory_space<vmem_shared>>)
        tpu.yield
      }) : () -> ()
      %add3A_104 = arith.constant 2 : i32
      %add3A_105 = arith.addi %mul3A_89, %add3A_104 : i32
      %dma_start3A_106 = arith.constant 0 : i32
      %dma_start3A_107 = tpu.memref_slice %arg6[%add3A_105, %dma_start3A_106] : memref<232x64xi32, #tpu.memory_space<vmem>> -> memref<1x64xi32, #tpu.memory_space<vmem>>
      %dma_start3A_108 = tpu.memref_squeeze %dma_start3A_107 : memref<1x64xi32, #tpu.memory_space<vmem>> -> memref<64xi32, #tpu.memory_space<vmem>>
      %dma_start3A_109 = arith.constant 0 : i32
      %dma_start3A_110 = arith.constant 0 : i32
      %dma_start3A_111 = tpu.memref_slice %arg2[%dma_start3A_109, %dma_start3A_110] : memref<10112x128xf32, #tpu.memory_space<hbm>> -> memref<10112x128xf32, #tpu.memory_space<hbm>>
      tpu.enqueue_indirect_dma source(%dma_start3A_111 : memref<10112x128xf32, #tpu.memory_space<hbm>>) target(%arg8 : memref<64x128xf32, #tpu.memory_space<vmem>>) offsets(%dma_start3A_108 : memref<64xi32, #tpu.memory_space<vmem>>) semaphore(%arg11 : memref<!tpu.dma_semaphore, #tpu.memory_space<semaphore_mem>>)
      %add3A_112 = arith.constant 1 : i32
      %add3A_113 = arith.addi %mul3A_89, %add3A_112 : i32
      %dma_wait3A_114 = arith.constant 0 : i32
      %dma_wait3A_115 = tpu.memref_slice %arg6[%add3A_113, %dma_wait3A_114] : memref<232x64xi32, #tpu.memory_space<vmem>> -> memref<1x64xi32, #tpu.memory_space<vmem>>
      %dma_wait3A_116 = tpu.memref_squeeze %dma_wait3A_115 : memref<1x64xi32, #tpu.memory_space<vmem>> -> memref<64xi32, #tpu.memory_space<vmem>>
      %dma_wait3A_117 = arith.constant 0 : i32
      %dma_wait3A_118 = arith.constant 0 : i32
      %dma_wait3A_119 = tpu.memref_slice %arg2[%dma_wait3A_117, %dma_wait3A_118] : memref<10112x128xf32, #tpu.memory_space<hbm>> -> memref<10112x128xf32, #tpu.memory_space<hbm>>
      tpu.wait_indirect_dma semaphore(%arg12 : memref<!tpu.dma_semaphore, #tpu.memory_space<semaphore_mem>>) src(%dma_wait3A_119 : memref<10112x128xf32, #tpu.memory_space<hbm>>) dst(%arg9 : memref<64x128xf32, #tpu.memory_space<vmem>>)
      %add3A_120 = arith.constant 1 : i32
      %add3A_121 = arith.addi %mul3A_89, %add3A_120 : i32
      "tpu.region"() ({
        %run_scoped3A = tpu.sem_alloc : memref<!tpu.dma_semaphore, #tpu.memory_space<semaphore_mem>>
        %dma_start3A_122 = arith.constant 0 : i32
        %dma_start3A_123 = tpu.memref_slice %arg7[%add3A_121, %dma_start3A_122] : memref<232x64xi32, #tpu.memory_space<vmem>> -> memref<1x64xi32, #tpu.memory_space<vmem>>
        %dma_start3A_124 = tpu.memref_squeeze %dma_start3A_123 : memref<1x64xi32, #tpu.memory_space<vmem>> -> memref<64xi32, #tpu.memory_space<vmem>>
        %dma_start3A_125 = arith.constant 0 : i32
        %dma_start3A_126 = arith.constant 0 : i32
        %dma_start3A_127 = tpu.memref_slice %arg10[%dma_start3A_125, %dma_start3A_126] : memref<10112x128xf32, #tpu.memory_space<vmem_shared>> -> memref<10112x128xf32, #tpu.memory_space<vmem_shared>>
        tpu.enqueue_indirect_dma source(%arg9 : memref<64x128xf32, #tpu.memory_space<vmem>>) target(%dma_start3A_127 : memref<10112x128xf32, #tpu.memory_space<vmem_shared>>) offsets(%dma_start3A_124 : memref<64xi32, #tpu.memory_space<vmem>>) semaphore(%run_scoped3A : memref<!tpu.dma_semaphore, #tpu.memory_space<semaphore_mem>>) {add = true}
        %dma_wait3A_128 = arith.constant 0 : i32
        %dma_wait3A_129 = tpu.memref_slice %arg7[%add3A_121, %dma_wait3A_128] : memref<232x64xi32, #tpu.memory_space<vmem>> -> memref<1x64xi32, #tpu.memory_space<vmem>>
        %dma_wait3A_130 = tpu.memref_squeeze %dma_wait3A_129 : memref<1x64xi32, #tpu.memory_space<vmem>> -> memref<64xi32, #tpu.memory_space<vmem>>
        %dma_wait3A_131 = arith.constant 0 : i32
        %dma_wait3A_132 = arith.constant 0 : i32
        %dma_wait3A_133 = tpu.memref_slice %arg10[%dma_wait3A_131, %dma_wait3A_132] : memref<10112x128xf32, #tpu.memory_space<vmem_shared>> -> memref<10112x128xf32, #tpu.memory_space<vmem_shared>>
        tpu.wait_indirect_dma semaphore(%run_scoped3A : memref<!tpu.dma_semaphore, #tpu.memory_space<semaphore_mem>>) src(%arg9 : memref<64x128xf32, #tpu.memory_space<vmem>>) dst(%dma_wait3A_133 : memref<10112x128xf32, #tpu.memory_space<vmem_shared>>)
        tpu.yield
      }) : () -> ()
    }
    %while3A_58 = arith.constant 1 : i32
    scf.for %while3A_87 = %while3A_56 to %while3A_52 step %while3A_58  : i32 {
      %mul3A_88 = arith.constant 2 : i32
      %mul3A_89 = arith.muli %mul3A_88, %while3A_87 : i32
      %add3A_90 = arith.constant 1 : i32
      %add3A_91 = arith.addi %mul3A_89, %add3A_90 : i32
      %dma_start3A_92 = arith.constant 0 : i32
      %dma_start3A_93 = tpu.memref_slice %arg6[%add3A_91, %dma_start3A_92] : memref<232x64xi32, #tpu.memory_space<vmem>> -> memref<1x64xi32, #tpu.memory_space<vmem>>
      %dma_start3A_94 = tpu.memref_squeeze %dma_start3A_93 : memref<1x64xi32, #tpu.memory_space<vmem>> -> memref<64xi32, #tpu.memory_space<vmem>>
      %dma_start3A_95 = arith.constant 0 : i32
      %dma_start3A_96 = arith.constant 0 : i32
      %dma_start3A_97 = tpu.memref_slice %arg2[%dma_start3A_95, %dma_start3A_96] : memref<10112x128xf32, #tpu.memory_space<hbm>> -> memref<10112x128xf32, #tpu.memory_space<hbm>>
      tpu.enqueue_indirect_dma source(%dma_start3A_97 : memref<10112x128xf32, #tpu.memory_space<hbm>>) target(%arg9 : memref<64x128xf32, #tpu.memory_space<vmem>>) offsets(%dma_start3A_94 : memref<64xi32, #tpu.memory_space<vmem>>) semaphore(%arg12 : memref<!tpu.dma_semaphore, #tpu.memory_space<semaphore_mem>>)
      %dma_wait3A_98 = arith.constant 0 : i32
      %dma_wait3A_99 = tpu.memref_slice %arg6[%mul3A_89, %dma_wait3A_98] : memref<232x64xi32, #tpu.memory_space<vmem>> -> memref<1x64xi32, #tpu.memory_space<vmem>>
      %dma_wait3A_100 = tpu.memref_squeeze %dma_wait3A_99 : memref<1x64xi32, #tpu.memory_space<vmem>> -> memref<64xi32, #tpu.memory_space<vmem>>
      %dma_wait3A_101 = arith.constant 0 : i32
      %dma_wait3A_102 = arith.constant 0 : i32
      %dma_wait3A_103 = tpu.memref_slice %arg2[%dma_wait3A_101, %dma_wait3A_102] : memref<10112x128xf32, #tpu.memory_space<hbm>> -> memref<10112x128xf32, #tpu.memory_space<hbm>>
      tpu.wait_indirect_dma semaphore(%arg11 : memref<!tpu.dma_semaphore, #tpu.memory_space<semaphore_mem>>) src(%dma_wait3A_103 : memref<10112x128xf32, #tpu.memory_space<hbm>>) dst(%arg8 : memref<64x128xf32, #tpu.memory_space<vmem>>)
      "tpu.region"() ({
        %run_scoped3A = tpu.sem_alloc : memref<!tpu.dma_semaphore, #tpu.memory_space<semaphore_mem>>
        %dma_start3A_122 = arith.constant 0 : i32
        %dma_start3A_123 = tpu.memref_slice %arg7[%mul3A_89, %dma_start3A_122] : memref<232x64xi32, #tpu.memory_space<vmem>> -> memref<1x64xi32, #tpu.memory_space<vmem>>
        %dma_start3A_124 = tpu.memref_squeeze %dma_start3A_123 : memref<1x64xi32, #tpu.memory_space<vmem>> -> memref<64xi32, #tpu.memory_space<vmem>>
        %dma_start3A_125 = arith.constant 0 : i32
        %dma_start3A_126 = arith.constant 0 : i32
        %dma_start3A_127 = tpu.memref_slice %arg10[%dma_start3A_125, %dma_start3A_126] : memref<10112x128xf32, #tpu.memory_space<vmem_shared>> -> memref<10112x128xf32, #tpu.memory_space<vmem_shared>>
        tpu.enqueue_indirect_dma source(%arg8 : memref<64x128xf32, #tpu.memory_space<vmem>>) target(%dma_start3A_127 : memref<10112x128xf32, #tpu.memory_space<vmem_shared>>) offsets(%dma_start3A_124 : memref<64xi32, #tpu.memory_space<vmem>>) semaphore(%run_scoped3A : memref<!tpu.dma_semaphore, #tpu.memory_space<semaphore_mem>>) {add = true}
        %dma_wait3A_128 = arith.constant 0 : i32
        %dma_wait3A_129 = tpu.memref_slice %arg7[%mul3A_89, %dma_wait3A_128] : memref<232x64xi32, #tpu.memory_space<vmem>> -> memref<1x64xi32, #tpu.memory_space<vmem>>
        %dma_wait3A_130 = tpu.memref_squeeze %dma_wait3A_129 : memref<1x64xi32, #tpu.memory_space<vmem>> -> memref<64xi32, #tpu.memory_space<vmem>>
        %dma_wait3A_131 = arith.constant 0 : i32
        %dma_wait3A_132 = arith.constant 0 : i32
        %dma_wait3A_133 = tpu.memref_slice %arg10[%dma_wait3A_131, %dma_wait3A_132] : memref<10112x128xf32, #tpu.memory_space<vmem_shared>> -> memref<10112x128xf32, #tpu.memory_space<vmem_shared>>
        tpu.wait_indirect_dma semaphore(%run_scoped3A : memref<!tpu.dma_semaphore, #tpu.memory_space<semaphore_mem>>) src(%arg8 : memref<64x128xf32, #tpu.memory_space<vmem>>) dst(%dma_wait3A_133 : memref<10112x128xf32, #tpu.memory_space<vmem_shared>>)
        tpu.yield
      }) : () -> ()
      %add3A_104 = arith.constant 2 : i32
      %add3A_105 = arith.addi %mul3A_89, %add3A_104 : i32
      %dma_start3A_106 = arith.constant 0 : i32
      %dma_start3A_107 = tpu.memref_slice %arg6[%add3A_105, %dma_start3A_106] : memref<232x64xi32, #tpu.memory_space<vmem>> -> memref<1x64xi32, #tpu.memory_space<vmem>>
      %dma_start3A_108 = tpu.memref_squeeze %dma_start3A_107 : memref<1x64xi32, #tpu.memory_space<vmem>> -> memref<64xi32, #tpu.memory_space<vmem>>
      %dma_start3A_109 = arith.constant 0 : i32
      %dma_start3A_110 = arith.constant 0 : i32
      %dma_start3A_111 = tpu.memref_slice %arg2[%dma_start3A_109, %dma_start3A_110] : memref<10112x128xf32, #tpu.memory_space<hbm>> -> memref<10112x128xf32, #tpu.memory_space<hbm>>
      tpu.enqueue_indirect_dma source(%dma_start3A_111 : memref<10112x128xf32, #tpu.memory_space<hbm>>) target(%arg8 : memref<64x128xf32, #tpu.memory_space<vmem>>) offsets(%dma_start3A_108 : memref<64xi32, #tpu.memory_space<vmem>>) semaphore(%arg11 : memref<!tpu.dma_semaphore, #tpu.memory_space<semaphore_mem>>)
      %add3A_112 = arith.constant 1 : i32
      %add3A_113 = arith.addi %mul3A_89, %add3A_112 : i32
      %dma_wait3A_114 = arith.constant 0 : i32
      %dma_wait3A_115 = tpu.memref_slice %arg6[%add3A_113, %dma_wait3A_114] : memref<232x64xi32, #tpu.memory_space<vmem>> -> memref<1x64xi32, #tpu.memory_space<vmem>>
      %dma_wait3A_116 = tpu.memref_squeeze %dma_wait3A_115 : memref<1x64xi32, #tpu.memory_space<vmem>> -> memref<64xi32, #tpu.memory_space<vmem>>
      %dma_wait3A_117 = arith.constant 0 : i32
      %dma_wait3A_118 = arith.constant 0 : i32
      %dma_wait3A_119 = tpu.memref_slice %arg2[%dma_wait3A_117, %dma_wait3A_118] : memref<10112x128xf32, #tpu.memory_space<hbm>> -> memref<10112x128xf32, #tpu.memory_space<hbm>>
      tpu.wait_indirect_dma semaphore(%arg12 : memref<!tpu.dma_semaphore, #tpu.memory_space<semaphore_mem>>) src(%dma_wait3A_119 : memref<10112x128xf32, #tpu.memory_space<hbm>>) dst(%arg9 : memref<64x128xf32, #tpu.memory_space<vmem>>)
      %add3A_120 = arith.constant 1 : i32
      %add3A_121 = arith.addi %mul3A_89, %add3A_120 : i32
      "tpu.region"() ({
        %run_scoped3A = tpu.sem_alloc : memref<!tpu.dma_semaphore, #tpu.memory_space<semaphore_mem>>
        %dma_start3A_122 = arith.constant 0 : i32
        %dma_start3A_123 = tpu.memref_slice %arg7[%add3A_121, %dma_start3A_122] : memref<232x64xi32, #tpu.memory_space<vmem>> -> memref<1x64xi32, #tpu.memory_space<vmem>>
        %dma_start3A_124 = tpu.memref_squeeze %dma_start3A_123 : memref<1x64xi32, #tpu.memory_space<vmem>> -> memref<64xi32, #tpu.memory_space<vmem>>
        %dma_start3A_125 = arith.constant 0 : i32
        %dma_start3A_126 = arith.constant 0 : i32
        %dma_start3A_127 = tpu.memref_slice %arg10[%dma_start3A_125, %dma_start3A_126] : memref<10112x128xf32, #tpu.memory_space<vmem_shared>> -> memref<10112x128xf32, #tpu.memory_space<vmem_shared>>
        tpu.enqueue_indirect_dma source(%arg9 : memref<64x128xf32, #tpu.memory_space<vmem>>) target(%dma_start3A_127 : memref<10112x128xf32, #tpu.memory_space<vmem_shared>>) offsets(%dma_start3A_124 : memref<64xi32, #tpu.memory_space<vmem>>) semaphore(%run_scoped3A : memref<!tpu.dma_semaphore, #tpu.memory_space<semaphore_mem>>) {add = true}
        %dma_wait3A_128 = arith.constant 0 : i32
        %dma_wait3A_129 = tpu.memref_slice %arg7[%add3A_121, %dma_wait3A_128] : memref<232x64xi32, #tpu.memory_space<vmem>> -> memref<1x64xi32, #tpu.memory_space<vmem>>
        %dma_wait3A_130 = tpu.memref_squeeze %dma_wait3A_129 : memref<1x64xi32, #tpu.memory_space<vmem>> -> memref<64xi32, #tpu.memory_space<vmem>>
        %dma_wait3A_131 = arith.constant 0 : i32
        %dma_wait3A_132 = arith.constant 0 : i32
        %dma_wait3A_133 = tpu.memref_slice %arg10[%dma_wait3A_131, %dma_wait3A_132] : memref<10112x128xf32, #tpu.memory_space<vmem_shared>> -> memref<10112x128xf32, #tpu.memory_space<vmem_shared>>
        tpu.wait_indirect_dma semaphore(%run_scoped3A : memref<!tpu.dma_semaphore, #tpu.memory_space<semaphore_mem>>) src(%arg9 : memref<64x128xf32, #tpu.memory_space<vmem>>) dst(%dma_wait3A_133 : memref<10112x128xf32, #tpu.memory_space<vmem_shared>>)
        tpu.yield
      }) : () -> ()
    }
    %sub3A_59 = arith.constant 1 : i32
    %sub3A_60 = arith.subi %select_n3A_8, %sub3A_59 : i32
    %dma_start3A_61 = arith.constant 0 : i32
    %dma_start3A_62 = tpu.memref_slice %arg6[%sub3A_60, %dma_start3A_61] : memref<232x64xi32, #tpu.memory_space<vmem>> -> memref<1x64xi32, #tpu.memory_space<vmem>>
    %dma_start3A_63 = tpu.memref_squeeze %dma_start3A_62 : memref<1x64xi32, #tpu.memory_space<vmem>> -> memref<64xi32, #tpu.memory_space<vmem>>
    %dma_start3A_64 = arith.constant 0 : i32
    %dma_start3A_65 = arith.constant 0 : i32
    %dma_start3A_66 = tpu.memref_slice %arg2[%dma_start3A_64, %dma_start3A_65] : memref<10112x128xf32, #tpu.memory_space<hbm>> -> memref<10112x128xf32, #tpu.memory_space<hbm>>
    tpu.enqueue_indirect_dma source(%dma_start3A_66 : memref<10112x128xf32, #tpu.memory_space<hbm>>) target(%arg9 : memref<64x128xf32, #tpu.memory_space<vmem>>) offsets(%dma_start3A_63 : memref<64xi32, #tpu.memory_space<vmem>>) semaphore(%arg12 : memref<!tpu.dma_semaphore, #tpu.memory_space<semaphore_mem>>)
    %sub3A_67 = arith.constant 2 : i32
    %sub3A_68 = arith.subi %select_n3A_8, %sub3A_67 : i32
    %dma_wait3A = arith.constant 0 : i32
    %dma_wait3A_69 = tpu.memref_slice %arg6[%sub3A_68, %dma_wait3A] : memref<232x64xi32, #tpu.memory_space<vmem>> -> memref<1x64xi32, #tpu.memory_space<vmem>>
    %dma_wait3A_70 = tpu.memref_squeeze %dma_wait3A_69 : memref<1x64xi32, #tpu.memory_space<vmem>> -> memref<64xi32, #tpu.memory_space<vmem>>
    %dma_wait3A_71 = arith.constant 0 : i32
    %dma_wait3A_72 = arith.constant 0 : i32
    %dma_wait3A_73 = tpu.memref_slice %arg2[%dma_wait3A_71, %dma_wait3A_72] : memref<10112x128xf32, #tpu.memory_space<hbm>> -> memref<10112x128xf32, #tpu.memory_space<hbm>>
    tpu.wait_indirect_dma semaphore(%arg11 : memref<!tpu.dma_semaphore, #tpu.memory_space<semaphore_mem>>) src(%dma_wait3A_73 : memref<10112x128xf32, #tpu.memory_space<hbm>>) dst(%arg8 : memref<64x128xf32, #tpu.memory_space<vmem>>)
    %sub3A_74 = arith.constant 2 : i32
    %sub3A_75 = arith.subi %select_n3A_8, %sub3A_74 : i32
    "tpu.region"() ({
      %run_scoped3A = tpu.sem_alloc : memref<!tpu.dma_semaphore, #tpu.memory_space<semaphore_mem>>
      %dma_start3A_87 = arith.constant 0 : i32
      %dma_start3A_88 = tpu.memref_slice %arg7[%sub3A_75, %dma_start3A_87] : memref<232x64xi32, #tpu.memory_space<vmem>> -> memref<1x64xi32, #tpu.memory_space<vmem>>
      %dma_start3A_89 = tpu.memref_squeeze %dma_start3A_88 : memref<1x64xi32, #tpu.memory_space<vmem>> -> memref<64xi32, #tpu.memory_space<vmem>>
      %dma_start3A_90 = arith.constant 0 : i32
      %dma_start3A_91 = arith.constant 0 : i32
      %dma_start3A_92 = tpu.memref_slice %arg10[%dma_start3A_90, %dma_start3A_91] : memref<10112x128xf32, #tpu.memory_space<vmem_shared>> -> memref<10112x128xf32, #tpu.memory_space<vmem_shared>>
      tpu.enqueue_indirect_dma source(%arg8 : memref<64x128xf32, #tpu.memory_space<vmem>>) target(%dma_start3A_92 : memref<10112x128xf32, #tpu.memory_space<vmem_shared>>) offsets(%dma_start3A_89 : memref<64xi32, #tpu.memory_space<vmem>>) semaphore(%run_scoped3A : memref<!tpu.dma_semaphore, #tpu.memory_space<semaphore_mem>>) {add = true}
      %dma_wait3A_93 = arith.constant 0 : i32
      %dma_wait3A_94 = tpu.memref_slice %arg7[%sub3A_75, %dma_wait3A_93] : memref<232x64xi32, #tpu.memory_space<vmem>> -> memref<1x64xi32, #tpu.memory_space<vmem>>
      %dma_wait3A_95 = tpu.memref_squeeze %dma_wait3A_94 : memref<1x64xi32, #tpu.memory_space<vmem>> -> memref<64xi32, #tpu.memory_space<vmem>>
      %dma_wait3A_96 = arith.constant 0 : i32
      %dma_wait3A_97 = arith.constant 0 : i32
      %dma_wait3A_98 = tpu.memref_slice %arg10[%dma_wait3A_96, %dma_wait3A_97] : memref<10112x128xf32, #tpu.memory_space<vmem_shared>> -> memref<10112x128xf32, #tpu.memory_space<vmem_shared>>
      tpu.wait_indirect_dma semaphore(%run_scoped3A : memref<!tpu.dma_semaphore, #tpu.memory_space<semaphore_mem>>) src(%arg8 : memref<64x128xf32, #tpu.memory_space<vmem>>) dst(%dma_wait3A_98 : memref<10112x128xf32, #tpu.memory_space<vmem_shared>>)
      tpu.yield
    }) : () -> ()
    %sub3A_76 = arith.constant 1 : i32
    %sub3A_77 = arith.subi %select_n3A_8, %sub3A_76 : i32
    %dma_wait3A_78 = arith.constant 0 : i32
    %dma_wait3A_79 = tpu.memref_slice %arg6[%sub3A_77, %dma_wait3A_78] : memref<232x64xi32, #tpu.memory_space<vmem>> -> memref<1x64xi32, #tpu.memory_space<vmem>>
    %dma_wait3A_80 = tpu.memref_squeeze %dma_wait3A_79 : memref<1x64xi32, #tpu.memory_space<vmem>> -> memref<64xi32, #tpu.memory_space<vmem>>
    %dma_wait3A_81 = arith.constant 0 : i32
    %dma_wait3A_82 = arith.constant 0 : i32
    %dma_wait3A_83 = tpu.memref_slice %arg2[%dma_wait3A_81, %dma_wait3A_82] : memref<10112x128xf32, #tpu.memory_space<hbm>> -> memref<10112x128xf32, #tpu.memory_space<hbm>>
    tpu.wait_indirect_dma semaphore(%arg12 : memref<!tpu.dma_semaphore, #tpu.memory_space<semaphore_mem>>) src(%dma_wait3A_83 : memref<10112x128xf32, #tpu.memory_space<hbm>>) dst(%arg9 : memref<64x128xf32, #tpu.memory_space<vmem>>)
    %sub3A_84 = arith.constant 1 : i32
    %sub3A_85 = arith.subi %select_n3A_8, %sub3A_84 : i32
    "tpu.region"() ({
      %run_scoped3A = tpu.sem_alloc : memref<!tpu.dma_semaphore, #tpu.memory_space<semaphore_mem>>
      %dma_start3A_87 = arith.constant 0 : i32
      %dma_start3A_88 = tpu.memref_slice %arg7[%sub3A_85, %dma_start3A_87] : memref<232x64xi32, #tpu.memory_space<vmem>> -> memref<1x64xi32, #tpu.memory_space<vmem>>
      %dma_start3A_89 = tpu.memref_squeeze %dma_start3A_88 : memref<1x64xi32, #tpu.memory_space<vmem>> -> memref<64xi32, #tpu.memory_space<vmem>>
      %dma_start3A_90 = arith.constant 0 : i32
      %dma_start3A_91 = arith.constant 0 : i32
      %dma_start3A_92 = tpu.memref_slice %arg10[%dma_start3A_90, %dma_start3A_91] : memref<10112x128xf32, #tpu.memory_space<vmem_shared>> -> memref<10112x128xf32, #tpu.memory_space<vmem_shared>>
      tpu.enqueue_indirect_dma source(%arg9 : memref<64x128xf32, #tpu.memory_space<vmem>>) target(%dma_start3A_92 : memref<10112x128xf32, #tpu.memory_space<vmem_shared>>) offsets(%dma_start3A_89 : memref<64xi32, #tpu.memory_space<vmem>>) semaphore(%run_scoped3A : memref<!tpu.dma_semaphore, #tpu.memory_space<semaphore_mem>>) {add = true}
      %dma_wait3A_93 = arith.constant 0 : i32
      %dma_wait3A_94 = tpu.memref_slice %arg7[%sub3A_85, %dma_wait3A_93] : memref<232x64xi32, #tpu.memory_space<vmem>> -> memref<1x64xi32, #tpu.memory_space<vmem>>
      %dma_wait3A_95 = tpu.memref_squeeze %dma_wait3A_94 : memref<1x64xi32, #tpu.memory_space<vmem>> -> memref<64xi32, #tpu.memory_space<vmem>>
      %dma_wait3A_96 = arith.constant 0 : i32
      %dma_wait3A_97 = arith.constant 0 : i32
      %dma_wait3A_98 = tpu.memref_slice %arg10[%dma_wait3A_96, %dma_wait3A_97] : memref<10112x128xf32, #tpu.memory_space<vmem_shared>> -> memref<10112x128xf32, #tpu.memory_space<vmem_shared>>
      tpu.wait_indirect_dma semaphore(%run_scoped3A : memref<!tpu.dma_semaphore, #tpu.memory_space<semaphore_mem>>) src(%arg9 : memref<64x128xf32, #tpu.memory_space<vmem>>) dst(%dma_wait3A_98 : memref<10112x128xf32, #tpu.memory_space<vmem_shared>>)
      tpu.yield
    }) : () -> ()
    %barrier3A_86 = arith.constant 0 : index
    tpu.barrier barrier_id(%barrier3A_86)
    "tpu.region"() ({
      %run_scoped3A = tpu.sem_alloc : memref<!tpu.dma_semaphore, #tpu.memory_space<semaphore_mem>>
      %dma_start3A_87 = arith.constant 0 : i32
      %dma_start3A_88 = tpu.memref_slice %arg5[%arg0, %mul3A_15, %dma_start3A_87] : memref<2x10112x128xf32, #tpu.memory_space<hbm>> -> memref<1x632x128xf32, #tpu.memory_space<hbm>>
      %dma_start3A_89 = tpu.memref_squeeze %dma_start3A_88 : memref<1x632x128xf32, #tpu.memory_space<hbm>> -> memref<632x128xf32, #tpu.memory_space<hbm>>
      %dma_start3A_90 = arith.constant 0 : i32
      %dma_start3A_91 = tpu.memref_slice %arg10[%mul3A_15, %dma_start3A_90] : memref<10112x128xf32, #tpu.memory_space<vmem_shared>> -> memref<632x128xf32, #tpu.memory_space<vmem_shared>>
      tpu.enqueue_dma source(%dma_start3A_91 : memref<632x128xf32, #tpu.memory_space<vmem_shared>>) target(%dma_start3A_89 : memref<632x128xf32, #tpu.memory_space<hbm>>) target_semaphore(%run_scoped3A : memref<!tpu.dma_semaphore, #tpu.memory_space<semaphore_mem>>)
      %dma_wait3A_92 = arith.constant 0 : i32
      %dma_wait3A_93 = tpu.memref_slice %arg5[%arg0, %mul3A_15, %dma_wait3A_92] : memref<2x10112x128xf32, #tpu.memory_space<hbm>> -> memref<1x632x128xf32, #tpu.memory_space<hbm>>
      %dma_wait3A_94 = tpu.memref_squeeze %dma_wait3A_93 : memref<1x632x128xf32, #tpu.memory_space<hbm>> -> memref<632x128xf32, #tpu.memory_space<hbm>>
      %dma_wait3A_95 = arith.constant 0 : i32
      %dma_wait3A_96 = tpu.memref_slice %arg10[%mul3A_15, %dma_wait3A_95] : memref<10112x128xf32, #tpu.memory_space<vmem_shared>> -> memref<632x128xf32, #tpu.memory_space<vmem_shared>>
      tpu.wait_dma2 semaphore(%run_scoped3A : memref<!tpu.dma_semaphore, #tpu.memory_space<semaphore_mem>>) src(%dma_wait3A_96 : memref<632x128xf32, #tpu.memory_space<vmem_shared>>) dst(%dma_wait3A_94 : memref<632x128xf32, #tpu.memory_space<hbm>>)
      tpu.yield
    }) : () -> ()
    return
  }
}

module attributes {stable_mosaic.version = 14 : i64} {
  func.func @_tc_pre_body(%arg0: memref<10112x128xf32, #tpu.memory_space<vmem>>, %arg1: memref<128x128xf32, #tpu.memory_space<vmem>>, %arg2: memref<1x128xf32, #tpu.memory_space<vmem>>, %arg3: memref<128x128xf32, #tpu.memory_space<vmem>>, %arg4: memref<10112x128xf32, #tpu.memory_space<vmem>>) attributes {dimension_semantics = [], scalar_prefetch = 0 : i64, scratch_operands = 0 : i64, tpu.core_type = #tpu.core_type<tc>} {
    %get3A = arith.constant 0 : index
    %get3A_0 = arith.constant 0 : index
    %get3A_1 = vector.load %arg0[%get3A, %get3A_0] : memref<10112x128xf32, #tpu.memory_space<vmem>>, vector<10112x128xf32>
    %get3A_2 = arith.constant 0 : index
    %get3A_3 = arith.constant 0 : index
    %get3A_4 = vector.load %arg1[%get3A_2, %get3A_3] : memref<128x128xf32, #tpu.memory_space<vmem>>, vector<128x128xf32>
    %dot_general3A = arith.constant dense<0.000000e+00> : vector<10112x128xf32>
    %dot_general3A_5 = tpu.matmul %get3A_1, %get3A_4, %dot_general3A {dimension_numbers = #tpu.dot_dimension_numbers<[1], [0], [0], [1], [0, 0, 1, 1], [], []>, transpose_lhs_hint = false} : vector<10112x128xf32>, vector<128x128xf32>, vector<10112x128xf32> -> vector<10112x128xf32>
    %get3A_6 = arith.constant 0 : index
    %get3A_7 = arith.constant 0 : index
    %get3A_8 = vector.load %arg2[%get3A_6, %get3A_7] : memref<1x128xf32, #tpu.memory_space<vmem>>, vector<1x128xf32>
    %add3A = vector.broadcast %get3A_8 : vector<1x128xf32> to vector<10112x128xf32>
    %add3A_9 = arith.addf %dot_general3A_5, %add3A : vector<10112x128xf32>
    %max3A = arith.constant 0.000000e+00 : f32
    %max3A_10 = vector.broadcast %max3A : f32 to vector<10112x128xf32>
    %max3A_11 = arith.maximumf %add3A_9, %max3A_10 : vector<10112x128xf32>
    %get3A_12 = arith.constant 0 : index
    %get3A_13 = arith.constant 0 : index
    %get3A_14 = vector.load %arg3[%get3A_12, %get3A_13] : memref<128x128xf32, #tpu.memory_space<vmem>>, vector<128x128xf32>
    %dot_general3A_15 = arith.constant dense<0.000000e+00> : vector<10112x128xf32>
    %dot_general3A_16 = tpu.matmul %max3A_11, %get3A_14, %dot_general3A_15 {dimension_numbers = #tpu.dot_dimension_numbers<[1], [0], [0], [1], [0, 0, 1, 1], [], []>, transpose_lhs_hint = false} : vector<10112x128xf32>, vector<128x128xf32>, vector<10112x128xf32> -> vector<10112x128xf32>
    %swap3A = arith.constant 0 : index
    %swap3A_17 = arith.constant 0 : index
    %swap3A_18 = vector.load %arg4[%swap3A, %swap3A_17] : memref<10112x128xf32, #tpu.memory_space<vmem>>, vector<10112x128xf32>
    tpu.vector_store %arg4[%swap3A, %swap3A_17], %dot_general3A_16 {strides = array<i32>} : memref<10112x128xf32, #tpu.memory_space<vmem>>, vector<10112x128xf32>,
    return
  }
}

module attributes {stable_mosaic.version = 14 : i64} {
  func.func @_tc_dinv_body(%arg0: memref<10112x16xf32, #tpu.memory_space<vmem>>, %arg1: memref<10112x16xf32, #tpu.memory_space<vmem>>, %arg2: memref<10112x1xf32, #tpu.memory_space<vmem>>, %arg3: memref<10112x128xf32, #tpu.memory_space<vmem>>, %arg4: memref<10112x128xf32, #tpu.memory_space<vmem>>, %arg5: memref<10112x1xf32, #tpu.memory_space<vmem>>) attributes {dimension_semantics = [], scalar_prefetch = 0 : i64, scratch_operands = 0 : i64, tpu.core_type = #tpu.core_type<tc>} {
    %get3A = arith.constant 0 : index
    %get3A_0 = arith.constant 0 : index
    %get3A_1 = vector.load %arg2[%get3A, %get3A_0] : memref<10112x1xf32, #tpu.memory_space<vmem>>, vector<10112x1xf32>
    %get3A_2 = arith.constant 0 : index
    %get3A_3 = arith.constant 0 : index
    %get3A_4 = vector.load %arg0[%get3A_2, %get3A_3] : memref<10112x16xf32, #tpu.memory_space<vmem>>, vector<10112x1xf32>
    %get3A_5 = arith.constant 0 : index
    %get3A_6 = arith.constant 0 : index
    %get3A_7 = vector.load %arg1[%get3A_5, %get3A_6] : memref<10112x16xf32, #tpu.memory_space<vmem>>, vector<10112x1xf32>
    %add3A = arith.addf %get3A_4, %get3A_7 : vector<10112x1xf32>
    %add3A_8 = arith.addf %add3A, %get3A_1 : vector<10112x1xf32>
    %gt3A = arith.constant 0.000000e+00 : f32
    %gt3A_9 = vector.broadcast %gt3A : f32 to vector<10112x1xf32>
    %gt3A_10 = arith.cmpf ogt, %add3A_8, %gt3A_9 : vector<10112x1xf32>
    %rsqrt3A = math.rsqrt %add3A_8 : vector<10112x1xf32>
    %jit3A = arith.constant 0.000000e+00 : f32
    %broadcast_in_dim3A = vector.broadcast %jit3A : f32 to vector<10112x1xf32>
    %select_n3A = arith.select %gt3A_10, %rsqrt3A, %broadcast_in_dim3A : vector<10112x1xi1>, vector<10112x1xf32>
    %mul3A = arith.mulf %select_n3A, %get3A_1 : vector<10112x1xf32>
    %swap3A = arith.constant 0 : index
    %swap3A_11 = arith.constant 0 : index
    %swap3A_12 = vector.load %arg5[%swap3A, %swap3A_11] : memref<10112x1xf32, #tpu.memory_space<vmem>>, vector<10112x1xf32>
    tpu.vector_store %arg5[%swap3A, %swap3A_11], %mul3A {strides = array<i32>} : memref<10112x1xf32, #tpu.memory_space<vmem>>, vector<10112x1xf32>,
    %get3A_13 = arith.constant 0 : index
    %get3A_14 = arith.constant 0 : index
    %get3A_15 = vector.load %arg3[%get3A_13, %get3A_14] : memref<10112x128xf32, #tpu.memory_space<vmem>>, vector<10112x128xf32>
    %mul3A_16 = vector.broadcast %mul3A : vector<10112x1xf32> to vector<10112x128xf32>
    %mul3A_17 = arith.mulf %mul3A_16, %get3A_15 : vector<10112x128xf32>
    %swap3A_18 = arith.constant 0 : index
    %swap3A_19 = arith.constant 0 : index
    %swap3A_20 = vector.load %arg4[%swap3A_18, %swap3A_19] : memref<10112x128xf32, #tpu.memory_space<vmem>>, vector<10112x128xf32>
    tpu.vector_store %arg4[%swap3A_18, %swap3A_19], %mul3A_17 {strides = array<i32>} : memref<10112x128xf32, #tpu.memory_space<vmem>>, vector<10112x128xf32>,
    return
  }
}

module attributes {stable_mosaic.version = 14 : i64} {
  func.func @body(%arg0: memref<10112x128xf32, #tpu.memory_space<vmem>>, %arg1: memref<10112x128xf32, #tpu.memory_space<vmem>>, %arg2: memref<10112x1xf32, #tpu.memory_space<vmem>>, %arg3: memref<10112x128xf32, #tpu.memory_space<vmem>>, %arg4: memref<1x128xf32, #tpu.memory_space<vmem>>, %arg5: memref<1x128xf32, #tpu.memory_space<vmem>>, %arg6: memref<1x128xf32, #tpu.memory_space<vmem>>, %arg7: memref<128x1xf32, #tpu.memory_space<vmem>>, %arg8: memref<10112x1xf32, #tpu.memory_space<vmem>>, %arg9: memref<10112x128xf32, #tpu.memory_space<vmem>>, %arg10: memref<10112x1xf32, #tpu.memory_space<vmem>>) attributes {dimension_semantics = [], scalar_prefetch = 0 : i64, scratch_operands = 0 : i64, tpu.core_type = #tpu.core_type<tc>} {
    %get3A = arith.constant 0 : index
    %get3A_0 = arith.constant 0 : index
    %get3A_1 = vector.load %arg2[%get3A, %get3A_0] : memref<10112x1xf32, #tpu.memory_space<vmem>>, vector<10112x1xf32>
    %get3A_2 = arith.constant 0 : index
    %get3A_3 = arith.constant 0 : index
    %get3A_4 = vector.load %arg8[%get3A_2, %get3A_3] : memref<10112x1xf32, #tpu.memory_space<vmem>>, vector<10112x1xf32>
    %get3A_5 = arith.constant 0 : index
    %get3A_6 = arith.constant 0 : index
    %get3A_7 = vector.load %arg0[%get3A_5, %get3A_6] : memref<10112x128xf32, #tpu.memory_space<vmem>>, vector<10112x128xf32>
    %get3A_8 = arith.constant 0 : index
    %get3A_9 = arith.constant 0 : index
    %get3A_10 = vector.load %arg1[%get3A_8, %get3A_9] : memref<10112x128xf32, #tpu.memory_space<vmem>>, vector<10112x128xf32>
    %add3A = arith.addf %get3A_7, %get3A_10 : vector<10112x128xf32>
    %mul3A = vector.broadcast %get3A_1 : vector<10112x1xf32> to vector<10112x128xf32>
    %mul3A_11 = arith.mulf %mul3A, %add3A : vector<10112x128xf32>
    %mul3A_12 = arith.mulf %get3A_1, %get3A_1 : vector<10112x1xf32>
    %get3A_13 = arith.constant 0 : index
    %get3A_14 = arith.constant 0 : index
    %get3A_15 = vector.load %arg3[%get3A_13, %get3A_14] : memref<10112x128xf32, #tpu.memory_space<vmem>>, vector<10112x128xf32>
    %mul3A_16 = vector.broadcast %mul3A_12 : vector<10112x1xf32> to vector<10112x128xf32>
    %mul3A_17 = arith.mulf %mul3A_16, %get3A_15 : vector<10112x128xf32>
    %add3A_18 = arith.addf %mul3A_11, %mul3A_17 : vector<10112x128xf32>
    %get3A_19 = arith.constant 0 : index
    %get3A_20 = arith.constant 0 : index
    %get3A_21 = vector.load %arg4[%get3A_19, %get3A_20] : memref<1x128xf32, #tpu.memory_space<vmem>>, vector<1x128xf32>
    %add3A_22 = vector.broadcast %get3A_21 : vector<1x128xf32> to vector<10112x128xf32>
    %add3A_23 = arith.addf %add3A_18, %add3A_22 : vector<10112x128xf32>
    %mul3A_24 = vector.broadcast %get3A_4 : vector<10112x1xf32> to vector<10112x128xf32>
    %mul3A_25 = arith.mulf %add3A_23, %mul3A_24 : vector<10112x128xf32>
    %reduce_sum3A = arith.constant dense<0.000000e+00> : vector<128xf32>
    %reduce_sum3A_26 = vector.multi_reduction <add>, %mul3A_25, %reduce_sum3A [0] : vector<10112x128xf32> to vector<128xf32>
    %broadcast_in_dim3A = vector.shape_cast %reduce_sum3A_26 : vector<128xf32> to vector<1x128xf32>
    %mul3A_27 = arith.constant 9.99999974E-5 : f32
    %mul3A_28 = vector.broadcast %mul3A_27 : f32 to vector<1x128xf32>
    %mul3A_29 = arith.mulf %broadcast_in_dim3A, %mul3A_28 : vector<1x128xf32>
    %sub3A = vector.broadcast %mul3A_29 : vector<1x128xf32> to vector<10112x128xf32>
    %sub3A_30 = arith.subf %add3A_23, %sub3A : vector<10112x128xf32>
    %mul3A_31 = arith.mulf %sub3A_30, %sub3A_30 : vector<10112x128xf32>
    %mul3A_32 = vector.broadcast %get3A_4 : vector<10112x1xf32> to vector<10112x128xf32>
    %mul3A_33 = arith.mulf %mul3A_31, %mul3A_32 : vector<10112x128xf32>
    %reduce_sum3A_34 = arith.constant dense<0.000000e+00> : vector<128xf32>
    %reduce_sum3A_35 = vector.multi_reduction <add>, %mul3A_33, %reduce_sum3A_34 [0] : vector<10112x128xf32> to vector<128xf32>
    %broadcast_in_dim3A_36 = vector.shape_cast %reduce_sum3A_35 : vector<128xf32> to vector<1x128xf32>
    %mul3A_37 = arith.constant 9.99999974E-5 : f32
    %mul3A_38 = vector.broadcast %mul3A_37 : f32 to vector<1x128xf32>
    %mul3A_39 = arith.mulf %broadcast_in_dim3A_36, %mul3A_38 : vector<1x128xf32>
    %add3A_40 = arith.constant 9.99999974E-6 : f32
    %add3A_41 = vector.broadcast %add3A_40 : f32 to vector<1x128xf32>
    %add3A_42 = arith.addf %mul3A_39, %add3A_41 : vector<1x128xf32>
    %sqrt3A = math.sqrt %add3A_42 : vector<1x128xf32>
    %div3A = vector.broadcast %sqrt3A : vector<1x128xf32> to vector<10112x128xf32>
    %div3A_43 = arith.divf %sub3A_30, %div3A : vector<10112x128xf32>
    %get3A_44 = arith.constant 0 : index
    %get3A_45 = arith.constant 0 : index
    %get3A_46 = vector.load %arg5[%get3A_44, %get3A_45] : memref<1x128xf32, #tpu.memory_space<vmem>>, vector<1x128xf32>
    %mul3A_47 = vector.broadcast %get3A_46 : vector<1x128xf32> to vector<10112x128xf32>
    %mul3A_48 = arith.mulf %div3A_43, %mul3A_47 : vector<10112x128xf32>
    %get3A_49 = arith.constant 0 : index
    %get3A_50 = arith.constant 0 : index
    %get3A_51 = vector.load %arg6[%get3A_49, %get3A_50] : memref<1x128xf32, #tpu.memory_space<vmem>>, vector<1x128xf32>
    %add3A_52 = vector.broadcast %get3A_51 : vector<1x128xf32> to vector<10112x128xf32>
    %add3A_53 = arith.addf %mul3A_48, %add3A_52 : vector<10112x128xf32>
    %max3A = arith.constant 0.000000e+00 : f32
    %max3A_54 = vector.broadcast %max3A : f32 to vector<10112x128xf32>
    %max3A_55 = arith.maximumf %add3A_53, %max3A_54 : vector<10112x128xf32>
    %mul3A_56 = vector.broadcast %get3A_4 : vector<10112x1xf32> to vector<10112x128xf32>
    %mul3A_57 = arith.mulf %max3A_55, %mul3A_56 : vector<10112x128xf32>
    %swap3A = arith.constant 0 : index
    %swap3A_58 = arith.constant 0 : index
    %swap3A_59 = vector.load %arg9[%swap3A, %swap3A_58] : memref<10112x128xf32, #tpu.memory_space<vmem>>, vector<10112x128xf32>
    tpu.vector_store %arg9[%swap3A, %swap3A_58], %mul3A_57 {strides = array<i32>} : memref<10112x128xf32, #tpu.memory_space<vmem>>, vector<10112x128xf32>,
    %get3A_60 = arith.constant 0 : index
    %get3A_61 = arith.constant 0 : index
    %get3A_62 = vector.load %arg7[%get3A_60, %get3A_61] : memref<128x1xf32, #tpu.memory_space<vmem>>, vector<128x1xf32>
    %mul3A_63 = arith.mulf %get3A_62, %get3A_62 : vector<128x1xf32>
    %reduce_sum3A_64 = vector.shape_cast %mul3A_63 : vector<128x1xf32> to vector<1x128x1xf32>
    %reduce_sum3A_65 = arith.constant dense<0.000000e+00> : vector<1xf32>
    %reduce_sum3A_66 = vector.multi_reduction <add>, %reduce_sum3A_64, %reduce_sum3A_65 [1, 2] : vector<1x128x1xf32> to vector<1xf32>
    %reduce_sum3A_67 = vector.shape_cast %reduce_sum3A_66 : vector<1xf32> to vector<1x1x1xf32>
    %reduce_sum3A_68 = vector.extract %reduce_sum3A_67[0, 0, 0] : f32 from vector<1x1x1xf32>
    %sqrt3A_69 = math.sqrt %reduce_sum3A_68 : f32
    %dot_general3A = arith.constant dense<0.000000e+00> : vector<10112x1xf32>
    %dot_general3A_70 = tpu.matmul %mul3A_57, %get3A_62, %dot_general3A {dimension_numbers = #tpu.dot_dimension_numbers<[1], [0], [0], [1], [0, 0, 1, 1], [], []>, transpose_lhs_hint = false} : vector<10112x128xf32>, vector<128x1xf32>, vector<10112x1xf32> -> vector<10112x1xf32>
    %div3A_71 = vector.broadcast %sqrt3A_69 : f32 to vector<10112x1xf32>
    %div3A_72 = arith.divf %dot_general3A_70, %div3A_71 : vector<10112x1xf32>
    %tanh3A = math.tanh %div3A_72 : vector<10112x1xf32>
    %swap3A_73 = arith.constant 0 : index
    %swap3A_74 = arith.constant 0 : index
    %swap3A_75 = vector.load %arg10[%swap3A_73, %swap3A_74] : memref<10112x1xf32, #tpu.memory_space<vmem>>, vector<10112x1xf32>
    tpu.vector_store %arg10[%swap3A_73, %swap3A_74], %tanh3A {strides = array<i32>} : memref<10112x1xf32, #tpu.memory_space<vmem>>, vector<10112x1xf32>,
    return
  }
}

module attributes {stable_mosaic.version = 14 : i64} {
  func.func @body(%arg0: memref<79x128xf32, #tpu.memory_space<vmem>>, %arg1: memref<79x128xf32, #tpu.memory_space<vmem>>, %arg2: memref<1x1xi32, #tpu.memory_space<vmem>>, %arg3: memref<1x1xi32, #tpu.memory_space<vmem>>) attributes {dimension_semantics = [], scalar_prefetch = 0 : i64, scratch_operands = 0 : i64, tpu.core_type = #tpu.core_type<tc>} {
    %get3A = arith.constant 0 : index
    %get3A_0 = arith.constant 0 : index
    %get3A_1 = vector.load %arg0[%get3A, %get3A_0] : memref<79x128xf32, #tpu.memory_space<vmem>>, vector<79x128xf32>
    %get3A_2 = arith.constant 0 : index
    %get3A_3 = arith.constant 0 : index
    %get3A_4 = vector.load %arg1[%get3A_2, %get3A_3] : memref<79x128xf32, #tpu.memory_space<vmem>>, vector<79x128xf32>
    %bitcast_convert_type3A = tpu.bitcast %get3A_1 : vector<79x128xf32> -> vector<79x128xi32>
    %lt3A = arith.constant 0 : i32
    %lt3A_5 = vector.broadcast %lt3A : i32 to vector<79x128xi32>
    %lt3A_6 = arith.cmpi slt, %bitcast_convert_type3A, %lt3A_5 : vector<79x128xi32>
    %xor3A = arith.constant 2147483647 : i32
    %xor3A_7 = vector.broadcast %xor3A : i32 to vector<79x128xi32>
    %xor3A_8 = arith.xori %bitcast_convert_type3A, %xor3A_7 : vector<79x128xi32>
    %select_n3A = arith.select %lt3A_6, %xor3A_8, %bitcast_convert_type3A : vector<79x128xi1>, vector<79x128xi32>
    %gt3A = arith.constant 0.000000e+00 : f32
    %gt3A_9 = vector.broadcast %gt3A : f32 to vector<79x128xf32>
    %gt3A_10 = arith.cmpf ogt, %get3A_4, %gt3A_9 : vector<79x128xf32>
    %jit3A = arith.constant -2147483648 : i32
    %broadcast_in_dim3A = vector.broadcast %jit3A : i32 to vector<79x128xi32>
    %select_n3A_11 = arith.select %gt3A_10, %select_n3A, %broadcast_in_dim3A : vector<79x128xi1>, vector<79x128xi32>
    %ge3A = arith.constant 0 : i32
    %ge3A_12 = vector.broadcast %ge3A : i32 to vector<79x128xi32>
    %ge3A_13 = arith.cmpi sge, %select_n3A_11, %ge3A_12 : vector<79x128xi32>
    %convert_element_type3A = arith.extui %ge3A_13 : vector<79x128xi1> to vector<79x128xi32>
    %reduce_sum3A = vector.shape_cast %convert_element_type3A : vector<79x128xi32> to vector<1x79x128xi32>
    %reduce_sum3A_14 = arith.constant dense<0> : vector<1xi32>
    %reduce_sum3A_15 = vector.multi_reduction <add>, %reduce_sum3A, %reduce_sum3A_14 [1, 2] : vector<1x79x128xi32> to vector<1xi32>
    %reduce_sum3A_16 = vector.shape_cast %reduce_sum3A_15 : vector<1xi32> to vector<1x1x1xi32>
    %reduce_sum3A_17 = vector.extract %reduce_sum3A_16[0, 0, 0] : i32 from vector<1x1x1xi32>
    %ge3A_18 = arith.constant 8000 : i32
    %ge3A_19 = arith.cmpi sge, %reduce_sum3A_17, %ge3A_18 : i32
    %jit3A_20 = arith.constant 0 : i32
    %jit3A_21 = arith.constant -2147483648 : i32
    %select_n3A_22 = arith.select %ge3A_19, %jit3A_20, %jit3A_21 : i32
    %scan3A = arith.constant 0 : i32
    %scan3A_23 = arith.constant 31 : i32
    %scan3A_24 = arith.addi %scan3A, %scan3A_23 : i32
    %scan3A_25 = arith.constant 1 : i32
    %scan3A_26 = scf.for %scan3A_61 = %scan3A to %scan3A_24 step %scan3A_25 iter_args(%scan3A_62 = %select_n3A_22) -> (i32)  : i32 {
      %sub3A_63 = arith.constant 30 : i32
      %sub3A_64 = arith.subi %sub3A_63, %scan3A_61 : i32
      %shift_left3A = arith.constant 1 : i32
      %shift_left3A_65 = arith.shli %shift_left3A, %sub3A_64 : i32
      %add3A_66 = arith.addi %scan3A_62, %shift_left3A_65 : i32
      %ge3A_67 = vector.broadcast %add3A_66 : i32 to vector<79x128xi32>
      %ge3A_68 = arith.cmpi sge, %select_n3A_11, %ge3A_67 : vector<79x128xi32>
      %convert_element_type3A_69 = arith.extui %ge3A_68 : vector<79x128xi1> to vector<79x128xi32>
      %reduce_sum3A_70 = vector.shape_cast %convert_element_type3A_69 : vector<79x128xi32> to vector<1x79x128xi32>
      %reduce_sum3A_71 = arith.constant dense<0> : vector<1xi32>
      %reduce_sum3A_72 = vector.multi_reduction <add>, %reduce_sum3A_70, %reduce_sum3A_71 [1, 2] : vector<1x79x128xi32> to vector<1xi32>
      %reduce_sum3A_73 = vector.shape_cast %reduce_sum3A_72 : vector<1xi32> to vector<1x1x1xi32>
      %reduce_sum3A_74 = vector.extract %reduce_sum3A_73[0, 0, 0] : i32 from vector<1x1x1xi32>
      %ge3A_75 = arith.constant 8000 : i32
      %ge3A_76 = arith.cmpi sge, %reduce_sum3A_74, %ge3A_75 : i32
      %select_n3A_77 = arith.select %ge3A_76, %add3A_66, %scan3A_62 : i32
      scf.yield %select_n3A_77 : i32
    }
    %scan3A_27 = arith.constant 31 : i32
    %eq3A = vector.broadcast %scan3A_26 : i32 to vector<79x128xi32>
    %eq3A_28 = arith.cmpi eq, %select_n3A_11, %eq3A : vector<79x128xi32>
    %gt3A_29 = vector.broadcast %scan3A_26 : i32 to vector<79x128xi32>
    %gt3A_30 = arith.cmpi sgt, %select_n3A_11, %gt3A_29 : vector<79x128xi32>
    %convert_element_type3A_31 = arith.extui %gt3A_30 : vector<79x128xi1> to vector<79x128xi32>
    %reduce_sum3A_32 = vector.shape_cast %convert_element_type3A_31 : vector<79x128xi32> to vector<1x79x128xi32>
    %reduce_sum3A_33 = arith.constant dense<0> : vector<1xi32>
    %reduce_sum3A_34 = vector.multi_reduction <add>, %reduce_sum3A_32, %reduce_sum3A_33 [1, 2] : vector<1x79x128xi32> to vector<1xi32>
    %reduce_sum3A_35 = vector.shape_cast %reduce_sum3A_34 : vector<1xi32> to vector<1x1x1xi32>
    %reduce_sum3A_36 = vector.extract %reduce_sum3A_35[0, 0, 0] : i32 from vector<1x1x1xi32>
    %sub3A = arith.constant 8000 : i32
    %sub3A_37 = arith.subi %sub3A, %reduce_sum3A_36 : i32
    %iota3A = tpu.iota {dimensions = array<i32: 0>} : vector<79x128xi32>
    %mul3A = arith.constant 128 : i32
    %mul3A_38 = vector.broadcast %mul3A : i32 to vector<79x128xi32>
    %mul3A_39 = arith.muli %iota3A, %mul3A_38 : vector<79x128xi32>
    %iota3A_40 = tpu.iota {dimensions = array<i32: 1>} : vector<79x128xi32>
    %add3A = arith.addi %mul3A_39, %iota3A_40 : vector<79x128xi32>
    %scan3A_41 = arith.constant 0 : i32
    %scan3A_42 = arith.constant 0 : i32
    %scan3A_43 = arith.constant 14 : i32
    %scan3A_44 = arith.addi %scan3A_42, %scan3A_43 : i32
    %scan3A_45 = arith.constant 1 : i32
    %scan3A_46 = scf.for %scan3A_61 = %scan3A_42 to %scan3A_44 step %scan3A_45 iter_args(%scan3A_62 = %scan3A_41) -> (i32)  : i32 {
      %sub3A_63 = arith.constant 13 : i32
      %sub3A_64 = arith.subi %sub3A_63, %scan3A_61 : i32
      %shift_left3A = arith.constant 1 : i32
      %shift_left3A_65 = arith.shli %shift_left3A, %sub3A_64 : i32
      %add3A_66 = arith.addi %scan3A_62, %shift_left3A_65 : i32
      %lt3A_67 = vector.broadcast %add3A_66 : i32 to vector<79x128xi32>
      %lt3A_68 = arith.cmpi slt, %add3A, %lt3A_67 : vector<79x128xi32>
      %and3A = arith.andi %eq3A_28, %lt3A_68 : vector<79x128xi1>
      %convert_element_type3A_69 = arith.extui %and3A : vector<79x128xi1> to vector<79x128xi32>
      %reduce_sum3A_70 = vector.shape_cast %convert_element_type3A_69 : vector<79x128xi32> to vector<1x79x128xi32>
      %reduce_sum3A_71 = arith.constant dense<0> : vector<1xi32>
      %reduce_sum3A_72 = vector.multi_reduction <add>, %reduce_sum3A_70, %reduce_sum3A_71 [1, 2] : vector<1x79x128xi32> to vector<1xi32>
      %reduce_sum3A_73 = vector.shape_cast %reduce_sum3A_72 : vector<1xi32> to vector<1x1x1xi32>
      %reduce_sum3A_74 = vector.extract %reduce_sum3A_73[0, 0, 0] : i32 from vector<1x1x1xi32>
      %le3A = arith.cmpi sle, %reduce_sum3A_74, %sub3A_37 : i32
      %select_n3A_75 = arith.select %le3A, %add3A_66, %scan3A_62 : i32
      scf.yield %select_n3A_75 : i32
    }
    %scan3A_47 = arith.constant 14 : i32
    %broadcast_in_dim3A_48 = arith.constant 0 : i32
    %broadcast_in_dim3A_49 = vector.broadcast %broadcast_in_dim3A_48 : i32 to vector<1x1xi32>
    %add3A_50 = vector.broadcast %scan3A_26 : i32 to vector<1x1xi32>
    %add3A_51 = arith.addi %broadcast_in_dim3A_49, %add3A_50 : vector<1x1xi32>
    %swap3A = arith.constant 0 : index
    %swap3A_52 = arith.constant 0 : index
    %swap3A_53 = vector.load %arg2[%swap3A, %swap3A_52] : memref<1x1xi32, #tpu.memory_space<vmem>>, vector<1x1xi32>
    tpu.vector_store %arg2[%swap3A, %swap3A_52], %add3A_51 {strides = array<i32>} : memref<1x1xi32, #tpu.memory_space<vmem>>, vector<1x1xi32>,
    %broadcast_in_dim3A_54 = arith.constant 0 : i32
    %broadcast_in_dim3A_55 = vector.broadcast %broadcast_in_dim3A_54 : i32 to vector<1x1xi32>
    %add3A_56 = vector.broadcast %scan3A_46 : i32 to vector<1x1xi32>
    %add3A_57 = arith.addi %broadcast_in_dim3A_55, %add3A_56 : vector<1x1xi32>
    %swap3A_58 = arith.constant 0 : index
    %swap3A_59 = arith.constant 0 : index
    %swap3A_60 = vector.load %arg3[%swap3A_58, %swap3A_59] : memref<1x1xi32, #tpu.memory_space<vmem>>, vector<1x1xi32>
    tpu.vector_store %arg3[%swap3A_58, %swap3A_59], %add3A_57 {strides = array<i32>} : memref<1x1xi32, #tpu.memory_space<vmem>>, vector<1x1xi32>,
    return
  }
}

module attributes {stable_mosaic.version = 14 : i64} {
  func.func @body(%arg0: memref<10112x128xf32, #tpu.memory_space<vmem>>, %arg1: memref<10112x1xf32, #tpu.memory_space<vmem>>, %arg2: memref<10112x1xf32, #tpu.memory_space<vmem>>, %arg3: memref<1x1xi32, #tpu.memory_space<vmem>>, %arg4: memref<1x1xi32, #tpu.memory_space<vmem>>, %arg5: memref<128x128xf32, #tpu.memory_space<vmem>>, %arg6: memref<10112x1xf32, #tpu.memory_space<vmem>>, %arg7: memref<10112x16xf32, #tpu.memory_space<vmem>>, %arg8: memref<1x256xf32, #tpu.memory_space<vmem>>, %arg9: memref<10112x128xf32, #tpu.memory_space<vmem>>) attributes {dimension_semantics = [], scalar_prefetch = 0 : i64, scratch_operands = 0 : i64, tpu.core_type = #tpu.core_type<tc>} {
    %get3A = arith.constant 0 : index
    %get3A_0 = arith.constant 0 : index
    %get3A_1 = vector.load %arg1[%get3A, %get3A_0] : memref<10112x1xf32, #tpu.memory_space<vmem>>, vector<10112x1xf32>
    %get3A_2 = arith.constant 0 : index
    %get3A_3 = arith.constant 0 : index
    %get3A_4 = vector.load %arg2[%get3A_2, %get3A_3] : memref<10112x1xf32, #tpu.memory_space<vmem>>, vector<10112x1xf32>
    %bitcast_convert_type3A = tpu.bitcast %get3A_1 : vector<10112x1xf32> -> vector<10112x1xi32>
    %lt3A = arith.constant 0 : i32
    %lt3A_5 = vector.broadcast %lt3A : i32 to vector<10112x1xi32>
    %lt3A_6 = arith.cmpi slt, %bitcast_convert_type3A, %lt3A_5 : vector<10112x1xi32>
    %xor3A = arith.constant 2147483647 : i32
    %xor3A_7 = vector.broadcast %xor3A : i32 to vector<10112x1xi32>
    %xor3A_8 = arith.xori %bitcast_convert_type3A, %xor3A_7 : vector<10112x1xi32>
    %select_n3A = arith.select %lt3A_6, %xor3A_8, %bitcast_convert_type3A : vector<10112x1xi1>, vector<10112x1xi32>
    %gt3A = arith.constant 0.000000e+00 : f32
    %gt3A_9 = vector.broadcast %gt3A : f32 to vector<10112x1xf32>
    %gt3A_10 = arith.cmpf ogt, %get3A_4, %gt3A_9 : vector<10112x1xf32>
    %jit3A = arith.constant -2147483648 : i32
    %broadcast_in_dim3A = vector.broadcast %jit3A : i32 to vector<10112x1xi32>
    %select_n3A_11 = arith.select %gt3A_10, %select_n3A, %broadcast_in_dim3A : vector<10112x1xi1>, vector<10112x1xi32>
    %get3A_12 = arith.constant 0 : index
    %get3A_13 = arith.constant 0 : index
    %get3A_14 = vector.load %arg3[%get3A_12, %get3A_13] : memref<1x1xi32, #tpu.memory_space<vmem>>, vector<1x1xi32>
    %get3A_15 = vector.extract %get3A_14[0, 0] : i32 from vector<1x1xi32>
    %get3A_16 = arith.constant 0 : index
    %get3A_17 = arith.constant 0 : index
    %get3A_18 = vector.load %arg4[%get3A_16, %get3A_17] : memref<1x1xi32, #tpu.memory_space<vmem>>, vector<1x1xi32>
    %get3A_19 = vector.extract %get3A_18[0, 0] : i32 from vector<1x1xi32>
    %iota3A = tpu.iota {dimensions = array<i32: 0>} : vector<10112x1xi32>
    %gt3A_20 = vector.broadcast %get3A_15 : i32 to vector<10112x1xi32>
    %gt3A_21 = arith.cmpi sgt, %select_n3A_11, %gt3A_20 : vector<10112x1xi32>
    %eq3A = vector.broadcast %get3A_15 : i32 to vector<10112x1xi32>
    %eq3A_22 = arith.cmpi eq, %select_n3A_11, %eq3A : vector<10112x1xi32>
    %lt3A_23 = vector.broadcast %get3A_19 : i32 to vector<10112x1xi32>
    %lt3A_24 = arith.cmpi slt, %iota3A, %lt3A_23 : vector<10112x1xi32>
    %and3A = arith.andi %eq3A_22, %lt3A_24 : vector<10112x1xi1>
    %or3A = arith.ori %gt3A_21, %and3A : vector<10112x1xi1>
    %convert_element_type3A = arith.extui %or3A : vector<10112x1xi1> to vector<10112x1xi32>
    %convert_element_type3A_25 = arith.sitofp %convert_element_type3A : vector<10112x1xi32> to vector<10112x1xf32>
    %get3A_26 = arith.constant 0 : index
    %get3A_27 = arith.constant 0 : index
    %get3A_28 = vector.load %arg0[%get3A_26, %get3A_27] : memref<10112x128xf32, #tpu.memory_space<vmem>>, vector<10112x128xf32>
    %get3A_29 = arith.constant 0 : index
    %get3A_30 = arith.constant 0 : index
    %get3A_31 = vector.load %arg1[%get3A_29, %get3A_30] : memref<10112x1xf32, #tpu.memory_space<vmem>>, vector<10112x1xf32>
    %mul3A = vector.broadcast %get3A_31 : vector<10112x1xf32> to vector<10112x128xf32>
    %mul3A_32 = arith.mulf %get3A_28, %mul3A : vector<10112x128xf32>
    %mul3A_33 = vector.broadcast %convert_element_type3A_25 : vector<10112x1xf32> to vector<10112x128xf32>
    %mul3A_34 = arith.mulf %mul3A_32, %mul3A_33 : vector<10112x128xf32>
    %jit3A_35 = arith.constant 0xFF800000 : f32
    %broadcast_in_dim3A_36 = vector.shape_cast %or3A : vector<10112x1xi1> to vector<10112x1xi1>
    %broadcast_in_dim3A_37 = vector.broadcast %broadcast_in_dim3A_36 : vector<10112x1xi1> to vector<10112x128xi1>
    %broadcast_in_dim3A_38 = vector.broadcast %jit3A_35 : f32 to vector<10112x128xf32>
    %select_n3A_39 = arith.select %broadcast_in_dim3A_37, %mul3A_34, %broadcast_in_dim3A_38 : vector<10112x128xi1>, vector<10112x128xf32>
    %reduce_max3A = arith.constant dense<0xFF800000> : vector<128xf32>
    %reduce_max3A_40 = vector.multi_reduction <maximumf>, %select_n3A_39, %reduce_max3A [0] : vector<10112x128xf32> to vector<128xf32>
    %broadcast_in_dim3A_41 = vector.shape_cast %reduce_max3A_40 : vector<128xf32> to vector<1x128xf32>
    %reduce_sum3A = arith.constant dense<0.000000e+00> : vector<128xf32>
    %reduce_sum3A_42 = vector.multi_reduction <add>, %mul3A_34, %reduce_sum3A [0] : vector<10112x128xf32> to vector<128xf32>
    %broadcast_in_dim3A_43 = vector.shape_cast %reduce_sum3A_42 : vector<128xf32> to vector<1x128xf32>
    %mul3A_44 = arith.constant 1.250000e-04 : f32
    %mul3A_45 = vector.broadcast %mul3A_44 : f32 to vector<1x128xf32>
    %mul3A_46 = arith.mulf %broadcast_in_dim3A_43, %mul3A_45 : vector<1x128xf32>
    %concatenate3A = tpu.concatenate %broadcast_in_dim3A_41, %mul3A_46 in 1 : vector<1x128xf32>, vector<1x128xf32> -> vector<1x256xf32>
    %swap3A = arith.constant 0 : index
    %swap3A_47 = arith.constant 0 : index
    %swap3A_48 = vector.load %arg6[%swap3A, %swap3A_47] : memref<10112x1xf32, #tpu.memory_space<vmem>>, vector<10112x1xf32>
    tpu.vector_store %arg6[%swap3A, %swap3A_47], %convert_element_type3A_25 {strides = array<i32>} : memref<10112x1xf32, #tpu.memory_space<vmem>>, vector<10112x1xf32>,
    %broadcast_in_dim3A_49 = vector.shape_cast %convert_element_type3A_25 : vector<10112x1xf32> to vector<10112x1xf32>
    %broadcast_in_dim3A_50 = vector.broadcast %broadcast_in_dim3A_49 : vector<10112x1xf32> to vector<10112x16xf32>
    %swap3A_51 = arith.constant 0 : index
    %swap3A_52 = arith.constant 0 : index
    %swap3A_53 = vector.load %arg7[%swap3A_51, %swap3A_52] : memref<10112x16xf32, #tpu.memory_space<vmem>>, vector<10112x16xf32>
    tpu.vector_store %arg7[%swap3A_51, %swap3A_52], %broadcast_in_dim3A_50 {strides = array<i32>} : memref<10112x16xf32, #tpu.memory_space<vmem>>, vector<10112x16xf32>,
    %swap3A_54 = arith.constant 0 : index
    %swap3A_55 = arith.constant 0 : index
    %swap3A_56 = vector.load %arg8[%swap3A_54, %swap3A_55] : memref<1x256xf32, #tpu.memory_space<vmem>>, vector<1x256xf32>
    tpu.vector_store %arg8[%swap3A_54, %swap3A_55], %concatenate3A {strides = array<i32>} : memref<1x256xf32, #tpu.memory_space<vmem>>, vector<1x256xf32>,
    %get3A_57 = arith.constant 0 : index
    %get3A_58 = arith.constant 0 : index
    %get3A_59 = vector.load %arg5[%get3A_57, %get3A_58] : memref<128x128xf32, #tpu.memory_space<vmem>>, vector<128x128xf32>
    %dot_general3A = arith.constant dense<0.000000e+00> : vector<10112x128xf32>
    %dot_general3A_60 = tpu.matmul %mul3A_34, %get3A_59, %dot_general3A {dimension_numbers = #tpu.dot_dimension_numbers<[1], [0], [0], [1], [0, 0, 1, 1], [], []>, transpose_lhs_hint = false} : vector<10112x128xf32>, vector<128x128xf32>, vector<10112x128xf32> -> vector<10112x128xf32>
    %swap3A_61 = arith.constant 0 : index
    %swap3A_62 = arith.constant 0 : index
    %swap3A_63 = vector.load %arg9[%swap3A_61, %swap3A_62] : memref<10112x128xf32, #tpu.memory_space<vmem>>, vector<10112x128xf32>
    tpu.vector_store %arg9[%swap3A_61, %swap3A_62], %dot_general3A_60 {strides = array<i32>} : memref<10112x128xf32, #tpu.memory_space<vmem>>, vector<10112x128xf32>,
    return
  }
}

module attributes {stable_mosaic.version = 14 : i64} {
  func.func @body(%arg0: memref<10112x128xf32, #tpu.memory_space<vmem>>, %arg1: memref<10112x128xf32, #tpu.memory_space<vmem>>, %arg2: memref<10112x1xf32, #tpu.memory_space<vmem>>, %arg3: memref<10112x128xf32, #tpu.memory_space<vmem>>, %arg4: memref<1x128xf32, #tpu.memory_space<vmem>>, %arg5: memref<1x128xf32, #tpu.memory_space<vmem>>, %arg6: memref<1x128xf32, #tpu.memory_space<vmem>>, %arg7: memref<128x1xf32, #tpu.memory_space<vmem>>, %arg8: memref<10112x1xf32, #tpu.memory_space<vmem>>, %arg9: memref<10112x128xf32, #tpu.memory_space<vmem>>, %arg10: memref<10112x1xf32, #tpu.memory_space<vmem>>) attributes {dimension_semantics = [], scalar_prefetch = 0 : i64, scratch_operands = 0 : i64, tpu.core_type = #tpu.core_type<tc>} {
    %get3A = arith.constant 0 : index
    %get3A_0 = arith.constant 0 : index
    %get3A_1 = vector.load %arg2[%get3A, %get3A_0] : memref<10112x1xf32, #tpu.memory_space<vmem>>, vector<10112x1xf32>
    %get3A_2 = arith.constant 0 : index
    %get3A_3 = arith.constant 0 : index
    %get3A_4 = vector.load %arg8[%get3A_2, %get3A_3] : memref<10112x1xf32, #tpu.memory_space<vmem>>, vector<10112x1xf32>
    %get3A_5 = arith.constant 0 : index
    %get3A_6 = arith.constant 0 : index
    %get3A_7 = vector.load %arg0[%get3A_5, %get3A_6] : memref<10112x128xf32, #tpu.memory_space<vmem>>, vector<10112x128xf32>
    %get3A_8 = arith.constant 0 : index
    %get3A_9 = arith.constant 0 : index
    %get3A_10 = vector.load %arg1[%get3A_8, %get3A_9] : memref<10112x128xf32, #tpu.memory_space<vmem>>, vector<10112x128xf32>
    %add3A = arith.addf %get3A_7, %get3A_10 : vector<10112x128xf32>
    %mul3A = vector.broadcast %get3A_1 : vector<10112x1xf32> to vector<10112x128xf32>
    %mul3A_11 = arith.mulf %mul3A, %add3A : vector<10112x128xf32>
    %mul3A_12 = arith.mulf %get3A_1, %get3A_1 : vector<10112x1xf32>
    %get3A_13 = arith.constant 0 : index
    %get3A_14 = arith.constant 0 : index
    %get3A_15 = vector.load %arg3[%get3A_13, %get3A_14] : memref<10112x128xf32, #tpu.memory_space<vmem>>, vector<10112x128xf32>
    %mul3A_16 = vector.broadcast %mul3A_12 : vector<10112x1xf32> to vector<10112x128xf32>
    %mul3A_17 = arith.mulf %mul3A_16, %get3A_15 : vector<10112x128xf32>
    %add3A_18 = arith.addf %mul3A_11, %mul3A_17 : vector<10112x128xf32>
    %get3A_19 = arith.constant 0 : index
    %get3A_20 = arith.constant 0 : index
    %get3A_21 = vector.load %arg4[%get3A_19, %get3A_20] : memref<1x128xf32, #tpu.memory_space<vmem>>, vector<1x128xf32>
    %add3A_22 = vector.broadcast %get3A_21 : vector<1x128xf32> to vector<10112x128xf32>
    %add3A_23 = arith.addf %add3A_18, %add3A_22 : vector<10112x128xf32>
    %mul3A_24 = vector.broadcast %get3A_4 : vector<10112x1xf32> to vector<10112x128xf32>
    %mul3A_25 = arith.mulf %add3A_23, %mul3A_24 : vector<10112x128xf32>
    %reduce_sum3A = arith.constant dense<0.000000e+00> : vector<128xf32>
    %reduce_sum3A_26 = vector.multi_reduction <add>, %mul3A_25, %reduce_sum3A [0] : vector<10112x128xf32> to vector<128xf32>
    %broadcast_in_dim3A = vector.shape_cast %reduce_sum3A_26 : vector<128xf32> to vector<1x128xf32>
    %mul3A_27 = arith.constant 1.250000e-04 : f32
    %mul3A_28 = vector.broadcast %mul3A_27 : f32 to vector<1x128xf32>
    %mul3A_29 = arith.mulf %broadcast_in_dim3A, %mul3A_28 : vector<1x128xf32>
    %sub3A = vector.broadcast %mul3A_29 : vector<1x128xf32> to vector<10112x128xf32>
    %sub3A_30 = arith.subf %add3A_23, %sub3A : vector<10112x128xf32>
    %mul3A_31 = arith.mulf %sub3A_30, %sub3A_30 : vector<10112x128xf32>
    %mul3A_32 = vector.broadcast %get3A_4 : vector<10112x1xf32> to vector<10112x128xf32>
    %mul3A_33 = arith.mulf %mul3A_31, %mul3A_32 : vector<10112x128xf32>
    %reduce_sum3A_34 = arith.constant dense<0.000000e+00> : vector<128xf32>
    %reduce_sum3A_35 = vector.multi_reduction <add>, %mul3A_33, %reduce_sum3A_34 [0] : vector<10112x128xf32> to vector<128xf32>
    %broadcast_in_dim3A_36 = vector.shape_cast %reduce_sum3A_35 : vector<128xf32> to vector<1x128xf32>
    %mul3A_37 = arith.constant 1.250000e-04 : f32
    %mul3A_38 = vector.broadcast %mul3A_37 : f32 to vector<1x128xf32>
    %mul3A_39 = arith.mulf %broadcast_in_dim3A_36, %mul3A_38 : vector<1x128xf32>
    %add3A_40 = arith.constant 9.99999974E-6 : f32
    %add3A_41 = vector.broadcast %add3A_40 : f32 to vector<1x128xf32>
    %add3A_42 = arith.addf %mul3A_39, %add3A_41 : vector<1x128xf32>
    %sqrt3A = math.sqrt %add3A_42 : vector<1x128xf32>
    %div3A = vector.broadcast %sqrt3A : vector<1x128xf32> to vector<10112x128xf32>
    %div3A_43 = arith.divf %sub3A_30, %div3A : vector<10112x128xf32>
    %get3A_44 = arith.constant 0 : index
    %get3A_45 = arith.constant 0 : index
    %get3A_46 = vector.load %arg5[%get3A_44, %get3A_45] : memref<1x128xf32, #tpu.memory_space<vmem>>, vector<1x128xf32>
    %mul3A_47 = vector.broadcast %get3A_46 : vector<1x128xf32> to vector<10112x128xf32>
    %mul3A_48 = arith.mulf %div3A_43, %mul3A_47 : vector<10112x128xf32>
    %get3A_49 = arith.constant 0 : index
    %get3A_50 = arith.constant 0 : index
    %get3A_51 = vector.load %arg6[%get3A_49, %get3A_50] : memref<1x128xf32, #tpu.memory_space<vmem>>, vector<1x128xf32>
    %add3A_52 = vector.broadcast %get3A_51 : vector<1x128xf32> to vector<10112x128xf32>
    %add3A_53 = arith.addf %mul3A_48, %add3A_52 : vector<10112x128xf32>
    %max3A = arith.constant 0.000000e+00 : f32
    %max3A_54 = vector.broadcast %max3A : f32 to vector<10112x128xf32>
    %max3A_55 = arith.maximumf %add3A_53, %max3A_54 : vector<10112x128xf32>
    %mul3A_56 = vector.broadcast %get3A_4 : vector<10112x1xf32> to vector<10112x128xf32>
    %mul3A_57 = arith.mulf %max3A_55, %mul3A_56 : vector<10112x128xf32>
    %swap3A = arith.constant 0 : index
    %swap3A_58 = arith.constant 0 : index
    %swap3A_59 = vector.load %arg9[%swap3A, %swap3A_58] : memref<10112x128xf32, #tpu.memory_space<vmem>>, vector<10112x128xf32>
    tpu.vector_store %arg9[%swap3A, %swap3A_58], %mul3A_57 {strides = array<i32>} : memref<10112x128xf32, #tpu.memory_space<vmem>>, vector<10112x128xf32>,
    %get3A_60 = arith.constant 0 : index
    %get3A_61 = arith.constant 0 : index
    %get3A_62 = vector.load %arg7[%get3A_60, %get3A_61] : memref<128x1xf32, #tpu.memory_space<vmem>>, vector<128x1xf32>
    %mul3A_63 = arith.mulf %get3A_62, %get3A_62 : vector<128x1xf32>
    %reduce_sum3A_64 = vector.shape_cast %mul3A_63 : vector<128x1xf32> to vector<1x128x1xf32>
    %reduce_sum3A_65 = arith.constant dense<0.000000e+00> : vector<1xf32>
    %reduce_sum3A_66 = vector.multi_reduction <add>, %reduce_sum3A_64, %reduce_sum3A_65 [1, 2] : vector<1x128x1xf32> to vector<1xf32>
    %reduce_sum3A_67 = vector.shape_cast %reduce_sum3A_66 : vector<1xf32> to vector<1x1x1xf32>
    %reduce_sum3A_68 = vector.extract %reduce_sum3A_67[0, 0, 0] : f32 from vector<1x1x1xf32>
    %sqrt3A_69 = math.sqrt %reduce_sum3A_68 : f32
    %dot_general3A = arith.constant dense<0.000000e+00> : vector<10112x1xf32>
    %dot_general3A_70 = tpu.matmul %mul3A_57, %get3A_62, %dot_general3A {dimension_numbers = #tpu.dot_dimension_numbers<[1], [0], [0], [1], [0, 0, 1, 1], [], []>, transpose_lhs_hint = false} : vector<10112x128xf32>, vector<128x1xf32>, vector<10112x1xf32> -> vector<10112x1xf32>
    %div3A_71 = vector.broadcast %sqrt3A_69 : f32 to vector<10112x1xf32>
    %div3A_72 = arith.divf %dot_general3A_70, %div3A_71 : vector<10112x1xf32>
    %tanh3A = math.tanh %div3A_72 : vector<10112x1xf32>
    %swap3A_73 = arith.constant 0 : index
    %swap3A_74 = arith.constant 0 : index
    %swap3A_75 = vector.load %arg10[%swap3A_73, %swap3A_74] : memref<10112x1xf32, #tpu.memory_space<vmem>>, vector<10112x1xf32>
    tpu.vector_store %arg10[%swap3A_73, %swap3A_74], %tanh3A {strides = array<i32>} : memref<10112x1xf32, #tpu.memory_space<vmem>>, vector<10112x1xf32>,
    return
  }
}

module attributes {stable_mosaic.version = 14 : i64} {
  func.func @body(%arg0: memref<79x128xf32, #tpu.memory_space<vmem>>, %arg1: memref<79x128xf32, #tpu.memory_space<vmem>>, %arg2: memref<1x1xi32, #tpu.memory_space<vmem>>, %arg3: memref<1x1xi32, #tpu.memory_space<vmem>>) attributes {dimension_semantics = [], scalar_prefetch = 0 : i64, scratch_operands = 0 : i64, tpu.core_type = #tpu.core_type<tc>} {
    %get3A = arith.constant 0 : index
    %get3A_0 = arith.constant 0 : index
    %get3A_1 = vector.load %arg0[%get3A, %get3A_0] : memref<79x128xf32, #tpu.memory_space<vmem>>, vector<79x128xf32>
    %get3A_2 = arith.constant 0 : index
    %get3A_3 = arith.constant 0 : index
    %get3A_4 = vector.load %arg1[%get3A_2, %get3A_3] : memref<79x128xf32, #tpu.memory_space<vmem>>, vector<79x128xf32>
    %bitcast_convert_type3A = tpu.bitcast %get3A_1 : vector<79x128xf32> -> vector<79x128xi32>
    %lt3A = arith.constant 0 : i32
    %lt3A_5 = vector.broadcast %lt3A : i32 to vector<79x128xi32>
    %lt3A_6 = arith.cmpi slt, %bitcast_convert_type3A, %lt3A_5 : vector<79x128xi32>
    %xor3A = arith.constant 2147483647 : i32
    %xor3A_7 = vector.broadcast %xor3A : i32 to vector<79x128xi32>
    %xor3A_8 = arith.xori %bitcast_convert_type3A, %xor3A_7 : vector<79x128xi32>
    %select_n3A = arith.select %lt3A_6, %xor3A_8, %bitcast_convert_type3A : vector<79x128xi1>, vector<79x128xi32>
    %gt3A = arith.constant 0.000000e+00 : f32
    %gt3A_9 = vector.broadcast %gt3A : f32 to vector<79x128xf32>
    %gt3A_10 = arith.cmpf ogt, %get3A_4, %gt3A_9 : vector<79x128xf32>
    %jit3A = arith.constant -2147483648 : i32
    %broadcast_in_dim3A = vector.broadcast %jit3A : i32 to vector<79x128xi32>
    %select_n3A_11 = arith.select %gt3A_10, %select_n3A, %broadcast_in_dim3A : vector<79x128xi1>, vector<79x128xi32>
    %ge3A = arith.constant 0 : i32
    %ge3A_12 = vector.broadcast %ge3A : i32 to vector<79x128xi32>
    %ge3A_13 = arith.cmpi sge, %select_n3A_11, %ge3A_12 : vector<79x128xi32>
    %convert_element_type3A = arith.extui %ge3A_13 : vector<79x128xi1> to vector<79x128xi32>
    %reduce_sum3A = vector.shape_cast %convert_element_type3A : vector<79x128xi32> to vector<1x79x128xi32>
    %reduce_sum3A_14 = arith.constant dense<0> : vector<1xi32>
    %reduce_sum3A_15 = vector.multi_reduction <add>, %reduce_sum3A, %reduce_sum3A_14 [1, 2] : vector<1x79x128xi32> to vector<1xi32>
    %reduce_sum3A_16 = vector.shape_cast %reduce_sum3A_15 : vector<1xi32> to vector<1x1x1xi32>
    %reduce_sum3A_17 = vector.extract %reduce_sum3A_16[0, 0, 0] : i32 from vector<1x1x1xi32>
    %ge3A_18 = arith.constant 6400 : i32
    %ge3A_19 = arith.cmpi sge, %reduce_sum3A_17, %ge3A_18 : i32
    %jit3A_20 = arith.constant 0 : i32
    %jit3A_21 = arith.constant -2147483648 : i32
    %select_n3A_22 = arith.select %ge3A_19, %jit3A_20, %jit3A_21 : i32
    %scan3A = arith.constant 0 : i32
    %scan3A_23 = arith.constant 31 : i32
    %scan3A_24 = arith.addi %scan3A, %scan3A_23 : i32
    %scan3A_25 = arith.constant 1 : i32
    %scan3A_26 = scf.for %scan3A_61 = %scan3A to %scan3A_24 step %scan3A_25 iter_args(%scan3A_62 = %select_n3A_22) -> (i32)  : i32 {
      %sub3A_63 = arith.constant 30 : i32
      %sub3A_64 = arith.subi %sub3A_63, %scan3A_61 : i32
      %shift_left3A = arith.constant 1 : i32
      %shift_left3A_65 = arith.shli %shift_left3A, %sub3A_64 : i32
      %add3A_66 = arith.addi %scan3A_62, %shift_left3A_65 : i32
      %ge3A_67 = vector.broadcast %add3A_66 : i32 to vector<79x128xi32>
      %ge3A_68 = arith.cmpi sge, %select_n3A_11, %ge3A_67 : vector<79x128xi32>
      %convert_element_type3A_69 = arith.extui %ge3A_68 : vector<79x128xi1> to vector<79x128xi32>
      %reduce_sum3A_70 = vector.shape_cast %convert_element_type3A_69 : vector<79x128xi32> to vector<1x79x128xi32>
      %reduce_sum3A_71 = arith.constant dense<0> : vector<1xi32>
      %reduce_sum3A_72 = vector.multi_reduction <add>, %reduce_sum3A_70, %reduce_sum3A_71 [1, 2] : vector<1x79x128xi32> to vector<1xi32>
      %reduce_sum3A_73 = vector.shape_cast %reduce_sum3A_72 : vector<1xi32> to vector<1x1x1xi32>
      %reduce_sum3A_74 = vector.extract %reduce_sum3A_73[0, 0, 0] : i32 from vector<1x1x1xi32>
      %ge3A_75 = arith.constant 6400 : i32
      %ge3A_76 = arith.cmpi sge, %reduce_sum3A_74, %ge3A_75 : i32
      %select_n3A_77 = arith.select %ge3A_76, %add3A_66, %scan3A_62 : i32
      scf.yield %select_n3A_77 : i32
    }
    %scan3A_27 = arith.constant 31 : i32
    %eq3A = vector.broadcast %scan3A_26 : i32 to vector<79x128xi32>
    %eq3A_28 = arith.cmpi eq, %select_n3A_11, %eq3A : vector<79x128xi32>
    %gt3A_29 = vector.broadcast %scan3A_26 : i32 to vector<79x128xi32>
    %gt3A_30 = arith.cmpi sgt, %select_n3A_11, %gt3A_29 : vector<79x128xi32>
    %convert_element_type3A_31 = arith.extui %gt3A_30 : vector<79x128xi1> to vector<79x128xi32>
    %reduce_sum3A_32 = vector.shape_cast %convert_element_type3A_31 : vector<79x128xi32> to vector<1x79x128xi32>
    %reduce_sum3A_33 = arith.constant dense<0> : vector<1xi32>
    %reduce_sum3A_34 = vector.multi_reduction <add>, %reduce_sum3A_32, %reduce_sum3A_33 [1, 2] : vector<1x79x128xi32> to vector<1xi32>
    %reduce_sum3A_35 = vector.shape_cast %reduce_sum3A_34 : vector<1xi32> to vector<1x1x1xi32>
    %reduce_sum3A_36 = vector.extract %reduce_sum3A_35[0, 0, 0] : i32 from vector<1x1x1xi32>
    %sub3A = arith.constant 6400 : i32
    %sub3A_37 = arith.subi %sub3A, %reduce_sum3A_36 : i32
    %iota3A = tpu.iota {dimensions = array<i32: 0>} : vector<79x128xi32>
    %mul3A = arith.constant 128 : i32
    %mul3A_38 = vector.broadcast %mul3A : i32 to vector<79x128xi32>
    %mul3A_39 = arith.muli %iota3A, %mul3A_38 : vector<79x128xi32>
    %iota3A_40 = tpu.iota {dimensions = array<i32: 1>} : vector<79x128xi32>
    %add3A = arith.addi %mul3A_39, %iota3A_40 : vector<79x128xi32>
    %scan3A_41 = arith.constant 0 : i32
    %scan3A_42 = arith.constant 0 : i32
    %scan3A_43 = arith.constant 14 : i32
    %scan3A_44 = arith.addi %scan3A_42, %scan3A_43 : i32
    %scan3A_45 = arith.constant 1 : i32
    %scan3A_46 = scf.for %scan3A_61 = %scan3A_42 to %scan3A_44 step %scan3A_45 iter_args(%scan3A_62 = %scan3A_41) -> (i32)  : i32 {
      %sub3A_63 = arith.constant 13 : i32
      %sub3A_64 = arith.subi %sub3A_63, %scan3A_61 : i32
      %shift_left3A = arith.constant 1 : i32
      %shift_left3A_65 = arith.shli %shift_left3A, %sub3A_64 : i32
      %add3A_66 = arith.addi %scan3A_62, %shift_left3A_65 : i32
      %lt3A_67 = vector.broadcast %add3A_66 : i32 to vector<79x128xi32>
      %lt3A_68 = arith.cmpi slt, %add3A, %lt3A_67 : vector<79x128xi32>
      %and3A = arith.andi %eq3A_28, %lt3A_68 : vector<79x128xi1>
      %convert_element_type3A_69 = arith.extui %and3A : vector<79x128xi1> to vector<79x128xi32>
      %reduce_sum3A_70 = vector.shape_cast %convert_element_type3A_69 : vector<79x128xi32> to vector<1x79x128xi32>
      %reduce_sum3A_71 = arith.constant dense<0> : vector<1xi32>
      %reduce_sum3A_72 = vector.multi_reduction <add>, %reduce_sum3A_70, %reduce_sum3A_71 [1, 2] : vector<1x79x128xi32> to vector<1xi32>
      %reduce_sum3A_73 = vector.shape_cast %reduce_sum3A_72 : vector<1xi32> to vector<1x1x1xi32>
      %reduce_sum3A_74 = vector.extract %reduce_sum3A_73[0, 0, 0] : i32 from vector<1x1x1xi32>
      %le3A = arith.cmpi sle, %reduce_sum3A_74, %sub3A_37 : i32
      %select_n3A_75 = arith.select %le3A, %add3A_66, %scan3A_62 : i32
      scf.yield %select_n3A_75 : i32
    }
    %scan3A_47 = arith.constant 14 : i32
    %broadcast_in_dim3A_48 = arith.constant 0 : i32
    %broadcast_in_dim3A_49 = vector.broadcast %broadcast_in_dim3A_48 : i32 to vector<1x1xi32>
    %add3A_50 = vector.broadcast %scan3A_26 : i32 to vector<1x1xi32>
    %add3A_51 = arith.addi %broadcast_in_dim3A_49, %add3A_50 : vector<1x1xi32>
    %swap3A = arith.constant 0 : index
    %swap3A_52 = arith.constant 0 : index
    %swap3A_53 = vector.load %arg2[%swap3A, %swap3A_52] : memref<1x1xi32, #tpu.memory_space<vmem>>, vector<1x1xi32>
    tpu.vector_store %arg2[%swap3A, %swap3A_52], %add3A_51 {strides = array<i32>} : memref<1x1xi32, #tpu.memory_space<vmem>>, vector<1x1xi32>,
    %broadcast_in_dim3A_54 = arith.constant 0 : i32
    %broadcast_in_dim3A_55 = vector.broadcast %broadcast_in_dim3A_54 : i32 to vector<1x1xi32>
    %add3A_56 = vector.broadcast %scan3A_46 : i32 to vector<1x1xi32>
    %add3A_57 = arith.addi %broadcast_in_dim3A_55, %add3A_56 : vector<1x1xi32>
    %swap3A_58 = arith.constant 0 : index
    %swap3A_59 = arith.constant 0 : index
    %swap3A_60 = vector.load %arg3[%swap3A_58, %swap3A_59] : memref<1x1xi32, #tpu.memory_space<vmem>>, vector<1x1xi32>
    tpu.vector_store %arg3[%swap3A_58, %swap3A_59], %add3A_57 {strides = array<i32>} : memref<1x1xi32, #tpu.memory_space<vmem>>, vector<1x1xi32>,
    return
  }
}

module attributes {stable_mosaic.version = 14 : i64} {
  func.func @body(%arg0: memref<10112x128xf32, #tpu.memory_space<vmem>>, %arg1: memref<10112x1xf32, #tpu.memory_space<vmem>>, %arg2: memref<10112x1xf32, #tpu.memory_space<vmem>>, %arg3: memref<1x1xi32, #tpu.memory_space<vmem>>, %arg4: memref<1x1xi32, #tpu.memory_space<vmem>>, %arg5: memref<128x128xf32, #tpu.memory_space<vmem>>, %arg6: memref<10112x1xf32, #tpu.memory_space<vmem>>, %arg7: memref<10112x16xf32, #tpu.memory_space<vmem>>, %arg8: memref<1x256xf32, #tpu.memory_space<vmem>>, %arg9: memref<10112x128xf32, #tpu.memory_space<vmem>>) attributes {dimension_semantics = [], scalar_prefetch = 0 : i64, scratch_operands = 0 : i64, tpu.core_type = #tpu.core_type<tc>} {
    %get3A = arith.constant 0 : index
    %get3A_0 = arith.constant 0 : index
    %get3A_1 = vector.load %arg1[%get3A, %get3A_0] : memref<10112x1xf32, #tpu.memory_space<vmem>>, vector<10112x1xf32>
    %get3A_2 = arith.constant 0 : index
    %get3A_3 = arith.constant 0 : index
    %get3A_4 = vector.load %arg2[%get3A_2, %get3A_3] : memref<10112x1xf32, #tpu.memory_space<vmem>>, vector<10112x1xf32>
    %bitcast_convert_type3A = tpu.bitcast %get3A_1 : vector<10112x1xf32> -> vector<10112x1xi32>
    %lt3A = arith.constant 0 : i32
    %lt3A_5 = vector.broadcast %lt3A : i32 to vector<10112x1xi32>
    %lt3A_6 = arith.cmpi slt, %bitcast_convert_type3A, %lt3A_5 : vector<10112x1xi32>
    %xor3A = arith.constant 2147483647 : i32
    %xor3A_7 = vector.broadcast %xor3A : i32 to vector<10112x1xi32>
    %xor3A_8 = arith.xori %bitcast_convert_type3A, %xor3A_7 : vector<10112x1xi32>
    %select_n3A = arith.select %lt3A_6, %xor3A_8, %bitcast_convert_type3A : vector<10112x1xi1>, vector<10112x1xi32>
    %gt3A = arith.constant 0.000000e+00 : f32
    %gt3A_9 = vector.broadcast %gt3A : f32 to vector<10112x1xf32>
    %gt3A_10 = arith.cmpf ogt, %get3A_4, %gt3A_9 : vector<10112x1xf32>
    %jit3A = arith.constant -2147483648 : i32
    %broadcast_in_dim3A = vector.broadcast %jit3A : i32 to vector<10112x1xi32>
    %select_n3A_11 = arith.select %gt3A_10, %select_n3A, %broadcast_in_dim3A : vector<10112x1xi1>, vector<10112x1xi32>
    %get3A_12 = arith.constant 0 : index
    %get3A_13 = arith.constant 0 : index
    %get3A_14 = vector.load %arg3[%get3A_12, %get3A_13] : memref<1x1xi32, #tpu.memory_space<vmem>>, vector<1x1xi32>
    %get3A_15 = vector.extract %get3A_14[0, 0] : i32 from vector<1x1xi32>
    %get3A_16 = arith.constant 0 : index
    %get3A_17 = arith.constant 0 : index
    %get3A_18 = vector.load %arg4[%get3A_16, %get3A_17] : memref<1x1xi32, #tpu.memory_space<vmem>>, vector<1x1xi32>
    %get3A_19 = vector.extract %get3A_18[0, 0] : i32 from vector<1x1xi32>
    %iota3A = tpu.iota {dimensions = array<i32: 0>} : vector<10112x1xi32>
    %gt3A_20 = vector.broadcast %get3A_15 : i32 to vector<10112x1xi32>
    %gt3A_21 = arith.cmpi sgt, %select_n3A_11, %gt3A_20 : vector<10112x1xi32>
    %eq3A = vector.broadcast %get3A_15 : i32 to vector<10112x1xi32>
    %eq3A_22 = arith.cmpi eq, %select_n3A_11, %eq3A : vector<10112x1xi32>
    %lt3A_23 = vector.broadcast %get3A_19 : i32 to vector<10112x1xi32>
    %lt3A_24 = arith.cmpi slt, %iota3A, %lt3A_23 : vector<10112x1xi32>
    %and3A = arith.andi %eq3A_22, %lt3A_24 : vector<10112x1xi1>
    %or3A = arith.ori %gt3A_21, %and3A : vector<10112x1xi1>
    %convert_element_type3A = arith.extui %or3A : vector<10112x1xi1> to vector<10112x1xi32>
    %convert_element_type3A_25 = arith.sitofp %convert_element_type3A : vector<10112x1xi32> to vector<10112x1xf32>
    %get3A_26 = arith.constant 0 : index
    %get3A_27 = arith.constant 0 : index
    %get3A_28 = vector.load %arg0[%get3A_26, %get3A_27] : memref<10112x128xf32, #tpu.memory_space<vmem>>, vector<10112x128xf32>
    %get3A_29 = arith.constant 0 : index
    %get3A_30 = arith.constant 0 : index
    %get3A_31 = vector.load %arg1[%get3A_29, %get3A_30] : memref<10112x1xf32, #tpu.memory_space<vmem>>, vector<10112x1xf32>
    %mul3A = vector.broadcast %get3A_31 : vector<10112x1xf32> to vector<10112x128xf32>
    %mul3A_32 = arith.mulf %get3A_28, %mul3A : vector<10112x128xf32>
    %mul3A_33 = vector.broadcast %convert_element_type3A_25 : vector<10112x1xf32> to vector<10112x128xf32>
    %mul3A_34 = arith.mulf %mul3A_32, %mul3A_33 : vector<10112x128xf32>
    %jit3A_35 = arith.constant 0xFF800000 : f32
    %broadcast_in_dim3A_36 = vector.shape_cast %or3A : vector<10112x1xi1> to vector<10112x1xi1>
    %broadcast_in_dim3A_37 = vector.broadcast %broadcast_in_dim3A_36 : vector<10112x1xi1> to vector<10112x128xi1>
    %broadcast_in_dim3A_38 = vector.broadcast %jit3A_35 : f32 to vector<10112x128xf32>
    %select_n3A_39 = arith.select %broadcast_in_dim3A_37, %mul3A_34, %broadcast_in_dim3A_38 : vector<10112x128xi1>, vector<10112x128xf32>
    %reduce_max3A = arith.constant dense<0xFF800000> : vector<128xf32>
    %reduce_max3A_40 = vector.multi_reduction <maximumf>, %select_n3A_39, %reduce_max3A [0] : vector<10112x128xf32> to vector<128xf32>
    %broadcast_in_dim3A_41 = vector.shape_cast %reduce_max3A_40 : vector<128xf32> to vector<1x128xf32>
    %reduce_sum3A = arith.constant dense<0.000000e+00> : vector<128xf32>
    %reduce_sum3A_42 = vector.multi_reduction <add>, %mul3A_34, %reduce_sum3A [0] : vector<10112x128xf32> to vector<128xf32>
    %broadcast_in_dim3A_43 = vector.shape_cast %reduce_sum3A_42 : vector<128xf32> to vector<1x128xf32>
    %mul3A_44 = arith.constant 1.562500e-04 : f32
    %mul3A_45 = vector.broadcast %mul3A_44 : f32 to vector<1x128xf32>
    %mul3A_46 = arith.mulf %broadcast_in_dim3A_43, %mul3A_45 : vector<1x128xf32>
    %concatenate3A = tpu.concatenate %broadcast_in_dim3A_41, %mul3A_46 in 1 : vector<1x128xf32>, vector<1x128xf32> -> vector<1x256xf32>
    %swap3A = arith.constant 0 : index
    %swap3A_47 = arith.constant 0 : index
    %swap3A_48 = vector.load %arg6[%swap3A, %swap3A_47] : memref<10112x1xf32, #tpu.memory_space<vmem>>, vector<10112x1xf32>
    tpu.vector_store %arg6[%swap3A, %swap3A_47], %convert_element_type3A_25 {strides = array<i32>} : memref<10112x1xf32, #tpu.memory_space<vmem>>, vector<10112x1xf32>,
    %broadcast_in_dim3A_49 = vector.shape_cast %convert_element_type3A_25 : vector<10112x1xf32> to vector<10112x1xf32>
    %broadcast_in_dim3A_50 = vector.broadcast %broadcast_in_dim3A_49 : vector<10112x1xf32> to vector<10112x16xf32>
    %swap3A_51 = arith.constant 0 : index
    %swap3A_52 = arith.constant 0 : index
    %swap3A_53 = vector.load %arg7[%swap3A_51, %swap3A_52] : memref<10112x16xf32, #tpu.memory_space<vmem>>, vector<10112x16xf32>
    tpu.vector_store %arg7[%swap3A_51, %swap3A_52], %broadcast_in_dim3A_50 {strides = array<i32>} : memref<10112x16xf32, #tpu.memory_space<vmem>>, vector<10112x16xf32>,
    %swap3A_54 = arith.constant 0 : index
    %swap3A_55 = arith.constant 0 : index
    %swap3A_56 = vector.load %arg8[%swap3A_54, %swap3A_55] : memref<1x256xf32, #tpu.memory_space<vmem>>, vector<1x256xf32>
    tpu.vector_store %arg8[%swap3A_54, %swap3A_55], %concatenate3A {strides = array<i32>} : memref<1x256xf32, #tpu.memory_space<vmem>>, vector<1x256xf32>,
    %get3A_57 = arith.constant 0 : index
    %get3A_58 = arith.constant 0 : index
    %get3A_59 = vector.load %arg5[%get3A_57, %get3A_58] : memref<128x128xf32, #tpu.memory_space<vmem>>, vector<128x128xf32>
    %dot_general3A = arith.constant dense<0.000000e+00> : vector<10112x128xf32>
    %dot_general3A_60 = tpu.matmul %mul3A_34, %get3A_59, %dot_general3A {dimension_numbers = #tpu.dot_dimension_numbers<[1], [0], [0], [1], [0, 0, 1, 1], [], []>, transpose_lhs_hint = false} : vector<10112x128xf32>, vector<128x128xf32>, vector<10112x128xf32> -> vector<10112x128xf32>
    %swap3A_61 = arith.constant 0 : index
    %swap3A_62 = arith.constant 0 : index
    %swap3A_63 = vector.load %arg9[%swap3A_61, %swap3A_62] : memref<10112x128xf32, #tpu.memory_space<vmem>>, vector<10112x128xf32>
    tpu.vector_store %arg9[%swap3A_61, %swap3A_62], %dot_general3A_60 {strides = array<i32>} : memref<10112x128xf32, #tpu.memory_space<vmem>>, vector<10112x128xf32>,
    return
  }
}

module attributes {stable_mosaic.version = 14 : i64} {
  func.func @body(%arg0: memref<10112x128xf32, #tpu.memory_space<vmem>>, %arg1: memref<10112x128xf32, #tpu.memory_space<vmem>>, %arg2: memref<10112x1xf32, #tpu.memory_space<vmem>>, %arg3: memref<10112x128xf32, #tpu.memory_space<vmem>>, %arg4: memref<1x128xf32, #tpu.memory_space<vmem>>, %arg5: memref<1x128xf32, #tpu.memory_space<vmem>>, %arg6: memref<1x128xf32, #tpu.memory_space<vmem>>, %arg7: memref<128x1xf32, #tpu.memory_space<vmem>>, %arg8: memref<10112x1xf32, #tpu.memory_space<vmem>>, %arg9: memref<10112x128xf32, #tpu.memory_space<vmem>>, %arg10: memref<10112x1xf32, #tpu.memory_space<vmem>>) attributes {dimension_semantics = [], scalar_prefetch = 0 : i64, scratch_operands = 0 : i64, tpu.core_type = #tpu.core_type<tc>} {
    %get3A = arith.constant 0 : index
    %get3A_0 = arith.constant 0 : index
    %get3A_1 = vector.load %arg2[%get3A, %get3A_0] : memref<10112x1xf32, #tpu.memory_space<vmem>>, vector<10112x1xf32>
    %get3A_2 = arith.constant 0 : index
    %get3A_3 = arith.constant 0 : index
    %get3A_4 = vector.load %arg8[%get3A_2, %get3A_3] : memref<10112x1xf32, #tpu.memory_space<vmem>>, vector<10112x1xf32>
    %get3A_5 = arith.constant 0 : index
    %get3A_6 = arith.constant 0 : index
    %get3A_7 = vector.load %arg0[%get3A_5, %get3A_6] : memref<10112x128xf32, #tpu.memory_space<vmem>>, vector<10112x128xf32>
    %get3A_8 = arith.constant 0 : index
    %get3A_9 = arith.constant 0 : index
    %get3A_10 = vector.load %arg1[%get3A_8, %get3A_9] : memref<10112x128xf32, #tpu.memory_space<vmem>>, vector<10112x128xf32>
    %add3A = arith.addf %get3A_7, %get3A_10 : vector<10112x128xf32>
    %mul3A = vector.broadcast %get3A_1 : vector<10112x1xf32> to vector<10112x128xf32>
    %mul3A_11 = arith.mulf %mul3A, %add3A : vector<10112x128xf32>
    %mul3A_12 = arith.mulf %get3A_1, %get3A_1 : vector<10112x1xf32>
    %get3A_13 = arith.constant 0 : index
    %get3A_14 = arith.constant 0 : index
    %get3A_15 = vector.load %arg3[%get3A_13, %get3A_14] : memref<10112x128xf32, #tpu.memory_space<vmem>>, vector<10112x128xf32>
    %mul3A_16 = vector.broadcast %mul3A_12 : vector<10112x1xf32> to vector<10112x128xf32>
    %mul3A_17 = arith.mulf %mul3A_16, %get3A_15 : vector<10112x128xf32>
    %add3A_18 = arith.addf %mul3A_11, %mul3A_17 : vector<10112x128xf32>
    %get3A_19 = arith.constant 0 : index
    %get3A_20 = arith.constant 0 : index
    %get3A_21 = vector.load %arg4[%get3A_19, %get3A_20] : memref<1x128xf32, #tpu.memory_space<vmem>>, vector<1x128xf32>
    %add3A_22 = vector.broadcast %get3A_21 : vector<1x128xf32> to vector<10112x128xf32>
    %add3A_23 = arith.addf %add3A_18, %add3A_22 : vector<10112x128xf32>
    %mul3A_24 = vector.broadcast %get3A_4 : vector<10112x1xf32> to vector<10112x128xf32>
    %mul3A_25 = arith.mulf %add3A_23, %mul3A_24 : vector<10112x128xf32>
    %reduce_sum3A = arith.constant dense<0.000000e+00> : vector<128xf32>
    %reduce_sum3A_26 = vector.multi_reduction <add>, %mul3A_25, %reduce_sum3A [0] : vector<10112x128xf32> to vector<128xf32>
    %broadcast_in_dim3A = vector.shape_cast %reduce_sum3A_26 : vector<128xf32> to vector<1x128xf32>
    %mul3A_27 = arith.constant 1.562500e-04 : f32
    %mul3A_28 = vector.broadcast %mul3A_27 : f32 to vector<1x128xf32>
    %mul3A_29 = arith.mulf %broadcast_in_dim3A, %mul3A_28 : vector<1x128xf32>
    %sub3A = vector.broadcast %mul3A_29 : vector<1x128xf32> to vector<10112x128xf32>
    %sub3A_30 = arith.subf %add3A_23, %sub3A : vector<10112x128xf32>
    %mul3A_31 = arith.mulf %sub3A_30, %sub3A_30 : vector<10112x128xf32>
    %mul3A_32 = vector.broadcast %get3A_4 : vector<10112x1xf32> to vector<10112x128xf32>
    %mul3A_33 = arith.mulf %mul3A_31, %mul3A_32 : vector<10112x128xf32>
    %reduce_sum3A_34 = arith.constant dense<0.000000e+00> : vector<128xf32>
    %reduce_sum3A_35 = vector.multi_reduction <add>, %mul3A_33, %reduce_sum3A_34 [0] : vector<10112x128xf32> to vector<128xf32>
    %broadcast_in_dim3A_36 = vector.shape_cast %reduce_sum3A_35 : vector<128xf32> to vector<1x128xf32>
    %mul3A_37 = arith.constant 1.562500e-04 : f32
    %mul3A_38 = vector.broadcast %mul3A_37 : f32 to vector<1x128xf32>
    %mul3A_39 = arith.mulf %broadcast_in_dim3A_36, %mul3A_38 : vector<1x128xf32>
    %add3A_40 = arith.constant 9.99999974E-6 : f32
    %add3A_41 = vector.broadcast %add3A_40 : f32 to vector<1x128xf32>
    %add3A_42 = arith.addf %mul3A_39, %add3A_41 : vector<1x128xf32>
    %sqrt3A = math.sqrt %add3A_42 : vector<1x128xf32>
    %div3A = vector.broadcast %sqrt3A : vector<1x128xf32> to vector<10112x128xf32>
    %div3A_43 = arith.divf %sub3A_30, %div3A : vector<10112x128xf32>
    %get3A_44 = arith.constant 0 : index
    %get3A_45 = arith.constant 0 : index
    %get3A_46 = vector.load %arg5[%get3A_44, %get3A_45] : memref<1x128xf32, #tpu.memory_space<vmem>>, vector<1x128xf32>
    %mul3A_47 = vector.broadcast %get3A_46 : vector<1x128xf32> to vector<10112x128xf32>
    %mul3A_48 = arith.mulf %div3A_43, %mul3A_47 : vector<10112x128xf32>
    %get3A_49 = arith.constant 0 : index
    %get3A_50 = arith.constant 0 : index
    %get3A_51 = vector.load %arg6[%get3A_49, %get3A_50] : memref<1x128xf32, #tpu.memory_space<vmem>>, vector<1x128xf32>
    %add3A_52 = vector.broadcast %get3A_51 : vector<1x128xf32> to vector<10112x128xf32>
    %add3A_53 = arith.addf %mul3A_48, %add3A_52 : vector<10112x128xf32>
    %max3A = arith.constant 0.000000e+00 : f32
    %max3A_54 = vector.broadcast %max3A : f32 to vector<10112x128xf32>
    %max3A_55 = arith.maximumf %add3A_53, %max3A_54 : vector<10112x128xf32>
    %mul3A_56 = vector.broadcast %get3A_4 : vector<10112x1xf32> to vector<10112x128xf32>
    %mul3A_57 = arith.mulf %max3A_55, %mul3A_56 : vector<10112x128xf32>
    %swap3A = arith.constant 0 : index
    %swap3A_58 = arith.constant 0 : index
    %swap3A_59 = vector.load %arg9[%swap3A, %swap3A_58] : memref<10112x128xf32, #tpu.memory_space<vmem>>, vector<10112x128xf32>
    tpu.vector_store %arg9[%swap3A, %swap3A_58], %mul3A_57 {strides = array<i32>} : memref<10112x128xf32, #tpu.memory_space<vmem>>, vector<10112x128xf32>,
    %get3A_60 = arith.constant 0 : index
    %get3A_61 = arith.constant 0 : index
    %get3A_62 = vector.load %arg7[%get3A_60, %get3A_61] : memref<128x1xf32, #tpu.memory_space<vmem>>, vector<128x1xf32>
    %mul3A_63 = arith.mulf %get3A_62, %get3A_62 : vector<128x1xf32>
    %reduce_sum3A_64 = vector.shape_cast %mul3A_63 : vector<128x1xf32> to vector<1x128x1xf32>
    %reduce_sum3A_65 = arith.constant dense<0.000000e+00> : vector<1xf32>
    %reduce_sum3A_66 = vector.multi_reduction <add>, %reduce_sum3A_64, %reduce_sum3A_65 [1, 2] : vector<1x128x1xf32> to vector<1xf32>
    %reduce_sum3A_67 = vector.shape_cast %reduce_sum3A_66 : vector<1xf32> to vector<1x1x1xf32>
    %reduce_sum3A_68 = vector.extract %reduce_sum3A_67[0, 0, 0] : f32 from vector<1x1x1xf32>
    %sqrt3A_69 = math.sqrt %reduce_sum3A_68 : f32
    %dot_general3A = arith.constant dense<0.000000e+00> : vector<10112x1xf32>
    %dot_general3A_70 = tpu.matmul %mul3A_57, %get3A_62, %dot_general3A {dimension_numbers = #tpu.dot_dimension_numbers<[1], [0], [0], [1], [0, 0, 1, 1], [], []>, transpose_lhs_hint = false} : vector<10112x128xf32>, vector<128x1xf32>, vector<10112x1xf32> -> vector<10112x1xf32>
    %div3A_71 = vector.broadcast %sqrt3A_69 : f32 to vector<10112x1xf32>
    %div3A_72 = arith.divf %dot_general3A_70, %div3A_71 : vector<10112x1xf32>
    %tanh3A = math.tanh %div3A_72 : vector<10112x1xf32>
    %swap3A_73 = arith.constant 0 : index
    %swap3A_74 = arith.constant 0 : index
    %swap3A_75 = vector.load %arg10[%swap3A_73, %swap3A_74] : memref<10112x1xf32, #tpu.memory_space<vmem>>, vector<10112x1xf32>
    tpu.vector_store %arg10[%swap3A_73, %swap3A_74], %tanh3A {strides = array<i32>} : memref<10112x1xf32, #tpu.memory_space<vmem>>, vector<10112x1xf32>,
    return
  }
}

module attributes {stable_mosaic.version = 14 : i64} {
  func.func @body(%arg0: memref<79x128xf32, #tpu.memory_space<vmem>>, %arg1: memref<79x128xf32, #tpu.memory_space<vmem>>, %arg2: memref<1x1xi32, #tpu.memory_space<vmem>>, %arg3: memref<1x1xi32, #tpu.memory_space<vmem>>) attributes {dimension_semantics = [], scalar_prefetch = 0 : i64, scratch_operands = 0 : i64, tpu.core_type = #tpu.core_type<tc>} {
    %get3A = arith.constant 0 : index
    %get3A_0 = arith.constant 0 : index
    %get3A_1 = vector.load %arg0[%get3A, %get3A_0] : memref<79x128xf32, #tpu.memory_space<vmem>>, vector<79x128xf32>
    %get3A_2 = arith.constant 0 : index
    %get3A_3 = arith.constant 0 : index
    %get3A_4 = vector.load %arg1[%get3A_2, %get3A_3] : memref<79x128xf32, #tpu.memory_space<vmem>>, vector<79x128xf32>
    %bitcast_convert_type3A = tpu.bitcast %get3A_1 : vector<79x128xf32> -> vector<79x128xi32>
    %lt3A = arith.constant 0 : i32
    %lt3A_5 = vector.broadcast %lt3A : i32 to vector<79x128xi32>
    %lt3A_6 = arith.cmpi slt, %bitcast_convert_type3A, %lt3A_5 : vector<79x128xi32>
    %xor3A = arith.constant 2147483647 : i32
    %xor3A_7 = vector.broadcast %xor3A : i32 to vector<79x128xi32>
    %xor3A_8 = arith.xori %bitcast_convert_type3A, %xor3A_7 : vector<79x128xi32>
    %select_n3A = arith.select %lt3A_6, %xor3A_8, %bitcast_convert_type3A : vector<79x128xi1>, vector<79x128xi32>
    %gt3A = arith.constant 0.000000e+00 : f32
    %gt3A_9 = vector.broadcast %gt3A : f32 to vector<79x128xf32>
    %gt3A_10 = arith.cmpf ogt, %get3A_4, %gt3A_9 : vector<79x128xf32>
    %jit3A = arith.constant -2147483648 : i32
    %broadcast_in_dim3A = vector.broadcast %jit3A : i32 to vector<79x128xi32>
    %select_n3A_11 = arith.select %gt3A_10, %select_n3A, %broadcast_in_dim3A : vector<79x128xi1>, vector<79x128xi32>
    %ge3A = arith.constant 0 : i32
    %ge3A_12 = vector.broadcast %ge3A : i32 to vector<79x128xi32>
    %ge3A_13 = arith.cmpi sge, %select_n3A_11, %ge3A_12 : vector<79x128xi32>
    %convert_element_type3A = arith.extui %ge3A_13 : vector<79x128xi1> to vector<79x128xi32>
    %reduce_sum3A = vector.shape_cast %convert_element_type3A : vector<79x128xi32> to vector<1x79x128xi32>
    %reduce_sum3A_14 = arith.constant dense<0> : vector<1xi32>
    %reduce_sum3A_15 = vector.multi_reduction <add>, %reduce_sum3A, %reduce_sum3A_14 [1, 2] : vector<1x79x128xi32> to vector<1xi32>
    %reduce_sum3A_16 = vector.shape_cast %reduce_sum3A_15 : vector<1xi32> to vector<1x1x1xi32>
    %reduce_sum3A_17 = vector.extract %reduce_sum3A_16[0, 0, 0] : i32 from vector<1x1x1xi32>
    %ge3A_18 = arith.constant 5120 : i32
    %ge3A_19 = arith.cmpi sge, %reduce_sum3A_17, %ge3A_18 : i32
    %jit3A_20 = arith.constant 0 : i32
    %jit3A_21 = arith.constant -2147483648 : i32
    %select_n3A_22 = arith.select %ge3A_19, %jit3A_20, %jit3A_21 : i32
    %scan3A = arith.constant 0 : i32
    %scan3A_23 = arith.constant 31 : i32
    %scan3A_24 = arith.addi %scan3A, %scan3A_23 : i32
    %scan3A_25 = arith.constant 1 : i32
    %scan3A_26 = scf.for %scan3A_61 = %scan3A to %scan3A_24 step %scan3A_25 iter_args(%scan3A_62 = %select_n3A_22) -> (i32)  : i32 {
      %sub3A_63 = arith.constant 30 : i32
      %sub3A_64 = arith.subi %sub3A_63, %scan3A_61 : i32
      %shift_left3A = arith.constant 1 : i32
      %shift_left3A_65 = arith.shli %shift_left3A, %sub3A_64 : i32
      %add3A_66 = arith.addi %scan3A_62, %shift_left3A_65 : i32
      %ge3A_67 = vector.broadcast %add3A_66 : i32 to vector<79x128xi32>
      %ge3A_68 = arith.cmpi sge, %select_n3A_11, %ge3A_67 : vector<79x128xi32>
      %convert_element_type3A_69 = arith.extui %ge3A_68 : vector<79x128xi1> to vector<79x128xi32>
      %reduce_sum3A_70 = vector.shape_cast %convert_element_type3A_69 : vector<79x128xi32> to vector<1x79x128xi32>
      %reduce_sum3A_71 = arith.constant dense<0> : vector<1xi32>
      %reduce_sum3A_72 = vector.multi_reduction <add>, %reduce_sum3A_70, %reduce_sum3A_71 [1, 2] : vector<1x79x128xi32> to vector<1xi32>
      %reduce_sum3A_73 = vector.shape_cast %reduce_sum3A_72 : vector<1xi32> to vector<1x1x1xi32>
      %reduce_sum3A_74 = vector.extract %reduce_sum3A_73[0, 0, 0] : i32 from vector<1x1x1xi32>
      %ge3A_75 = arith.constant 5120 : i32
      %ge3A_76 = arith.cmpi sge, %reduce_sum3A_74, %ge3A_75 : i32
      %select_n3A_77 = arith.select %ge3A_76, %add3A_66, %scan3A_62 : i32
      scf.yield %select_n3A_77 : i32
    }
    %scan3A_27 = arith.constant 31 : i32
    %eq3A = vector.broadcast %scan3A_26 : i32 to vector<79x128xi32>
    %eq3A_28 = arith.cmpi eq, %select_n3A_11, %eq3A : vector<79x128xi32>
    %gt3A_29 = vector.broadcast %scan3A_26 : i32 to vector<79x128xi32>
    %gt3A_30 = arith.cmpi sgt, %select_n3A_11, %gt3A_29 : vector<79x128xi32>
    %convert_element_type3A_31 = arith.extui %gt3A_30 : vector<79x128xi1> to vector<79x128xi32>
    %reduce_sum3A_32 = vector.shape_cast %convert_element_type3A_31 : vector<79x128xi32> to vector<1x79x128xi32>
    %reduce_sum3A_33 = arith.constant dense<0> : vector<1xi32>
    %reduce_sum3A_34 = vector.multi_reduction <add>, %reduce_sum3A_32, %reduce_sum3A_33 [1, 2] : vector<1x79x128xi32> to vector<1xi32>
    %reduce_sum3A_35 = vector.shape_cast %reduce_sum3A_34 : vector<1xi32> to vector<1x1x1xi32>
    %reduce_sum3A_36 = vector.extract %reduce_sum3A_35[0, 0, 0] : i32 from vector<1x1x1xi32>
    %sub3A = arith.constant 5120 : i32
    %sub3A_37 = arith.subi %sub3A, %reduce_sum3A_36 : i32
    %iota3A = tpu.iota {dimensions = array<i32: 0>} : vector<79x128xi32>
    %mul3A = arith.constant 128 : i32
    %mul3A_38 = vector.broadcast %mul3A : i32 to vector<79x128xi32>
    %mul3A_39 = arith.muli %iota3A, %mul3A_38 : vector<79x128xi32>
    %iota3A_40 = tpu.iota {dimensions = array<i32: 1>} : vector<79x128xi32>
    %add3A = arith.addi %mul3A_39, %iota3A_40 : vector<79x128xi32>
    %scan3A_41 = arith.constant 0 : i32
    %scan3A_42 = arith.constant 0 : i32
    %scan3A_43 = arith.constant 14 : i32
    %scan3A_44 = arith.addi %scan3A_42, %scan3A_43 : i32
    %scan3A_45 = arith.constant 1 : i32
    %scan3A_46 = scf.for %scan3A_61 = %scan3A_42 to %scan3A_44 step %scan3A_45 iter_args(%scan3A_62 = %scan3A_41) -> (i32)  : i32 {
      %sub3A_63 = arith.constant 13 : i32
      %sub3A_64 = arith.subi %sub3A_63, %scan3A_61 : i32
      %shift_left3A = arith.constant 1 : i32
      %shift_left3A_65 = arith.shli %shift_left3A, %sub3A_64 : i32
      %add3A_66 = arith.addi %scan3A_62, %shift_left3A_65 : i32
      %lt3A_67 = vector.broadcast %add3A_66 : i32 to vector<79x128xi32>
      %lt3A_68 = arith.cmpi slt, %add3A, %lt3A_67 : vector<79x128xi32>
      %and3A = arith.andi %eq3A_28, %lt3A_68 : vector<79x128xi1>
      %convert_element_type3A_69 = arith.extui %and3A : vector<79x128xi1> to vector<79x128xi32>
      %reduce_sum3A_70 = vector.shape_cast %convert_element_type3A_69 : vector<79x128xi32> to vector<1x79x128xi32>
      %reduce_sum3A_71 = arith.constant dense<0> : vector<1xi32>
      %reduce_sum3A_72 = vector.multi_reduction <add>, %reduce_sum3A_70, %reduce_sum3A_71 [1, 2] : vector<1x79x128xi32> to vector<1xi32>
      %reduce_sum3A_73 = vector.shape_cast %reduce_sum3A_72 : vector<1xi32> to vector<1x1x1xi32>
      %reduce_sum3A_74 = vector.extract %reduce_sum3A_73[0, 0, 0] : i32 from vector<1x1x1xi32>
      %le3A = arith.cmpi sle, %reduce_sum3A_74, %sub3A_37 : i32
      %select_n3A_75 = arith.select %le3A, %add3A_66, %scan3A_62 : i32
      scf.yield %select_n3A_75 : i32
    }
    %scan3A_47 = arith.constant 14 : i32
    %broadcast_in_dim3A_48 = arith.constant 0 : i32
    %broadcast_in_dim3A_49 = vector.broadcast %broadcast_in_dim3A_48 : i32 to vector<1x1xi32>
    %add3A_50 = vector.broadcast %scan3A_26 : i32 to vector<1x1xi32>
    %add3A_51 = arith.addi %broadcast_in_dim3A_49, %add3A_50 : vector<1x1xi32>
    %swap3A = arith.constant 0 : index
    %swap3A_52 = arith.constant 0 : index
    %swap3A_53 = vector.load %arg2[%swap3A, %swap3A_52] : memref<1x1xi32, #tpu.memory_space<vmem>>, vector<1x1xi32>
    tpu.vector_store %arg2[%swap3A, %swap3A_52], %add3A_51 {strides = array<i32>} : memref<1x1xi32, #tpu.memory_space<vmem>>, vector<1x1xi32>,
    %broadcast_in_dim3A_54 = arith.constant 0 : i32
    %broadcast_in_dim3A_55 = vector.broadcast %broadcast_in_dim3A_54 : i32 to vector<1x1xi32>
    %add3A_56 = vector.broadcast %scan3A_46 : i32 to vector<1x1xi32>
    %add3A_57 = arith.addi %broadcast_in_dim3A_55, %add3A_56 : vector<1x1xi32>
    %swap3A_58 = arith.constant 0 : index
    %swap3A_59 = arith.constant 0 : index
    %swap3A_60 = vector.load %arg3[%swap3A_58, %swap3A_59] : memref<1x1xi32, #tpu.memory_space<vmem>>, vector<1x1xi32>
    tpu.vector_store %arg3[%swap3A_58, %swap3A_59], %add3A_57 {strides = array<i32>} : memref<1x1xi32, #tpu.memory_space<vmem>>, vector<1x1xi32>,
    return
  }
}

module attributes {stable_mosaic.version = 14 : i64} {
  func.func @body(%arg0: memref<10112x128xf32, #tpu.memory_space<vmem>>, %arg1: memref<10112x1xf32, #tpu.memory_space<vmem>>, %arg2: memref<10112x1xf32, #tpu.memory_space<vmem>>, %arg3: memref<1x1xi32, #tpu.memory_space<vmem>>, %arg4: memref<1x1xi32, #tpu.memory_space<vmem>>, %arg5: memref<1x256xf32, #tpu.memory_space<vmem>>, %arg6: memref<1x256xf32, #tpu.memory_space<vmem>>, %arg7: memref<256x128xf32, #tpu.memory_space<vmem>>, %arg8: memref<1x128xf32, #tpu.memory_space<vmem>>, %arg9: memref<128x64xf32, #tpu.memory_space<vmem>>, %arg10: memref<1x64xf32, #tpu.memory_space<vmem>>, %arg11: memref<1x64xf32, #tpu.memory_space<vmem>>) attributes {dimension_semantics = [], scalar_prefetch = 0 : i64, scratch_operands = 0 : i64, tpu.core_type = #tpu.core_type<tc>} {
    %get3A = arith.constant 0 : index
    %get3A_0 = arith.constant 0 : index
    %get3A_1 = vector.load %arg1[%get3A, %get3A_0] : memref<10112x1xf32, #tpu.memory_space<vmem>>, vector<10112x1xf32>
    %get3A_2 = arith.constant 0 : index
    %get3A_3 = arith.constant 0 : index
    %get3A_4 = vector.load %arg2[%get3A_2, %get3A_3] : memref<10112x1xf32, #tpu.memory_space<vmem>>, vector<10112x1xf32>
    %bitcast_convert_type3A = tpu.bitcast %get3A_1 : vector<10112x1xf32> -> vector<10112x1xi32>
    %lt3A = arith.constant 0 : i32
    %lt3A_5 = vector.broadcast %lt3A : i32 to vector<10112x1xi32>
    %lt3A_6 = arith.cmpi slt, %bitcast_convert_type3A, %lt3A_5 : vector<10112x1xi32>
    %xor3A = arith.constant 2147483647 : i32
    %xor3A_7 = vector.broadcast %xor3A : i32 to vector<10112x1xi32>
    %xor3A_8 = arith.xori %bitcast_convert_type3A, %xor3A_7 : vector<10112x1xi32>
    %select_n3A = arith.select %lt3A_6, %xor3A_8, %bitcast_convert_type3A : vector<10112x1xi1>, vector<10112x1xi32>
    %gt3A = arith.constant 0.000000e+00 : f32
    %gt3A_9 = vector.broadcast %gt3A : f32 to vector<10112x1xf32>
    %gt3A_10 = arith.cmpf ogt, %get3A_4, %gt3A_9 : vector<10112x1xf32>
    %jit3A = arith.constant -2147483648 : i32
    %broadcast_in_dim3A = vector.broadcast %jit3A : i32 to vector<10112x1xi32>
    %select_n3A_11 = arith.select %gt3A_10, %select_n3A, %broadcast_in_dim3A : vector<10112x1xi1>, vector<10112x1xi32>
    %get3A_12 = arith.constant 0 : index
    %get3A_13 = arith.constant 0 : index
    %get3A_14 = vector.load %arg3[%get3A_12, %get3A_13] : memref<1x1xi32, #tpu.memory_space<vmem>>, vector<1x1xi32>
    %get3A_15 = vector.extract %get3A_14[0, 0] : i32 from vector<1x1xi32>
    %get3A_16 = arith.constant 0 : index
    %get3A_17 = arith.constant 0 : index
    %get3A_18 = vector.load %arg4[%get3A_16, %get3A_17] : memref<1x1xi32, #tpu.memory_space<vmem>>, vector<1x1xi32>
    %get3A_19 = vector.extract %get3A_18[0, 0] : i32 from vector<1x1xi32>
    %iota3A = tpu.iota {dimensions = array<i32: 0>} : vector<10112x1xi32>
    %gt3A_20 = vector.broadcast %get3A_15 : i32 to vector<10112x1xi32>
    %gt3A_21 = arith.cmpi sgt, %select_n3A_11, %gt3A_20 : vector<10112x1xi32>
    %eq3A = vector.broadcast %get3A_15 : i32 to vector<10112x1xi32>
    %eq3A_22 = arith.cmpi eq, %select_n3A_11, %eq3A : vector<10112x1xi32>
    %lt3A_23 = vector.broadcast %get3A_19 : i32 to vector<10112x1xi32>
    %lt3A_24 = arith.cmpi slt, %iota3A, %lt3A_23 : vector<10112x1xi32>
    %and3A = arith.andi %eq3A_22, %lt3A_24 : vector<10112x1xi1>
    %or3A = arith.ori %gt3A_21, %and3A : vector<10112x1xi1>
    %convert_element_type3A = arith.extui %or3A : vector<10112x1xi1> to vector<10112x1xi32>
    %convert_element_type3A_25 = arith.sitofp %convert_element_type3A : vector<10112x1xi32> to vector<10112x1xf32>
    %get3A_26 = arith.constant 0 : index
    %get3A_27 = arith.constant 0 : index
    %get3A_28 = vector.load %arg0[%get3A_26, %get3A_27] : memref<10112x128xf32, #tpu.memory_space<vmem>>, vector<10112x128xf32>
    %get3A_29 = arith.constant 0 : index
    %get3A_30 = arith.constant 0 : index
    %get3A_31 = vector.load %arg1[%get3A_29, %get3A_30] : memref<10112x1xf32, #tpu.memory_space<vmem>>, vector<10112x1xf32>
    %mul3A = vector.broadcast %get3A_31 : vector<10112x1xf32> to vector<10112x128xf32>
    %mul3A_32 = arith.mulf %get3A_28, %mul3A : vector<10112x128xf32>
    %mul3A_33 = vector.broadcast %convert_element_type3A_25 : vector<10112x1xf32> to vector<10112x128xf32>
    %mul3A_34 = arith.mulf %mul3A_32, %mul3A_33 : vector<10112x128xf32>
    %jit3A_35 = arith.constant 0xFF800000 : f32
    %broadcast_in_dim3A_36 = vector.shape_cast %or3A : vector<10112x1xi1> to vector<10112x1xi1>
    %broadcast_in_dim3A_37 = vector.broadcast %broadcast_in_dim3A_36 : vector<10112x1xi1> to vector<10112x128xi1>
    %broadcast_in_dim3A_38 = vector.broadcast %jit3A_35 : f32 to vector<10112x128xf32>
    %select_n3A_39 = arith.select %broadcast_in_dim3A_37, %mul3A_34, %broadcast_in_dim3A_38 : vector<10112x128xi1>, vector<10112x128xf32>
    %reduce_max3A = arith.constant dense<0xFF800000> : vector<128xf32>
    %reduce_max3A_40 = vector.multi_reduction <maximumf>, %select_n3A_39, %reduce_max3A [0] : vector<10112x128xf32> to vector<128xf32>
    %broadcast_in_dim3A_41 = vector.shape_cast %reduce_max3A_40 : vector<128xf32> to vector<1x128xf32>
    %reduce_sum3A = arith.constant dense<0.000000e+00> : vector<128xf32>
    %reduce_sum3A_42 = vector.multi_reduction <add>, %mul3A_34, %reduce_sum3A [0] : vector<10112x128xf32> to vector<128xf32>
    %broadcast_in_dim3A_43 = vector.shape_cast %reduce_sum3A_42 : vector<128xf32> to vector<1x128xf32>
    %mul3A_44 = arith.constant 1.95312503E-4 : f32
    %mul3A_45 = vector.broadcast %mul3A_44 : f32 to vector<1x128xf32>
    %mul3A_46 = arith.mulf %broadcast_in_dim3A_43, %mul3A_45 : vector<1x128xf32>
    %concatenate3A = tpu.concatenate %broadcast_in_dim3A_41, %mul3A_46 in 1 : vector<1x128xf32>, vector<1x128xf32> -> vector<1x256xf32>
    %get3A_47 = arith.constant 0 : index
    %get3A_48 = arith.constant 0 : index
    %get3A_49 = vector.load %arg5[%get3A_47, %get3A_48] : memref<1x256xf32, #tpu.memory_space<vmem>>, vector<1x256xf32>
    %get3A_50 = arith.constant 0 : index
    %get3A_51 = arith.constant 0 : index
    %get3A_52 = vector.load %arg6[%get3A_50, %get3A_51] : memref<1x256xf32, #tpu.memory_space<vmem>>, vector<1x256xf32>
    %add3A = arith.addf %get3A_49, %get3A_52 : vector<1x256xf32>
    %add3A_53 = arith.addf %add3A, %concatenate3A : vector<1x256xf32>
    %get3A_54 = arith.constant 0 : index
    %get3A_55 = arith.constant 0 : index
    %get3A_56 = vector.load %arg7[%get3A_54, %get3A_55] : memref<256x128xf32, #tpu.memory_space<vmem>>, vector<256x128xf32>
    %dot_general3A = arith.constant dense<0.000000e+00> : vector<1x128xf32>
    %dot_general3A_57 = tpu.matmul %add3A_53, %get3A_56, %dot_general3A {dimension_numbers = #tpu.dot_dimension_numbers<[1], [0], [0], [1], [0, 0, 1, 1], [], []>, transpose_lhs_hint = false} : vector<1x256xf32>, vector<256x128xf32>, vector<1x128xf32> -> vector<1x128xf32>
    %get3A_58 = arith.constant 0 : index
    %get3A_59 = arith.constant 0 : index
    %get3A_60 = vector.load %arg8[%get3A_58, %get3A_59] : memref<1x128xf32, #tpu.memory_space<vmem>>, vector<1x128xf32>
    %add3A_61 = arith.addf %dot_general3A_57, %get3A_60 : vector<1x128xf32>
    %max3A = arith.constant 0.000000e+00 : f32
    %max3A_62 = vector.broadcast %max3A : f32 to vector<1x128xf32>
    %max3A_63 = arith.maximumf %add3A_61, %max3A_62 : vector<1x128xf32>
    %get3A_64 = arith.constant 0 : index
    %get3A_65 = arith.constant 0 : index
    %get3A_66 = vector.load %arg9[%get3A_64, %get3A_65] : memref<128x64xf32, #tpu.memory_space<vmem>>, vector<128x64xf32>
    %dot_general3A_67 = arith.constant dense<0.000000e+00> : vector<1x64xf32>
    %dot_general3A_68 = tpu.matmul %max3A_63, %get3A_66, %dot_general3A_67 {dimension_numbers = #tpu.dot_dimension_numbers<[1], [0], [0], [1], [0, 0, 1, 1], [], []>, transpose_lhs_hint = false} : vector<1x128xf32>, vector<128x64xf32>, vector<1x64xf32> -> vector<1x64xf32>
    %get3A_69 = arith.constant 0 : index
    %get3A_70 = arith.constant 0 : index
    %get3A_71 = vector.load %arg10[%get3A_69, %get3A_70] : memref<1x64xf32, #tpu.memory_space<vmem>>, vector<1x64xf32>
    %add3A_72 = arith.addf %dot_general3A_68, %get3A_71 : vector<1x64xf32>
    %swap3A = arith.constant 0 : index
    %swap3A_73 = arith.constant 0 : index
    %swap3A_74 = vector.load %arg11[%swap3A, %swap3A_73] : memref<1x64xf32, #tpu.memory_space<vmem>>, vector<1x64xf32>
    tpu.vector_store %arg11[%swap3A, %swap3A_73], %add3A_72 {strides = array<i32>} : memref<1x64xf32, #tpu.memory_space<vmem>>, vector<1x64xf32>,
    return
  }
}

</mosaic_0001>

<sc_bundles>
// kernel: kernel.21.cloned.1.call-start
scs
__scs_entry_jumppad:
0x0: {  	(pc) =	sbr.rel $0x88, $3  }
0x1: {  	(tag) =	ssettag $0x0;
	lr =	simm.s32 $0x1  }
0x2: {  	[smem:$0x3F8A] =	sst lr;
	_ =	strace $0xD0000000  }
0x3: {  	_ = 	snop  }
0x4: {  	_ = 	snop  }
0x5: {  	_ = 	snop  }
0x6: {  	_ = 	snop  }
0x7: {  	_ = 	snop  }
__scs_overlays_trampoline_lowered:
0x8: {  	[smem:$0x3F99] =	sst s0  }
0x9: {  	[smem:$0x3F9A] =	sst s1  }
0xa: {  	[smem:$0x3F9B] =	sst s2  }
0xb: {  	[smem:$0x3F9C] =	sst s3  }
0xc: {  	[smem:$0x3F9D] =	sst s4  }
0xd: {  	[smem:$0x3F9E] =	sst s5  }
0xe: {  	[smem:$0x3F9F] =	sst s6  }
0xf: {  	[smem:$0x3FA0] =	sst s7  }
0x10: {  	[smem:$0x3FA1] =	sst s8  }
0x11: {  	[smem:$0x3FA2] =	sst s9;
	s0 =	simm.s32 @!p0 $0x0  }
0x12: {  	s1 =	sld [smem:$0x3F88];
	s0 =	simm.s32 @p0 $0x1  }
0x13: {  	[smem:$0x3FA3] =	sst s0;
	s0 =	simm.s32 @!p1 $0x0  }
0x14: {  	s2 =	sld [smem:$0x3F87];
	s0 =	simm.s32 @p1 $0x1  }
0x15: {  	[smem:$0x3FA4] =	sst s0;
	s0 =	simm.s32 @!p2 $0x0  }
0x16: {  	s3 =	sld [smem:$0x3FDB];
	s0 =	simm.s32 @p2 $0x1  }
0x17: {  	s4 =	simm.s32 $0x1BF5;
	[smem:$0x3FA6] =	sst s0  }
0x18: {  	s0 =	sld [smem:$0x3F89];
	_ =	swait.ge [sflag:s4], $0x0  }
0x19: {  	s7 =	sld [smem:$0x3F8A]  }
0x1a: {  	s8 =	sadd.s32 $0xFFFFE003, lr  }
0x1b: {  	s9 =	sadd.s32 $0xFFFFFEF7, lr;
	s5 =	simm.s32 $0xFFFFFFFF;
	p2 =	slt.u32 s8, $0xFFFFF086  }
0x1c: {  	p1 =	slt.u32 s9, $0xF7A;
	s5 =	simm.s32 @!p2 $0x0  }
0x1d: {  	s5 =	simm.s32 @p1 $0x1;
	p0 =	seq.s32 s7, s2  }
0x1e: {  	s7 =	smul.u32 @!p0 $0xF7A, s2;
	p2 =	seq.s32 @!p0 s5, $0x0  }
0x1f: {  	s9 =	smul.u32 $0xF7A, s1;
	s8 =	simm.s32 @!p0 $0x1BF5;
	p2 =	por !p2, p0  }
0x20: {  	[sflag:s8] =	ssyncset.s32 @!p0 $0xFFFFF086;
	s6 =	sadd.s32 @!p0 s3, s7;
	s7 =	simm.s32 @!p0 $0x108  }
0x21: {  	s3 =	sadd.s32 s3, s9;
	s6 =	sadd.s32 @!p0 $0x88, s6;
	s7 =	simm.s32 @p2 $0x1082  }
0x22: {  	[simem:s7], [sflag:s8] =	dma.local @!p0 [hbm:s6], $0xF7A  }
0x23: {  	s9 =	sor.u32 $0xD0000000, s2;
	s6 =	simm.s32 $0x108;
	_ =	swait.ge @!p0 [sflag:s8], $0x0  }
0x24: {  	s3 =	sadd.s32 $0x88, s3;
	s6 =	simm.s32 @!p1 $0x1082;
	[sflag:s4] =	ssyncset.s32 $0xFFFFF086  }
0x25: {  	[simem:s6], [sflag:s4] =	dma.local [hbm:s3], $0xF7A  }
0x26: {  	[smem:$0x3F8A] =	sst s1;
	(tag) =	ssettag s2;
	_ =	strace s9  }
0x27: {  	s1 =	sld [smem:$0x3F9A]  }
0x28: {  	s2 =	sld [smem:$0x3F9B]  }
0x29: {  	s4 =	sld [smem:$0x3F9D]  }
0x2a: {  	p0 =	seq.s32 s5, $0x0;
	s5 =	sld [smem:$0x3F9E]  }
0x2b: {  	s6 =	sld [smem:$0x3F9F]  }
0x2c: {  	s7 =	sld [smem:$0x3FA0]  }
0x2d: {  	s3 =	simm.s32 $0x108;
	s8 =	sld [smem:$0x3FA1]  }
0x2e: {  	s3 =	simm.s32 @!p0 $0x1082;
	s9 =	sld [smem:$0x3FA2]  }
0x2f: {  	lr =	sadd.s32 s0, s3;
	s0 =	sld [smem:$0x3F99]  }
0x30: {  	s3 =	sld [smem:$0x3F9C]  }
0x31: {  	[smem:$0x3FA5] =	sst s10  }
0x32: {  	s10 =	sld [smem:$0x3FA3];
	_ =	sdelay $0x3  }
0x33: {  	p0 =	seq.s32 s10, $0x1;
	s10 =	sld [smem:$0x3FA5];
	_ =	sdelay $0x3  }
0x34: {  	[smem:$0x3FA5] =	sst s10  }
0x35: {  	s10 =	sld [smem:$0x3FA4];
	_ =	sdelay $0x3  }
0x36: {  	p1 =	seq.s32 s10, $0x1;
	s10 =	sld [smem:$0x3FA5];
	_ =	sdelay $0x3  }
0x37: {  	[smem:$0x3FA5] =	sst s10  }
0x38: {  	s10 =	sld [smem:$0x3FA6]  }
0x39: {  	_ = 	snop;
	(pc) =	sbr.ind lr, $3  }
0x3a: {  	_ = 	snop  }
0x3b: {  	_ = 	snop  }
0x3c: {  	p2 =	seq.s32 s10, $0x1;
	s10 =	sld [smem:$0x3FA5]  }
0x3d: {  	_ =	shalt  }
0x3e: {  	_ =	shalt  }
0x3f: {  	_ =	shalt  }
0x40: {  	_ =	shalt  }
0x41: {  	_ =	shalt  }
0x42: {  	_ =	shalt  }
0x43: {  	_ =	shalt  }
0x44: {  	_ =	shalt  }
0x45: {  	_ =	shalt  }
0x46: {  	_ =	shalt  }
0x47: {  	_ =	shalt  }
0x48: {  	_ =	shalt  }
0x49: {  	_ =	shalt  }
0x4a: {  	_ =	shalt  }
0x4b: {  	_ =	shalt  }
0x4c: {  	_ =	shalt  }
0x4d: {  	_ =	shalt  }
0x4e: {  	_ =	shalt  }
0x4f: {  	_ =	shalt  }
0x50: {  	_ =	shalt  }
0x51: {  	_ =	shalt  }
0x52: {  	_ =	shalt  }
0x53: {  	_ =	shalt  }
0x54: {  	_ =	shalt  }
0x55: {  	_ =	shalt  }
0x56: {  	_ =	shalt  }
0x57: {  	_ =	shalt  }
0x58: {  	_ =	shalt  }
0x59: {  	_ =	shalt  }
0x5a: {  	_ =	shalt  }
0x5b: {  	_ =	shalt  }
0x5c: {  	_ =	shalt  }
0x5d: {  	_ =	shalt  }
0x5e: {  	_ =	shalt  }
0x5f: {  	_ =	shalt  }
0x60: {  	_ =	shalt  }
0x61: {  	_ =	shalt  }
0x62: {  	_ =	shalt  }
0x63: {  	_ =	shalt  }
0x64: {  	_ =	shalt  }
0x65: {  	_ =	shalt  }
0x66: {  	_ =	shalt  }
0x67: {  	_ =	shalt  }
0x68: {  	_ =	shalt  }
0x69: {  	_ =	shalt  }
0x6a: {  	_ =	shalt  }
0x6b: {  	_ =	shalt  }
0x6c: {  	_ =	shalt  }
0x6d: {  	_ =	shalt  }
0x6e: {  	_ =	shalt  }
0x6f: {  	_ =	shalt  }
0x70: {  	_ =	shalt  }
0x71: {  	_ =	shalt  }
0x72: {  	_ =	shalt  }
0x73: {  	_ =	shalt  }
0x74: {  	_ =	shalt  }
0x75: {  	_ =	shalt  }
0x76: {  	_ =	shalt  }
0x77: {  	_ =	shalt  }
0x78: {  	_ =	shalt  }
0x79: {  	_ =	shalt  }
0x7a: {  	_ =	shalt  }
0x7b: {  	_ =	shalt  }
0x7c: {  	_ =	shalt  }
0x7d: {  	_ =	shalt  }
0x7e: {  	_ =	shalt  }
0x7f: {  	_ =	shalt  }
0x80: {  	_ =	shalt  }
0x81: {  	_ =	shalt  }
0x82: {  	_ =	shalt  }
0x83: {  	_ =	shalt  }
0x84: {  	_ =	shalt  }
0x85: {  	_ =	shalt  }
0x86: {  	_ =	shalt  }
0x87: {  	_ =	shalt  }
.Lfunc_end0:
.L_simem_size_0:
called_computation_lowered:
.L_overlay_start_0:
0x88: {  	s2 =	sld [smem:$0x3FD9]  }
0x89: {  	s3 =	sld [smem:$0x3FFE];
	_ =	sdelay $0x1  }
0x8a: {  	s1 =	srdreg.scid  }
0x8b: {  	s0 =	sand.u32 $0x1, s1  }
0x8c: {  	s16 =	sshll.u32 s0, $0xA;
	s2 =	sadd.s32 s3, s2  }
0x8d: {  	s2 =	sadd.s32 s2, s16  }
0x8e: {  	[smem:$0x3FB1] =	sst s2  }
0x8f: {  	_ = 	snop  }
0x90: {  	(tm) =	ssettm $0x1  }
0x91: {  	s17 =	sld [smem:$0x3FFB];
	_ =	sdelay $0x3  }
0x92: {  	_ =	strace s17  }
0x93: {  	s2 =	sld [smem:$0x3FFC];
	_ =	sdelay $0x3  }
0x94: {  	_ =	strace s2  }
0x95: {  	s2 =	sld [smem:$0x3FFD];
	_ =	sdelay $0x3  }
0x96: {  	_ =	strace s2  }
0x97: {  	_ =	strace $0x8FFFFFFF  }
0x98: {  	s18 =	sld [smem:$0x3FDB];
	_ =	sdelay $0x1  }
0x99: {  	s19 =	simm.s32 $_scs_section_size  }
0x9a: {  	s4 =	simm.s32 $_size__tile_overlayer_lowered;
	s5 =	simm.s32 $_tile_overlayer_lowered  }
0x9b: {  	s22 =	simm.s32 $0x1BFF;
	s21 =	sshll.u32 s5, $0x1;
	s2 =	sadd.s32 s19, s18  }
0x9c: {  	s6 =	simm.s32 $0x0;
	s20 =	sshll.u32 s4, $0x1;
	s4 =	sadd.s32 s21, s2  }
0x9d: {  	[timem:s6], [sflag:s22] =	dma.local [hbm:s4], s20  }
0x9e: {  	_ =	swait.ge [sflag:s22], s20  }
0x9f: {  	s3 =	ssub.s32 $0x0, s20;
	[sflag:s22] =	ssyncset.done $0x0  }
0xa0: {  	[sflag:s22] =	ssyncadd.s32 s3;
	_ =	sdelay $0x1  }
0xa1: {  	s23 =	simm.s32 $0x1B8B  }
0xa2: {  	_ =	swait.ge [sflag:s23], $0x1  }
0xa3: {  	[sflag:s23] =	ssyncset.done $0x0  }
0xa4: {  	s25 =	simm.s32 $0x1B8E;
	s24 =	sld [smem:$0x3FFE];
	[sflag:s23] =	ssyncadd.s32 $0xFFFFFFFF  }
0xa5: {  	s26 =	simm.s32 $execute0_lowered;
	[smem:$0x3FD2] =	sst s25  }
0xa6: {  	s4 =	sshll.u32 s26, $0x1;
	_ =	strace $0x80000046;
	[dreg:$0x1] =	wrdreg $0xFFFFFFFF  }
0xa7: {  	s28 =	simm.s32 $_size_execute0_lowered;
	s2 =	sadd.s32 s2, s4;
	[dreg:$0x0] =	wrdreg $0x0  }
0xa8: {  	s4 =	sshll.u32 s28, $0x1;
	[dreg:$0x2] =	wrdreg s2  }
0xa9: {  	[dreg:$0x3] =	wrdreg s4  }
0xaa: {  	[dreg:$0x4] =	wrdreg $0xC0  }
0xab: {  	_ =	task [dreg:s6], $0x5FFFF  }
0xac: {  	[dreg:$0x1] =	wrdreg $0xFFFFFFFF  }
0xad: {  	[dreg:$0x0] =	wrdreg $0x60  }
0xae: {  	[dreg:$0x2] =	wrdreg s24  }
0xaf: {  	[dreg:$0x3] =	wrdreg $0x57000  }
0xb0: {  	[dreg:$0x4] =	wrdreg $0x9  }
0xb1: {  	_ =	task.clear_ibuf [dreg:s6], $0x5FFFF;
	_ =	strace $0x90000046  }
0xb2: {  	s29 =	simm.s32 $0x9;
	_ =	strace $0x80000048  }
0xb3: {  	_ =	swait.ge [sflag:s29], $0x1  }
0xb4: {  	[sflag:s29] =	ssyncadd.s32 $0xFFFFFFFF  }
0xb5: {  	_ =	strace $0x90000048  }
0xb6: {  	_ =	sfence  }
0xb7: {  	s30 =	sld [smem:$0x0];
	_ =	sdelay $0x2  }
0xb8: {  	s31 =	sshll.u32 s1, $0xD;
	s1 =	sshrl.u32 s1, $0x2  }
0xb9: {  	s3 =	sand.u32 $0x4000, s31;
	s1 =	sadd.s32 s1, s30  }
0xba: {  	s0 =	sor.u32 s3, s0;
	s1 =	sshll.u32 s1, $0x11  }
0xbb: {  	s0 =	sor.u32 s1, s0  }
0xbc: {  	s0 =	sadd.s32 $0x8F2B, s0  }
0xbd: {  	[sflag:s0] =	ssyncadd.remote.s32 $0x1  }
0xbe: {  	_ =	sfence.sel $0xFFFF  }
0xbf: {  	[dreg:$0x0] =	wrdreg $0xFFFFFFFF;
	(pc) =	sbr.abs _section_cstart, $3  }
0xc0: {  	[dreg:$0x1] =	wrdreg $0xFFFFFFFF  }
0xc1: {  	_ =	task.clear_ibuf [dreg:s6], $0x2FFFF;
	_ =	strace $0x9FFFFFFF  }
0xc2: {  	(tm) =	ssettm $0x7FFFFFFF  }
0xc3: {  	_ =	shalt  }
tec
execute0_lowered:
.L_overlay_start_1:
0x0: {  	(tag) =	ssettag $0x1  }
0x1: {  	s0 =	rddreg [dreg:$0x0]  }
0x2: {  	s1 =	rddreg [dreg:$0x1]  }
0x3: {  	s2 =	srdreg.scid;
	s3 =	simm.s32 $0x0;
	s7 =	stileid.u32  }
0x4: {  	s19 =	simm.s32 $0x3;
	s21 =	simm.s32 $0x4F00;
	s22 =	simm.s32 $0x40  }
0x5: {  	s23 =	simm.s32 $0x5300;
	s24 =	simm.s32 $0x1;
	s26 =	simm.s32 $0x2  }
0x6: {  	s30 =	simm.s32 $0x4EC0;
	s31 =	simm.s32 $0x0;
	s2 =	sand.u32 $0x1, s2  }
0x7: {  	[smem:$0x7FF] =	sst s3;
	s10 =	smul.u32 $0x2780, s7;
	s4 =	sshll.u32 s2, $0x4  }
0x8: {  	s5 =	smul.u32 $0x27800, s2;
	_ =	strace $0x80000047;
	s2 =	ssub.s32 $0x2, s2  }
0x9: {  	s6 =	sor.u32 s7, s4;
	s4 =	sadd.s32 $0x19000, s0;
	s7 =	smul.u32 $0x9E00, s7  }
0xa: {  	s8 =	sshrl.u32 s2, $0x1;
	s29 =	sadd.s32 s10, s1;
	s6 =	smul.u32 $0x4F0, s6  }
0xb: {  	s5 =	sadd.s32 s10, s5;
	s2 =	ssub.s32 s2, s8;
	s25 =	sshrl.u32 s29, $0x3  }
0xc: {  	s5 =	sshrl.u32 s5, $0x3;
	s7 =	sshrl.u32 s7, $0x2;
	s10 =	smax.u32 s2, $0x1  }
0xd: {  	s6 =	sadd.s32 s6, s0;
	s0 =	sadd.s32 s5, s0;
	s7 =	sadd.s32 s7, s1  }
0xe: {  	s5 =	sadd.s32 $0xEC00, s6;
	s6 =	sadd.s32 $0x4800, s6;
	s8 =	sadd.s32 $0x2400, s7  }
0xf: {  	s9 =	sadd.s32 $0x1E000, s0;
	s11 =	sadd.s32 $0x400, s7;
	s12 =	sadd.s32 $0x800, s7  }
0x10: {  	s13 =	sadd.s32 $0xC00, s7;
	s14 =	sadd.s32 $0x1000, s7;
	s15 =	sadd.s32 $0x1400, s7  }
0x11: {  	v0 =	vimm.f32 $0.0e+00;
	s16 =	sadd.s32 $0x1800, s7;
	s17 =	sadd.s32 $0x1C00, s7;
	s18 =	sadd.s32 $0x2000, s7  }
.LBB2_1:
0x12: {  	[tilespmem:s3], [sflag:$0x3] =	stream.linear.gather [hbm4b:s5+s3], $0x2780, $0x38;
	[tilespmem:$0x7E80] =	vst v63  }
0x13: {  	_ =	swait.ge [sflag:s19], $0x2780  }
0x14: {  	[sflag:s19] =	ssyncset.done $0x0  }
0x15: {  	s0 =	simm.s32 $0x2780;
	[sflag:s19] =	ssyncadd.s32 $0xFFFFD880  }
0x16: {  	[tilespmem:s0], [sflag:$0x3] =	stream.linear.gather [hbm4b:s6+s3], $0x2780, $0x38;
	[tilespmem:$0x7E80] =	vst v63  }
0x17: {  	_ =	swait.ge [sflag:s19], $0x2780  }
0x18: {  	[sflag:s19] =	ssyncset.done $0x0  }
0x19: {  	s2 =	simm.s32 $0x0;
	s0 =	simm.s32 $0x40;
	[sflag:s19] =	ssyncadd.s32 $0xFFFFD880  }
.LBB2_2:
0x1a: {  	p0 =	sne.s32 s0, $0xFC0;
	[tilespmem:s2+$0x4F00] =	vst v0;
	s2 =	smov.u32 s0;
	s0 =	sadd.s32 $0x40, s0  }
.Ltmp0:
0x1b: {  	(pc) =	sbr.rel @p0 .LBB2_2-.Ltmp0, $2  }
0x1c: {  	_ =	sdelay $0x2  }
0x1d: {  	s2 =	sshra.s32 s2, $0x2  }
0x1e: {  	[tilespmem:s2+$0x4F00] =	vst v0  }
0x1f: {  	[spmem:s7] =	stream.linear.scatter [tilespmem:s21], [sflag:$0x3], $0x400, $0x38;
	[tilespmem:$0x7E80] =	vst v63  }
0x20: {  	_ =	swait.ge [sflag:s19], $0x400  }
0x21: {  	[sflag:s19] =	ssyncset.done $0x0  }
0x22: {  	[sflag:s19] =	ssyncadd.s32 $0xFFFFFC00  }
0x23: {  	[spmem:s11] =	stream.linear.scatter [tilespmem:s21], [sflag:$0x3], $0x400, $0x38;
	[tilespmem:$0x7E80] =	vst v63  }
0x24: {  	_ =	swait.ge [sflag:s19], $0x400  }
0x25: {  	[sflag:s19] =	ssyncset.done $0x0  }
0x26: {  	[sflag:s19] =	ssyncadd.s32 $0xFFFFFC00  }
0x27: {  	[spmem:s12] =	stream.linear.scatter [tilespmem:s21], [sflag:$0x3], $0x400, $0x38;
	[tilespmem:$0x7E80] =	vst v63  }
0x28: {  	_ =	swait.ge [sflag:s19], $0x400  }
0x29: {  	[sflag:s19] =	ssyncset.done $0x0  }
0x2a: {  	[sflag:s19] =	ssyncadd.s32 $0xFFFFFC00  }
0x2b: {  	[spmem:s13] =	stream.linear.scatter [tilespmem:s21], [sflag:$0x3], $0x400, $0x38;
	[tilespmem:$0x7E80] =	vst v63  }
0x2c: {  	_ =	swait.ge [sflag:s19], $0x400  }
0x2d: {  	[sflag:s19] =	ssyncset.done $0x0  }
0x2e: {  	[sflag:s19] =	ssyncadd.s32 $0xFFFFFC00  }
0x2f: {  	[spmem:s14] =	stream.linear.scatter [tilespmem:s21], [sflag:$0x3], $0x400, $0x38;
	[tilespmem:$0x7E80] =	vst v63  }
0x30: {  	_ =	swait.ge [sflag:s19], $0x400  }
0x31: {  	[sflag:s19] =	ssyncset.done $0x0  }
0x32: {  	[sflag:s19] =	ssyncadd.s32 $0xFFFFFC00  }
0x33: {  	[spmem:s15] =	stream.linear.scatter [tilespmem:s21], [sflag:$0x3], $0x400, $0x38;
	[tilespmem:$0x7E80] =	vst v63  }
0x34: {  	_ =	swait.ge [sflag:s19], $0x400  }
0x35: {  	[sflag:s19] =	ssyncset.done $0x0  }
0x36: {  	[sflag:s19] =	ssyncadd.s32 $0xFFFFFC00  }
0x37: {  	[spmem:s16] =	stream.linear.scatter [tilespmem:s21], [sflag:$0x3], $0x400, $0x38;
	[tilespmem:$0x7E80] =	vst v63  }
0x38: {  	_ =	swait.ge [sflag:s19], $0x400  }
0x39: {  	[sflag:s19] =	ssyncset.done $0x0  }
0x3a: {  	[sflag:s19] =	ssyncadd.s32 $0xFFFFFC00  }
0x3b: {  	[spmem:s17] =	stream.linear.scatter [tilespmem:s21], [sflag:$0x3], $0x400, $0x38;
	[tilespmem:$0x7E80] =	vst v63  }
0x3c: {  	_ =	swait.ge [sflag:s19], $0x400  }
0x3d: {  	[sflag:s19] =	ssyncset.done $0x0  }
0x3e: {  	[sflag:s19] =	ssyncadd.s32 $0xFFFFFC00  }
0x3f: {  	[spmem:s18] =	stream.linear.scatter [tilespmem:s21], [sflag:$0x3], $0x400, $0x38;
	[tilespmem:$0x7E80] =	vst v63  }
0x40: {  	_ =	swait.ge [sflag:s19], $0x400  }
0x41: {  	[sflag:s19] =	ssyncset.done $0x0  }
0x42: {  	[sflag:s19] =	ssyncadd.s32 $0xFFFFFC00  }
0x43: {  	[spmem:s8] =	stream.linear.scatter [tilespmem:s21], [sflag:$0x3], $0x380, $0x38;
	[tilespmem:$0x7E80] =	vst v63  }
0x44: {  	_ =	swait.ge [sflag:s19], $0x380  }
0x45: {  	[sflag:s19] =	ssyncset.done $0x0  }
0x46: {  	[sflag:s19] =	ssyncadd.s32 $0xFFFFFC80  }
0x47: {  	s0 =	simm.s32 $0x0;
	[bflag:$0x0] =	sbarrier.arrive $0xFFFF  }
0x48: {  	[tilespmem:s21], [sflag:$0x1] =	stream.indirect.gather [hbm4b:s4+s22], $0x10, s0, s22, $0xb8;
	[tilespmem:$0x7E80] =	vst v63  }
0x49: {  	s2 =	simm.s32 $0x40  }
0x4a: {  	[tilespmem:s23], [sflag:$0x2] =	stream.indirect.gather [hbm4b:s4+s22], $0x10, s2, s22, $0xb8;
	[tilespmem:$0x7E80] =	vst v63  }
0x4b: {  	_ =	swait.ge [sflag:s24], $0x400  }
0x4c: {  	[sflag:s24] =	ssyncset.done $0x0  }
0x4d: {  	s20 =	simm.s32 $0x2780;
	[sflag:s24] =	ssyncadd.s32 $0xFFFFFC00  }
0x4e: {  	[spmem:s1] =	stream.indirect.scatter.add.f32 [tilespmem:s21], [sflag:$0x3], $0x10, s20, s22, $0xb8;
	[tilespmem:$0x7E80] =	vst v63  }
0x4f: {  	_ =	swait.ge [sflag:s19], $0x400  }
0x50: {  	[sflag:s19] =	ssyncset.done $0x0  }
0x51: {  	s28 =	simm.s32 $0x80;
	[sflag:s19] =	ssyncadd.s32 $0xFFFFFC00  }
0x52: {  	[tilespmem:s21], [sflag:$0x1] =	stream.indirect.gather [hbm4b:s4+s22], $0x10, s28, s22, $0xb8;
	[tilespmem:$0x7E80] =	vst v63  }
0x53: {  	_ =	swait.ge [sflag:s26], $0x400  }
0x54: {  	[sflag:s26] =	ssyncset.done $0x0  }
0x55: {  	s29 =	simm.s32 $0x27C0;
	[sflag:s26] =	ssyncadd.s32 $0xFFFFFC00  }
0x56: {  	[spmem:s1] =	stream.indirect.scatter.add.f32 [tilespmem:s23], [sflag:$0x3], $0x10, s29, s22, $0xb8;
	[tilespmem:$0x7E80] =	vst v63  }
0x57: {  	_ =	swait.ge [sflag:s19], $0x400  }
0x58: {  	s0 =	simm.s32 $0x80;
	s2 =	simm.s32 $0x400;
	[sflag:s19] =	ssyncset.done $0x0  }
.LBB2_4:
0x59: {  	s20 =	sadd.s32 $0x40, s0  }
0x5a: {  	[sflag:s19] =	ssyncadd.s32 $0xFFFFFC00;
	s28 =	smov.u32 s2;
	s29 =	sadd.s32 $0x200, s2  }
0x5b: {  	[tilespmem:s23], [sflag:$0x2] =	stream.indirect.gather [hbm4b:s4+s22], $0x10, s20, s22, $0xb8;
	[tilespmem:$0x7E80] =	vst v63  }
0x5c: {  	p0 =	sne.s32 s2, $0x9A00;
	_ =	swait.ge [sflag:s24], $0x400  }
0x5d: {  	[sflag:s24] =	ssyncset.done $0x0  }
0x5e: {  	s2 =	sadd.s32 $0x2780, s0;
	[sflag:s24] =	ssyncadd.s32 $0xFFFFFC00  }
0x5f: {  	[spmem:s1] =	stream.indirect.scatter.add.f32 [tilespmem:s21], [sflag:$0x3], $0x10, s2, s22, $0xb8;
	[tilespmem:$0x7E80] =	vst v63  }
0x60: {  	_ =	swait.ge [sflag:s19], $0x400  }
0x61: {  	[sflag:s19] =	ssyncset.done $0x0  }
0x62: {  	s2 =	sadd.s32 $0x80, s0;
	[sflag:s19] =	ssyncadd.s32 $0xFFFFFC00  }
0x63: {  	[tilespmem:s21], [sflag:$0x1] =	stream.indirect.gather [hbm4b:s4+s22], $0x10, s2, s22, $0xb8;
	[tilespmem:$0x7E80] =	vst v63  }
0x64: {  	_ =	swait.ge [sflag:s26], $0x400  }
.Ltmp1:
0x65: {  	[sflag:s26] =	ssyncset.done $0x0;
	(pc) =	sbr.rel @p0 .LBB2_4-.Ltmp1, $4  }
0x66: {  	s0 =	sadd.s32 $0x27C0, s0;
	[sflag:s26] =	ssyncadd.s32 $0xFFFFFC00  }
0x67: {  	[spmem:s1] =	stream.indirect.scatter.add.f32 [tilespmem:s23], [sflag:$0x3], $0x10, s0, s22, $0xb8;
	[tilespmem:$0x7E80] =	vst v63  }
0x68: {  	_ =	swait.ge [sflag:s19], $0x400  }
0x69: {  	s2 =	smov.u32 s29;
	s0 =	sshra.s32 s28, $0x2;
	[sflag:s19] =	ssyncset.done $0x0  }
0x6a: {  	s2 =	sadd.s32 $0x40, s0;
	[sflag:s19] =	ssyncadd.s32 $0xFFFFFC00  }
0x6b: {  	[tilespmem:s23], [sflag:$0x2] =	stream.indirect.gather [hbm4b:s4+s22], $0x10, s2, s22, $0xb8;
	[tilespmem:$0x7E80] =	vst v63  }
0x6c: {  	_ =	swait.ge [sflag:s24], $0x400  }
0x6d: {  	[sflag:s24] =	ssyncset.done $0x0  }
0x6e: {  	s28 =	sadd.s32 $0x2780, s0;
	[sflag:s24] =	ssyncadd.s32 $0xFFFFFC00  }
0x6f: {  	[spmem:s1] =	stream.indirect.scatter.add.f32 [tilespmem:s21], [sflag:$0x3], $0x10, s28, s22, $0xb8;
	[tilespmem:$0x7E80] =	vst v63  }
0x70: {  	_ =	swait.ge [sflag:s19], $0x400  }
0x71: {  	[sflag:s19] =	ssyncset.done $0x0  }
0x72: {  	s29 =	sadd.s32 $0x80, s0;
	[sflag:s19] =	ssyncadd.s32 $0xFFFFFC00  }
0x73: {  	[tilespmem:s21], [sflag:$0x1] =	stream.indirect.gather [hbm4b:s4+s22], $0x10, s29, s22, $0xb8;
	[tilespmem:$0x7E80] =	vst v63  }
0x74: {  	_ =	swait.ge [sflag:s26], $0x400  }
0x75: {  	[sflag:s26] =	ssyncset.done $0x0  }
0x76: {  	s2 =	sadd.s32 $0x27C0, s0;
	[sflag:s26] =	ssyncadd.s32 $0xFFFFFC00  }
0x77: {  	[spmem:s1] =	stream.indirect.scatter.add.f32 [tilespmem:s23], [sflag:$0x3], $0x10, s2, s22, $0xb8;
	[tilespmem:$0x7E80] =	vst v63  }
0x78: {  	_ =	swait.ge [sflag:s19], $0x400  }
0x79: {  	[sflag:s19] =	ssyncset.done $0x0  }
0x7a: {  	s20 =	simm.s32 $0x2740;
	[sflag:s19] =	ssyncadd.s32 $0xFFFFFC00  }
0x7b: {  	[tilespmem:s23], [sflag:$0x2] =	stream.indirect.gather [hbm4b:s4+s22], $0x10, s20, s22, $0xb8;
	[tilespmem:$0x7E80] =	vst v63  }
0x7c: {  	_ =	swait.ge [sflag:s24], $0x400  }
0x7d: {  	[sflag:s24] =	ssyncset.done $0x0  }
0x7e: {  	s28 =	simm.s32 $0x4E80;
	[sflag:s24] =	ssyncadd.s32 $0xFFFFFC00  }
0x7f: {  	[spmem:s1] =	stream.indirect.scatter.add.f32 [tilespmem:s21], [sflag:$0x3], $0x10, s28, s22, $0xb8;
	[tilespmem:$0x7E80] =	vst v63  }
0x80: {  	_ =	swait.ge [sflag:s19], $0x400  }
0x81: {  	[sflag:s19] =	ssyncset.done $0x0  }
0x82: {  	[sflag:s19] =	ssyncadd.s32 $0xFFFFFC00  }
0x83: {  	_ =	swait.ge [sflag:s26], $0x400  }
0x84: {  	[sflag:s26] =	ssyncset.done $0x0  }
0x85: {  	[sflag:s26] =	ssyncadd.s32 $0xFFFFFC00  }
0x86: {  	[spmem:s1] =	stream.indirect.scatter.add.f32 [tilespmem:s23], [sflag:$0x3], $0x10, s30, s22, $0xb8;
	[tilespmem:$0x7E80] =	vst v63  }
0x87: {  	_ =	swait.ge [sflag:s19], $0x400  }
0x88: {  	s31 =	sadd.s32 $0x1, s31;
	s29 =	stileid.u32;
	[sflag:s19] =	ssyncset.done $0x0  }
0x89: {  	p0 =	sne.s32 s31, s10;
	s0 =	sshll.u32 s29, $0x6;
	[sflag:s19] =	ssyncadd.s32 $0xFFFFFC00  }
.Ltmp2:
0x8a: {  	s0 =	sor.u32 $0x1C03, s0;
	[bflag:$0x0] =	sbarrier.arrive $0xFFFF;
	(pc) =	sbr.rel @p0 .LBB2_1-.Ltmp2, $4  }
0x8b: {  	[hbm:s9], [sflag:s0] =	dma.local [spmem:s25], $0x4F0  }
0x8c: {  	_ =	swait.ge [sflag:s19], $0x4F0  }
0x8d: {  	[sflag:s19] =	ssyncset.done $0x0  }
0x8e: {  	[sflag:s19] =	ssyncadd.s32 $0xFFFFFB10  }
0x8f: {  	_ =	sfence.sel $0x180000  }
0x90: {  	[bflag:$0x0] =	sbarrier.arrive $0xFFFF  }
0x91: {  	_ =	strace $0x90000047  }
0x92: {  	s0 =	stileid.u32;
	[bflag:$0x2] =	sbarrier.arrive $0xFFFF  }
0x93: {  	p0 =	sne.s32 s0, $0x0;
	s0 =	rddreg [dreg:$0x2]  }
0x94: {  	s0 =	sadd.s32 @!p0 $0x100000, s0  }
0x95: {  	[sflag:s0] =	ssyncadd.tile.s32 @!p0 $0x1;
	_ =	shalt  }
.Lfunc_end2:
_tile_overlayer_lowered:
.L_overlay_start_2:
0x96: {  	(tag) =	ssettag $0x2  }
0x97: {  	s0 =	rddreg [dreg:$0x0];
	s2 =	stileid.u32  }
0x98: {  	s1 =	rddreg [dreg:$0x1];
	p0 =	sne.s32 s2, $0x0  }
0x99: {  	s3 =	rddreg [dreg:$0x2];
	[bflag:$0x3] =	sbarrier.arrive $0xFFFF;
	s2 =	simm.s32 @!p0 $0x1C03  }
0x9a: {  	[timem:s3], [sflag:s2] =	dma.local @!p0 [hbm:s0], s1  }
0x9b: {  	s0 =	simm.s32 @!p0 $0x3  }
0x9c: {  	_ =	swait.ge @!p0 [sflag:s0], s1  }
0x9d: {  	s1 =	ssub.s32 @!p0 $0x0, s1;
	[sflag:s0] =	ssyncset.done @!p0 $0x0  }
0x9e: {  	[sflag:s0] =	ssyncadd.s32 @!p0 s1  }
0x9f: {  	[bflag:$0x3] =	sbarrier.arrive $0xFFFF  }
0xa0: {  	_ =	shalt  }

// kernel: kernel.24.cloned.1.call-start
scs
__scs_entry_jumppad:
0x0: {  	(pc) =	sbr.rel $0x88, $3  }
0x1: {  	(tag) =	ssettag $0x0;
	lr =	simm.s32 $0x1  }
0x2: {  	[smem:$0x3F8A] =	sst lr;
	_ =	strace $0xD0000000  }
0x3: {  	_ = 	snop  }
0x4: {  	_ = 	snop  }
0x5: {  	_ = 	snop  }
0x6: {  	_ = 	snop  }
0x7: {  	_ = 	snop  }
__scs_overlays_trampoline_lowered:
0x8: {  	[smem:$0x3F99] =	sst s0  }
0x9: {  	[smem:$0x3F9A] =	sst s1  }
0xa: {  	[smem:$0x3F9B] =	sst s2  }
0xb: {  	[smem:$0x3F9C] =	sst s3  }
0xc: {  	[smem:$0x3F9D] =	sst s4  }
0xd: {  	[smem:$0x3F9E] =	sst s5  }
0xe: {  	[smem:$0x3F9F] =	sst s6  }
0xf: {  	[smem:$0x3FA0] =	sst s7  }
0x10: {  	[smem:$0x3FA1] =	sst s8  }
0x11: {  	[smem:$0x3FA2] =	sst s9;
	s0 =	simm.s32 @!p0 $0x0  }
0x12: {  	s1 =	sld [smem:$0x3F88];
	s0 =	simm.s32 @p0 $0x1  }
0x13: {  	[smem:$0x3FA3] =	sst s0;
	s0 =	simm.s32 @!p1 $0x0  }
0x14: {  	s2 =	sld [smem:$0x3F87];
	s0 =	simm.s32 @p1 $0x1  }
0x15: {  	[smem:$0x3FA4] =	sst s0;
	s0 =	simm.s32 @!p2 $0x0  }
0x16: {  	s3 =	sld [smem:$0x3FDB];
	s0 =	simm.s32 @p2 $0x1  }
0x17: {  	s4 =	simm.s32 $0x1BF5;
	[smem:$0x3FA6] =	sst s0  }
0x18: {  	s0 =	sld [smem:$0x3F89];
	_ =	swait.ge [sflag:s4], $0x0  }
0x19: {  	s7 =	sld [smem:$0x3F8A]  }
0x1a: {  	s8 =	sadd.s32 $0xFFFFE003, lr  }
0x1b: {  	s9 =	sadd.s32 $0xFFFFFEF7, lr;
	s5 =	simm.s32 $0xFFFFFFFF;
	p2 =	slt.u32 s8, $0xFFFFF086  }
0x1c: {  	p1 =	slt.u32 s9, $0xF7A;
	s5 =	simm.s32 @!p2 $0x0  }
0x1d: {  	s5 =	simm.s32 @p1 $0x1;
	p0 =	seq.s32 s7, s2  }
0x1e: {  	s7 =	smul.u32 @!p0 $0xF7A, s2;
	p2 =	seq.s32 @!p0 s5, $0x0  }
0x1f: {  	s9 =	smul.u32 $0xF7A, s1;
	s8 =	simm.s32 @!p0 $0x1BF5;
	p2 =	por !p2, p0  }
0x20: {  	[sflag:s8] =	ssyncset.s32 @!p0 $0xFFFFF086;
	s6 =	sadd.s32 @!p0 s3, s7;
	s7 =	simm.s32 @!p0 $0x108  }
0x21: {  	s3 =	sadd.s32 s3, s9;
	s6 =	sadd.s32 @!p0 $0x88, s6;
	s7 =	simm.s32 @p2 $0x1082  }
0x22: {  	[simem:s7], [sflag:s8] =	dma.local @!p0 [hbm:s6], $0xF7A  }
0x23: {  	s9 =	sor.u32 $0xD0000000, s2;
	s6 =	simm.s32 $0x108;
	_ =	swait.ge @!p0 [sflag:s8], $0x0  }
0x24: {  	s3 =	sadd.s32 $0x88, s3;
	s6 =	simm.s32 @!p1 $0x1082;
	[sflag:s4] =	ssyncset.s32 $0xFFFFF086  }
0x25: {  	[simem:s6], [sflag:s4] =	dma.local [hbm:s3], $0xF7A  }
0x26: {  	[smem:$0x3F8A] =	sst s1;
	(tag) =	ssettag s2;
	_ =	strace s9  }
0x27: {  	s1 =	sld [smem:$0x3F9A]  }
0x28: {  	s2 =	sld [smem:$0x3F9B]  }
0x29: {  	s4 =	sld [smem:$0x3F9D]  }
0x2a: {  	p0 =	seq.s32 s5, $0x0;
	s5 =	sld [smem:$0x3F9E]  }
0x2b: {  	s6 =	sld [smem:$0x3F9F]  }
0x2c: {  	s7 =	sld [smem:$0x3FA0]  }
0x2d: {  	s3 =	simm.s32 $0x108;
	s8 =	sld [smem:$0x3FA1]  }
0x2e: {  	s3 =	simm.s32 @!p0 $0x1082;
	s9 =	sld [smem:$0x3FA2]  }
0x2f: {  	lr =	sadd.s32 s0, s3;
	s0 =	sld [smem:$0x3F99]  }
0x30: {  	s3 =	sld [smem:$0x3F9C]  }
0x31: {  	[smem:$0x3FA5] =	sst s10  }
0x32: {  	s10 =	sld [smem:$0x3FA3];
	_ =	sdelay $0x3  }
0x33: {  	p0 =	seq.s32 s10, $0x1;
	s10 =	sld [smem:$0x3FA5];
	_ =	sdelay $0x3  }
0x34: {  	[smem:$0x3FA5] =	sst s10  }
0x35: {  	s10 =	sld [smem:$0x3FA4];
	_ =	sdelay $0x3  }
0x36: {  	p1 =	seq.s32 s10, $0x1;
	s10 =	sld [smem:$0x3FA5];
	_ =	sdelay $0x3  }
0x37: {  	[smem:$0x3FA5] =	sst s10  }
0x38: {  	s10 =	sld [smem:$0x3FA6]  }
0x39: {  	_ = 	snop;
	(pc) =	sbr.ind lr, $3  }
0x3a: {  	_ = 	snop  }
0x3b: {  	_ = 	snop  }
0x3c: {  	p2 =	seq.s32 s10, $0x1;
	s10 =	sld [smem:$0x3FA5]  }
0x3d: {  	_ =	shalt  }
0x3e: {  	_ =	shalt  }
0x3f: {  	_ =	shalt  }
0x40: {  	_ =	shalt  }
0x41: {  	_ =	shalt  }
0x42: {  	_ =	shalt  }
0x43: {  	_ =	shalt  }
0x44: {  	_ =	shalt  }
0x45: {  	_ =	shalt  }
0x46: {  	_ =	shalt  }
0x47: {  	_ =	shalt  }
0x48: {  	_ =	shalt  }
0x49: {  	_ =	shalt  }
0x4a: {  	_ =	shalt  }
0x4b: {  	_ =	shalt  }
0x4c: {  	_ =	shalt  }
0x4d: {  	_ =	shalt  }
0x4e: {  	_ =	shalt  }
0x4f: {  	_ =	shalt  }
0x50: {  	_ =	shalt  }
0x51: {  	_ =	shalt  }
0x52: {  	_ =	shalt  }
0x53: {  	_ =	shalt  }
0x54: {  	_ =	shalt  }
0x55: {  	_ =	shalt  }
0x56: {  	_ =	shalt  }
0x57: {  	_ =	shalt  }
0x58: {  	_ =	shalt  }
0x59: {  	_ =	shalt  }
0x5a: {  	_ =	shalt  }
0x5b: {  	_ =	shalt  }
0x5c: {  	_ =	shalt  }
0x5d: {  	_ =	shalt  }
0x5e: {  	_ =	shalt  }
0x5f: {  	_ =	shalt  }
0x60: {  	_ =	shalt  }
0x61: {  	_ =	shalt  }
0x62: {  	_ =	shalt  }
0x63: {  	_ =	shalt  }
0x64: {  	_ =	shalt  }
0x65: {  	_ =	shalt  }
0x66: {  	_ =	shalt  }
0x67: {  	_ =	shalt  }
0x68: {  	_ =	shalt  }
0x69: {  	_ =	shalt  }
0x6a: {  	_ =	shalt  }
0x6b: {  	_ =	shalt  }
0x6c: {  	_ =	shalt  }
0x6d: {  	_ =	shalt  }
0x6e: {  	_ =	shalt  }
0x6f: {  	_ =	shalt  }
0x70: {  	_ =	shalt  }
0x71: {  	_ =	shalt  }
0x72: {  	_ =	shalt  }
0x73: {  	_ =	shalt  }
0x74: {  	_ =	shalt  }
0x75: {  	_ =	shalt  }
0x76: {  	_ =	shalt  }
0x77: {  	_ =	shalt  }
0x78: {  	_ =	shalt  }
0x79: {  	_ =	shalt  }
0x7a: {  	_ =	shalt  }
0x7b: {  	_ =	shalt  }
0x7c: {  	_ =	shalt  }
0x7d: {  	_ =	shalt  }
0x7e: {  	_ =	shalt  }
0x7f: {  	_ =	shalt  }
0x80: {  	_ =	shalt  }
0x81: {  	_ =	shalt  }
0x82: {  	_ =	shalt  }
0x83: {  	_ =	shalt  }
0x84: {  	_ =	shalt  }
0x85: {  	_ =	shalt  }
0x86: {  	_ =	shalt  }
0x87: {  	_ =	shalt  }
.Lfunc_end0:
.L_simem_size_0:
called_computation.1_lowered:
.L_overlay_start_0:
0x88: {  	s2 =	sld [smem:$0x3FD9]  }
0x89: {  	s3 =	sld [smem:$0x3FFE];
	_ =	sdelay $0x1  }
0x8a: {  	s1 =	srdreg.scid  }
0x8b: {  	s0 =	sand.u32 $0x1, s1  }
0x8c: {  	s16 =	sshll.u32 s0, $0xA;
	s2 =	sadd.s32 s3, s2  }
0x8d: {  	s2 =	sadd.s32 s2, s16  }
0x8e: {  	[smem:$0x3FB1] =	sst s2  }
0x8f: {  	_ = 	snop  }
0x90: {  	(tm) =	ssettm $0x1  }
0x91: {  	s17 =	sld [smem:$0x3FFB];
	_ =	sdelay $0x3  }
0x92: {  	_ =	strace s17  }
0x93: {  	s2 =	sld [smem:$0x3FFC];
	_ =	sdelay $0x3  }
0x94: {  	_ =	strace s2  }
0x95: {  	s2 =	sld [smem:$0x3FFD];
	_ =	sdelay $0x3  }
0x96: {  	_ =	strace s2  }
0x97: {  	_ =	strace $0x8FFFFFFF  }
0x98: {  	s18 =	sld [smem:$0x3FDB];
	_ =	sdelay $0x1  }
0x99: {  	s19 =	simm.s32 $_scs_section_size  }
0x9a: {  	s4 =	simm.s32 $_size__tile_overlayer_lowered;
	s5 =	simm.s32 $_tile_overlayer_lowered  }
0x9b: {  	s22 =	simm.s32 $0x1BFF;
	s21 =	sshll.u32 s5, $0x1;
	s2 =	sadd.s32 s19, s18  }
0x9c: {  	s6 =	simm.s32 $0x0;
	s20 =	sshll.u32 s4, $0x1;
	s4 =	sadd.s32 s21, s2  }
0x9d: {  	[timem:s6], [sflag:s22] =	dma.local [hbm:s4], s20  }
0x9e: {  	_ =	swait.ge [sflag:s22], s20  }
0x9f: {  	s3 =	ssub.s32 $0x0, s20;
	[sflag:s22] =	ssyncset.done $0x0  }
0xa0: {  	[sflag:s22] =	ssyncadd.s32 s3;
	_ =	sdelay $0x1  }
0xa1: {  	s23 =	simm.s32 $0x1B8B  }
0xa2: {  	_ =	swait.ge [sflag:s23], $0x1  }
0xa3: {  	[sflag:s23] =	ssyncset.done $0x0  }
0xa4: {  	s25 =	simm.s32 $0x1B8E;
	s24 =	sld [smem:$0x3FFE];
	[sflag:s23] =	ssyncadd.s32 $0xFFFFFFFF  }
0xa5: {  	s26 =	simm.s32 $execute0_lowered;
	[smem:$0x3FD2] =	sst s25  }
0xa6: {  	s4 =	sshll.u32 s26, $0x1;
	_ =	strace $0x80000049;
	[dreg:$0x1] =	wrdreg $0xFFFFFFFF  }
0xa7: {  	s28 =	simm.s32 $_size_execute0_lowered;
	s2 =	sadd.s32 s2, s4;
	[dreg:$0x0] =	wrdreg $0x0  }
0xa8: {  	s4 =	sshll.u32 s28, $0x1;
	[dreg:$0x2] =	wrdreg s2  }
0xa9: {  	[dreg:$0x3] =	wrdreg s4  }
0xaa: {  	[dreg:$0x4] =	wrdreg $0xC0  }
0xab: {  	_ =	task [dreg:s6], $0x5FFFF  }
0xac: {  	[dreg:$0x1] =	wrdreg $0xFFFFFFFF  }
0xad: {  	[dreg:$0x0] =	wrdreg $0x60  }
0xae: {  	[dreg:$0x2] =	wrdreg s24  }
0xaf: {  	[dreg:$0x3] =	wrdreg $0xB4000  }
0xb0: {  	[dreg:$0x4] =	wrdreg $0x9  }
0xb1: {  	_ =	task.clear_ibuf [dreg:s6], $0x5FFFF;
	_ =	strace $0x90000049  }
0xb2: {  	s29 =	simm.s32 $0x9;
	_ =	strace $0x8000004B  }
0xb3: {  	_ =	swait.ge [sflag:s29], $0x1  }
0xb4: {  	[sflag:s29] =	ssyncadd.s32 $0xFFFFFFFF  }
0xb5: {  	_ =	strace $0x9000004B  }
0xb6: {  	_ =	sfence  }
0xb7: {  	s30 =	sld [smem:$0x0];
	_ =	sdelay $0x2  }
0xb8: {  	s31 =	sshll.u32 s1, $0xD;
	s1 =	sshrl.u32 s1, $0x2  }
0xb9: {  	s3 =	sand.u32 $0x4000, s31;
	s1 =	sadd.s32 s1, s30  }
0xba: {  	s0 =	sor.u32 s3, s0;
	s1 =	sshll.u32 s1, $0x11  }
0xbb: {  	s0 =	sor.u32 s1, s0  }
0xbc: {  	s0 =	sadd.s32 $0x8F2B, s0  }
0xbd: {  	[sflag:s0] =	ssyncadd.remote.s32 $0x1  }
0xbe: {  	_ =	sfence.sel $0xFFFF  }
0xbf: {  	[dreg:$0x0] =	wrdreg $0xFFFFFFFF;
	(pc) =	sbr.abs _section_cstart, $3  }
0xc0: {  	[dreg:$0x1] =	wrdreg $0xFFFFFFFF  }
0xc1: {  	_ =	task.clear_ibuf [dreg:s6], $0x2FFFF;
	_ =	strace $0x9FFFFFFF  }
0xc2: {  	(tm) =	ssettm $0x7FFFFFFF  }
0xc3: {  	_ =	shalt  }
tec
execute0_lowered:
.L_overlay_start_1:
0x0: {  	(tag) =	ssettag $0x1  }
0x1: {  	s0 =	rddreg [dreg:$0x0]  }
0x2: {  	s2 =	rddreg [dreg:$0x1];
	s9 =	stileid.u32;
	s3 =	simm.s32 $0x0  }
0x3: {  	s1 =	srdreg.scid;
	s10 =	simm.s32 $0xE8;
	s4 =	smul.u32 $0x54, s9  }
0x4: {  	s28 =	simm.s32 $0x40;
	s29 =	simm.s32 $0x9400;
	s5 =	smul.u32 $0xE8, s9  }
0x5: {  	s30 =	simm.s32 $0x1;
	s31 =	simm.s32 $0x2;
	s21 =	smul.u32 $0x13C00, s9  }
0x6: {  	[smem:$0x7FF] =	sst s3;
	s1 =	sand.u32 $0x1, s1;
	s9 =	smul.u32 $0x4F000, s9  }
0x7: {  	p0 =	seq.s32 s1, $0x0;
	s7 =	smul.u32 $0x13C000, s1;
	_ =	strace $0x8000004A  }
0x8: {  	s1 =	ssub.s32 $0x2, s1;
	s6 =	sadd.s32 $0xE80, s4;
	s4 =	sadd.s32 $0x76E00, s0  }
0x9: {  	s8 =	sshrl.u32 s1, $0x1;
	s10 =	simm.s32 @!p0 $0x54;
	s23 =	sshrl.u32 s9, $0x2  }
0xa: {  	s26 =	sadd.s32 s21, s2;
	s6 =	smov.u32 @p0 s5;
	s7 =	sadd.s32 s21, s7  }
0xb: {  	s1 =	ssub.s32 s1, s8;
	s24 =	sadd.s32 $0xFFFFFFFE, s10;
	s12 =	sshll.u32 s10, $0x6  }
0xc: {  	s6 =	sshll.u32 s6, $0x3;
	s7 =	sshrl.u32 s7, $0x3;
	s11 =	sshll.u32 s24, $0x6  }
0xd: {  	s9 =	sshrl.u32 s24, $0x1;
	s10 =	sadd.s32 $0xFFFFFFC0, s12;
	s12 =	sadd.s32 $0x39C0, s12  }
0xe: {  	s14 =	smax.u32 s1, $0x1;
	s6 =	sadd.s32 s6, s0;
	s0 =	sadd.s32 s7, s0  }
0xf: {  	s7 =	sadd.s32 s23, s2;
	s11 =	sadd.s32 $0x3A00, s11;
	s23 =	simm.s32 $0x3  }
0x10: {  	s22 =	sadd.s32 $0xEC00, s6;
	s6 =	sadd.s32 $0x4800, s6;
	s25 =	sadd.s32 $0x12000, s7  }
0x11: {  	s13 =	sadd.s32 $0xC5E00, s0;
	s15 =	sadd.s32 $0x2000, s7;
	s16 =	sadd.s32 $0x4000, s7  }
0x12: {  	s17 =	sadd.s32 $0x6000, s7;
	s18 =	sadd.s32 $0x8000, s7;
	[dreg:$0x3] =	wrdreg s22  }
0x13: {  	s19 =	sadd.s32 $0xA000, s7;
	s20 =	sadd.s32 $0xC000, s7;
	[dreg:$0x4] =	wrdreg s6  }
0x14: {  	s21 =	sadd.s32 $0xE000, s7;
	s0 =	simm.s32 $0x0;
	[dreg:$0x5] =	wrdreg s25  }
0x15: {  	v0 =	vimm.f32 $0.0e+00;
	s22 =	sadd.s32 $0x10000, s7;
	s25 =	sshrl.u32 s26, $0x3;
	s26 =	simm.s32 $0x7400  }
.LBB2_1:
0x16: {  	s1 =	rddreg [dreg:$0x3]  }
0x17: {  	[tilespmem:s3], [sflag:$0x3] =	stream.linear.gather [hbm4b:s1+s3], $0x3A00, $0x38;
	[tilespmem:$0x1F000] =	vst v63  }
0x18: {  	_ =	swait.ge [sflag:s23], $0x3A00  }
0x19: {  	[sflag:s23] =	ssyncset.done $0x0  }
0x1a: {  	s5 =	simm.s32 $0x3A00;
	s24 =	rddreg [dreg:$0x4];
	[sflag:s23] =	ssyncadd.s32 $0xFFFFC600  }
0x1b: {  	[tilespmem:s5], [sflag:$0x3] =	stream.linear.gather [hbm4b:s24+s3], $0x3A00, $0x38;
	[tilespmem:$0x1F000] =	vst v63  }
0x1c: {  	_ =	swait.ge [sflag:s23], $0x3A00  }
0x1d: {  	[sflag:s23] =	ssyncset.done $0x0  }
0x1e: {  	s1 =	simm.s32 $0x0;
	s5 =	simm.s32 $0x200;
	[sflag:s23] =	ssyncadd.s32 $0xFFFFC600  }
.LBB2_2:
0x1f: {  	p0 =	sne.s32 s5, $0x7E00;
	[tilespmem:s1+$0x7470] =	vst v0  }
0x20: {  	[tilespmem:s1+$0x7400] =	vst v0  }
0x21: {  	[tilespmem:s1+$0x7410] =	vst v0  }
.Ltmp0:
0x22: {  	[tilespmem:s1+$0x7420] =	vst v0;
	(pc) =	sbr.rel @p0 .LBB2_2-.Ltmp0, $4  }
0x23: {  	[tilespmem:s1+$0x7430] =	vst v0  }
0x24: {  	[tilespmem:s1+$0x7440] =	vst v0  }
0x25: {  	[tilespmem:s1+$0x7450] =	vst v0  }
0x26: {  	[tilespmem:s1+$0x7460] =	vst v0;
	s1 =	sshra.s32 s5, $0x2;
	s5 =	sadd.s32 $0x200, s5  }
0x27: {  	[tilespmem:s1+$0x7470] =	vst v0  }
0x28: {  	[tilespmem:s1+$0x7400] =	vst v0  }
0x29: {  	[tilespmem:s1+$0x7410] =	vst v0  }
0x2a: {  	[tilespmem:s1+$0x7420] =	vst v0  }
0x2b: {  	[tilespmem:s1+$0x7430] =	vst v0  }
0x2c: {  	[tilespmem:s1+$0x7440] =	vst v0  }
0x2d: {  	[tilespmem:s1+$0x7450] =	vst v0  }
0x2e: {  	[tilespmem:s1+$0x7460] =	vst v0  }
0x2f: {  	[spmem:s7] =	stream.linear.scatter [tilespmem:s26], [sflag:$0x3], $0x2000, $0x38;
	[tilespmem:$0x1F000] =	vst v63  }
0x30: {  	_ =	swait.ge [sflag:s23], $0x2000  }
0x31: {  	[sflag:s23] =	ssyncset.done $0x0  }
0x32: {  	[sflag:s23] =	ssyncadd.s32 $0xFFFFE000  }
0x33: {  	[spmem:s15] =	stream.linear.scatter [tilespmem:s26], [sflag:$0x3], $0x2000, $0x38;
	[tilespmem:$0x1F000] =	vst v63  }
0x34: {  	_ =	swait.ge [sflag:s23], $0x2000  }
0x35: {  	[sflag:s23] =	ssyncset.done $0x0  }
0x36: {  	[sflag:s23] =	ssyncadd.s32 $0xFFFFE000  }
0x37: {  	[spmem:s16] =	stream.linear.scatter [tilespmem:s26], [sflag:$0x3], $0x2000, $0x38;
	[tilespmem:$0x1F000] =	vst v63  }
0x38: {  	_ =	swait.ge [sflag:s23], $0x2000  }
0x39: {  	[sflag:s23] =	ssyncset.done $0x0  }
0x3a: {  	[sflag:s23] =	ssyncadd.s32 $0xFFFFE000  }
0x3b: {  	[spmem:s17] =	stream.linear.scatter [tilespmem:s26], [sflag:$0x3], $0x2000, $0x38;
	[tilespmem:$0x1F000] =	vst v63  }
0x3c: {  	_ =	swait.ge [sflag:s23], $0x2000  }
0x3d: {  	[sflag:s23] =	ssyncset.done $0x0  }
0x3e: {  	[sflag:s23] =	ssyncadd.s32 $0xFFFFE000  }
0x3f: {  	[spmem:s18] =	stream.linear.scatter [tilespmem:s26], [sflag:$0x3], $0x2000, $0x38;
	[tilespmem:$0x1F000] =	vst v63  }
0x40: {  	_ =	swait.ge [sflag:s23], $0x2000  }
0x41: {  	[sflag:s23] =	ssyncset.done $0x0  }
0x42: {  	[sflag:s23] =	ssyncadd.s32 $0xFFFFE000  }
0x43: {  	[spmem:s19] =	stream.linear.scatter [tilespmem:s26], [sflag:$0x3], $0x2000, $0x38;
	[tilespmem:$0x1F000] =	vst v63  }
0x44: {  	_ =	swait.ge [sflag:s23], $0x2000  }
0x45: {  	[sflag:s23] =	ssyncset.done $0x0  }
0x46: {  	[sflag:s23] =	ssyncadd.s32 $0xFFFFE000  }
0x47: {  	[spmem:s20] =	stream.linear.scatter [tilespmem:s26], [sflag:$0x3], $0x2000, $0x38;
	[tilespmem:$0x1F000] =	vst v63  }
0x48: {  	_ =	swait.ge [sflag:s23], $0x2000  }
0x49: {  	[sflag:s23] =	ssyncset.done $0x0  }
0x4a: {  	[sflag:s23] =	ssyncadd.s32 $0xFFFFE000  }
0x4b: {  	[spmem:s21] =	stream.linear.scatter [tilespmem:s26], [sflag:$0x3], $0x2000, $0x38;
	[tilespmem:$0x1F000] =	vst v63  }
0x4c: {  	_ =	swait.ge [sflag:s23], $0x2000  }
0x4d: {  	[sflag:s23] =	ssyncset.done $0x0  }
0x4e: {  	[sflag:s23] =	ssyncadd.s32 $0xFFFFE000  }
0x4f: {  	[spmem:s22] =	stream.linear.scatter [tilespmem:s26], [sflag:$0x3], $0x2000, $0x38;
	[tilespmem:$0x1F000] =	vst v63  }
0x50: {  	_ =	swait.ge [sflag:s23], $0x2000  }
0x51: {  	[sflag:s23] =	ssyncset.done $0x0  }
0x52: {  	p1 =	sne.s32 s9, $0x1;
	s24 =	rddreg [dreg:$0x5];
	[sflag:s23] =	ssyncadd.s32 $0xFFFFE000  }
0x53: {  	[spmem:s24] =	stream.linear.scatter [tilespmem:s26], [sflag:$0x3], $0x1C00, $0x38;
	[tilespmem:$0x1F000] =	vst v63  }
.Ltmp1:
0x54: {  	_ =	swait.ge [sflag:s23], $0x1C00;
	(pc) =	sbr.rel @!p1 .LBB2_4-.Ltmp1, $4  }
0x55: {  	[sflag:s23] =	ssyncset.done $0x0  }
0x56: {  	s1 =	simm.s32 $0x3A00;
	s5 =	sadd.s32 $0xFFFFFFFF, s9;
	[sflag:s23] =	ssyncadd.s32 $0xFFFFE400  }
0x57: {  	p0 =	por $0x0, $0x0;
	s24 =	simm.s32 $0x80;
	[bflag:$0x0] =	sbarrier.arrive $0xFFFF  }
0x58: {  	[tilespmem:s26], [sflag:$0x1] =	stream.indirect.gather [hbm4b:s4+s28], $0x80, s3, s28, $0xb8;
	[tilespmem:$0x1F000] =	vst v63  }
0x59: {  	s6 =	simm.s32 $0x40  }
0x5a: {  	[tilespmem:s29], [sflag:$0x2] =	stream.indirect.gather [hbm4b:s4+s28], $0x80, s6, s28, $0xb8;
	[tilespmem:$0x1F000] =	vst v63  }
0x5b: {  	_ =	swait.ge [sflag:s30], $0x2000  }
0x5c: {  	[sflag:s30] =	ssyncset.done $0x0  }
0x5d: {  	[sflag:s30] =	ssyncadd.s32 $0xFFFFE000  }
0x5e: {  	[spmem:s2] =	stream.indirect.scatter.add.f32 [tilespmem:s26], [sflag:$0x3], $0x80, s1, s28, $0xb8;
	[tilespmem:$0x1F000] =	vst v63  }
0x5f: {  	_ =	swait.ge [sflag:s23], $0x2000  }
0x60: {  	[sflag:s23] =	ssyncset.done $0x0  }
0x61: {  	[sflag:s23] =	ssyncadd.s32 $0xFFFFE000  }
0x62: {  	[tilespmem:s26], [sflag:$0x1] =	stream.indirect.gather [hbm4b:s4+s28], $0x80, s24, s28, $0xb8;
	[tilespmem:$0x1F000] =	vst v63  }
0x63: {  	p1 =	sne.s32 s5, $0x1;
	_ =	swait.ge [sflag:s31], $0x2000  }
.Ltmp2:
0x64: {  	[sflag:s31] =	ssyncset.done $0x0;
	(pc) =	sbr.rel @!p1 .LBB2_6-.Ltmp2, $4  }
0x65: {  	s24 =	simm.s32 $0x3A40;
	[sflag:s31] =	ssyncadd.s32 $0xFFFFE000  }
0x66: {  	[spmem:s2] =	stream.indirect.scatter.add.f32 [tilespmem:s29], [sflag:$0x3], $0x80, s24, s28, $0xb8;
	[tilespmem:$0x1F000] =	vst v63  }
0x67: {  	p0 =	por $0x1, $0x1;
	s6 =	sadd.s32 $0xFFFFFFFF, s5;
	_ =	swait.ge [sflag:s23], $0x2000  }
0x68: {  	s5 =	simm.s32 $0x3A00;
	s24 =	simm.s32 $0x100;
	[sflag:s23] =	ssyncset.done $0x0  }
.LBB2_7:
0x69: {  	s8 =	sadd.s32 $0xFFFFFFC0, s24;
	[sflag:s23] =	ssyncadd.s32 $0xFFFFE000;
	s5 =	sadd.s32 $0x80, s5  }
0x6a: {  	[tilespmem:s29], [sflag:$0x2] =	stream.indirect.gather [hbm4b:s4+s28], $0x80, s8, s28, $0xb8;
	[tilespmem:$0x1F000] =	vst v63  }
0x6b: {  	p1 =	sne.s32 s6, $0x1;
	s6 =	sadd.s32 $0xFFFFFFFF, s6;
	_ =	swait.ge [sflag:s30], $0x2000  }
0x6c: {  	[sflag:s30] =	ssyncset.done $0x0  }
0x6d: {  	[sflag:s30] =	ssyncadd.s32 $0xFFFFE000  }
0x6e: {  	[spmem:s2] =	stream.indirect.scatter.add.f32 [tilespmem:s26], [sflag:$0x3], $0x80, s5, s28, $0xb8;
	[tilespmem:$0x1F000] =	vst v63  }
0x6f: {  	_ =	swait.ge [sflag:s23], $0x2000  }
0x70: {  	[sflag:s23] =	ssyncset.done $0x0  }
0x71: {  	[sflag:s23] =	ssyncadd.s32 $0xFFFFE000  }
0x72: {  	[tilespmem:s26], [sflag:$0x1] =	stream.indirect.gather [hbm4b:s4+s28], $0x80, s24, s28, $0xb8;
	[tilespmem:$0x1F000] =	vst v63  }
0x73: {  	_ =	swait.ge [sflag:s31], $0x2000  }
.Ltmp3:
0x74: {  	[sflag:s31] =	ssyncset.done $0x0;
	(pc) =	sbr.rel @p1 .LBB2_7-.Ltmp3, $4  }
0x75: {  	s8 =	sadd.s32 $0x40, s5;
	[sflag:s31] =	ssyncadd.s32 $0xFFFFE000  }
0x76: {  	[spmem:s2] =	stream.indirect.scatter.add.f32 [tilespmem:s29], [sflag:$0x3], $0x80, s8, s28, $0xb8;
	[tilespmem:$0x1F000] =	vst v63  }
0x77: {  	_ =	swait.ge [sflag:s23], $0x2000  }
0x78: {  	s24 =	sadd.s32 $0x80, s24;
	[sflag:s23] =	ssyncset.done $0x0  }
.LBB2_8:
0x79: {  	s6 =	sadd.s32 $0xFFFFFFC0, s24;
	[sflag:s23] =	ssyncadd.s32 @p0 $0xFFFFE000  }
0x7a: {  	[tilespmem:s29], [sflag:$0x2] =	stream.indirect.gather [hbm4b:s4+s28], $0x80, s6, s28, $0xb8;
	[tilespmem:$0x1F000] =	vst v63  }
0x7b: {  	_ =	swait.ge [sflag:s30], $0x2000  }
0x7c: {  	s5 =	sadd.s32 @p0 $0x80, s5;
	[sflag:s30] =	ssyncset.done $0x0  }
0x7d: {  	s1 =	smov.u32 @p0 s5;
	[sflag:s30] =	ssyncadd.s32 $0xFFFFE000  }
0x7e: {  	[spmem:s2] =	stream.indirect.scatter.add.f32 [tilespmem:s26], [sflag:$0x3], $0x80, s1, s28, $0xb8;
	[tilespmem:$0x1F000] =	vst v63  }
0x7f: {  	_ =	swait.ge [sflag:s23], $0x2000  }
0x80: {  	[sflag:s23] =	ssyncset.done $0x0  }
0x81: {  	[sflag:s23] =	ssyncadd.s32 $0xFFFFE000  }
0x82: {  	[tilespmem:s26], [sflag:$0x1] =	stream.indirect.gather [hbm4b:s4+s28], $0x80, s24, s28, $0xb8;
	[tilespmem:$0x1F000] =	vst v63  }
0x83: {  	_ =	swait.ge [sflag:s31], $0x2000  }
0x84: {  	[sflag:s31] =	ssyncset.done $0x0  }
0x85: {  	s1 =	sadd.s32 $0x40, s1;
	[sflag:s31] =	ssyncadd.s32 $0xFFFFE000  }
0x86: {  	[spmem:s2] =	stream.indirect.scatter.add.f32 [tilespmem:s29], [sflag:$0x3], $0x80, s1, s28, $0xb8;
	[tilespmem:$0x1F000] =	vst v63  }
0x87: {  	_ =	swait.ge [sflag:s23], $0x2000  }
0x88: {  	[sflag:s23] =	ssyncset.done $0x0  }
0x89: {  	[sflag:s23] =	ssyncadd.s32 $0xFFFFE000  }
0x8a: {  	[tilespmem:s29], [sflag:$0x2] =	stream.indirect.gather [hbm4b:s4+s28], $0x80, s10, s28, $0xb8;
	[tilespmem:$0x1F000] =	vst v63  }
0x8b: {  	_ =	swait.ge [sflag:s30], $0x2000  }
0x8c: {  	[sflag:s30] =	ssyncset.done $0x0  }
0x8d: {  	[sflag:s30] =	ssyncadd.s32 $0xFFFFE000  }
0x8e: {  	[spmem:s2] =	stream.indirect.scatter.add.f32 [tilespmem:s26], [sflag:$0x3], $0x80, s11, s28, $0xb8;
	[tilespmem:$0x1F000] =	vst v63  }
0x8f: {  	_ =	swait.ge [sflag:s23], $0x2000  }
0x90: {  	[sflag:s23] =	ssyncset.done $0x0  }
0x91: {  	[sflag:s23] =	ssyncadd.s32 $0xFFFFE000  }
0x92: {  	_ =	swait.ge [sflag:s31], $0x2000  }
0x93: {  	[sflag:s31] =	ssyncset.done $0x0  }
0x94: {  	[sflag:s31] =	ssyncadd.s32 $0xFFFFE000  }
0x95: {  	[spmem:s2] =	stream.indirect.scatter.add.f32 [tilespmem:s29], [sflag:$0x3], $0x80, s12, s28, $0xb8;
	[tilespmem:$0x1F000] =	vst v63  }
0x96: {  	_ =	swait.ge [sflag:s23], $0x2000  }
0x97: {  	s24 =	stileid.u32;
	[sflag:s23] =	ssyncset.done $0x0  }
0x98: {  	s0 =	sadd.s32 $0x1, s0;
	s1 =	sshll.u32 s24, $0x6;
	[sflag:s23] =	ssyncadd.s32 $0xFFFFE000  }
0x99: {  	p0 =	sne.s32 s0, s14;
	s1 =	sor.u32 $0x1C03, s1;
	[bflag:$0x0] =	sbarrier.arrive $0xFFFF  }
0x9a: {  	[hbm:s13], [sflag:s1] =	dma.local [spmem:s25], $0x2780  }
.Ltmp4:
0x9b: {  	_ = 	snop;
	(pc) =	sbr.rel @p0 .LBB2_1-.Ltmp4, $4  }
.Ltmp5:
0x9c: {  	_ = 	snop;
	(pc) =	sbr.rel @!p0 .LBB2_9-.Ltmp5, $4  }
0x9d: {  	_ =	swait.ge [sflag:s23], $0x2780  }
0x9e: {  	[sflag:s23] =	ssyncset.done $0x0  }
0x9f: {  	[sflag:s23] =	ssyncadd.s32 $0xFFFFD880  }
0xa0: {  	_ = 	snop  }
.LBB2_4:
.Ltmp6:
0xa1: {  	(pc) =	sbr.rel .LBB2_8-.Ltmp6, $2  }
0xa2: {  	_ =	sdelay $0x2  }
0xa3: {  	s5 =	simm.s32 $0x3A00  }
.LBB2_6:
.Ltmp7:
0xa4: {  	(pc) =	sbr.rel .LBB2_8-.Ltmp7, $2  }
0xa5: {  	_ =	sdelay $0x2  }
0xa6: {  	s5 =	simm.s32 $0x3A00  }
.LBB2_9:
0xa7: {  	_ =	sfence.sel $0x180000  }
0xa8: {  	[bflag:$0x0] =	sbarrier.arrive $0xFFFF  }
0xa9: {  	_ =	strace $0x9000004A  }
0xaa: {  	s0 =	stileid.u32;
	[bflag:$0x2] =	sbarrier.arrive $0xFFFF  }
0xab: {  	p0 =	sne.s32 s0, $0x0;
	s0 =	rddreg [dreg:$0x2]  }
0xac: {  	s0 =	sadd.s32 @!p0 $0x100000, s0  }
0xad: {  	[sflag:s0] =	ssyncadd.tile.s32 @!p0 $0x1;
	_ =	shalt  }
.Lfunc_end2:
_tile_overlayer_lowered:
.L_overlay_start_2:
0xae: {  	(tag) =	ssettag $0x2  }
0xaf: {  	s0 =	rddreg [dreg:$0x0];
	s2 =	stileid.u32  }
0xb0: {  	s1 =	rddreg [dreg:$0x1];
	p0 =	sne.s32 s2, $0x0  }
0xb1: {  	s3 =	rddreg [dreg:$0x2];
	[bflag:$0x3] =	sbarrier.arrive $0xFFFF;
	s2 =	simm.s32 @!p0 $0x1C03  }
0xb2: {  	[timem:s3], [sflag:s2] =	dma.local @!p0 [hbm:s0], s1  }
0xb3: {  	s0 =	simm.s32 @!p0 $0x3  }
0xb4: {  	_ =	swait.ge @!p0 [sflag:s0], s1  }
0xb5: {  	s1 =	ssub.s32 @!p0 $0x0, s1;
	[sflag:s0] =	ssyncset.done @!p0 $0x0  }
0xb6: {  	[sflag:s0] =	ssyncadd.s32 @!p0 s1  }
0xb7: {  	[bflag:$0x3] =	sbarrier.arrive $0xFFFF  }
0xb8: {  	_ =	shalt  }

// kernel: kernel.27.cloned.1.call-start
scs
__scs_entry_jumppad:
0x0: {  	(pc) =	sbr.rel $0x88, $3  }
0x1: {  	(tag) =	ssettag $0x0;
	lr =	simm.s32 $0x1  }
0x2: {  	[smem:$0x3F8A] =	sst lr;
	_ =	strace $0xD0000000  }
0x3: {  	_ = 	snop  }
0x4: {  	_ = 	snop  }
0x5: {  	_ = 	snop  }
0x6: {  	_ = 	snop  }
0x7: {  	_ = 	snop  }
__scs_overlays_trampoline_lowered:
0x8: {  	[smem:$0x3F99] =	sst s0  }
0x9: {  	[smem:$0x3F9A] =	sst s1  }
0xa: {  	[smem:$0x3F9B] =	sst s2  }
0xb: {  	[smem:$0x3F9C] =	sst s3  }
0xc: {  	[smem:$0x3F9D] =	sst s4  }
0xd: {  	[smem:$0x3F9E] =	sst s5  }
0xe: {  	[smem:$0x3F9F] =	sst s6  }
0xf: {  	[smem:$0x3FA0] =	sst s7  }
0x10: {  	[smem:$0x3FA1] =	sst s8  }
0x11: {  	[smem:$0x3FA2] =	sst s9;
	s0 =	simm.s32 @!p0 $0x0  }
0x12: {  	s1 =	sld [smem:$0x3F88];
	s0 =	simm.s32 @p0 $0x1  }
0x13: {  	[smem:$0x3FA3] =	sst s0;
	s0 =	simm.s32 @!p1 $0x0  }
0x14: {  	s2 =	sld [smem:$0x3F87];
	s0 =	simm.s32 @p1 $0x1  }
0x15: {  	[smem:$0x3FA4] =	sst s0;
	s0 =	simm.s32 @!p2 $0x0  }
0x16: {  	s3 =	sld [smem:$0x3FDB];
	s0 =	simm.s32 @p2 $0x1  }
0x17: {  	s4 =	simm.s32 $0x1BF5;
	[smem:$0x3FA6] =	sst s0  }
0x18: {  	s0 =	sld [smem:$0x3F89];
	_ =	swait.ge [sflag:s4], $0x0  }
0x19: {  	s7 =	sld [smem:$0x3F8A]  }
0x1a: {  	s8 =	sadd.s32 $0xFFFFE003, lr  }
0x1b: {  	s9 =	sadd.s32 $0xFFFFFEF7, lr;
	s5 =	simm.s32 $0xFFFFFFFF;
	p2 =	slt.u32 s8, $0xFFFFF086  }
0x1c: {  	p1 =	slt.u32 s9, $0xF7A;
	s5 =	simm.s32 @!p2 $0x0  }
0x1d: {  	s5 =	simm.s32 @p1 $0x1;
	p0 =	seq.s32 s7, s2  }
0x1e: {  	s7 =	smul.u32 @!p0 $0xF7A, s2;
	p2 =	seq.s32 @!p0 s5, $0x0  }
0x1f: {  	s9 =	smul.u32 $0xF7A, s1;
	s8 =	simm.s32 @!p0 $0x1BF5;
	p2 =	por !p2, p0  }
0x20: {  	[sflag:s8] =	ssyncset.s32 @!p0 $0xFFFFF086;
	s6 =	sadd.s32 @!p0 s3, s7;
	s7 =	simm.s32 @!p0 $0x108  }
0x21: {  	s3 =	sadd.s32 s3, s9;
	s6 =	sadd.s32 @!p0 $0x88, s6;
	s7 =	simm.s32 @p2 $0x1082  }
0x22: {  	[simem:s7], [sflag:s8] =	dma.local @!p0 [hbm:s6], $0xF7A  }
0x23: {  	s9 =	sor.u32 $0xD0000000, s2;
	s6 =	simm.s32 $0x108;
	_ =	swait.ge @!p0 [sflag:s8], $0x0  }
0x24: {  	s3 =	sadd.s32 $0x88, s3;
	s6 =	simm.s32 @!p1 $0x1082;
	[sflag:s4] =	ssyncset.s32 $0xFFFFF086  }
0x25: {  	[simem:s6], [sflag:s4] =	dma.local [hbm:s3], $0xF7A  }
0x26: {  	[smem:$0x3F8A] =	sst s1;
	(tag) =	ssettag s2;
	_ =	strace s9  }
0x27: {  	s1 =	sld [smem:$0x3F9A]  }
0x28: {  	s2 =	sld [smem:$0x3F9B]  }
0x29: {  	s4 =	sld [smem:$0x3F9D]  }
0x2a: {  	p0 =	seq.s32 s5, $0x0;
	s5 =	sld [smem:$0x3F9E]  }
0x2b: {  	s6 =	sld [smem:$0x3F9F]  }
0x2c: {  	s7 =	sld [smem:$0x3FA0]  }
0x2d: {  	s3 =	simm.s32 $0x108;
	s8 =	sld [smem:$0x3FA1]  }
0x2e: {  	s3 =	simm.s32 @!p0 $0x1082;
	s9 =	sld [smem:$0x3FA2]  }
0x2f: {  	lr =	sadd.s32 s0, s3;
	s0 =	sld [smem:$0x3F99]  }
0x30: {  	s3 =	sld [smem:$0x3F9C]  }
0x31: {  	[smem:$0x3FA5] =	sst s10  }
0x32: {  	s10 =	sld [smem:$0x3FA3];
	_ =	sdelay $0x3  }
0x33: {  	p0 =	seq.s32 s10, $0x1;
	s10 =	sld [smem:$0x3FA5];
	_ =	sdelay $0x3  }
0x34: {  	[smem:$0x3FA5] =	sst s10  }
0x35: {  	s10 =	sld [smem:$0x3FA4];
	_ =	sdelay $0x3  }
0x36: {  	p1 =	seq.s32 s10, $0x1;
	s10 =	sld [smem:$0x3FA5];
	_ =	sdelay $0x3  }
0x37: {  	[smem:$0x3FA5] =	sst s10  }
0x38: {  	s10 =	sld [smem:$0x3FA6]  }
0x39: {  	_ = 	snop;
	(pc) =	sbr.ind lr, $3  }
0x3a: {  	_ = 	snop  }
0x3b: {  	_ = 	snop  }
0x3c: {  	p2 =	seq.s32 s10, $0x1;
	s10 =	sld [smem:$0x3FA5]  }
0x3d: {  	_ =	shalt  }
0x3e: {  	_ =	shalt  }
0x3f: {  	_ =	shalt  }
0x40: {  	_ =	shalt  }
0x41: {  	_ =	shalt  }
0x42: {  	_ =	shalt  }
0x43: {  	_ =	shalt  }
0x44: {  	_ =	shalt  }
0x45: {  	_ =	shalt  }
0x46: {  	_ =	shalt  }
0x47: {  	_ =	shalt  }
0x48: {  	_ =	shalt  }
0x49: {  	_ =	shalt  }
0x4a: {  	_ =	shalt  }
0x4b: {  	_ =	shalt  }
0x4c: {  	_ =	shalt  }
0x4d: {  	_ =	shalt  }
0x4e: {  	_ =	shalt  }
0x4f: {  	_ =	shalt  }
0x50: {  	_ =	shalt  }
0x51: {  	_ =	shalt  }
0x52: {  	_ =	shalt  }
0x53: {  	_ =	shalt  }
0x54: {  	_ =	shalt  }
0x55: {  	_ =	shalt  }
0x56: {  	_ =	shalt  }
0x57: {  	_ =	shalt  }
0x58: {  	_ =	shalt  }
0x59: {  	_ =	shalt  }
0x5a: {  	_ =	shalt  }
0x5b: {  	_ =	shalt  }
0x5c: {  	_ =	shalt  }
0x5d: {  	_ =	shalt  }
0x5e: {  	_ =	shalt  }
0x5f: {  	_ =	shalt  }
0x60: {  	_ =	shalt  }
0x61: {  	_ =	shalt  }
0x62: {  	_ =	shalt  }
0x63: {  	_ =	shalt  }
0x64: {  	_ =	shalt  }
0x65: {  	_ =	shalt  }
0x66: {  	_ =	shalt  }
0x67: {  	_ =	shalt  }
0x68: {  	_ =	shalt  }
0x69: {  	_ =	shalt  }
0x6a: {  	_ =	shalt  }
0x6b: {  	_ =	shalt  }
0x6c: {  	_ =	shalt  }
0x6d: {  	_ =	shalt  }
0x6e: {  	_ =	shalt  }
0x6f: {  	_ =	shalt  }
0x70: {  	_ =	shalt  }
0x71: {  	_ =	shalt  }
0x72: {  	_ =	shalt  }
0x73: {  	_ =	shalt  }
0x74: {  	_ =	shalt  }
0x75: {  	_ =	shalt  }
0x76: {  	_ =	shalt  }
0x77: {  	_ =	shalt  }
0x78: {  	_ =	shalt  }
0x79: {  	_ =	shalt  }
0x7a: {  	_ =	shalt  }
0x7b: {  	_ =	shalt  }
0x7c: {  	_ =	shalt  }
0x7d: {  	_ =	shalt  }
0x7e: {  	_ =	shalt  }
0x7f: {  	_ =	shalt  }
0x80: {  	_ =	shalt  }
0x81: {  	_ =	shalt  }
0x82: {  	_ =	shalt  }
0x83: {  	_ =	shalt  }
0x84: {  	_ =	shalt  }
0x85: {  	_ =	shalt  }
0x86: {  	_ =	shalt  }
0x87: {  	_ =	shalt  }
.Lfunc_end0:
.L_simem_size_0:
called_computation.2_lowered:
.L_overlay_start_0:
0x88: {  	s2 =	sld [smem:$0x3FD9]  }
0x89: {  	s3 =	sld [smem:$0x3FFE];
	_ =	sdelay $0x1  }
0x8a: {  	s1 =	srdreg.scid  }
0x8b: {  	s0 =	sand.u32 $0x1, s1  }
0x8c: {  	s16 =	sshll.u32 s0, $0xA;
	s2 =	sadd.s32 s3, s2  }
0x8d: {  	s2 =	sadd.s32 s2, s16  }
0x8e: {  	[smem:$0x3FB1] =	sst s2  }
0x8f: {  	_ = 	snop  }
0x90: {  	(tm) =	ssettm $0x1  }
0x91: {  	s17 =	sld [smem:$0x3FFB];
	_ =	sdelay $0x3  }
0x92: {  	_ =	strace s17  }
0x93: {  	s2 =	sld [smem:$0x3FFC];
	_ =	sdelay $0x3  }
0x94: {  	_ =	strace s2  }
0x95: {  	s2 =	sld [smem:$0x3FFD];
	_ =	sdelay $0x3  }
0x96: {  	_ =	strace s2  }
0x97: {  	_ =	strace $0x8FFFFFFF  }
0x98: {  	s18 =	sld [smem:$0x3FDB];
	_ =	sdelay $0x1  }
0x99: {  	s19 =	simm.s32 $_scs_section_size  }
0x9a: {  	s4 =	simm.s32 $_size__tile_overlayer_lowered;
	s5 =	simm.s32 $_tile_overlayer_lowered  }
0x9b: {  	s22 =	simm.s32 $0x1BFF;
	s21 =	sshll.u32 s5, $0x1;
	s2 =	sadd.s32 s19, s18  }
0x9c: {  	s6 =	simm.s32 $0x0;
	s20 =	sshll.u32 s4, $0x1;
	s4 =	sadd.s32 s21, s2  }
0x9d: {  	[timem:s6], [sflag:s22] =	dma.local [hbm:s4], s20  }
0x9e: {  	_ =	swait.ge [sflag:s22], s20  }
0x9f: {  	s3 =	ssub.s32 $0x0, s20;
	[sflag:s22] =	ssyncset.done $0x0  }
0xa0: {  	[sflag:s22] =	ssyncadd.s32 s3;
	_ =	sdelay $0x1  }
0xa1: {  	s23 =	simm.s32 $0x1B8B  }
0xa2: {  	_ =	swait.ge [sflag:s23], $0x1  }
0xa3: {  	[sflag:s23] =	ssyncset.done $0x0  }
0xa4: {  	s25 =	simm.s32 $0x1B8E;
	s24 =	sld [smem:$0x3FFE];
	[sflag:s23] =	ssyncadd.s32 $0xFFFFFFFF  }
0xa5: {  	s26 =	simm.s32 $execute0_lowered;
	[smem:$0x3FD2] =	sst s25  }
0xa6: {  	s4 =	sshll.u32 s26, $0x1;
	_ =	strace $0x8000004C;
	[dreg:$0x1] =	wrdreg $0xFFFFFFFF  }
0xa7: {  	s28 =	simm.s32 $_size_execute0_lowered;
	s2 =	sadd.s32 s2, s4;
	[dreg:$0x0] =	wrdreg $0x0  }
0xa8: {  	s4 =	sshll.u32 s28, $0x1;
	[dreg:$0x2] =	wrdreg s2  }
0xa9: {  	[dreg:$0x3] =	wrdreg s4  }
0xaa: {  	[dreg:$0x4] =	wrdreg $0xC0  }
0xab: {  	_ =	task [dreg:s6], $0x5FFFF  }
0xac: {  	[dreg:$0x1] =	wrdreg $0xFFFFFFFF  }
0xad: {  	[dreg:$0x0] =	wrdreg $0x60  }
0xae: {  	[dreg:$0x2] =	wrdreg s24  }
0xaf: {  	[dreg:$0x3] =	wrdreg $0x57000  }
0xb0: {  	[dreg:$0x4] =	wrdreg $0x9  }
0xb1: {  	_ =	task.clear_ibuf [dreg:s6], $0x5FFFF;
	_ =	strace $0x9000004C  }
0xb2: {  	s29 =	simm.s32 $0x9;
	_ =	strace $0x8000004E  }
0xb3: {  	_ =	swait.ge [sflag:s29], $0x1  }
0xb4: {  	[sflag:s29] =	ssyncadd.s32 $0xFFFFFFFF  }
0xb5: {  	_ =	strace $0x9000004E  }
0xb6: {  	_ =	sfence  }
0xb7: {  	s30 =	sld [smem:$0x0];
	_ =	sdelay $0x2  }
0xb8: {  	s31 =	sshll.u32 s1, $0xD;
	s1 =	sshrl.u32 s1, $0x2  }
0xb9: {  	s3 =	sand.u32 $0x4000, s31;
	s1 =	sadd.s32 s1, s30  }
0xba: {  	s0 =	sor.u32 s3, s0;
	s1 =	sshll.u32 s1, $0x11  }
0xbb: {  	s0 =	sor.u32 s1, s0  }
0xbc: {  	s0 =	sadd.s32 $0x8F2B, s0  }
0xbd: {  	[sflag:s0] =	ssyncadd.remote.s32 $0x1  }
0xbe: {  	_ =	sfence.sel $0xFFFF  }
0xbf: {  	[dreg:$0x0] =	wrdreg $0xFFFFFFFF;
	(pc) =	sbr.abs _section_cstart, $3  }
0xc0: {  	[dreg:$0x1] =	wrdreg $0xFFFFFFFF  }
0xc1: {  	_ =	task.clear_ibuf [dreg:s6], $0x2FFFF;
	_ =	strace $0x9FFFFFFF  }
0xc2: {  	(tm) =	ssettm $0x7FFFFFFF  }
0xc3: {  	_ =	shalt  }
tec
execute0_lowered:
.L_overlay_start_1:
0x0: {  	(tag) =	ssettag $0x1  }
0x1: {  	s0 =	rddreg [dreg:$0x0]  }
0x2: {  	s1 =	rddreg [dreg:$0x1]  }
0x3: {  	s2 =	srdreg.scid;
	s3 =	simm.s32 $0x0;
	s7 =	stileid.u32  }
0x4: {  	s19 =	simm.s32 $0x3;
	s21 =	simm.s32 $0x4F00;
	s22 =	simm.s32 $0x40  }
0x5: {  	s23 =	simm.s32 $0x5300;
	s24 =	simm.s32 $0x1;
	s26 =	simm.s32 $0x2  }
0x6: {  	s30 =	simm.s32 $0x4EC0;
	s31 =	simm.s32 $0x0;
	s2 =	sand.u32 $0x1, s2  }
0x7: {  	[smem:$0x7FF] =	sst s3;
	s10 =	smul.u32 $0x2780, s7;
	s4 =	sshll.u32 s2, $0x4  }
0x8: {  	s5 =	smul.u32 $0x27800, s2;
	_ =	strace $0x8000004D;
	s2 =	ssub.s32 $0x2, s2  }
0x9: {  	s6 =	sor.u32 s7, s4;
	s4 =	sadd.s32 $0x41000, s0;
	s7 =	smul.u32 $0x9E00, s7  }
0xa: {  	s8 =	sshrl.u32 s2, $0x1;
	s29 =	sadd.s32 s10, s1;
	s6 =	smul.u32 $0x4F0, s6  }
0xb: {  	s5 =	sadd.s32 s10, s5;
	s2 =	ssub.s32 s2, s8;
	s25 =	sshrl.u32 s29, $0x3  }
0xc: {  	s5 =	sshrl.u32 s5, $0x3;
	s7 =	sshrl.u32 s7, $0x2;
	s10 =	smax.u32 s2, $0x1  }
0xd: {  	s6 =	sadd.s32 s6, s0;
	s0 =	sadd.s32 s5, s0;
	s7 =	sadd.s32 s7, s1  }
0xe: {  	s5 =	sadd.s32 $0xEC00, s6;
	s6 =	sadd.s32 $0x4800, s6;
	s8 =	sadd.s32 $0x2400, s7  }
0xf: {  	s9 =	sadd.s32 $0x19200, s0;
	s11 =	sadd.s32 $0x400, s7;
	s12 =	sadd.s32 $0x800, s7  }
0x10: {  	s13 =	sadd.s32 $0xC00, s7;
	s14 =	sadd.s32 $0x1000, s7;
	s15 =	sadd.s32 $0x1400, s7  }
0x11: {  	v0 =	vimm.f32 $0.0e+00;
	s16 =	sadd.s32 $0x1800, s7;
	s17 =	sadd.s32 $0x1C00, s7;
	s18 =	sadd.s32 $0x2000, s7  }
.LBB2_1:
0x12: {  	[tilespmem:s3], [sflag:$0x3] =	stream.linear.gather [hbm4b:s5+s3], $0x2780, $0x38;
	[tilespmem:$0x7E80] =	vst v63  }
0x13: {  	_ =	swait.ge [sflag:s19], $0x2780  }
0x14: {  	[sflag:s19] =	ssyncset.done $0x0  }
0x15: {  	s0 =	simm.s32 $0x2780;
	[sflag:s19] =	ssyncadd.s32 $0xFFFFD880  }
0x16: {  	[tilespmem:s0], [sflag:$0x3] =	stream.linear.gather [hbm4b:s6+s3], $0x2780, $0x38;
	[tilespmem:$0x7E80] =	vst v63  }
0x17: {  	_ =	swait.ge [sflag:s19], $0x2780  }
0x18: {  	[sflag:s19] =	ssyncset.done $0x0  }
0x19: {  	s2 =	simm.s32 $0x0;
	s0 =	simm.s32 $0x40;
	[sflag:s19] =	ssyncadd.s32 $0xFFFFD880  }
.LBB2_2:
0x1a: {  	p0 =	sne.s32 s0, $0xFC0;
	[tilespmem:s2+$0x4F00] =	vst v0;
	s2 =	smov.u32 s0;
	s0 =	sadd.s32 $0x40, s0  }
.Ltmp0:
0x1b: {  	(pc) =	sbr.rel @p0 .LBB2_2-.Ltmp0, $2  }
0x1c: {  	_ =	sdelay $0x2  }
0x1d: {  	s2 =	sshra.s32 s2, $0x2  }
0x1e: {  	[tilespmem:s2+$0x4F00] =	vst v0  }
0x1f: {  	[spmem:s7] =	stream.linear.scatter [tilespmem:s21], [sflag:$0x3], $0x400, $0x38;
	[tilespmem:$0x7E80] =	vst v63  }
0x20: {  	_ =	swait.ge [sflag:s19], $0x400  }
0x21: {  	[sflag:s19] =	ssyncset.done $0x0  }
0x22: {  	[sflag:s19] =	ssyncadd.s32 $0xFFFFFC00  }
0x23: {  	[spmem:s11] =	stream.linear.scatter [tilespmem:s21], [sflag:$0x3], $0x400, $0x38;
	[tilespmem:$0x7E80] =	vst v63  }
0x24: {  	_ =	swait.ge [sflag:s19], $0x400  }
0x25: {  	[sflag:s19] =	ssyncset.done $0x0  }
0x26: {  	[sflag:s19] =	ssyncadd.s32 $0xFFFFFC00  }
0x27: {  	[spmem:s12] =	stream.linear.scatter [tilespmem:s21], [sflag:$0x3], $0x400, $0x38;
	[tilespmem:$0x7E80] =	vst v63  }
0x28: {  	_ =	swait.ge [sflag:s19], $0x400  }
0x29: {  	[sflag:s19] =	ssyncset.done $0x0  }
0x2a: {  	[sflag:s19] =	ssyncadd.s32 $0xFFFFFC00  }
0x2b: {  	[spmem:s13] =	stream.linear.scatter [tilespmem:s21], [sflag:$0x3], $0x400, $0x38;
	[tilespmem:$0x7E80] =	vst v63  }
0x2c: {  	_ =	swait.ge [sflag:s19], $0x400  }
0x2d: {  	[sflag:s19] =	ssyncset.done $0x0  }
0x2e: {  	[sflag:s19] =	ssyncadd.s32 $0xFFFFFC00  }
0x2f: {  	[spmem:s14] =	stream.linear.scatter [tilespmem:s21], [sflag:$0x3], $0x400, $0x38;
	[tilespmem:$0x7E80] =	vst v63  }
0x30: {  	_ =	swait.ge [sflag:s19], $0x400  }
0x31: {  	[sflag:s19] =	ssyncset.done $0x0  }
0x32: {  	[sflag:s19] =	ssyncadd.s32 $0xFFFFFC00  }
0x33: {  	[spmem:s15] =	stream.linear.scatter [tilespmem:s21], [sflag:$0x3], $0x400, $0x38;
	[tilespmem:$0x7E80] =	vst v63  }
0x34: {  	_ =	swait.ge [sflag:s19], $0x400  }
0x35: {  	[sflag:s19] =	ssyncset.done $0x0  }
0x36: {  	[sflag:s19] =	ssyncadd.s32 $0xFFFFFC00  }
0x37: {  	[spmem:s16] =	stream.linear.scatter [tilespmem:s21], [sflag:$0x3], $0x400, $0x38;
	[tilespmem:$0x7E80] =	vst v63  }
0x38: {  	_ =	swait.ge [sflag:s19], $0x400  }
0x39: {  	[sflag:s19] =	ssyncset.done $0x0  }
0x3a: {  	[sflag:s19] =	ssyncadd.s32 $0xFFFFFC00  }
0x3b: {  	[spmem:s17] =	stream.linear.scatter [tilespmem:s21], [sflag:$0x3], $0x400, $0x38;
	[tilespmem:$0x7E80] =	vst v63  }
0x3c: {  	_ =	swait.ge [sflag:s19], $0x400  }
0x3d: {  	[sflag:s19] =	ssyncset.done $0x0  }
0x3e: {  	[sflag:s19] =	ssyncadd.s32 $0xFFFFFC00  }
0x3f: {  	[spmem:s18] =	stream.linear.scatter [tilespmem:s21], [sflag:$0x3], $0x400, $0x38;
	[tilespmem:$0x7E80] =	vst v63  }
0x40: {  	_ =	swait.ge [sflag:s19], $0x400  }
0x41: {  	[sflag:s19] =	ssyncset.done $0x0  }
0x42: {  	[sflag:s19] =	ssyncadd.s32 $0xFFFFFC00  }
0x43: {  	[spmem:s8] =	stream.linear.scatter [tilespmem:s21], [sflag:$0x3], $0x380, $0x38;
	[tilespmem:$0x7E80] =	vst v63  }
0x44: {  	_ =	swait.ge [sflag:s19], $0x380  }
0x45: {  	[sflag:s19] =	ssyncset.done $0x0  }
0x46: {  	[sflag:s19] =	ssyncadd.s32 $0xFFFFFC80  }
0x47: {  	s0 =	simm.s32 $0x0;
	[bflag:$0x0] =	sbarrier.arrive $0xFFFF  }
0x48: {  	[tilespmem:s21], [sflag:$0x1] =	stream.indirect.gather [hbm4b:s4+s22], $0x10, s0, s22, $0xb8;
	[tilespmem:$0x7E80] =	vst v63  }
0x49: {  	s2 =	simm.s32 $0x40  }
0x4a: {  	[tilespmem:s23], [sflag:$0x2] =	stream.indirect.gather [hbm4b:s4+s22], $0x10, s2, s22, $0xb8;
	[tilespmem:$0x7E80] =	vst v63  }
0x4b: {  	_ =	swait.ge [sflag:s24], $0x400  }
0x4c: {  	[sflag:s24] =	ssyncset.done $0x0  }
0x4d: {  	s20 =	simm.s32 $0x2780;
	[sflag:s24] =	ssyncadd.s32 $0xFFFFFC00  }
0x4e: {  	[spmem:s1] =	stream.indirect.scatter.add.f32 [tilespmem:s21], [sflag:$0x3], $0x10, s20, s22, $0xb8;
	[tilespmem:$0x7E80] =	vst v63  }
0x4f: {  	_ =	swait.ge [sflag:s19], $0x400  }
0x50: {  	[sflag:s19] =	ssyncset.done $0x0  }
0x51: {  	s28 =	simm.s32 $0x80;
	[sflag:s19] =	ssyncadd.s32 $0xFFFFFC00  }
0x52: {  	[tilespmem:s21], [sflag:$0x1] =	stream.indirect.gather [hbm4b:s4+s22], $0x10, s28, s22, $0xb8;
	[tilespmem:$0x7E80] =	vst v63  }
0x53: {  	_ =	swait.ge [sflag:s26], $0x400  }
0x54: {  	[sflag:s26] =	ssyncset.done $0x0  }
0x55: {  	s29 =	simm.s32 $0x27C0;
	[sflag:s26] =	ssyncadd.s32 $0xFFFFFC00  }
0x56: {  	[spmem:s1] =	stream.indirect.scatter.add.f32 [tilespmem:s23], [sflag:$0x3], $0x10, s29, s22, $0xb8;
	[tilespmem:$0x7E80] =	vst v63  }
0x57: {  	_ =	swait.ge [sflag:s19], $0x400  }
0x58: {  	s0 =	simm.s32 $0x80;
	s2 =	simm.s32 $0x400;
	[sflag:s19] =	ssyncset.done $0x0  }
.LBB2_4:
0x59: {  	s20 =	sadd.s32 $0x40, s0  }
0x5a: {  	[sflag:s19] =	ssyncadd.s32 $0xFFFFFC00;
	s28 =	smov.u32 s2;
	s29 =	sadd.s32 $0x200, s2  }
0x5b: {  	[tilespmem:s23], [sflag:$0x2] =	stream.indirect.gather [hbm4b:s4+s22], $0x10, s20, s22, $0xb8;
	[tilespmem:$0x7E80] =	vst v63  }
0x5c: {  	p0 =	sne.s32 s2, $0x9A00;
	_ =	swait.ge [sflag:s24], $0x400  }
0x5d: {  	[sflag:s24] =	ssyncset.done $0x0  }
0x5e: {  	s2 =	sadd.s32 $0x2780, s0;
	[sflag:s24] =	ssyncadd.s32 $0xFFFFFC00  }
0x5f: {  	[spmem:s1] =	stream.indirect.scatter.add.f32 [tilespmem:s21], [sflag:$0x3], $0x10, s2, s22, $0xb8;
	[tilespmem:$0x7E80] =	vst v63  }
0x60: {  	_ =	swait.ge [sflag:s19], $0x400  }
0x61: {  	[sflag:s19] =	ssyncset.done $0x0  }
0x62: {  	s2 =	sadd.s32 $0x80, s0;
	[sflag:s19] =	ssyncadd.s32 $0xFFFFFC00  }
0x63: {  	[tilespmem:s21], [sflag:$0x1] =	stream.indirect.gather [hbm4b:s4+s22], $0x10, s2, s22, $0xb8;
	[tilespmem:$0x7E80] =	vst v63  }
0x64: {  	_ =	swait.ge [sflag:s26], $0x400  }
.Ltmp1:
0x65: {  	[sflag:s26] =	ssyncset.done $0x0;
	(pc) =	sbr.rel @p0 .LBB2_4-.Ltmp1, $4  }
0x66: {  	s0 =	sadd.s32 $0x27C0, s0;
	[sflag:s26] =	ssyncadd.s32 $0xFFFFFC00  }
0x67: {  	[spmem:s1] =	stream.indirect.scatter.add.f32 [tilespmem:s23], [sflag:$0x3], $0x10, s0, s22, $0xb8;
	[tilespmem:$0x7E80] =	vst v63  }
0x68: {  	_ =	swait.ge [sflag:s19], $0x400  }
0x69: {  	s2 =	smov.u32 s29;
	s0 =	sshra.s32 s28, $0x2;
	[sflag:s19] =	ssyncset.done $0x0  }
0x6a: {  	s2 =	sadd.s32 $0x40, s0;
	[sflag:s19] =	ssyncadd.s32 $0xFFFFFC00  }
0x6b: {  	[tilespmem:s23], [sflag:$0x2] =	stream.indirect.gather [hbm4b:s4+s22], $0x10, s2, s22, $0xb8;
	[tilespmem:$0x7E80] =	vst v63  }
0x6c: {  	_ =	swait.ge [sflag:s24], $0x400  }
0x6d: {  	[sflag:s24] =	ssyncset.done $0x0  }
0x6e: {  	s28 =	sadd.s32 $0x2780, s0;
	[sflag:s24] =	ssyncadd.s32 $0xFFFFFC00  }
0x6f: {  	[spmem:s1] =	stream.indirect.scatter.add.f32 [tilespmem:s21], [sflag:$0x3], $0x10, s28, s22, $0xb8;
	[tilespmem:$0x7E80] =	vst v63  }
0x70: {  	_ =	swait.ge [sflag:s19], $0x400  }
0x71: {  	[sflag:s19] =	ssyncset.done $0x0  }
0x72: {  	s29 =	sadd.s32 $0x80, s0;
	[sflag:s19] =	ssyncadd.s32 $0xFFFFFC00  }
0x73: {  	[tilespmem:s21], [sflag:$0x1] =	stream.indirect.gather [hbm4b:s4+s22], $0x10, s29, s22, $0xb8;
	[tilespmem:$0x7E80] =	vst v63  }
0x74: {  	_ =	swait.ge [sflag:s26], $0x400  }
0x75: {  	[sflag:s26] =	ssyncset.done $0x0  }
0x76: {  	s2 =	sadd.s32 $0x27C0, s0;
	[sflag:s26] =	ssyncadd.s32 $0xFFFFFC00  }
0x77: {  	[spmem:s1] =	stream.indirect.scatter.add.f32 [tilespmem:s23], [sflag:$0x3], $0x10, s2, s22, $0xb8;
	[tilespmem:$0x7E80] =	vst v63  }
0x78: {  	_ =	swait.ge [sflag:s19], $0x400  }
0x79: {  	[sflag:s19] =	ssyncset.done $0x0  }
0x7a: {  	s20 =	simm.s32 $0x2740;
	[sflag:s19] =	ssyncadd.s32 $0xFFFFFC00  }
0x7b: {  	[tilespmem:s23], [sflag:$0x2] =	stream.indirect.gather [hbm4b:s4+s22], $0x10, s20, s22, $0xb8;
	[tilespmem:$0x7E80] =	vst v63  }
0x7c: {  	_ =	swait.ge [sflag:s24], $0x400  }
0x7d: {  	[sflag:s24] =	ssyncset.done $0x0  }
0x7e: {  	s28 =	simm.s32 $0x4E80;
	[sflag:s24] =	ssyncadd.s32 $0xFFFFFC00  }
0x7f: {  	[spmem:s1] =	stream.indirect.scatter.add.f32 [tilespmem:s21], [sflag:$0x3], $0x10, s28, s22, $0xb8;
	[tilespmem:$0x7E80] =	vst v63  }
0x80: {  	_ =	swait.ge [sflag:s19], $0x400  }
0x81: {  	[sflag:s19] =	ssyncset.done $0x0  }
0x82: {  	[sflag:s19] =	ssyncadd.s32 $0xFFFFFC00  }
0x83: {  	_ =	swait.ge [sflag:s26], $0x400  }
0x84: {  	[sflag:s26] =	ssyncset.done $0x0  }
0x85: {  	[sflag:s26] =	ssyncadd.s32 $0xFFFFFC00  }
0x86: {  	[spmem:s1] =	stream.indirect.scatter.add.f32 [tilespmem:s23], [sflag:$0x3], $0x10, s30, s22, $0xb8;
	[tilespmem:$0x7E80] =	vst v63  }
0x87: {  	_ =	swait.ge [sflag:s19], $0x400  }
0x88: {  	s31 =	sadd.s32 $0x1, s31;
	s29 =	stileid.u32;
	[sflag:s19] =	ssyncset.done $0x0  }
0x89: {  	p0 =	sne.s32 s31, s10;
	s0 =	sshll.u32 s29, $0x6;
	[sflag:s19] =	ssyncadd.s32 $0xFFFFFC00  }
.Ltmp2:
0x8a: {  	s0 =	sor.u32 $0x1C03, s0;
	[bflag:$0x0] =	sbarrier.arrive $0xFFFF;
	(pc) =	sbr.rel @p0 .LBB2_1-.Ltmp2, $4  }
0x8b: {  	[hbm:s9], [sflag:s0] =	dma.local [spmem:s25], $0x4F0  }
0x8c: {  	_ =	swait.ge [sflag:s19], $0x4F0  }
0x8d: {  	[sflag:s19] =	ssyncset.done $0x0  }
0x8e: {  	[sflag:s19] =	ssyncadd.s32 $0xFFFFFB10  }
0x8f: {  	_ =	sfence.sel $0x180000  }
0x90: {  	[bflag:$0x0] =	sbarrier.arrive $0xFFFF  }
0x91: {  	_ =	strace $0x9000004D  }
0x92: {  	s0 =	stileid.u32;
	[bflag:$0x2] =	sbarrier.arrive $0xFFFF  }
0x93: {  	p0 =	sne.s32 s0, $0x0;
	s0 =	rddreg [dreg:$0x2]  }
0x94: {  	s0 =	sadd.s32 @!p0 $0x100000, s0  }
0x95: {  	[sflag:s0] =	ssyncadd.tile.s32 @!p0 $0x1;
	_ =	shalt  }
.Lfunc_end2:
_tile_overlayer_lowered:
.L_overlay_start_2:
0x96: {  	(tag) =	ssettag $0x2  }
0x97: {  	s0 =	rddreg [dreg:$0x0];
	s2 =	stileid.u32  }
0x98: {  	s1 =	rddreg [dreg:$0x1];
	p0 =	sne.s32 s2, $0x0  }
0x99: {  	s3 =	rddreg [dreg:$0x2];
	[bflag:$0x3] =	sbarrier.arrive $0xFFFF;
	s2 =	simm.s32 @!p0 $0x1C03  }
0x9a: {  	[timem:s3], [sflag:s2] =	dma.local @!p0 [hbm:s0], s1  }
0x9b: {  	s0 =	simm.s32 @!p0 $0x3  }
0x9c: {  	_ =	swait.ge @!p0 [sflag:s0], s1  }
0x9d: {  	s1 =	ssub.s32 @!p0 $0x0, s1;
	[sflag:s0] =	ssyncset.done @!p0 $0x0  }
0x9e: {  	[sflag:s0] =	ssyncadd.s32 @!p0 s1  }
0x9f: {  	[bflag:$0x3] =	sbarrier.arrive $0xFFFF  }
0xa0: {  	_ =	shalt  }

// kernel: kernel.30.cloned.1.call-start
scs
__scs_entry_jumppad:
0x0: {  	(pc) =	sbr.rel $0x88, $3  }
0x1: {  	(tag) =	ssettag $0x0;
	lr =	simm.s32 $0x1  }
0x2: {  	[smem:$0x3F8A] =	sst lr;
	_ =	strace $0xD0000000  }
0x3: {  	_ = 	snop  }
0x4: {  	_ = 	snop  }
0x5: {  	_ = 	snop  }
0x6: {  	_ = 	snop  }
0x7: {  	_ = 	snop  }
__scs_overlays_trampoline_lowered:
0x8: {  	[smem:$0x3F99] =	sst s0  }
0x9: {  	[smem:$0x3F9A] =	sst s1  }
0xa: {  	[smem:$0x3F9B] =	sst s2  }
0xb: {  	[smem:$0x3F9C] =	sst s3  }
0xc: {  	[smem:$0x3F9D] =	sst s4  }
0xd: {  	[smem:$0x3F9E] =	sst s5  }
0xe: {  	[smem:$0x3F9F] =	sst s6  }
0xf: {  	[smem:$0x3FA0] =	sst s7  }
0x10: {  	[smem:$0x3FA1] =	sst s8  }
0x11: {  	[smem:$0x3FA2] =	sst s9;
	s0 =	simm.s32 @!p0 $0x0  }
0x12: {  	s1 =	sld [smem:$0x3F88];
	s0 =	simm.s32 @p0 $0x1  }
0x13: {  	[smem:$0x3FA3] =	sst s0;
	s0 =	simm.s32 @!p1 $0x0  }
0x14: {  	s2 =	sld [smem:$0x3F87];
	s0 =	simm.s32 @p1 $0x1  }
0x15: {  	[smem:$0x3FA4] =	sst s0;
	s0 =	simm.s32 @!p2 $0x0  }
0x16: {  	s3 =	sld [smem:$0x3FDB];
	s0 =	simm.s32 @p2 $0x1  }
0x17: {  	s4 =	simm.s32 $0x1BF5;
	[smem:$0x3FA6] =	sst s0  }
0x18: {  	s0 =	sld [smem:$0x3F89];
	_ =	swait.ge [sflag:s4], $0x0  }
0x19: {  	s7 =	sld [smem:$0x3F8A]  }
0x1a: {  	s8 =	sadd.s32 $0xFFFFE003, lr  }
0x1b: {  	s9 =	sadd.s32 $0xFFFFFEF7, lr;
	s5 =	simm.s32 $0xFFFFFFFF;
	p2 =	slt.u32 s8, $0xFFFFF086  }
0x1c: {  	p1 =	slt.u32 s9, $0xF7A;
	s5 =	simm.s32 @!p2 $0x0  }
0x1d: {  	s5 =	simm.s32 @p1 $0x1;
	p0 =	seq.s32 s7, s2  }
0x1e: {  	s7 =	smul.u32 @!p0 $0xF7A, s2;
	p2 =	seq.s32 @!p0 s5, $0x0  }
0x1f: {  	s9 =	smul.u32 $0xF7A, s1;
	s8 =	simm.s32 @!p0 $0x1BF5;
	p2 =	por !p2, p0  }
0x20: {  	[sflag:s8] =	ssyncset.s32 @!p0 $0xFFFFF086;
	s6 =	sadd.s32 @!p0 s3, s7;
	s7 =	simm.s32 @!p0 $0x108  }
0x21: {  	s3 =	sadd.s32 s3, s9;
	s6 =	sadd.s32 @!p0 $0x88, s6;
	s7 =	simm.s32 @p2 $0x1082  }
0x22: {  	[simem:s7], [sflag:s8] =	dma.local @!p0 [hbm:s6], $0xF7A  }
0x23: {  	s9 =	sor.u32 $0xD0000000, s2;
	s6 =	simm.s32 $0x108;
	_ =	swait.ge @!p0 [sflag:s8], $0x0  }
0x24: {  	s3 =	sadd.s32 $0x88, s3;
	s6 =	simm.s32 @!p1 $0x1082;
	[sflag:s4] =	ssyncset.s32 $0xFFFFF086  }
0x25: {  	[simem:s6], [sflag:s4] =	dma.local [hbm:s3], $0xF7A  }
0x26: {  	[smem:$0x3F8A] =	sst s1;
	(tag) =	ssettag s2;
	_ =	strace s9  }
0x27: {  	s1 =	sld [smem:$0x3F9A]  }
0x28: {  	s2 =	sld [smem:$0x3F9B]  }
0x29: {  	s4 =	sld [smem:$0x3F9D]  }
0x2a: {  	p0 =	seq.s32 s5, $0x0;
	s5 =	sld [smem:$0x3F9E]  }
0x2b: {  	s6 =	sld [smem:$0x3F9F]  }
0x2c: {  	s7 =	sld [smem:$0x3FA0]  }
0x2d: {  	s3 =	simm.s32 $0x108;
	s8 =	sld [smem:$0x3FA1]  }
0x2e: {  	s3 =	simm.s32 @!p0 $0x1082;
	s9 =	sld [smem:$0x3FA2]  }
0x2f: {  	lr =	sadd.s32 s0, s3;
	s0 =	sld [smem:$0x3F99]  }
0x30: {  	s3 =	sld [smem:$0x3F9C]  }
0x31: {  	[smem:$0x3FA5] =	sst s10  }
0x32: {  	s10 =	sld [smem:$0x3FA3];
	_ =	sdelay $0x3  }
0x33: {  	p0 =	seq.s32 s10, $0x1;
	s10 =	sld [smem:$0x3FA5];
	_ =	sdelay $0x3  }
0x34: {  	[smem:$0x3FA5] =	sst s10  }
0x35: {  	s10 =	sld [smem:$0x3FA4];
	_ =	sdelay $0x3  }
0x36: {  	p1 =	seq.s32 s10, $0x1;
	s10 =	sld [smem:$0x3FA5];
	_ =	sdelay $0x3  }
0x37: {  	[smem:$0x3FA5] =	sst s10  }
0x38: {  	s10 =	sld [smem:$0x3FA6]  }
0x39: {  	_ = 	snop;
	(pc) =	sbr.ind lr, $3  }
0x3a: {  	_ = 	snop  }
0x3b: {  	_ = 	snop  }
0x3c: {  	p2 =	seq.s32 s10, $0x1;
	s10 =	sld [smem:$0x3FA5]  }
0x3d: {  	_ =	shalt  }
0x3e: {  	_ =	shalt  }
0x3f: {  	_ =	shalt  }
0x40: {  	_ =	shalt  }
0x41: {  	_ =	shalt  }
0x42: {  	_ =	shalt  }
0x43: {  	_ =	shalt  }
0x44: {  	_ =	shalt  }
0x45: {  	_ =	shalt  }
0x46: {  	_ =	shalt  }
0x47: {  	_ =	shalt  }
0x48: {  	_ =	shalt  }
0x49: {  	_ =	shalt  }
0x4a: {  	_ =	shalt  }
0x4b: {  	_ =	shalt  }
0x4c: {  	_ =	shalt  }
0x4d: {  	_ =	shalt  }
0x4e: {  	_ =	shalt  }
0x4f: {  	_ =	shalt  }
0x50: {  	_ =	shalt  }
0x51: {  	_ =	shalt  }
0x52: {  	_ =	shalt  }
0x53: {  	_ =	shalt  }
0x54: {  	_ =	shalt  }
0x55: {  	_ =	shalt  }
0x56: {  	_ =	shalt  }
0x57: {  	_ =	shalt  }
0x58: {  	_ =	shalt  }
0x59: {  	_ =	shalt  }
0x5a: {  	_ =	shalt  }
0x5b: {  	_ =	shalt  }
0x5c: {  	_ =	shalt  }
0x5d: {  	_ =	shalt  }
0x5e: {  	_ =	shalt  }
0x5f: {  	_ =	shalt  }
0x60: {  	_ =	shalt  }
0x61: {  	_ =	shalt  }
0x62: {  	_ =	shalt  }
0x63: {  	_ =	shalt  }
0x64: {  	_ =	shalt  }
0x65: {  	_ =	shalt  }
0x66: {  	_ =	shalt  }
0x67: {  	_ =	shalt  }
0x68: {  	_ =	shalt  }
0x69: {  	_ =	shalt  }
0x6a: {  	_ =	shalt  }
0x6b: {  	_ =	shalt  }
0x6c: {  	_ =	shalt  }
0x6d: {  	_ =	shalt  }
0x6e: {  	_ =	shalt  }
0x6f: {  	_ =	shalt  }
0x70: {  	_ =	shalt  }
0x71: {  	_ =	shalt  }
0x72: {  	_ =	shalt  }
0x73: {  	_ =	shalt  }
0x74: {  	_ =	shalt  }
0x75: {  	_ =	shalt  }
0x76: {  	_ =	shalt  }
0x77: {  	_ =	shalt  }
0x78: {  	_ =	shalt  }
0x79: {  	_ =	shalt  }
0x7a: {  	_ =	shalt  }
0x7b: {  	_ =	shalt  }
0x7c: {  	_ =	shalt  }
0x7d: {  	_ =	shalt  }
0x7e: {  	_ =	shalt  }
0x7f: {  	_ =	shalt  }
0x80: {  	_ =	shalt  }
0x81: {  	_ =	shalt  }
0x82: {  	_ =	shalt  }
0x83: {  	_ =	shalt  }
0x84: {  	_ =	shalt  }
0x85: {  	_ =	shalt  }
0x86: {  	_ =	shalt  }
0x87: {  	_ =	shalt  }
.Lfunc_end0:
.L_simem_size_0:
called_computation.3_lowered:
.L_overlay_start_0:
0x88: {  	s2 =	sld [smem:$0x3FD9]  }
0x89: {  	s3 =	sld [smem:$0x3FFE];
	_ =	sdelay $0x1  }
0x8a: {  	s1 =	srdreg.scid  }
0x8b: {  	s0 =	sand.u32 $0x1, s1  }
0x8c: {  	s16 =	sshll.u32 s0, $0xA;
	s2 =	sadd.s32 s3, s2  }
0x8d: {  	s2 =	sadd.s32 s2, s16  }
0x8e: {  	[smem:$0x3FB1] =	sst s2  }
0x8f: {  	_ = 	snop  }
0x90: {  	(tm) =	ssettm $0x1  }
0x91: {  	s17 =	sld [smem:$0x3FFB];
	_ =	sdelay $0x3  }
0x92: {  	_ =	strace s17  }
0x93: {  	s2 =	sld [smem:$0x3FFC];
	_ =	sdelay $0x3  }
0x94: {  	_ =	strace s2  }
0x95: {  	s2 =	sld [smem:$0x3FFD];
	_ =	sdelay $0x3  }
0x96: {  	_ =	strace s2  }
0x97: {  	_ =	strace $0x8FFFFFFF  }
0x98: {  	s18 =	sld [smem:$0x3FDB];
	_ =	sdelay $0x1  }
0x99: {  	s19 =	simm.s32 $_scs_section_size  }
0x9a: {  	s4 =	simm.s32 $_size__tile_overlayer_lowered;
	s5 =	simm.s32 $_tile_overlayer_lowered  }
0x9b: {  	s22 =	simm.s32 $0x1BFF;
	s21 =	sshll.u32 s5, $0x1;
	s2 =	sadd.s32 s19, s18  }
0x9c: {  	s6 =	simm.s32 $0x0;
	s20 =	sshll.u32 s4, $0x1;
	s4 =	sadd.s32 s21, s2  }
0x9d: {  	[timem:s6], [sflag:s22] =	dma.local [hbm:s4], s20  }
0x9e: {  	_ =	swait.ge [sflag:s22], s20  }
0x9f: {  	s3 =	ssub.s32 $0x0, s20;
	[sflag:s22] =	ssyncset.done $0x0  }
0xa0: {  	[sflag:s22] =	ssyncadd.s32 s3;
	_ =	sdelay $0x1  }
0xa1: {  	s23 =	simm.s32 $0x1B8B  }
0xa2: {  	_ =	swait.ge [sflag:s23], $0x1  }
0xa3: {  	[sflag:s23] =	ssyncset.done $0x0  }
0xa4: {  	s25 =	simm.s32 $0x1B8E;
	s24 =	sld [smem:$0x3FFE];
	[sflag:s23] =	ssyncadd.s32 $0xFFFFFFFF  }
0xa5: {  	s26 =	simm.s32 $execute0_lowered;
	[smem:$0x3FD2] =	sst s25  }
0xa6: {  	s4 =	sshll.u32 s26, $0x1;
	_ =	strace $0x8000004F;
	[dreg:$0x1] =	wrdreg $0xFFFFFFFF  }
0xa7: {  	s28 =	simm.s32 $_size_execute0_lowered;
	s2 =	sadd.s32 s2, s4;
	[dreg:$0x0] =	wrdreg $0x0  }
0xa8: {  	s4 =	sshll.u32 s28, $0x1;
	[dreg:$0x2] =	wrdreg s2  }
0xa9: {  	[dreg:$0x3] =	wrdreg s4  }
0xaa: {  	[dreg:$0x4] =	wrdreg $0xC0  }
0xab: {  	_ =	task [dreg:s6], $0x5FFFF  }
0xac: {  	[dreg:$0x1] =	wrdreg $0xFFFFFFFF  }
0xad: {  	[dreg:$0x0] =	wrdreg $0x60  }
0xae: {  	[dreg:$0x2] =	wrdreg s24  }
0xaf: {  	[dreg:$0x3] =	wrdreg $0xB4000  }
0xb0: {  	[dreg:$0x4] =	wrdreg $0x9  }
0xb1: {  	_ =	task.clear_ibuf [dreg:s6], $0x5FFFF;
	_ =	strace $0x9000004F  }
0xb2: {  	s29 =	simm.s32 $0x9;
	_ =	strace $0x80000051  }
0xb3: {  	_ =	swait.ge [sflag:s29], $0x1  }
0xb4: {  	[sflag:s29] =	ssyncadd.s32 $0xFFFFFFFF  }
0xb5: {  	_ =	strace $0x90000051  }
0xb6: {  	_ =	sfence  }
0xb7: {  	s30 =	sld [smem:$0x0];
	_ =	sdelay $0x2  }
0xb8: {  	s31 =	sshll.u32 s1, $0xD;
	s1 =	sshrl.u32 s1, $0x2  }
0xb9: {  	s3 =	sand.u32 $0x4000, s31;
	s1 =	sadd.s32 s1, s30  }
0xba: {  	s0 =	sor.u32 s3, s0;
	s1 =	sshll.u32 s1, $0x11  }
0xbb: {  	s0 =	sor.u32 s1, s0  }
0xbc: {  	s0 =	sadd.s32 $0x8F2B, s0  }
0xbd: {  	[sflag:s0] =	ssyncadd.remote.s32 $0x1  }
0xbe: {  	_ =	sfence.sel $0xFFFF  }
0xbf: {  	[dreg:$0x0] =	wrdreg $0xFFFFFFFF;
	(pc) =	sbr.abs _section_cstart, $3  }
0xc0: {  	[dreg:$0x1] =	wrdreg $0xFFFFFFFF  }
0xc1: {  	_ =	task.clear_ibuf [dreg:s6], $0x2FFFF;
	_ =	strace $0x9FFFFFFF  }
0xc2: {  	(tm) =	ssettm $0x7FFFFFFF  }
0xc3: {  	_ =	shalt  }
tec
execute0_lowered:
.L_overlay_start_1:
0x0: {  	(tag) =	ssettag $0x1  }
0x1: {  	s0 =	rddreg [dreg:$0x0]  }
0x2: {  	s2 =	rddreg [dreg:$0x1];
	s9 =	stileid.u32;
	s3 =	simm.s32 $0x0  }
0x3: {  	s1 =	srdreg.scid;
	s10 =	simm.s32 $0xE8;
	s4 =	smul.u32 $0x54, s9  }
0x4: {  	s28 =	simm.s32 $0x40;
	s29 =	simm.s32 $0x9400;
	s5 =	smul.u32 $0xE8, s9  }
0x5: {  	s30 =	simm.s32 $0x1;
	s31 =	simm.s32 $0x2;
	s21 =	smul.u32 $0x13C00, s9  }
0x6: {  	[smem:$0x7FF] =	sst s3;
	s1 =	sand.u32 $0x1, s1;
	s9 =	smul.u32 $0x4F000, s9  }
0x7: {  	p0 =	seq.s32 s1, $0x0;
	s7 =	smul.u32 $0x13C000, s1;
	_ =	strace $0x80000050  }
0x8: {  	s1 =	ssub.s32 $0x2, s1;
	s6 =	sadd.s32 $0xE80, s4;
	s4 =	sadd.s32 $0x19200, s0  }
0x9: {  	s8 =	sshrl.u32 s1, $0x1;
	s10 =	simm.s32 @!p0 $0x54;
	s23 =	sshrl.u32 s9, $0x2  }
0xa: {  	s26 =	sadd.s32 s21, s2;
	s6 =	smov.u32 @p0 s5;
	s7 =	sadd.s32 s21, s7  }
0xb: {  	s1 =	ssub.s32 s1, s8;
	s24 =	sadd.s32 $0xFFFFFFFE, s10;
	s12 =	sshll.u32 s10, $0x6  }
0xc: {  	s6 =	sshll.u32 s6, $0x3;
	s7 =	sshrl.u32 s7, $0x3;
	s11 =	sshll.u32 s24, $0x6  }
0xd: {  	s9 =	sshrl.u32 s24, $0x1;
	s10 =	sadd.s32 $0xFFFFFFC0, s12;
	s12 =	sadd.s32 $0x39C0, s12  }
0xe: {  	s14 =	smax.u32 s1, $0x1;
	s6 =	sadd.s32 s6, s0;
	s0 =	sadd.s32 s7, s0  }
0xf: {  	s7 =	sadd.s32 s23, s2;
	s11 =	sadd.s32 $0x3A00, s11;
	s23 =	simm.s32 $0x3  }
0x10: {  	s22 =	sadd.s32 $0xEC00, s6;
	s6 =	sadd.s32 $0x4800, s6;
	s25 =	sadd.s32 $0x12000, s7  }
0x11: {  	s13 =	sadd.s32 $0xC5E00, s0;
	s15 =	sadd.s32 $0x2000, s7;
	s16 =	sadd.s32 $0x4000, s7  }
0x12: {  	s17 =	sadd.s32 $0x6000, s7;
	s18 =	sadd.s32 $0x8000, s7;
	[dreg:$0x3] =	wrdreg s22  }
0x13: {  	s19 =	sadd.s32 $0xA000, s7;
	s20 =	sadd.s32 $0xC000, s7;
	[dreg:$0x4] =	wrdreg s6  }
0x14: {  	s21 =	sadd.s32 $0xE000, s7;
	s0 =	simm.s32 $0x0;
	[dreg:$0x5] =	wrdreg s25  }
0x15: {  	v0 =	vimm.f32 $0.0e+00;
	s22 =	sadd.s32 $0x10000, s7;
	s25 =	sshrl.u32 s26, $0x3;
	s26 =	simm.s32 $0x7400  }
.LBB2_1:
0x16: {  	s1 =	rddreg [dreg:$0x3]  }
0x17: {  	[tilespmem:s3], [sflag:$0x3] =	stream.linear.gather [hbm4b:s1+s3], $0x3A00, $0x38;
	[tilespmem:$0x1F000] =	vst v63  }
0x18: {  	_ =	swait.ge [sflag:s23], $0x3A00  }
0x19: {  	[sflag:s23] =	ssyncset.done $0x0  }
0x1a: {  	s5 =	simm.s32 $0x3A00;
	s24 =	rddreg [dreg:$0x4];
	[sflag:s23] =	ssyncadd.s32 $0xFFFFC600  }
0x1b: {  	[tilespmem:s5], [sflag:$0x3] =	stream.linear.gather [hbm4b:s24+s3], $0x3A00, $0x38;
	[tilespmem:$0x1F000] =	vst v63  }
0x1c: {  	_ =	swait.ge [sflag:s23], $0x3A00  }
0x1d: {  	[sflag:s23] =	ssyncset.done $0x0  }
0x1e: {  	s1 =	simm.s32 $0x0;
	s5 =	simm.s32 $0x200;
	[sflag:s23] =	ssyncadd.s32 $0xFFFFC600  }
.LBB2_2:
0x1f: {  	p0 =	sne.s32 s5, $0x7E00;
	[tilespmem:s1+$0x7470] =	vst v0  }
0x20: {  	[tilespmem:s1+$0x7400] =	vst v0  }
0x21: {  	[tilespmem:s1+$0x7410] =	vst v0  }
.Ltmp0:
0x22: {  	[tilespmem:s1+$0x7420] =	vst v0;
	(pc) =	sbr.rel @p0 .LBB2_2-.Ltmp0, $4  }
0x23: {  	[tilespmem:s1+$0x7430] =	vst v0  }
0x24: {  	[tilespmem:s1+$0x7440] =	vst v0  }
0x25: {  	[tilespmem:s1+$0x7450] =	vst v0  }
0x26: {  	[tilespmem:s1+$0x7460] =	vst v0;
	s1 =	sshra.s32 s5, $0x2;
	s5 =	sadd.s32 $0x200, s5  }
0x27: {  	[tilespmem:s1+$0x7470] =	vst v0  }
0x28: {  	[tilespmem:s1+$0x7400] =	vst v0  }
0x29: {  	[tilespmem:s1+$0x7410] =	vst v0  }
0x2a: {  	[tilespmem:s1+$0x7420] =	vst v0  }
0x2b: {  	[tilespmem:s1+$0x7430] =	vst v0  }
0x2c: {  	[tilespmem:s1+$0x7440] =	vst v0  }
0x2d: {  	[tilespmem:s1+$0x7450] =	vst v0  }
0x2e: {  	[tilespmem:s1+$0x7460] =	vst v0  }
0x2f: {  	[spmem:s7] =	stream.linear.scatter [tilespmem:s26], [sflag:$0x3], $0x2000, $0x38;
	[tilespmem:$0x1F000] =	vst v63  }
0x30: {  	_ =	swait.ge [sflag:s23], $0x2000  }
0x31: {  	[sflag:s23] =	ssyncset.done $0x0  }
0x32: {  	[sflag:s23] =	ssyncadd.s32 $0xFFFFE000  }
0x33: {  	[spmem:s15] =	stream.linear.scatter [tilespmem:s26], [sflag:$0x3], $0x2000, $0x38;
	[tilespmem:$0x1F000] =	vst v63  }
0x34: {  	_ =	swait.ge [sflag:s23], $0x2000  }
0x35: {  	[sflag:s23] =	ssyncset.done $0x0  }
0x36: {  	[sflag:s23] =	ssyncadd.s32 $0xFFFFE000  }
0x37: {  	[spmem:s16] =	stream.linear.scatter [tilespmem:s26], [sflag:$0x3], $0x2000, $0x38;
	[tilespmem:$0x1F000] =	vst v63  }
0x38: {  	_ =	swait.ge [sflag:s23], $0x2000  }
0x39: {  	[sflag:s23] =	ssyncset.done $0x0  }
0x3a: {  	[sflag:s23] =	ssyncadd.s32 $0xFFFFE000  }
0x3b: {  	[spmem:s17] =	stream.linear.scatter [tilespmem:s26], [sflag:$0x3], $0x2000, $0x38;
	[tilespmem:$0x1F000] =	vst v63  }
0x3c: {  	_ =	swait.ge [sflag:s23], $0x2000  }
0x3d: {  	[sflag:s23] =	ssyncset.done $0x0  }
0x3e: {  	[sflag:s23] =	ssyncadd.s32 $0xFFFFE000  }
0x3f: {  	[spmem:s18] =	stream.linear.scatter [tilespmem:s26], [sflag:$0x3], $0x2000, $0x38;
	[tilespmem:$0x1F000] =	vst v63  }
0x40: {  	_ =	swait.ge [sflag:s23], $0x2000  }
0x41: {  	[sflag:s23] =	ssyncset.done $0x0  }
0x42: {  	[sflag:s23] =	ssyncadd.s32 $0xFFFFE000  }
0x43: {  	[spmem:s19] =	stream.linear.scatter [tilespmem:s26], [sflag:$0x3], $0x2000, $0x38;
	[tilespmem:$0x1F000] =	vst v63  }
0x44: {  	_ =	swait.ge [sflag:s23], $0x2000  }
0x45: {  	[sflag:s23] =	ssyncset.done $0x0  }
0x46: {  	[sflag:s23] =	ssyncadd.s32 $0xFFFFE000  }
0x47: {  	[spmem:s20] =	stream.linear.scatter [tilespmem:s26], [sflag:$0x3], $0x2000, $0x38;
	[tilespmem:$0x1F000] =	vst v63  }
0x48: {  	_ =	swait.ge [sflag:s23], $0x2000  }
0x49: {  	[sflag:s23] =	ssyncset.done $0x0  }
0x4a: {  	[sflag:s23] =	ssyncadd.s32 $0xFFFFE000  }
0x4b: {  	[spmem:s21] =	stream.linear.scatter [tilespmem:s26], [sflag:$0x3], $0x2000, $0x38;
	[tilespmem:$0x1F000] =	vst v63  }
0x4c: {  	_ =	swait.ge [sflag:s23], $0x2000  }
0x4d: {  	[sflag:s23] =	ssyncset.done $0x0  }
0x4e: {  	[sflag:s23] =	ssyncadd.s32 $0xFFFFE000  }
0x4f: {  	[spmem:s22] =	stream.linear.scatter [tilespmem:s26], [sflag:$0x3], $0x2000, $0x38;
	[tilespmem:$0x1F000] =	vst v63  }
0x50: {  	_ =	swait.ge [sflag:s23], $0x2000  }
0x51: {  	[sflag:s23] =	ssyncset.done $0x0  }
0x52: {  	p1 =	sne.s32 s9, $0x1;
	s24 =	rddreg [dreg:$0x5];
	[sflag:s23] =	ssyncadd.s32 $0xFFFFE000  }
0x53: {  	[spmem:s24] =	stream.linear.scatter [tilespmem:s26], [sflag:$0x3], $0x1C00, $0x38;
	[tilespmem:$0x1F000] =	vst v63  }
.Ltmp1:
0x54: {  	_ =	swait.ge [sflag:s23], $0x1C00;
	(pc) =	sbr.rel @!p1 .LBB2_4-.Ltmp1, $4  }
0x55: {  	[sflag:s23] =	ssyncset.done $0x0  }
0x56: {  	s1 =	simm.s32 $0x3A00;
	s5 =	sadd.s32 $0xFFFFFFFF, s9;
	[sflag:s23] =	ssyncadd.s32 $0xFFFFE400  }
0x57: {  	p0 =	por $0x0, $0x0;
	s24 =	simm.s32 $0x80;
	[bflag:$0x0] =	sbarrier.arrive $0xFFFF  }
0x58: {  	[tilespmem:s26], [sflag:$0x1] =	stream.indirect.gather [hbm4b:s4+s28], $0x80, s3, s28, $0xb8;
	[tilespmem:$0x1F000] =	vst v63  }
0x59: {  	s6 =	simm.s32 $0x40  }
0x5a: {  	[tilespmem:s29], [sflag:$0x2] =	stream.indirect.gather [hbm4b:s4+s28], $0x80, s6, s28, $0xb8;
	[tilespmem:$0x1F000] =	vst v63  }
0x5b: {  	_ =	swait.ge [sflag:s30], $0x2000  }
0x5c: {  	[sflag:s30] =	ssyncset.done $0x0  }
0x5d: {  	[sflag:s30] =	ssyncadd.s32 $0xFFFFE000  }
0x5e: {  	[spmem:s2] =	stream.indirect.scatter.add.f32 [tilespmem:s26], [sflag:$0x3], $0x80, s1, s28, $0xb8;
	[tilespmem:$0x1F000] =	vst v63  }
0x5f: {  	_ =	swait.ge [sflag:s23], $0x2000  }
0x60: {  	[sflag:s23] =	ssyncset.done $0x0  }
0x61: {  	[sflag:s23] =	ssyncadd.s32 $0xFFFFE000  }
0x62: {  	[tilespmem:s26], [sflag:$0x1] =	stream.indirect.gather [hbm4b:s4+s28], $0x80, s24, s28, $0xb8;
	[tilespmem:$0x1F000] =	vst v63  }
0x63: {  	p1 =	sne.s32 s5, $0x1;
	_ =	swait.ge [sflag:s31], $0x2000  }
.Ltmp2:
0x64: {  	[sflag:s31] =	ssyncset.done $0x0;
	(pc) =	sbr.rel @!p1 .LBB2_6-.Ltmp2, $4  }
0x65: {  	s24 =	simm.s32 $0x3A40;
	[sflag:s31] =	ssyncadd.s32 $0xFFFFE000  }
0x66: {  	[spmem:s2] =	stream.indirect.scatter.add.f32 [tilespmem:s29], [sflag:$0x3], $0x80, s24, s28, $0xb8;
	[tilespmem:$0x1F000] =	vst v63  }
0x67: {  	p0 =	por $0x1, $0x1;
	s6 =	sadd.s32 $0xFFFFFFFF, s5;
	_ =	swait.ge [sflag:s23], $0x2000  }
0x68: {  	s5 =	simm.s32 $0x3A00;
	s24 =	simm.s32 $0x100;
	[sflag:s23] =	ssyncset.done $0x0  }
.LBB2_7:
0x69: {  	s8 =	sadd.s32 $0xFFFFFFC0, s24;
	[sflag:s23] =	ssyncadd.s32 $0xFFFFE000;
	s5 =	sadd.s32 $0x80, s5  }
0x6a: {  	[tilespmem:s29], [sflag:$0x2] =	stream.indirect.gather [hbm4b:s4+s28], $0x80, s8, s28, $0xb8;
	[tilespmem:$0x1F000] =	vst v63  }
0x6b: {  	p1 =	sne.s32 s6, $0x1;
	s6 =	sadd.s32 $0xFFFFFFFF, s6;
	_ =	swait.ge [sflag:s30], $0x2000  }
0x6c: {  	[sflag:s30] =	ssyncset.done $0x0  }
0x6d: {  	[sflag:s30] =	ssyncadd.s32 $0xFFFFE000  }
0x6e: {  	[spmem:s2] =	stream.indirect.scatter.add.f32 [tilespmem:s26], [sflag:$0x3], $0x80, s5, s28, $0xb8;
	[tilespmem:$0x1F000] =	vst v63  }
0x6f: {  	_ =	swait.ge [sflag:s23], $0x2000  }
0x70: {  	[sflag:s23] =	ssyncset.done $0x0  }
0x71: {  	[sflag:s23] =	ssyncadd.s32 $0xFFFFE000  }
0x72: {  	[tilespmem:s26], [sflag:$0x1] =	stream.indirect.gather [hbm4b:s4+s28], $0x80, s24, s28, $0xb8;
	[tilespmem:$0x1F000] =	vst v63  }
0x73: {  	_ =	swait.ge [sflag:s31], $0x2000  }
.Ltmp3:
0x74: {  	[sflag:s31] =	ssyncset.done $0x0;
	(pc) =	sbr.rel @p1 .LBB2_7-.Ltmp3, $4  }
0x75: {  	s8 =	sadd.s32 $0x40, s5;
	[sflag:s31] =	ssyncadd.s32 $0xFFFFE000  }
0x76: {  	[spmem:s2] =	stream.indirect.scatter.add.f32 [tilespmem:s29], [sflag:$0x3], $0x80, s8, s28, $0xb8;
	[tilespmem:$0x1F000] =	vst v63  }
0x77: {  	_ =	swait.ge [sflag:s23], $0x2000  }
0x78: {  	s24 =	sadd.s32 $0x80, s24;
	[sflag:s23] =	ssyncset.done $0x0  }
.LBB2_8:
0x79: {  	s6 =	sadd.s32 $0xFFFFFFC0, s24;
	[sflag:s23] =	ssyncadd.s32 @p0 $0xFFFFE000  }
0x7a: {  	[tilespmem:s29], [sflag:$0x2] =	stream.indirect.gather [hbm4b:s4+s28], $0x80, s6, s28, $0xb8;
	[tilespmem:$0x1F000] =	vst v63  }
0x7b: {  	_ =	swait.ge [sflag:s30], $0x2000  }
0x7c: {  	s5 =	sadd.s32 @p0 $0x80, s5;
	[sflag:s30] =	ssyncset.done $0x0  }
0x7d: {  	s1 =	smov.u32 @p0 s5;
	[sflag:s30] =	ssyncadd.s32 $0xFFFFE000  }
0x7e: {  	[spmem:s2] =	stream.indirect.scatter.add.f32 [tilespmem:s26], [sflag:$0x3], $0x80, s1, s28, $0xb8;
	[tilespmem:$0x1F000] =	vst v63  }
0x7f: {  	_ =	swait.ge [sflag:s23], $0x2000  }
0x80: {  	[sflag:s23] =	ssyncset.done $0x0  }
0x81: {  	[sflag:s23] =	ssyncadd.s32 $0xFFFFE000  }
0x82: {  	[tilespmem:s26], [sflag:$0x1] =	stream.indirect.gather [hbm4b:s4+s28], $0x80, s24, s28, $0xb8;
	[tilespmem:$0x1F000] =	vst v63  }
0x83: {  	_ =	swait.ge [sflag:s31], $0x2000  }
0x84: {  	[sflag:s31] =	ssyncset.done $0x0  }
0x85: {  	s1 =	sadd.s32 $0x40, s1;
	[sflag:s31] =	ssyncadd.s32 $0xFFFFE000  }
0x86: {  	[spmem:s2] =	stream.indirect.scatter.add.f32 [tilespmem:s29], [sflag:$0x3], $0x80, s1, s28, $0xb8;
	[tilespmem:$0x1F000] =	vst v63  }
0x87: {  	_ =	swait.ge [sflag:s23], $0x2000  }
0x88: {  	[sflag:s23] =	ssyncset.done $0x0  }
0x89: {  	[sflag:s23] =	ssyncadd.s32 $0xFFFFE000  }
0x8a: {  	[tilespmem:s29], [sflag:$0x2] =	stream.indirect.gather [hbm4b:s4+s28], $0x80, s10, s28, $0xb8;
	[tilespmem:$0x1F000] =	vst v63  }
0x8b: {  	_ =	swait.ge [sflag:s30], $0x2000  }
0x8c: {  	[sflag:s30] =	ssyncset.done $0x0  }
0x8d: {  	[sflag:s30] =	ssyncadd.s32 $0xFFFFE000  }
0x8e: {  	[spmem:s2] =	stream.indirect.scatter.add.f32 [tilespmem:s26], [sflag:$0x3], $0x80, s11, s28, $0xb8;
	[tilespmem:$0x1F000] =	vst v63  }
0x8f: {  	_ =	swait.ge [sflag:s23], $0x2000  }
0x90: {  	[sflag:s23] =	ssyncset.done $0x0  }
0x91: {  	[sflag:s23] =	ssyncadd.s32 $0xFFFFE000  }
0x92: {  	_ =	swait.ge [sflag:s31], $0x2000  }
0x93: {  	[sflag:s31] =	ssyncset.done $0x0  }
0x94: {  	[sflag:s31] =	ssyncadd.s32 $0xFFFFE000  }
0x95: {  	[spmem:s2] =	stream.indirect.scatter.add.f32 [tilespmem:s29], [sflag:$0x3], $0x80, s12, s28, $0xb8;
	[tilespmem:$0x1F000] =	vst v63  }
0x96: {  	_ =	swait.ge [sflag:s23], $0x2000  }
0x97: {  	s24 =	stileid.u32;
	[sflag:s23] =	ssyncset.done $0x0  }
0x98: {  	s0 =	sadd.s32 $0x1, s0;
	s1 =	sshll.u32 s24, $0x6;
	[sflag:s23] =	ssyncadd.s32 $0xFFFFE000  }
0x99: {  	p0 =	sne.s32 s0, s14;
	s1 =	sor.u32 $0x1C03, s1;
	[bflag:$0x0] =	sbarrier.arrive $0xFFFF  }
0x9a: {  	[hbm:s13], [sflag:s1] =	dma.local [spmem:s25], $0x2780  }
.Ltmp4:
0x9b: {  	_ = 	snop;
	(pc) =	sbr.rel @p0 .LBB2_1-.Ltmp4, $4  }
.Ltmp5:
0x9c: {  	_ = 	snop;
	(pc) =	sbr.rel @!p0 .LBB2_9-.Ltmp5, $4  }
0x9d: {  	_ =	swait.ge [sflag:s23], $0x2780  }
0x9e: {  	[sflag:s23] =	ssyncset.done $0x0  }
0x9f: {  	[sflag:s23] =	ssyncadd.s32 $0xFFFFD880  }
0xa0: {  	_ = 	snop  }
.LBB2_4:
.Ltmp6:
0xa1: {  	(pc) =	sbr.rel .LBB2_8-.Ltmp6, $2  }
0xa2: {  	_ =	sdelay $0x2  }
0xa3: {  	s5 =	simm.s32 $0x3A00  }
.LBB2_6:
.Ltmp7:
0xa4: {  	(pc) =	sbr.rel .LBB2_8-.Ltmp7, $2  }
0xa5: {  	_ =	sdelay $0x2  }
0xa6: {  	s5 =	simm.s32 $0x3A00  }
.LBB2_9:
0xa7: {  	_ =	sfence.sel $0x180000  }
0xa8: {  	[bflag:$0x0] =	sbarrier.arrive $0xFFFF  }
0xa9: {  	_ =	strace $0x90000050  }
0xaa: {  	s0 =	stileid.u32;
	[bflag:$0x2] =	sbarrier.arrive $0xFFFF  }
0xab: {  	p0 =	sne.s32 s0, $0x0;
	s0 =	rddreg [dreg:$0x2]  }
0xac: {  	s0 =	sadd.s32 @!p0 $0x100000, s0  }
0xad: {  	[sflag:s0] =	ssyncadd.tile.s32 @!p0 $0x1;
	_ =	shalt  }
.Lfunc_end2:
_tile_overlayer_lowered:
.L_overlay_start_2:
0xae: {  	(tag) =	ssettag $0x2  }
0xaf: {  	s0 =	rddreg [dreg:$0x0];
	s2 =	stileid.u32  }
0xb0: {  	s1 =	rddreg [dreg:$0x1];
	p0 =	sne.s32 s2, $0x0  }
0xb1: {  	s3 =	rddreg [dreg:$0x2];
	[bflag:$0x3] =	sbarrier.arrive $0xFFFF;
	s2 =	simm.s32 @!p0 $0x1C03  }
0xb2: {  	[timem:s3], [sflag:s2] =	dma.local @!p0 [hbm:s0], s1  }
0xb3: {  	s0 =	simm.s32 @!p0 $0x3  }
0xb4: {  	_ =	swait.ge @!p0 [sflag:s0], s1  }
0xb5: {  	s1 =	ssub.s32 @!p0 $0x0, s1;
	[sflag:s0] =	ssyncset.done @!p0 $0x0  }
0xb6: {  	[sflag:s0] =	ssyncadd.s32 @!p0 s1  }
0xb7: {  	[bflag:$0x3] =	sbarrier.arrive $0xFFFF  }
0xb8: {  	_ =	shalt  }

// kernel: kernel.33.cloned.1.call-start
scs
__scs_entry_jumppad:
0x0: {  	(pc) =	sbr.rel $0x88, $3  }
0x1: {  	(tag) =	ssettag $0x0;
	lr =	simm.s32 $0x1  }
0x2: {  	[smem:$0x3F8A] =	sst lr;
	_ =	strace $0xD0000000  }
0x3: {  	_ = 	snop  }
0x4: {  	_ = 	snop  }
0x5: {  	_ = 	snop  }
0x6: {  	_ = 	snop  }
0x7: {  	_ = 	snop  }
__scs_overlays_trampoline_lowered:
0x8: {  	[smem:$0x3F99] =	sst s0  }
0x9: {  	[smem:$0x3F9A] =	sst s1  }
0xa: {  	[smem:$0x3F9B] =	sst s2  }
0xb: {  	[smem:$0x3F9C] =	sst s3  }
0xc: {  	[smem:$0x3F9D] =	sst s4  }
0xd: {  	[smem:$0x3F9E] =	sst s5  }
0xe: {  	[smem:$0x3F9F] =	sst s6  }
0xf: {  	[smem:$0x3FA0] =	sst s7  }
0x10: {  	[smem:$0x3FA1] =	sst s8  }
0x11: {  	[smem:$0x3FA2] =	sst s9;
	s0 =	simm.s32 @!p0 $0x0  }
0x12: {  	s1 =	sld [smem:$0x3F88];
	s0 =	simm.s32 @p0 $0x1  }
0x13: {  	[smem:$0x3FA3] =	sst s0;
	s0 =	simm.s32 @!p1 $0x0  }
0x14: {  	s2 =	sld [smem:$0x3F87];
	s0 =	simm.s32 @p1 $0x1  }
0x15: {  	[smem:$0x3FA4] =	sst s0;
	s0 =	simm.s32 @!p2 $0x0  }
0x16: {  	s3 =	sld [smem:$0x3FDB];
	s0 =	simm.s32 @p2 $0x1  }
0x17: {  	s4 =	simm.s32 $0x1BF5;
	[smem:$0x3FA6] =	sst s0  }
0x18: {  	s0 =	sld [smem:$0x3F89];
	_ =	swait.ge [sflag:s4], $0x0  }
0x19: {  	s7 =	sld [smem:$0x3F8A]  }
0x1a: {  	s8 =	sadd.s32 $0xFFFFE003, lr  }
0x1b: {  	s9 =	sadd.s32 $0xFFFFFEF7, lr;
	s5 =	simm.s32 $0xFFFFFFFF;
	p2 =	slt.u32 s8, $0xFFFFF086  }
0x1c: {  	p1 =	slt.u32 s9, $0xF7A;
	s5 =	simm.s32 @!p2 $0x0  }
0x1d: {  	s5 =	simm.s32 @p1 $0x1;
	p0 =	seq.s32 s7, s2  }
0x1e: {  	s7 =	smul.u32 @!p0 $0xF7A, s2;
	p2 =	seq.s32 @!p0 s5, $0x0  }
0x1f: {  	s9 =	smul.u32 $0xF7A, s1;
	s8 =	simm.s32 @!p0 $0x1BF5;
	p2 =	por !p2, p0  }
0x20: {  	[sflag:s8] =	ssyncset.s32 @!p0 $0xFFFFF086;
	s6 =	sadd.s32 @!p0 s3, s7;
	s7 =	simm.s32 @!p0 $0x108  }
0x21: {  	s3 =	sadd.s32 s3, s9;
	s6 =	sadd.s32 @!p0 $0x88, s6;
	s7 =	simm.s32 @p2 $0x1082  }
0x22: {  	[simem:s7], [sflag:s8] =	dma.local @!p0 [hbm:s6], $0xF7A  }
0x23: {  	s9 =	sor.u32 $0xD0000000, s2;
	s6 =	simm.s32 $0x108;
	_ =	swait.ge @!p0 [sflag:s8], $0x0  }
0x24: {  	s3 =	sadd.s32 $0x88, s3;
	s6 =	simm.s32 @!p1 $0x1082;
	[sflag:s4] =	ssyncset.s32 $0xFFFFF086  }
0x25: {  	[simem:s6], [sflag:s4] =	dma.local [hbm:s3], $0xF7A  }
0x26: {  	[smem:$0x3F8A] =	sst s1;
	(tag) =	ssettag s2;
	_ =	strace s9  }
0x27: {  	s1 =	sld [smem:$0x3F9A]  }
0x28: {  	s2 =	sld [smem:$0x3F9B]  }
0x29: {  	s4 =	sld [smem:$0x3F9D]  }
0x2a: {  	p0 =	seq.s32 s5, $0x0;
	s5 =	sld [smem:$0x3F9E]  }
0x2b: {  	s6 =	sld [smem:$0x3F9F]  }
0x2c: {  	s7 =	sld [smem:$0x3FA0]  }
0x2d: {  	s3 =	simm.s32 $0x108;
	s8 =	sld [smem:$0x3FA1]  }
0x2e: {  	s3 =	simm.s32 @!p0 $0x1082;
	s9 =	sld [smem:$0x3FA2]  }
0x2f: {  	lr =	sadd.s32 s0, s3;
	s0 =	sld [smem:$0x3F99]  }
0x30: {  	s3 =	sld [smem:$0x3F9C]  }
0x31: {  	[smem:$0x3FA5] =	sst s10  }
0x32: {  	s10 =	sld [smem:$0x3FA3];
	_ =	sdelay $0x3  }
0x33: {  	p0 =	seq.s32 s10, $0x1;
	s10 =	sld [smem:$0x3FA5];
	_ =	sdelay $0x3  }
0x34: {  	[smem:$0x3FA5] =	sst s10  }
0x35: {  	s10 =	sld [smem:$0x3FA4];
	_ =	sdelay $0x3  }
0x36: {  	p1 =	seq.s32 s10, $0x1;
	s10 =	sld [smem:$0x3FA5];
	_ =	sdelay $0x3  }
0x37: {  	[smem:$0x3FA5] =	sst s10  }
0x38: {  	s10 =	sld [smem:$0x3FA6]  }
0x39: {  	_ = 	snop;
	(pc) =	sbr.ind lr, $3  }
0x3a: {  	_ = 	snop  }
0x3b: {  	_ = 	snop  }
0x3c: {  	p2 =	seq.s32 s10, $0x1;
	s10 =	sld [smem:$0x3FA5]  }
0x3d: {  	_ =	shalt  }
0x3e: {  	_ =	shalt  }
0x3f: {  	_ =	shalt  }
0x40: {  	_ =	shalt  }
0x41: {  	_ =	shalt  }
0x42: {  	_ =	shalt  }
0x43: {  	_ =	shalt  }
0x44: {  	_ =	shalt  }
0x45: {  	_ =	shalt  }
0x46: {  	_ =	shalt  }
0x47: {  	_ =	shalt  }
0x48: {  	_ =	shalt  }
0x49: {  	_ =	shalt  }
0x4a: {  	_ =	shalt  }
0x4b: {  	_ =	shalt  }
0x4c: {  	_ =	shalt  }
0x4d: {  	_ =	shalt  }
0x4e: {  	_ =	shalt  }
0x4f: {  	_ =	shalt  }
0x50: {  	_ =	shalt  }
0x51: {  	_ =	shalt  }
0x52: {  	_ =	shalt  }
0x53: {  	_ =	shalt  }
0x54: {  	_ =	shalt  }
0x55: {  	_ =	shalt  }
0x56: {  	_ =	shalt  }
0x57: {  	_ =	shalt  }
0x58: {  	_ =	shalt  }
0x59: {  	_ =	shalt  }
0x5a: {  	_ =	shalt  }
0x5b: {  	_ =	shalt  }
0x5c: {  	_ =	shalt  }
0x5d: {  	_ =	shalt  }
0x5e: {  	_ =	shalt  }
0x5f: {  	_ =	shalt  }
0x60: {  	_ =	shalt  }
0x61: {  	_ =	shalt  }
0x62: {  	_ =	shalt  }
0x63: {  	_ =	shalt  }
0x64: {  	_ =	shalt  }
0x65: {  	_ =	shalt  }
0x66: {  	_ =	shalt  }
0x67: {  	_ =	shalt  }
0x68: {  	_ =	shalt  }
0x69: {  	_ =	shalt  }
0x6a: {  	_ =	shalt  }
0x6b: {  	_ =	shalt  }
0x6c: {  	_ =	shalt  }
0x6d: {  	_ =	shalt  }
0x6e: {  	_ =	shalt  }
0x6f: {  	_ =	shalt  }
0x70: {  	_ =	shalt  }
0x71: {  	_ =	shalt  }
0x72: {  	_ =	shalt  }
0x73: {  	_ =	shalt  }
0x74: {  	_ =	shalt  }
0x75: {  	_ =	shalt  }
0x76: {  	_ =	shalt  }
0x77: {  	_ =	shalt  }
0x78: {  	_ =	shalt  }
0x79: {  	_ =	shalt  }
0x7a: {  	_ =	shalt  }
0x7b: {  	_ =	shalt  }
0x7c: {  	_ =	shalt  }
0x7d: {  	_ =	shalt  }
0x7e: {  	_ =	shalt  }
0x7f: {  	_ =	shalt  }
0x80: {  	_ =	shalt  }
0x81: {  	_ =	shalt  }
0x82: {  	_ =	shalt  }
0x83: {  	_ =	shalt  }
0x84: {  	_ =	shalt  }
0x85: {  	_ =	shalt  }
0x86: {  	_ =	shalt  }
0x87: {  	_ =	shalt  }
.Lfunc_end0:
.L_simem_size_0:
called_computation.4_lowered:
.L_overlay_start_0:
0x88: {  	s2 =	sld [smem:$0x3FD9]  }
0x89: {  	s3 =	sld [smem:$0x3FFE];
	_ =	sdelay $0x1  }
0x8a: {  	s1 =	srdreg.scid  }
0x8b: {  	s0 =	sand.u32 $0x1, s1  }
0x8c: {  	s16 =	sshll.u32 s0, $0xA;
	s2 =	sadd.s32 s3, s2  }
0x8d: {  	s2 =	sadd.s32 s2, s16  }
0x8e: {  	[smem:$0x3FB1] =	sst s2  }
0x8f: {  	_ = 	snop  }
0x90: {  	(tm) =	ssettm $0x1  }
0x91: {  	s17 =	sld [smem:$0x3FFB];
	_ =	sdelay $0x3  }
0x92: {  	_ =	strace s17  }
0x93: {  	s2 =	sld [smem:$0x3FFC];
	_ =	sdelay $0x3  }
0x94: {  	_ =	strace s2  }
0x95: {  	s2 =	sld [smem:$0x3FFD];
	_ =	sdelay $0x3  }
0x96: {  	_ =	strace s2  }
0x97: {  	_ =	strace $0x8FFFFFFF  }
0x98: {  	s18 =	sld [smem:$0x3FDB];
	_ =	sdelay $0x1  }
0x99: {  	s19 =	simm.s32 $_scs_section_size  }
0x9a: {  	s4 =	simm.s32 $_size__tile_overlayer_lowered;
	s5 =	simm.s32 $_tile_overlayer_lowered  }
0x9b: {  	s22 =	simm.s32 $0x1BFF;
	s21 =	sshll.u32 s5, $0x1;
	s2 =	sadd.s32 s19, s18  }
0x9c: {  	s6 =	simm.s32 $0x0;
	s20 =	sshll.u32 s4, $0x1;
	s4 =	sadd.s32 s21, s2  }
0x9d: {  	[timem:s6], [sflag:s22] =	dma.local [hbm:s4], s20  }
0x9e: {  	_ =	swait.ge [sflag:s22], s20  }
0x9f: {  	s3 =	ssub.s32 $0x0, s20;
	[sflag:s22] =	ssyncset.done $0x0  }
0xa0: {  	[sflag:s22] =	ssyncadd.s32 s3;
	_ =	sdelay $0x1  }
0xa1: {  	s23 =	simm.s32 $0x1B8B  }
0xa2: {  	_ =	swait.ge [sflag:s23], $0x1  }
0xa3: {  	[sflag:s23] =	ssyncset.done $0x0  }
0xa4: {  	s25 =	simm.s32 $0x1B8E;
	s24 =	sld [smem:$0x3FFE];
	[sflag:s23] =	ssyncadd.s32 $0xFFFFFFFF  }
0xa5: {  	s26 =	simm.s32 $execute0_lowered;
	[smem:$0x3FD2] =	sst s25  }
0xa6: {  	s4 =	sshll.u32 s26, $0x1;
	_ =	strace $0x80000052;
	[dreg:$0x1] =	wrdreg $0xFFFFFFFF  }
0xa7: {  	s28 =	simm.s32 $_size_execute0_lowered;
	s2 =	sadd.s32 s2, s4;
	[dreg:$0x0] =	wrdreg $0x0  }
0xa8: {  	s4 =	sshll.u32 s28, $0x1;
	[dreg:$0x2] =	wrdreg s2  }
0xa9: {  	[dreg:$0x3] =	wrdreg s4  }
0xaa: {  	[dreg:$0x4] =	wrdreg $0xC0  }
0xab: {  	_ =	task [dreg:s6], $0x5FFFF  }
0xac: {  	[dreg:$0x1] =	wrdreg $0xFFFFFFFF  }
0xad: {  	[dreg:$0x0] =	wrdreg $0x60  }
0xae: {  	[dreg:$0x2] =	wrdreg s24  }
0xaf: {  	[dreg:$0x3] =	wrdreg $0x57000  }
0xb0: {  	[dreg:$0x4] =	wrdreg $0x9  }
0xb1: {  	_ =	task.clear_ibuf [dreg:s6], $0x5FFFF;
	_ =	strace $0x90000052  }
0xb2: {  	s29 =	simm.s32 $0x9;
	_ =	strace $0x80000054  }
0xb3: {  	_ =	swait.ge [sflag:s29], $0x1  }
0xb4: {  	[sflag:s29] =	ssyncadd.s32 $0xFFFFFFFF  }
0xb5: {  	_ =	strace $0x90000054  }
0xb6: {  	_ =	sfence  }
0xb7: {  	s30 =	sld [smem:$0x0];
	_ =	sdelay $0x2  }
0xb8: {  	s31 =	sshll.u32 s1, $0xD;
	s1 =	sshrl.u32 s1, $0x2  }
0xb9: {  	s3 =	sand.u32 $0x4000, s31;
	s1 =	sadd.s32 s1, s30  }
0xba: {  	s0 =	sor.u32 s3, s0;
	s1 =	sshll.u32 s1, $0x11  }
0xbb: {  	s0 =	sor.u32 s1, s0  }
0xbc: {  	s0 =	sadd.s32 $0x8F2B, s0  }
0xbd: {  	[sflag:s0] =	ssyncadd.remote.s32 $0x1  }
0xbe: {  	_ =	sfence.sel $0xFFFF  }
0xbf: {  	[dreg:$0x0] =	wrdreg $0xFFFFFFFF;
	(pc) =	sbr.abs _section_cstart, $3  }
0xc0: {  	[dreg:$0x1] =	wrdreg $0xFFFFFFFF  }
0xc1: {  	_ =	task.clear_ibuf [dreg:s6], $0x2FFFF;
	_ =	strace $0x9FFFFFFF  }
0xc2: {  	(tm) =	ssettm $0x7FFFFFFF  }
0xc3: {  	_ =	shalt  }
tec
execute0_lowered:
.L_overlay_start_1:
0x0: {  	(tag) =	ssettag $0x1  }
0x1: {  	s0 =	rddreg [dreg:$0x0]  }
0x2: {  	s1 =	rddreg [dreg:$0x1]  }
0x3: {  	s2 =	srdreg.scid;
	s3 =	simm.s32 $0x0;
	s7 =	stileid.u32  }
0x4: {  	s19 =	simm.s32 $0x3;
	s21 =	simm.s32 $0x4F00;
	s22 =	simm.s32 $0x40  }
0x5: {  	s23 =	simm.s32 $0x5300;
	s24 =	simm.s32 $0x1;
	s26 =	simm.s32 $0x2  }
0x6: {  	s30 =	simm.s32 $0x4EC0;
	s31 =	simm.s32 $0x0;
	s2 =	sand.u32 $0x1, s2  }
0x7: {  	[smem:$0x7FF] =	sst s3;
	s10 =	smul.u32 $0x2780, s7;
	s4 =	sshll.u32 s2, $0x4  }
0x8: {  	s5 =	smul.u32 $0x27800, s2;
	_ =	strace $0x80000053;
	s2 =	ssub.s32 $0x2, s2  }
0x9: {  	s6 =	sor.u32 s7, s4;
	s4 =	sadd.s32 $0x91000, s0;
	s7 =	smul.u32 $0x9E00, s7  }
0xa: {  	s8 =	sshrl.u32 s2, $0x1;
	s29 =	sadd.s32 s10, s1;
	s6 =	smul.u32 $0x4F0, s6  }
0xb: {  	s5 =	sadd.s32 s10, s5;
	s2 =	ssub.s32 s2, s8;
	s25 =	sshrl.u32 s29, $0x3  }
0xc: {  	s5 =	sshrl.u32 s5, $0x3;
	s7 =	sshrl.u32 s7, $0x2;
	s10 =	smax.u32 s2, $0x1  }
0xd: {  	s6 =	sadd.s32 s6, s0;
	s0 =	sadd.s32 s5, s0;
	s7 =	sadd.s32 s7, s1  }
0xe: {  	s5 =	sadd.s32 $0xEC00, s6;
	s6 =	sadd.s32 $0x4800, s6;
	s8 =	sadd.s32 $0x2400, s7  }
0xf: {  	s9 =	sadd.s32 $0x68400, s0;
	s11 =	sadd.s32 $0x400, s7;
	s12 =	sadd.s32 $0x800, s7  }
0x10: {  	s13 =	sadd.s32 $0xC00, s7;
	s14 =	sadd.s32 $0x1000, s7;
	s15 =	sadd.s32 $0x1400, s7  }
0x11: {  	v0 =	vimm.f32 $0.0e+00;
	s16 =	sadd.s32 $0x1800, s7;
	s17 =	sadd.s32 $0x1C00, s7;
	s18 =	sadd.s32 $0x2000, s7  }
.LBB2_1:
0x12: {  	[tilespmem:s3], [sflag:$0x3] =	stream.linear.gather [hbm4b:s5+s3], $0x2780, $0x38;
	[tilespmem:$0x7E80] =	vst v63  }
0x13: {  	_ =	swait.ge [sflag:s19], $0x2780  }
0x14: {  	[sflag:s19] =	ssyncset.done $0x0  }
0x15: {  	s0 =	simm.s32 $0x2780;
	[sflag:s19] =	ssyncadd.s32 $0xFFFFD880  }
0x16: {  	[tilespmem:s0], [sflag:$0x3] =	stream.linear.gather [hbm4b:s6+s3], $0x2780, $0x38;
	[tilespmem:$0x7E80] =	vst v63  }
0x17: {  	_ =	swait.ge [sflag:s19], $0x2780  }
0x18: {  	[sflag:s19] =	ssyncset.done $0x0  }
0x19: {  	s2 =	simm.s32 $0x0;
	s0 =	simm.s32 $0x40;
	[sflag:s19] =	ssyncadd.s32 $0xFFFFD880  }
.LBB2_2:
0x1a: {  	p0 =	sne.s32 s0, $0xFC0;
	[tilespmem:s2+$0x4F00] =	vst v0;
	s2 =	smov.u32 s0;
	s0 =	sadd.s32 $0x40, s0  }
.Ltmp0:
0x1b: {  	(pc) =	sbr.rel @p0 .LBB2_2-.Ltmp0, $2  }
0x1c: {  	_ =	sdelay $0x2  }
0x1d: {  	s2 =	sshra.s32 s2, $0x2  }
0x1e: {  	[tilespmem:s2+$0x4F00] =	vst v0  }
0x1f: {  	[spmem:s7] =	stream.linear.scatter [tilespmem:s21], [sflag:$0x3], $0x400, $0x38;
	[tilespmem:$0x7E80] =	vst v63  }
0x20: {  	_ =	swait.ge [sflag:s19], $0x400  }
0x21: {  	[sflag:s19] =	ssyncset.done $0x0  }
0x22: {  	[sflag:s19] =	ssyncadd.s32 $0xFFFFFC00  }
0x23: {  	[spmem:s11] =	stream.linear.scatter [tilespmem:s21], [sflag:$0x3], $0x400, $0x38;
	[tilespmem:$0x7E80] =	vst v63  }
0x24: {  	_ =	swait.ge [sflag:s19], $0x400  }
0x25: {  	[sflag:s19] =	ssyncset.done $0x0  }
0x26: {  	[sflag:s19] =	ssyncadd.s32 $0xFFFFFC00  }
0x27: {  	[spmem:s12] =	stream.linear.scatter [tilespmem:s21], [sflag:$0x3], $0x400, $0x38;
	[tilespmem:$0x7E80] =	vst v63  }
0x28: {  	_ =	swait.ge [sflag:s19], $0x400  }
0x29: {  	[sflag:s19] =	ssyncset.done $0x0  }
0x2a: {  	[sflag:s19] =	ssyncadd.s32 $0xFFFFFC00  }
0x2b: {  	[spmem:s13] =	stream.linear.scatter [tilespmem:s21], [sflag:$0x3], $0x400, $0x38;
	[tilespmem:$0x7E80] =	vst v63  }
0x2c: {  	_ =	swait.ge [sflag:s19], $0x400  }
0x2d: {  	[sflag:s19] =	ssyncset.done $0x0  }
0x2e: {  	[sflag:s19] =	ssyncadd.s32 $0xFFFFFC00  }
0x2f: {  	[spmem:s14] =	stream.linear.scatter [tilespmem:s21], [sflag:$0x3], $0x400, $0x38;
	[tilespmem:$0x7E80] =	vst v63  }
0x30: {  	_ =	swait.ge [sflag:s19], $0x400  }
0x31: {  	[sflag:s19] =	ssyncset.done $0x0  }
0x32: {  	[sflag:s19] =	ssyncadd.s32 $0xFFFFFC00  }
0x33: {  	[spmem:s15] =	stream.linear.scatter [tilespmem:s21], [sflag:$0x3], $0x400, $0x38;
	[tilespmem:$0x7E80] =	vst v63  }
0x34: {  	_ =	swait.ge [sflag:s19], $0x400  }
0x35: {  	[sflag:s19] =	ssyncset.done $0x0  }
0x36: {  	[sflag:s19] =	ssyncadd.s32 $0xFFFFFC00  }
0x37: {  	[spmem:s16] =	stream.linear.scatter [tilespmem:s21], [sflag:$0x3], $0x400, $0x38;
	[tilespmem:$0x7E80] =	vst v63  }
0x38: {  	_ =	swait.ge [sflag:s19], $0x400  }
0x39: {  	[sflag:s19] =	ssyncset.done $0x0  }
0x3a: {  	[sflag:s19] =	ssyncadd.s32 $0xFFFFFC00  }
0x3b: {  	[spmem:s17] =	stream.linear.scatter [tilespmem:s21], [sflag:$0x3], $0x400, $0x38;
	[tilespmem:$0x7E80] =	vst v63  }
0x3c: {  	_ =	swait.ge [sflag:s19], $0x400  }
0x3d: {  	[sflag:s19] =	ssyncset.done $0x0  }
0x3e: {  	[sflag:s19] =	ssyncadd.s32 $0xFFFFFC00  }
0x3f: {  	[spmem:s18] =	stream.linear.scatter [tilespmem:s21], [sflag:$0x3], $0x400, $0x38;
	[tilespmem:$0x7E80] =	vst v63  }
0x40: {  	_ =	swait.ge [sflag:s19], $0x400  }
0x41: {  	[sflag:s19] =	ssyncset.done $0x0  }
0x42: {  	[sflag:s19] =	ssyncadd.s32 $0xFFFFFC00  }
0x43: {  	[spmem:s8] =	stream.linear.scatter [tilespmem:s21], [sflag:$0x3], $0x380, $0x38;
	[tilespmem:$0x7E80] =	vst v63  }
0x44: {  	_ =	swait.ge [sflag:s19], $0x380  }
0x45: {  	[sflag:s19] =	ssyncset.done $0x0  }
0x46: {  	[sflag:s19] =	ssyncadd.s32 $0xFFFFFC80  }
0x47: {  	s0 =	simm.s32 $0x0;
	[bflag:$0x0] =	sbarrier.arrive $0xFFFF  }
0x48: {  	[tilespmem:s21], [sflag:$0x1] =	stream.indirect.gather [hbm4b:s4+s22], $0x10, s0, s22, $0xb8;
	[tilespmem:$0x7E80] =	vst v63  }
0x49: {  	s2 =	simm.s32 $0x40  }
0x4a: {  	[tilespmem:s23], [sflag:$0x2] =	stream.indirect.gather [hbm4b:s4+s22], $0x10, s2, s22, $0xb8;
	[tilespmem:$0x7E80] =	vst v63  }
0x4b: {  	_ =	swait.ge [sflag:s24], $0x400  }
0x4c: {  	[sflag:s24] =	ssyncset.done $0x0  }
0x4d: {  	s20 =	simm.s32 $0x2780;
	[sflag:s24] =	ssyncadd.s32 $0xFFFFFC00  }
0x4e: {  	[spmem:s1] =	stream.indirect.scatter.add.f32 [tilespmem:s21], [sflag:$0x3], $0x10, s20, s22, $0xb8;
	[tilespmem:$0x7E80] =	vst v63  }
0x4f: {  	_ =	swait.ge [sflag:s19], $0x400  }
0x50: {  	[sflag:s19] =	ssyncset.done $0x0  }
0x51: {  	s28 =	simm.s32 $0x80;
	[sflag:s19] =	ssyncadd.s32 $0xFFFFFC00  }
0x52: {  	[tilespmem:s21], [sflag:$0x1] =	stream.indirect.gather [hbm4b:s4+s22], $0x10, s28, s22, $0xb8;
	[tilespmem:$0x7E80] =	vst v63  }
0x53: {  	_ =	swait.ge [sflag:s26], $0x400  }
0x54: {  	[sflag:s26] =	ssyncset.done $0x0  }
0x55: {  	s29 =	simm.s32 $0x27C0;
	[sflag:s26] =	ssyncadd.s32 $0xFFFFFC00  }
0x56: {  	[spmem:s1] =	stream.indirect.scatter.add.f32 [tilespmem:s23], [sflag:$0x3], $0x10, s29, s22, $0xb8;
	[tilespmem:$0x7E80] =	vst v63  }
0x57: {  	_ =	swait.ge [sflag:s19], $0x400  }
0x58: {  	s0 =	simm.s32 $0x80;
	s2 =	simm.s32 $0x400;
	[sflag:s19] =	ssyncset.done $0x0  }
.LBB2_4:
0x59: {  	s20 =	sadd.s32 $0x40, s0  }
0x5a: {  	[sflag:s19] =	ssyncadd.s32 $0xFFFFFC00;
	s28 =	smov.u32 s2;
	s29 =	sadd.s32 $0x200, s2  }
0x5b: {  	[tilespmem:s23], [sflag:$0x2] =	stream.indirect.gather [hbm4b:s4+s22], $0x10, s20, s22, $0xb8;
	[tilespmem:$0x7E80] =	vst v63  }
0x5c: {  	p0 =	sne.s32 s2, $0x9A00;
	_ =	swait.ge [sflag:s24], $0x400  }
0x5d: {  	[sflag:s24] =	ssyncset.done $0x0  }
0x5e: {  	s2 =	sadd.s32 $0x2780, s0;
	[sflag:s24] =	ssyncadd.s32 $0xFFFFFC00  }
0x5f: {  	[spmem:s1] =	stream.indirect.scatter.add.f32 [tilespmem:s21], [sflag:$0x3], $0x10, s2, s22, $0xb8;
	[tilespmem:$0x7E80] =	vst v63  }
0x60: {  	_ =	swait.ge [sflag:s19], $0x400  }
0x61: {  	[sflag:s19] =	ssyncset.done $0x0  }
0x62: {  	s2 =	sadd.s32 $0x80, s0;
	[sflag:s19] =	ssyncadd.s32 $0xFFFFFC00  }
0x63: {  	[tilespmem:s21], [sflag:$0x1] =	stream.indirect.gather [hbm4b:s4+s22], $0x10, s2, s22, $0xb8;
	[tilespmem:$0x7E80] =	vst v63  }
0x64: {  	_ =	swait.ge [sflag:s26], $0x400  }
.Ltmp1:
0x65: {  	[sflag:s26] =	ssyncset.done $0x0;
	(pc) =	sbr.rel @p0 .LBB2_4-.Ltmp1, $4  }
0x66: {  	s0 =	sadd.s32 $0x27C0, s0;
	[sflag:s26] =	ssyncadd.s32 $0xFFFFFC00  }
0x67: {  	[spmem:s1] =	stream.indirect.scatter.add.f32 [tilespmem:s23], [sflag:$0x3], $0x10, s0, s22, $0xb8;
	[tilespmem:$0x7E80] =	vst v63  }
0x68: {  	_ =	swait.ge [sflag:s19], $0x400  }
0x69: {  	s2 =	smov.u32 s29;
	s0 =	sshra.s32 s28, $0x2;
	[sflag:s19] =	ssyncset.done $0x0  }
0x6a: {  	s2 =	sadd.s32 $0x40, s0;
	[sflag:s19] =	ssyncadd.s32 $0xFFFFFC00  }
0x6b: {  	[tilespmem:s23], [sflag:$0x2] =	stream.indirect.gather [hbm4b:s4+s22], $0x10, s2, s22, $0xb8;
	[tilespmem:$0x7E80] =	vst v63  }
0x6c: {  	_ =	swait.ge [sflag:s24], $0x400  }
0x6d: {  	[sflag:s24] =	ssyncset.done $0x0  }
0x6e: {  	s28 =	sadd.s32 $0x2780, s0;
	[sflag:s24] =	ssyncadd.s32 $0xFFFFFC00  }
0x6f: {  	[spmem:s1] =	stream.indirect.scatter.add.f32 [tilespmem:s21], [sflag:$0x3], $0x10, s28, s22, $0xb8;
	[tilespmem:$0x7E80] =	vst v63  }
0x70: {  	_ =	swait.ge [sflag:s19], $0x400  }
0x71: {  	[sflag:s19] =	ssyncset.done $0x0  }
0x72: {  	s29 =	sadd.s32 $0x80, s0;
	[sflag:s19] =	ssyncadd.s32 $0xFFFFFC00  }
0x73: {  	[tilespmem:s21], [sflag:$0x1] =	stream.indirect.gather [hbm4b:s4+s22], $0x10, s29, s22, $0xb8;
	[tilespmem:$0x7E80] =	vst v63  }
0x74: {  	_ =	swait.ge [sflag:s26], $0x400  }
0x75: {  	[sflag:s26] =	ssyncset.done $0x0  }
0x76: {  	s2 =	sadd.s32 $0x27C0, s0;
	[sflag:s26] =	ssyncadd.s32 $0xFFFFFC00  }
0x77: {  	[spmem:s1] =	stream.indirect.scatter.add.f32 [tilespmem:s23], [sflag:$0x3], $0x10, s2, s22, $0xb8;
	[tilespmem:$0x7E80] =	vst v63  }
0x78: {  	_ =	swait.ge [sflag:s19], $0x400  }
0x79: {  	[sflag:s19] =	ssyncset.done $0x0  }
0x7a: {  	s20 =	simm.s32 $0x2740;
	[sflag:s19] =	ssyncadd.s32 $0xFFFFFC00  }
0x7b: {  	[tilespmem:s23], [sflag:$0x2] =	stream.indirect.gather [hbm4b:s4+s22], $0x10, s20, s22, $0xb8;
	[tilespmem:$0x7E80] =	vst v63  }
0x7c: {  	_ =	swait.ge [sflag:s24], $0x400  }
0x7d: {  	[sflag:s24] =	ssyncset.done $0x0  }
0x7e: {  	s28 =	simm.s32 $0x4E80;
	[sflag:s24] =	ssyncadd.s32 $0xFFFFFC00  }
0x7f: {  	[spmem:s1] =	stream.indirect.scatter.add.f32 [tilespmem:s21], [sflag:$0x3], $0x10, s28, s22, $0xb8;
	[tilespmem:$0x7E80] =	vst v63  }
0x80: {  	_ =	swait.ge [sflag:s19], $0x400  }
0x81: {  	[sflag:s19] =	ssyncset.done $0x0  }
0x82: {  	[sflag:s19] =	ssyncadd.s32 $0xFFFFFC00  }
0x83: {  	_ =	swait.ge [sflag:s26], $0x400  }
0x84: {  	[sflag:s26] =	ssyncset.done $0x0  }
0x85: {  	[sflag:s26] =	ssyncadd.s32 $0xFFFFFC00  }
0x86: {  	[spmem:s1] =	stream.indirect.scatter.add.f32 [tilespmem:s23], [sflag:$0x3], $0x10, s30, s22, $0xb8;
	[tilespmem:$0x7E80] =	vst v63  }
0x87: {  	_ =	swait.ge [sflag:s19], $0x400  }
0x88: {  	s31 =	sadd.s32 $0x1, s31;
	s29 =	stileid.u32;
	[sflag:s19] =	ssyncset.done $0x0  }
0x89: {  	p0 =	sne.s32 s31, s10;
	s0 =	sshll.u32 s29, $0x6;
	[sflag:s19] =	ssyncadd.s32 $0xFFFFFC00  }
.Ltmp2:
0x8a: {  	s0 =	sor.u32 $0x1C03, s0;
	[bflag:$0x0] =	sbarrier.arrive $0xFFFF;
	(pc) =	sbr.rel @p0 .LBB2_1-.Ltmp2, $4  }
0x8b: {  	[hbm:s9], [sflag:s0] =	dma.local [spmem:s25], $0x4F0  }
0x8c: {  	_ =	swait.ge [sflag:s19], $0x4F0  }
0x8d: {  	[sflag:s19] =	ssyncset.done $0x0  }
0x8e: {  	[sflag:s19] =	ssyncadd.s32 $0xFFFFFB10  }
0x8f: {  	_ =	sfence.sel $0x180000  }
0x90: {  	[bflag:$0x0] =	sbarrier.arrive $0xFFFF  }
0x91: {  	_ =	strace $0x90000053  }
0x92: {  	s0 =	stileid.u32;
	[bflag:$0x2] =	sbarrier.arrive $0xFFFF  }
0x93: {  	p0 =	sne.s32 s0, $0x0;
	s0 =	rddreg [dreg:$0x2]  }
0x94: {  	s0 =	sadd.s32 @!p0 $0x100000, s0  }
0x95: {  	[sflag:s0] =	ssyncadd.tile.s32 @!p0 $0x1;
	_ =	shalt  }
.Lfunc_end2:
_tile_overlayer_lowered:
.L_overlay_start_2:
0x96: {  	(tag) =	ssettag $0x2  }
0x97: {  	s0 =	rddreg [dreg:$0x0];
	s2 =	stileid.u32  }
0x98: {  	s1 =	rddreg [dreg:$0x1];
	p0 =	sne.s32 s2, $0x0  }
0x99: {  	s3 =	rddreg [dreg:$0x2];
	[bflag:$0x3] =	sbarrier.arrive $0xFFFF;
	s2 =	simm.s32 @!p0 $0x1C03  }
0x9a: {  	[timem:s3], [sflag:s2] =	dma.local @!p0 [hbm:s0], s1  }
0x9b: {  	s0 =	simm.s32 @!p0 $0x3  }
0x9c: {  	_ =	swait.ge @!p0 [sflag:s0], s1  }
0x9d: {  	s1 =	ssub.s32 @!p0 $0x0, s1;
	[sflag:s0] =	ssyncset.done @!p0 $0x0  }
0x9e: {  	[sflag:s0] =	ssyncadd.s32 @!p0 s1  }
0x9f: {  	[bflag:$0x3] =	sbarrier.arrive $0xFFFF  }
0xa0: {  	_ =	shalt  }

// kernel: kernel.36.cloned.1.call-start
scs
__scs_entry_jumppad:
0x0: {  	(pc) =	sbr.rel $0x88, $3  }
0x1: {  	(tag) =	ssettag $0x0;
	lr =	simm.s32 $0x1  }
0x2: {  	[smem:$0x3F8A] =	sst lr;
	_ =	strace $0xD0000000  }
0x3: {  	_ = 	snop  }
0x4: {  	_ = 	snop  }
0x5: {  	_ = 	snop  }
0x6: {  	_ = 	snop  }
0x7: {  	_ = 	snop  }
__scs_overlays_trampoline_lowered:
0x8: {  	[smem:$0x3F99] =	sst s0  }
0x9: {  	[smem:$0x3F9A] =	sst s1  }
0xa: {  	[smem:$0x3F9B] =	sst s2  }
0xb: {  	[smem:$0x3F9C] =	sst s3  }
0xc: {  	[smem:$0x3F9D] =	sst s4  }
0xd: {  	[smem:$0x3F9E] =	sst s5  }
0xe: {  	[smem:$0x3F9F] =	sst s6  }
0xf: {  	[smem:$0x3FA0] =	sst s7  }
0x10: {  	[smem:$0x3FA1] =	sst s8  }
0x11: {  	[smem:$0x3FA2] =	sst s9;
	s0 =	simm.s32 @!p0 $0x0  }
0x12: {  	s1 =	sld [smem:$0x3F88];
	s0 =	simm.s32 @p0 $0x1  }
0x13: {  	[smem:$0x3FA3] =	sst s0;
	s0 =	simm.s32 @!p1 $0x0  }
0x14: {  	s2 =	sld [smem:$0x3F87];
	s0 =	simm.s32 @p1 $0x1  }
0x15: {  	[smem:$0x3FA4] =	sst s0;
	s0 =	simm.s32 @!p2 $0x0  }
0x16: {  	s3 =	sld [smem:$0x3FDB];
	s0 =	simm.s32 @p2 $0x1  }
0x17: {  	s4 =	simm.s32 $0x1BF5;
	[smem:$0x3FA6] =	sst s0  }
0x18: {  	s0 =	sld [smem:$0x3F89];
	_ =	swait.ge [sflag:s4], $0x0  }
0x19: {  	s7 =	sld [smem:$0x3F8A]  }
0x1a: {  	s8 =	sadd.s32 $0xFFFFE003, lr  }
0x1b: {  	s9 =	sadd.s32 $0xFFFFFEF7, lr;
	s5 =	simm.s32 $0xFFFFFFFF;
	p2 =	slt.u32 s8, $0xFFFFF086  }
0x1c: {  	p1 =	slt.u32 s9, $0xF7A;
	s5 =	simm.s32 @!p2 $0x0  }
0x1d: {  	s5 =	simm.s32 @p1 $0x1;
	p0 =	seq.s32 s7, s2  }
0x1e: {  	s7 =	smul.u32 @!p0 $0xF7A, s2;
	p2 =	seq.s32 @!p0 s5, $0x0  }
0x1f: {  	s9 =	smul.u32 $0xF7A, s1;
	s8 =	simm.s32 @!p0 $0x1BF5;
	p2 =	por !p2, p0  }
0x20: {  	[sflag:s8] =	ssyncset.s32 @!p0 $0xFFFFF086;
	s6 =	sadd.s32 @!p0 s3, s7;
	s7 =	simm.s32 @!p0 $0x108  }
0x21: {  	s3 =	sadd.s32 s3, s9;
	s6 =	sadd.s32 @!p0 $0x88, s6;
	s7 =	simm.s32 @p2 $0x1082  }
0x22: {  	[simem:s7], [sflag:s8] =	dma.local @!p0 [hbm:s6], $0xF7A  }
0x23: {  	s9 =	sor.u32 $0xD0000000, s2;
	s6 =	simm.s32 $0x108;
	_ =	swait.ge @!p0 [sflag:s8], $0x0  }
0x24: {  	s3 =	sadd.s32 $0x88, s3;
	s6 =	simm.s32 @!p1 $0x1082;
	[sflag:s4] =	ssyncset.s32 $0xFFFFF086  }
0x25: {  	[simem:s6], [sflag:s4] =	dma.local [hbm:s3], $0xF7A  }
0x26: {  	[smem:$0x3F8A] =	sst s1;
	(tag) =	ssettag s2;
	_ =	strace s9  }
0x27: {  	s1 =	sld [smem:$0x3F9A]  }
0x28: {  	s2 =	sld [smem:$0x3F9B]  }
0x29: {  	s4 =	sld [smem:$0x3F9D]  }
0x2a: {  	p0 =	seq.s32 s5, $0x0;
	s5 =	sld [smem:$0x3F9E]  }
0x2b: {  	s6 =	sld [smem:$0x3F9F]  }
0x2c: {  	s7 =	sld [smem:$0x3FA0]  }
0x2d: {  	s3 =	simm.s32 $0x108;
	s8 =	sld [smem:$0x3FA1]  }
0x2e: {  	s3 =	simm.s32 @!p0 $0x1082;
	s9 =	sld [smem:$0x3FA2]  }
0x2f: {  	lr =	sadd.s32 s0, s3;
	s0 =	sld [smem:$0x3F99]  }
0x30: {  	s3 =	sld [smem:$0x3F9C]  }
0x31: {  	[smem:$0x3FA5] =	sst s10  }
0x32: {  	s10 =	sld [smem:$0x3FA3];
	_ =	sdelay $0x3  }
0x33: {  	p0 =	seq.s32 s10, $0x1;
	s10 =	sld [smem:$0x3FA5];
	_ =	sdelay $0x3  }
0x34: {  	[smem:$0x3FA5] =	sst s10  }
0x35: {  	s10 =	sld [smem:$0x3FA4];
	_ =	sdelay $0x3  }
0x36: {  	p1 =	seq.s32 s10, $0x1;
	s10 =	sld [smem:$0x3FA5];
	_ =	sdelay $0x3  }
0x37: {  	[smem:$0x3FA5] =	sst s10  }
0x38: {  	s10 =	sld [smem:$0x3FA6]  }
0x39: {  	_ = 	snop;
	(pc) =	sbr.ind lr, $3  }
0x3a: {  	_ = 	snop  }
0x3b: {  	_ = 	snop  }
0x3c: {  	p2 =	seq.s32 s10, $0x1;
	s10 =	sld [smem:$0x3FA5]  }
0x3d: {  	_ =	shalt  }
0x3e: {  	_ =	shalt  }
0x3f: {  	_ =	shalt  }
0x40: {  	_ =	shalt  }
0x41: {  	_ =	shalt  }
0x42: {  	_ =	shalt  }
0x43: {  	_ =	shalt  }
0x44: {  	_ =	shalt  }
0x45: {  	_ =	shalt  }
0x46: {  	_ =	shalt  }
0x47: {  	_ =	shalt  }
0x48: {  	_ =	shalt  }
0x49: {  	_ =	shalt  }
0x4a: {  	_ =	shalt  }
0x4b: {  	_ =	shalt  }
0x4c: {  	_ =	shalt  }
0x4d: {  	_ =	shalt  }
0x4e: {  	_ =	shalt  }
0x4f: {  	_ =	shalt  }
0x50: {  	_ =	shalt  }
0x51: {  	_ =	shalt  }
0x52: {  	_ =	shalt  }
0x53: {  	_ =	shalt  }
0x54: {  	_ =	shalt  }
0x55: {  	_ =	shalt  }
0x56: {  	_ =	shalt  }
0x57: {  	_ =	shalt  }
0x58: {  	_ =	shalt  }
0x59: {  	_ =	shalt  }
0x5a: {  	_ =	shalt  }
0x5b: {  	_ =	shalt  }
0x5c: {  	_ =	shalt  }
0x5d: {  	_ =	shalt  }
0x5e: {  	_ =	shalt  }
0x5f: {  	_ =	shalt  }
0x60: {  	_ =	shalt  }
0x61: {  	_ =	shalt  }
0x62: {  	_ =	shalt  }
0x63: {  	_ =	shalt  }
0x64: {  	_ =	shalt  }
0x65: {  	_ =	shalt  }
0x66: {  	_ =	shalt  }
0x67: {  	_ =	shalt  }
0x68: {  	_ =	shalt  }
0x69: {  	_ =	shalt  }
0x6a: {  	_ =	shalt  }
0x6b: {  	_ =	shalt  }
0x6c: {  	_ =	shalt  }
0x6d: {  	_ =	shalt  }
0x6e: {  	_ =	shalt  }
0x6f: {  	_ =	shalt  }
0x70: {  	_ =	shalt  }
0x71: {  	_ =	shalt  }
0x72: {  	_ =	shalt  }
0x73: {  	_ =	shalt  }
0x74: {  	_ =	shalt  }
0x75: {  	_ =	shalt  }
0x76: {  	_ =	shalt  }
0x77: {  	_ =	shalt  }
0x78: {  	_ =	shalt  }
0x79: {  	_ =	shalt  }
0x7a: {  	_ =	shalt  }
0x7b: {  	_ =	shalt  }
0x7c: {  	_ =	shalt  }
0x7d: {  	_ =	shalt  }
0x7e: {  	_ =	shalt  }
0x7f: {  	_ =	shalt  }
0x80: {  	_ =	shalt  }
0x81: {  	_ =	shalt  }
0x82: {  	_ =	shalt  }
0x83: {  	_ =	shalt  }
0x84: {  	_ =	shalt  }
0x85: {  	_ =	shalt  }
0x86: {  	_ =	shalt  }
0x87: {  	_ =	shalt  }
.Lfunc_end0:
.L_simem_size_0:
called_computation.5_lowered:
.L_overlay_start_0:
0x88: {  	s2 =	sld [smem:$0x3FD9]  }
0x89: {  	s3 =	sld [smem:$0x3FFE];
	_ =	sdelay $0x1  }
0x8a: {  	s1 =	srdreg.scid  }
0x8b: {  	s0 =	sand.u32 $0x1, s1  }
0x8c: {  	s16 =	sshll.u32 s0, $0xA;
	s2 =	sadd.s32 s3, s2  }
0x8d: {  	s2 =	sadd.s32 s2, s16  }
0x8e: {  	[smem:$0x3FB1] =	sst s2  }
0x8f: {  	_ = 	snop  }
0x90: {  	(tm) =	ssettm $0x1  }
0x91: {  	s17 =	sld [smem:$0x3FFB];
	_ =	sdelay $0x3  }
0x92: {  	_ =	strace s17  }
0x93: {  	s2 =	sld [smem:$0x3FFC];
	_ =	sdelay $0x3  }
0x94: {  	_ =	strace s2  }
0x95: {  	s2 =	sld [smem:$0x3FFD];
	_ =	sdelay $0x3  }
0x96: {  	_ =	strace s2  }
0x97: {  	_ =	strace $0x8FFFFFFF  }
0x98: {  	s18 =	sld [smem:$0x3FDB];
	_ =	sdelay $0x1  }
0x99: {  	s19 =	simm.s32 $_scs_section_size  }
0x9a: {  	s4 =	simm.s32 $_size__tile_overlayer_lowered;
	s5 =	simm.s32 $_tile_overlayer_lowered  }
0x9b: {  	s22 =	simm.s32 $0x1BFF;
	s21 =	sshll.u32 s5, $0x1;
	s2 =	sadd.s32 s19, s18  }
0x9c: {  	s6 =	simm.s32 $0x0;
	s20 =	sshll.u32 s4, $0x1;
	s4 =	sadd.s32 s21, s2  }
0x9d: {  	[timem:s6], [sflag:s22] =	dma.local [hbm:s4], s20  }
0x9e: {  	_ =	swait.ge [sflag:s22], s20  }
0x9f: {  	s3 =	ssub.s32 $0x0, s20;
	[sflag:s22] =	ssyncset.done $0x0  }
0xa0: {  	[sflag:s22] =	ssyncadd.s32 s3;
	_ =	sdelay $0x1  }
0xa1: {  	s23 =	simm.s32 $0x1B8B  }
0xa2: {  	_ =	swait.ge [sflag:s23], $0x1  }
0xa3: {  	[sflag:s23] =	ssyncset.done $0x0  }
0xa4: {  	s25 =	simm.s32 $0x1B8E;
	s24 =	sld [smem:$0x3FFE];
	[sflag:s23] =	ssyncadd.s32 $0xFFFFFFFF  }
0xa5: {  	s26 =	simm.s32 $execute0_lowered;
	[smem:$0x3FD2] =	sst s25  }
0xa6: {  	s4 =	sshll.u32 s26, $0x1;
	_ =	strace $0x80000055;
	[dreg:$0x1] =	wrdreg $0xFFFFFFFF  }
0xa7: {  	s28 =	simm.s32 $_size_execute0_lowered;
	s2 =	sadd.s32 s2, s4;
	[dreg:$0x0] =	wrdreg $0x0  }
0xa8: {  	s4 =	sshll.u32 s28, $0x1;
	[dreg:$0x2] =	wrdreg s2  }
0xa9: {  	[dreg:$0x3] =	wrdreg s4  }
0xaa: {  	[dreg:$0x4] =	wrdreg $0xC0  }
0xab: {  	_ =	task [dreg:s6], $0x5FFFF  }
0xac: {  	[dreg:$0x1] =	wrdreg $0xFFFFFFFF  }
0xad: {  	[dreg:$0x0] =	wrdreg $0x60  }
0xae: {  	[dreg:$0x2] =	wrdreg s24  }
0xaf: {  	[dreg:$0x3] =	wrdreg $0xB4000  }
0xb0: {  	[dreg:$0x4] =	wrdreg $0x9  }
0xb1: {  	_ =	task.clear_ibuf [dreg:s6], $0x5FFFF;
	_ =	strace $0x90000055  }
0xb2: {  	s29 =	simm.s32 $0x9;
	_ =	strace $0x80000057  }
0xb3: {  	_ =	swait.ge [sflag:s29], $0x1  }
0xb4: {  	[sflag:s29] =	ssyncadd.s32 $0xFFFFFFFF  }
0xb5: {  	_ =	strace $0x90000057  }
0xb6: {  	_ =	sfence  }
0xb7: {  	s30 =	sld [smem:$0x0];
	_ =	sdelay $0x2  }
0xb8: {  	s31 =	sshll.u32 s1, $0xD;
	s1 =	sshrl.u32 s1, $0x2  }
0xb9: {  	s3 =	sand.u32 $0x4000, s31;
	s1 =	sadd.s32 s1, s30  }
0xba: {  	s0 =	sor.u32 s3, s0;
	s1 =	sshll.u32 s1, $0x11  }
0xbb: {  	s0 =	sor.u32 s1, s0  }
0xbc: {  	s0 =	sadd.s32 $0x8F2B, s0  }
0xbd: {  	[sflag:s0] =	ssyncadd.remote.s32 $0x1  }
0xbe: {  	_ =	sfence.sel $0xFFFF  }
0xbf: {  	[dreg:$0x0] =	wrdreg $0xFFFFFFFF;
	(pc) =	sbr.abs _section_cstart, $3  }
0xc0: {  	[dreg:$0x1] =	wrdreg $0xFFFFFFFF  }
0xc1: {  	_ =	task.clear_ibuf [dreg:s6], $0x2FFFF;
	_ =	strace $0x9FFFFFFF  }
0xc2: {  	(tm) =	ssettm $0x7FFFFFFF  }
0xc3: {  	_ =	shalt  }
tec
execute0_lowered:
.L_overlay_start_1:
0x0: {  	(tag) =	ssettag $0x1  }
0x1: {  	s0 =	rddreg [dreg:$0x0]  }
0x2: {  	s2 =	rddreg [dreg:$0x1];
	s9 =	stileid.u32;
	s3 =	simm.s32 $0x0  }
0x3: {  	s1 =	srdreg.scid;
	s10 =	simm.s32 $0xE8;
	s4 =	smul.u32 $0x54, s9  }
0x4: {  	s28 =	simm.s32 $0x40;
	s29 =	simm.s32 $0x9400;
	s5 =	smul.u32 $0xE8, s9  }
0x5: {  	s30 =	simm.s32 $0x1;
	s31 =	simm.s32 $0x2;
	s21 =	smul.u32 $0x13C00, s9  }
0x6: {  	[smem:$0x7FF] =	sst s3;
	s1 =	sand.u32 $0x1, s1;
	s9 =	smul.u32 $0x4F000, s9  }
0x7: {  	p0 =	seq.s32 s1, $0x0;
	s7 =	smul.u32 $0x13C000, s1;
	_ =	strace $0x80000056  }
0x8: {  	s1 =	ssub.s32 $0x2, s1;
	s6 =	sadd.s32 $0xE80, s4;
	s4 =	sadd.s32 $0x68400, s0  }
0x9: {  	s8 =	sshrl.u32 s1, $0x1;
	s10 =	simm.s32 @!p0 $0x54;
	s23 =	sshrl.u32 s9, $0x2  }
0xa: {  	s26 =	sadd.s32 s21, s2;
	s6 =	smov.u32 @p0 s5;
	s7 =	sadd.s32 s21, s7  }
0xb: {  	s1 =	ssub.s32 s1, s8;
	s24 =	sadd.s32 $0xFFFFFFFE, s10;
	s12 =	sshll.u32 s10, $0x6  }
0xc: {  	s6 =	sshll.u32 s6, $0x3;
	s7 =	sshrl.u32 s7, $0x3;
	s11 =	sshll.u32 s24, $0x6  }
0xd: {  	s9 =	sshrl.u32 s24, $0x1;
	s10 =	sadd.s32 $0xFFFFFFC0, s12;
	s12 =	sadd.s32 $0x39C0, s12  }
0xe: {  	s14 =	smax.u32 s1, $0x1;
	s6 =	sadd.s32 s6, s0;
	s0 =	sadd.s32 s7, s0  }
0xf: {  	s7 =	sadd.s32 s23, s2;
	s11 =	sadd.s32 $0x3A00, s11;
	s23 =	simm.s32 $0x3  }
0x10: {  	s22 =	sadd.s32 $0xEC00, s6;
	s6 =	sadd.s32 $0x4800, s6;
	s25 =	sadd.s32 $0x12000, s7  }
0x11: {  	s13 =	sadd.s32 $0xB7400, s0;
	s15 =	sadd.s32 $0x2000, s7;
	s16 =	sadd.s32 $0x4000, s7  }
0x12: {  	s17 =	sadd.s32 $0x6000, s7;
	s18 =	sadd.s32 $0x8000, s7;
	[dreg:$0x3] =	wrdreg s22  }
0x13: {  	s19 =	sadd.s32 $0xA000, s7;
	s20 =	sadd.s32 $0xC000, s7;
	[dreg:$0x4] =	wrdreg s6  }
0x14: {  	s21 =	sadd.s32 $0xE000, s7;
	s0 =	simm.s32 $0x0;
	[dreg:$0x5] =	wrdreg s25  }
0x15: {  	v0 =	vimm.f32 $0.0e+00;
	s22 =	sadd.s32 $0x10000, s7;
	s25 =	sshrl.u32 s26, $0x3;
	s26 =	simm.s32 $0x7400  }
.LBB2_1:
0x16: {  	s1 =	rddreg [dreg:$0x3]  }
0x17: {  	[tilespmem:s3], [sflag:$0x3] =	stream.linear.gather [hbm4b:s1+s3], $0x3A00, $0x38;
	[tilespmem:$0x1F000] =	vst v63  }
0x18: {  	_ =	swait.ge [sflag:s23], $0x3A00  }
0x19: {  	[sflag:s23] =	ssyncset.done $0x0  }
0x1a: {  	s5 =	simm.s32 $0x3A00;
	s24 =	rddreg [dreg:$0x4];
	[sflag:s23] =	ssyncadd.s32 $0xFFFFC600  }
0x1b: {  	[tilespmem:s5], [sflag:$0x3] =	stream.linear.gather [hbm4b:s24+s3], $0x3A00, $0x38;
	[tilespmem:$0x1F000] =	vst v63  }
0x1c: {  	_ =	swait.ge [sflag:s23], $0x3A00  }
0x1d: {  	[sflag:s23] =	ssyncset.done $0x0  }
0x1e: {  	s1 =	simm.s32 $0x0;
	s5 =	simm.s32 $0x200;
	[sflag:s23] =	ssyncadd.s32 $0xFFFFC600  }
.LBB2_2:
0x1f: {  	p0 =	sne.s32 s5, $0x7E00;
	[tilespmem:s1+$0x7470] =	vst v0  }
0x20: {  	[tilespmem:s1+$0x7400] =	vst v0  }
0x21: {  	[tilespmem:s1+$0x7410] =	vst v0  }
.Ltmp0:
0x22: {  	[tilespmem:s1+$0x7420] =	vst v0;
	(pc) =	sbr.rel @p0 .LBB2_2-.Ltmp0, $4  }
0x23: {  	[tilespmem:s1+$0x7430] =	vst v0  }
0x24: {  	[tilespmem:s1+$0x7440] =	vst v0  }
0x25: {  	[tilespmem:s1+$0x7450] =	vst v0  }
0x26: {  	[tilespmem:s1+$0x7460] =	vst v0;
	s1 =	sshra.s32 s5, $0x2;
	s5 =	sadd.s32 $0x200, s5  }
0x27: {  	[tilespmem:s1+$0x7470] =	vst v0  }
0x28: {  	[tilespmem:s1+$0x7400] =	vst v0  }
0x29: {  	[tilespmem:s1+$0x7410] =	vst v0  }
0x2a: {  	[tilespmem:s1+$0x7420] =	vst v0  }
0x2b: {  	[tilespmem:s1+$0x7430] =	vst v0  }
0x2c: {  	[tilespmem:s1+$0x7440] =	vst v0  }
0x2d: {  	[tilespmem:s1+$0x7450] =	vst v0  }
0x2e: {  	[tilespmem:s1+$0x7460] =	vst v0  }
0x2f: {  	[spmem:s7] =	stream.linear.scatter [tilespmem:s26], [sflag:$0x3], $0x2000, $0x38;
	[tilespmem:$0x1F000] =	vst v63  }
0x30: {  	_ =	swait.ge [sflag:s23], $0x2000  }
0x31: {  	[sflag:s23] =	ssyncset.done $0x0  }
0x32: {  	[sflag:s23] =	ssyncadd.s32 $0xFFFFE000  }
0x33: {  	[spmem:s15] =	stream.linear.scatter [tilespmem:s26], [sflag:$0x3], $0x2000, $0x38;
	[tilespmem:$0x1F000] =	vst v63  }
0x34: {  	_ =	swait.ge [sflag:s23], $0x2000  }
0x35: {  	[sflag:s23] =	ssyncset.done $0x0  }
0x36: {  	[sflag:s23] =	ssyncadd.s32 $0xFFFFE000  }
0x37: {  	[spmem:s16] =	stream.linear.scatter [tilespmem:s26], [sflag:$0x3], $0x2000, $0x38;
	[tilespmem:$0x1F000] =	vst v63  }
0x38: {  	_ =	swait.ge [sflag:s23], $0x2000  }
0x39: {  	[sflag:s23] =	ssyncset.done $0x0  }
0x3a: {  	[sflag:s23] =	ssyncadd.s32 $0xFFFFE000  }
0x3b: {  	[spmem:s17] =	stream.linear.scatter [tilespmem:s26], [sflag:$0x3], $0x2000, $0x38;
	[tilespmem:$0x1F000] =	vst v63  }
0x3c: {  	_ =	swait.ge [sflag:s23], $0x2000  }
0x3d: {  	[sflag:s23] =	ssyncset.done $0x0  }
0x3e: {  	[sflag:s23] =	ssyncadd.s32 $0xFFFFE000  }
0x3f: {  	[spmem:s18] =	stream.linear.scatter [tilespmem:s26], [sflag:$0x3], $0x2000, $0x38;
	[tilespmem:$0x1F000] =	vst v63  }
0x40: {  	_ =	swait.ge [sflag:s23], $0x2000  }
0x41: {  	[sflag:s23] =	ssyncset.done $0x0  }
0x42: {  	[sflag:s23] =	ssyncadd.s32 $0xFFFFE000  }
0x43: {  	[spmem:s19] =	stream.linear.scatter [tilespmem:s26], [sflag:$0x3], $0x2000, $0x38;
	[tilespmem:$0x1F000] =	vst v63  }
0x44: {  	_ =	swait.ge [sflag:s23], $0x2000  }
0x45: {  	[sflag:s23] =	ssyncset.done $0x0  }
0x46: {  	[sflag:s23] =	ssyncadd.s32 $0xFFFFE000  }
0x47: {  	[spmem:s20] =	stream.linear.scatter [tilespmem:s26], [sflag:$0x3], $0x2000, $0x38;
	[tilespmem:$0x1F000] =	vst v63  }
0x48: {  	_ =	swait.ge [sflag:s23], $0x2000  }
0x49: {  	[sflag:s23] =	ssyncset.done $0x0  }
0x4a: {  	[sflag:s23] =	ssyncadd.s32 $0xFFFFE000  }
0x4b: {  	[spmem:s21] =	stream.linear.scatter [tilespmem:s26], [sflag:$0x3], $0x2000, $0x38;
	[tilespmem:$0x1F000] =	vst v63  }
0x4c: {  	_ =	swait.ge [sflag:s23], $0x2000  }
0x4d: {  	[sflag:s23] =	ssyncset.done $0x0  }
0x4e: {  	[sflag:s23] =	ssyncadd.s32 $0xFFFFE000  }
0x4f: {  	[spmem:s22] =	stream.linear.scatter [tilespmem:s26], [sflag:$0x3], $0x2000, $0x38;
	[tilespmem:$0x1F000] =	vst v63  }
0x50: {  	_ =	swait.ge [sflag:s23], $0x2000  }
0x51: {  	[sflag:s23] =	ssyncset.done $0x0  }
0x52: {  	p1 =	sne.s32 s9, $0x1;
	s24 =	rddreg [dreg:$0x5];
	[sflag:s23] =	ssyncadd.s32 $0xFFFFE000  }
0x53: {  	[spmem:s24] =	stream.linear.scatter [tilespmem:s26], [sflag:$0x3], $0x1C00, $0x38;
	[tilespmem:$0x1F000] =	vst v63  }
.Ltmp1:
0x54: {  	_ =	swait.ge [sflag:s23], $0x1C00;
	(pc) =	sbr.rel @!p1 .LBB2_4-.Ltmp1, $4  }
0x55: {  	[sflag:s23] =	ssyncset.done $0x0  }
0x56: {  	s1 =	simm.s32 $0x3A00;
	s5 =	sadd.s32 $0xFFFFFFFF, s9;
	[sflag:s23] =	ssyncadd.s32 $0xFFFFE400  }
0x57: {  	p0 =	por $0x0, $0x0;
	s24 =	simm.s32 $0x80;
	[bflag:$0x0] =	sbarrier.arrive $0xFFFF  }
0x58: {  	[tilespmem:s26], [sflag:$0x1] =	stream.indirect.gather [hbm4b:s4+s28], $0x80, s3, s28, $0xb8;
	[tilespmem:$0x1F000] =	vst v63  }
0x59: {  	s6 =	simm.s32 $0x40  }
0x5a: {  	[tilespmem:s29], [sflag:$0x2] =	stream.indirect.gather [hbm4b:s4+s28], $0x80, s6, s28, $0xb8;
	[tilespmem:$0x1F000] =	vst v63  }
0x5b: {  	_ =	swait.ge [sflag:s30], $0x2000  }
0x5c: {  	[sflag:s30] =	ssyncset.done $0x0  }
0x5d: {  	[sflag:s30] =	ssyncadd.s32 $0xFFFFE000  }
0x5e: {  	[spmem:s2] =	stream.indirect.scatter.add.f32 [tilespmem:s26], [sflag:$0x3], $0x80, s1, s28, $0xb8;
	[tilespmem:$0x1F000] =	vst v63  }
0x5f: {  	_ =	swait.ge [sflag:s23], $0x2000  }
0x60: {  	[sflag:s23] =	ssyncset.done $0x0  }
0x61: {  	[sflag:s23] =	ssyncadd.s32 $0xFFFFE000  }
0x62: {  	[tilespmem:s26], [sflag:$0x1] =	stream.indirect.gather [hbm4b:s4+s28], $0x80, s24, s28, $0xb8;
	[tilespmem:$0x1F000] =	vst v63  }
0x63: {  	p1 =	sne.s32 s5, $0x1;
	_ =	swait.ge [sflag:s31], $0x2000  }
.Ltmp2:
0x64: {  	[sflag:s31] =	ssyncset.done $0x0;
	(pc) =	sbr.rel @!p1 .LBB2_6-.Ltmp2, $4  }
0x65: {  	s24 =	simm.s32 $0x3A40;
	[sflag:s31] =	ssyncadd.s32 $0xFFFFE000  }
0x66: {  	[spmem:s2] =	stream.indirect.scatter.add.f32 [tilespmem:s29], [sflag:$0x3], $0x80, s24, s28, $0xb8;
	[tilespmem:$0x1F000] =	vst v63  }
0x67: {  	p0 =	por $0x1, $0x1;
	s6 =	sadd.s32 $0xFFFFFFFF, s5;
	_ =	swait.ge [sflag:s23], $0x2000  }
0x68: {  	s5 =	simm.s32 $0x3A00;
	s24 =	simm.s32 $0x100;
	[sflag:s23] =	ssyncset.done $0x0  }
.LBB2_7:
0x69: {  	s8 =	sadd.s32 $0xFFFFFFC0, s24;
	[sflag:s23] =	ssyncadd.s32 $0xFFFFE000;
	s5 =	sadd.s32 $0x80, s5  }
0x6a: {  	[tilespmem:s29], [sflag:$0x2] =	stream.indirect.gather [hbm4b:s4+s28], $0x80, s8, s28, $0xb8;
	[tilespmem:$0x1F000] =	vst v63  }
0x6b: {  	p1 =	sne.s32 s6, $0x1;
	s6 =	sadd.s32 $0xFFFFFFFF, s6;
	_ =	swait.ge [sflag:s30], $0x2000  }
0x6c: {  	[sflag:s30] =	ssyncset.done $0x0  }
0x6d: {  	[sflag:s30] =	ssyncadd.s32 $0xFFFFE000  }
0x6e: {  	[spmem:s2] =	stream.indirect.scatter.add.f32 [tilespmem:s26], [sflag:$0x3], $0x80, s5, s28, $0xb8;
	[tilespmem:$0x1F000] =	vst v63  }
0x6f: {  	_ =	swait.ge [sflag:s23], $0x2000  }
0x70: {  	[sflag:s23] =	ssyncset.done $0x0  }
0x71: {  	[sflag:s23] =	ssyncadd.s32 $0xFFFFE000  }
0x72: {  	[tilespmem:s26], [sflag:$0x1] =	stream.indirect.gather [hbm4b:s4+s28], $0x80, s24, s28, $0xb8;
	[tilespmem:$0x1F000] =	vst v63  }
0x73: {  	_ =	swait.ge [sflag:s31], $0x2000  }
.Ltmp3:
0x74: {  	[sflag:s31] =	ssyncset.done $0x0;
	(pc) =	sbr.rel @p1 .LBB2_7-.Ltmp3, $4  }
0x75: {  	s8 =	sadd.s32 $0x40, s5;
	[sflag:s31] =	ssyncadd.s32 $0xFFFFE000  }
0x76: {  	[spmem:s2] =	stream.indirect.scatter.add.f32 [tilespmem:s29], [sflag:$0x3], $0x80, s8, s28, $0xb8;
	[tilespmem:$0x1F000] =	vst v63  }
0x77: {  	_ =	swait.ge [sflag:s23], $0x2000  }
0x78: {  	s24 =	sadd.s32 $0x80, s24;
	[sflag:s23] =	ssyncset.done $0x0  }
.LBB2_8:
0x79: {  	s6 =	sadd.s32 $0xFFFFFFC0, s24;
	[sflag:s23] =	ssyncadd.s32 @p0 $0xFFFFE000  }
0x7a: {  	[tilespmem:s29], [sflag:$0x2] =	stream.indirect.gather [hbm4b:s4+s28], $0x80, s6, s28, $0xb8;
	[tilespmem:$0x1F000] =	vst v63  }
0x7b: {  	_ =	swait.ge [sflag:s30], $0x2000  }
0x7c: {  	s5 =	sadd.s32 @p0 $0x80, s5;
	[sflag:s30] =	ssyncset.done $0x0  }
0x7d: {  	s1 =	smov.u32 @p0 s5;
	[sflag:s30] =	ssyncadd.s32 $0xFFFFE000  }
0x7e: {  	[spmem:s2] =	stream.indirect.scatter.add.f32 [tilespmem:s26], [sflag:$0x3], $0x80, s1, s28, $0xb8;
	[tilespmem:$0x1F000] =	vst v63  }
0x7f: {  	_ =	swait.ge [sflag:s23], $0x2000  }
0x80: {  	[sflag:s23] =	ssyncset.done $0x0  }
0x81: {  	[sflag:s23] =	ssyncadd.s32 $0xFFFFE000  }
0x82: {  	[tilespmem:s26], [sflag:$0x1] =	stream.indirect.gather [hbm4b:s4+s28], $0x80, s24, s28, $0xb8;
	[tilespmem:$0x1F000] =	vst v63  }
0x83: {  	_ =	swait.ge [sflag:s31], $0x2000  }
0x84: {  	[sflag:s31] =	ssyncset.done $0x0  }
0x85: {  	s1 =	sadd.s32 $0x40, s1;
	[sflag:s31] =	ssyncadd.s32 $0xFFFFE000  }
0x86: {  	[spmem:s2] =	stream.indirect.scatter.add.f32 [tilespmem:s29], [sflag:$0x3], $0x80, s1, s28, $0xb8;
	[tilespmem:$0x1F000] =	vst v63  }
0x87: {  	_ =	swait.ge [sflag:s23], $0x2000  }
0x88: {  	[sflag:s23] =	ssyncset.done $0x0  }
0x89: {  	[sflag:s23] =	ssyncadd.s32 $0xFFFFE000  }
0x8a: {  	[tilespmem:s29], [sflag:$0x2] =	stream.indirect.gather [hbm4b:s4+s28], $0x80, s10, s28, $0xb8;
	[tilespmem:$0x1F000] =	vst v63  }
0x8b: {  	_ =	swait.ge [sflag:s30], $0x2000  }
0x8c: {  	[sflag:s30] =	ssyncset.done $0x0  }
0x8d: {  	[sflag:s30] =	ssyncadd.s32 $0xFFFFE000  }
0x8e: {  	[spmem:s2] =	stream.indirect.scatter.add.f32 [tilespmem:s26], [sflag:$0x3], $0x80, s11, s28, $0xb8;
	[tilespmem:$0x1F000] =	vst v63  }
0x8f: {  	_ =	swait.ge [sflag:s23], $0x2000  }
0x90: {  	[sflag:s23] =	ssyncset.done $0x0  }
0x91: {  	[sflag:s23] =	ssyncadd.s32 $0xFFFFE000  }
0x92: {  	_ =	swait.ge [sflag:s31], $0x2000  }
0x93: {  	[sflag:s31] =	ssyncset.done $0x0  }
0x94: {  	[sflag:s31] =	ssyncadd.s32 $0xFFFFE000  }
0x95: {  	[spmem:s2] =	stream.indirect.scatter.add.f32 [tilespmem:s29], [sflag:$0x3], $0x80, s12, s28, $0xb8;
	[tilespmem:$0x1F000] =	vst v63  }
0x96: {  	_ =	swait.ge [sflag:s23], $0x2000  }
0x97: {  	s24 =	stileid.u32;
	[sflag:s23] =	ssyncset.done $0x0  }
0x98: {  	s0 =	sadd.s32 $0x1, s0;
	s1 =	sshll.u32 s24, $0x6;
	[sflag:s23] =	ssyncadd.s32 $0xFFFFE000  }
0x99: {  	p0 =	sne.s32 s0, s14;
	s1 =	sor.u32 $0x1C03, s1;
	[bflag:$0x0] =	sbarrier.arrive $0xFFFF  }
0x9a: {  	[hbm:s13], [sflag:s1] =	dma.local [spmem:s25], $0x2780  }
.Ltmp4:
0x9b: {  	_ = 	snop;
	(pc) =	sbr.rel @p0 .LBB2_1-.Ltmp4, $4  }
.Ltmp5:
0x9c: {  	_ = 	snop;
	(pc) =	sbr.rel @!p0 .LBB2_9-.Ltmp5, $4  }
0x9d: {  	_ =	swait.ge [sflag:s23], $0x2780  }
0x9e: {  	[sflag:s23] =	ssyncset.done $0x0  }
0x9f: {  	[sflag:s23] =	ssyncadd.s32 $0xFFFFD880  }
0xa0: {  	_ = 	snop  }
.LBB2_4:
.Ltmp6:
0xa1: {  	(pc) =	sbr.rel .LBB2_8-.Ltmp6, $2  }
0xa2: {  	_ =	sdelay $0x2  }
0xa3: {  	s5 =	simm.s32 $0x3A00  }
.LBB2_6:
.Ltmp7:
0xa4: {  	(pc) =	sbr.rel .LBB2_8-.Ltmp7, $2  }
0xa5: {  	_ =	sdelay $0x2  }
0xa6: {  	s5 =	simm.s32 $0x3A00  }
.LBB2_9:
0xa7: {  	_ =	sfence.sel $0x180000  }
0xa8: {  	[bflag:$0x0] =	sbarrier.arrive $0xFFFF  }
0xa9: {  	_ =	strace $0x90000056  }
0xaa: {  	s0 =	stileid.u32;
	[bflag:$0x2] =	sbarrier.arrive $0xFFFF  }
0xab: {  	p0 =	sne.s32 s0, $0x0;
	s0 =	rddreg [dreg:$0x2]  }
0xac: {  	s0 =	sadd.s32 @!p0 $0x100000, s0  }
0xad: {  	[sflag:s0] =	ssyncadd.tile.s32 @!p0 $0x1;
	_ =	shalt  }
.Lfunc_end2:
_tile_overlayer_lowered:
.L_overlay_start_2:
0xae: {  	(tag) =	ssettag $0x2  }
0xaf: {  	s0 =	rddreg [dreg:$0x0];
	s2 =	stileid.u32  }
0xb0: {  	s1 =	rddreg [dreg:$0x1];
	p0 =	sne.s32 s2, $0x0  }
0xb1: {  	s3 =	rddreg [dreg:$0x2];
	[bflag:$0x3] =	sbarrier.arrive $0xFFFF;
	s2 =	simm.s32 @!p0 $0x1C03  }
0xb2: {  	[timem:s3], [sflag:s2] =	dma.local @!p0 [hbm:s0], s1  }
0xb3: {  	s0 =	simm.s32 @!p0 $0x3  }
0xb4: {  	_ =	swait.ge @!p0 [sflag:s0], s1  }
0xb5: {  	s1 =	ssub.s32 @!p0 $0x0, s1;
	[sflag:s0] =	ssyncset.done @!p0 $0x0  }
0xb6: {  	[sflag:s0] =	ssyncadd.s32 @!p0 s1  }
0xb7: {  	[bflag:$0x3] =	sbarrier.arrive $0xFFFF  }
0xb8: {  	_ =	shalt  }

</sc_bundles>
